<compile_context>
chip_gen: v7x
topology: tpu7x:2x2x1
jax: 0.10.2.dev20260603
libtpu: 0.0.44.dev20260713+nightly
codegen_flags: <defaults>
</compile_context>

<pallas_src>
import functools

import jax
import jax.numpy as jnp
from jax import lax
from jax.experimental import pallas as pl
from jax.experimental.pallas import tpu as pltpu
from jax.experimental.pallas import tpu_sc as plsc

B = 16384
D = 64
V = 1000000
NC = 2
NS = 16
L = 16
NW = NC * NS
BPW = B // NW
CV = 768
VFULL = 999936
NCH = VFULL // CV
CPW = 42
BH = B // 2
NTAIL = V - VFULL
SLOTS = 32
CAP = B + L

_mesh = plsc.VectorSubcoreMesh(
    core_axis_name="c", subcore_axis_name="s", num_cores=NC, num_subcores=NS
)

_params = pltpu.CompilerParams(
    use_tc_tiling_on_sc=True, needs_layout_passes=False
)


@functools.partial(
    pl.kernel,
    out_type=(
        jax.ShapeDtypeStruct((B * D,), jnp.float32),
        jax.ShapeDtypeStruct((B * D,), jnp.float32),
    ),
    mesh=_mesh,
    scratch_types=[
        pltpu.VMEM((BH,), jnp.int32),
        pltpu.VMEM((CAP,), jnp.int32),
        pltpu.VMEM((D, CV), jnp.float32),
        pltpu.VMEM((D, CV), jnp.float32),
        pltpu.VMEM((SLOTS * D,), jnp.float32),
        pltpu.SemaphoreType.DMA,
        pltpu.SemaphoreType.DMA,
        pltpu.SemaphoreType.DMA,
    ],
    compiler_params=_params,
)
def _gather_kernel(uidx_hbm, bidx_hbm, utab_hbm, btab_hbm,
                   utail_hbm, btail_hbm, uvec_hbm, bvec_hbm,
                   idx_v, list_v, chunk0_v, chunk1_v, stage_v,
                   semS, semC0, semC1):
    wid = lax.axis_index("s") * NC + lax.axis_index("c")
    lanes = lax.iota(jnp.int32, L)
    cbufs = [chunk0_v, chunk1_v]
    csems = [semC0, semC1]

    for side_idx_hbm, tab_hbm, tail_hbm, vec_hbm in (
        (uidx_hbm, utab_hbm, utail_hbm, uvec_hbm),
        (bidx_hbm, btab_hbm, btail_hbm, bvec_hbm),
    ):
        off0 = pl.multiple_of(jnp.minimum(wid, NCH - 1) * CV, 128)
        H = CV // 2
        pltpu.async_copy(tab_hbm.at[:, pl.ds(off0, H)],
                         cbufs[0].at[:, pl.ds(0, H)], csems[0])
        pltpu.async_copy(tab_hbm.at[:, pl.ds(off0 + H, H)],
                         cbufs[0].at[:, pl.ds(H, H)], csems[0])

        n_w = jnp.int32(0)
        for h in range(2):
            pltpu.sync_copy(side_idx_hbm.at[pl.ds(h * BH, BH)], idx_v)

            def bscan(v, off, _h=h):
                iv = idx_v[pl.ds(v * L, L)]
                c = jnp.right_shift(jnp.right_shift(iv, 8) * 43691, 17)
                m = ((c & (NW - 1)) == wid) & (iv < VFULL)
                cs = lax.cumsum(m.astype(jnp.int32))
                pos = off + cs - 1
                packed = (jnp.left_shift(jnp.right_shift(c, 5), 24)
                          | jnp.left_shift(iv - c * CV, 14)
                          | (_h * BH + v * L + lanes))
                plsc.store_scatter(list_v, [pos], packed, mask=m)
                return off + plsc.all_reduce_population_count(m)[0]

            n_w = lax.fori_loop(0, BH // L, bscan, n_w, unroll=2)

            @pl.when((wid // (NW // 2)) == h)
            def _(_h=h):
                def tail_body(vi, _):
                    vb = (wid % (NW // 2)) * BPW + vi * L
                    iv = idx_v[pl.ds(vb, L)]

                    def tcond(m):
                        return plsc.all_reduce_population_count(m)[0] > 0

                    def tbody(m):
                        e = plsc.all_reduce_ffs(m)[0]
                        pos = vb + e
                        idx_s = idx_v[pl.ds(pos, L)][0]
                        ti = idx_s - VFULL
                        pltpu.sync_copy(tail_hbm.at[pl.ds(ti * D, D)],
                                        stage_v.at[pl.ds(0, D)])
                        pltpu.sync_copy(
                            stage_v.at[pl.ds(0, D)],
                            vec_hbm.at[pl.ds((_h * BH + vb + e) * D, D)])
                        return m & (lanes != e)

                    lax.while_loop(tcond, tbody, iv >= VFULL)
                    return 0

                lax.fori_loop(0, BPW // L, tail_body, 0)

        nv = jnp.right_shift(n_w + (L - 1), 4)

        def scan_chunk(buf, j, n_ent0):
            def vbody(vi, n_ent1):
                vb = vi * L
                lvi = list_v[pl.ds(vb, L)]
                m0 = (jnp.right_shift(lvi, 24) == j) & ((vb + lanes) < n_w)

                def wcond(carry):
                    m, _ = carry
                    return plsc.all_reduce_population_count(m)[0] > 0

                def wbody(carry):
                    m, ne = carry
                    e = plsc.all_reduce_ffs(m)[0]
                    pos = vb + e
                    lv_s = list_v[pl.ds(pos, L)][0]
                    kk = lv_s & (B - 1)
                    colv = jnp.full(
                        (L,), jnp.right_shift(lv_s, 14) & 1023, jnp.int32)
                    s = ne & (SLOTS - 1)

                    @pl.when(ne >= SLOTS)
                    def _():
                        pltpu.make_async_copy(
                            stage_v.at[pl.ds(0, D)],
                            vec_hbm.at[pl.ds(0, D)], semS).wait()

                    for t in range(D // L):
                        dv = t * L + lanes
                        vt = plsc.load_gather(buf, [dv, colv])
                        stage_v[pl.ds(s * D + t * L, L)] = vt
                    pltpu.async_copy(stage_v.at[pl.ds(s * D, D)],
                                     vec_hbm.at[pl.ds(kk * D, D)], semS)
                    return m & (lanes != e), ne + 1

                m1, n_ent2 = lax.while_loop(wcond, wbody, (m0, n_ent1))
                return n_ent2

            return lax.fori_loop(0, nv, vbody, n_ent0)

        def chunk_of(j):
            c = jnp.minimum(wid + j * NW, NCH - 1)
            return c, pl.multiple_of(c * CV, 128)

        def pair_body(cc, n_ent0):
            n = n_ent0
            for p in (0, 1):
                j = cc * 2 + p

                @pl.when(j + 1 < CPW)
                def _():
                    _, offn = chunk_of(j + 1)
                    pltpu.async_copy(tab_hbm.at[:, pl.ds(offn, H)],
                                     cbufs[1 - p].at[:, pl.ds(0, H)],
                                     csems[1 - p])
                    pltpu.async_copy(tab_hbm.at[:, pl.ds(offn + H, H)],
                                     cbufs[1 - p].at[:, pl.ds(H, H)],
                                     csems[1 - p])

                pltpu.make_async_copy(tab_hbm.at[:, pl.ds(0, H)],
                                      cbufs[p].at[:, pl.ds(0, H)],
                                      csems[p]).wait()
                pltpu.make_async_copy(tab_hbm.at[:, pl.ds(0, H)],
                                      cbufs[p].at[:, pl.ds(0, H)],
                                      csems[p]).wait()
                n = scan_chunk(cbufs[p], j, n)
            return n

        n_ent = lax.fori_loop(0, CPW // 2, pair_body, jnp.int32(0))

        def drain(i, _):
            pltpu.make_async_copy(stage_v.at[pl.ds(0, D)],
                                  vec_hbm.at[pl.ds(0, D)], semS).wait()
            return 0

        lax.fori_loop(0, jnp.minimum(n_ent, SLOTS), drain, 0)



@functools.partial(
    pl.kernel,
    out_type=jax.ShapeDtypeStruct((B,), jnp.float32),
    mesh=_mesh,
    scratch_types=[
        pltpu.VMEM((BPW * D,), jnp.float32),
        pltpu.VMEM((BPW * D,), jnp.float32),
        pltpu.VMEM((BPW,), jnp.float32),
        pltpu.SemaphoreType.DMA,
        pltpu.SemaphoreType.DMA,
    ],
    compiler_params=_params,
)
def _dot_kernel(uvec_hbm, bvec_hbm, out_hbm, u_v, b_v, out_v, semU, semB):
    wid = lax.axis_index("s") * NC + lax.axis_index("c")
    base = wid * BPW
    lanes = lax.iota(jnp.int32, L)

    Q = BPW // 4
    for q in range(4):
        pltpu.async_copy(uvec_hbm.at[pl.ds((base + q * Q) * D, Q * D)],
                         u_v.at[pl.ds(q * Q * D, Q * D)], semU)
        pltpu.async_copy(bvec_hbm.at[pl.ds((base + q * Q) * D, Q * D)],
                         b_v.at[pl.ds(q * Q * D, Q * D)], semB)

    for q in range(4):
        pltpu.make_async_copy(uvec_hbm.at[pl.ds(0, Q * D)],
                              u_v.at[pl.ds(0, Q * D)], semU).wait()
        pltpu.make_async_copy(bvec_hbm.at[pl.ds(0, Q * D)],
                              b_v.at[pl.ds(0, Q * D)], semB).wait()

        def tile_body(t, _):
            rows = (q * Q + t * L + lanes) * D

            def d_body(d, acc):
                dvec = rows + d
                u = plsc.load_gather(u_v, [dvec])
                b = plsc.load_gather(b_v, [dvec])
                return acc + u * b

            acc = lax.fori_loop(0, D, d_body, jnp.zeros((L,), jnp.float32),
                                unroll=4)
            out_v[pl.ds(q * Q + t * L, L)] = acc
            return 0

        lax.fori_loop(0, Q // L, tile_body, 0)
    pltpu.sync_copy(out_v, out_hbm.at[pl.ds(base, BPW)])


def kernel(inputs, user_table, book_table):
    user_idx = inputs[:, 1]
    book_idx = inputs[:, 0]
    utail = user_table[VFULL:, :].reshape(-1)
    btail = book_table[VFULL:, :].reshape(-1)
    uvec, bvec = _gather_kernel(user_idx, book_idx,
                                user_table.T, book_table.T, utail, btail)
    out = _dot_kernel(uvec, bvec)
    return out.reshape(B, 1)

# --- scband reference (transcript-rebuilt; emitter-appended) ---
"""Pipeline reference for scband-recommender-net-plain-25340307047075 (READ-ONLY COPY).

The authoritative reference and input builder live on the scoring server;
editing this copy changes nothing except your own understanding.
"""

import jax, jax.numpy as jnp
import numpy as np

NUM_USERS = 1000000
NUM_BOOKS = 1000000
EMBED_DIM = 64
BATCH = 16384

def setup_inputs(seed: int = 0) -> dict:
    key = jax.random.key(seed)
    k1, k2, k3 = jax.random.split(key, 3)
    inputs = jax.random.randint(k1, (BATCH, 2), 0, NUM_USERS, dtype=jnp.int64 if jax.config.jax_enable_x64 else jnp.int32).astype(jnp.int32)
    # he_normal ~ stddev = sqrt(2 / fan_in); for embeddings keras uses fan_in = embedding_size
    std = np.sqrt(2.0 / EMBED_DIM)
    user_table = jax.random.normal(k2, (NUM_USERS, EMBED_DIM), dtype=jnp.float32) * std
    book_table = jax.random.normal(k3, (NUM_BOOKS, EMBED_DIM), dtype=jnp.float32) * std
    return {"inputs": inputs, "user_table": user_table, "book_table": book_table}

def reference(inputs, user_table, book_table):
    # user_vector = user_embedding(inputs[:, 1]) -> [B, D]
    user_vec = jnp.take(user_table, inputs[:, 1], axis=0)
    # book_vector = book_embedding(inputs[:, 0]) -> [B, D]
    book_vec = jnp.take(book_table, inputs[:, 0], axis=0)
    # Flatten is identity here ([B, D] already flat per-sample)
    # dot(axes=1, normalize=False) -> batchwise inner product, keras Dot returns [B, 1]
    prod = jnp.sum(user_vec * book_vec, axis=1, keepdims=True)
    return prod

if __name__ == "__main__":
    import jax
    _d = setup_inputs()
    print(jax.jit(kernel)(*tuple(_d.values())))

</pallas_src>

<mosaic_0001>
#map = affine_map<(d0, d1) -> (0)>
#map1 = affine_map<(d0, d1) -> (0, 0)>
module attributes {stable_mosaic.version = 14 : i64} {
  func.func @_gather_kernel(%arg0: i32, %arg1: i32, %arg2: memref<16384xi32, #tpu.memory_space<hbm>>, %arg3: memref<16384xi32, #tpu.memory_space<hbm>>, %arg4: memref<64x1000000xf32, #tpu.memory_space<hbm>>, %arg5: memref<64x1000000xf32, #tpu.memory_space<hbm>>, %arg6: memref<4096xf32, #tpu.memory_space<hbm>>, %arg7: memref<4096xf32, #tpu.memory_space<hbm>>, %arg8: memref<1048576xf32, #tpu.memory_space<hbm>>, %arg9: memref<1048576xf32, #tpu.memory_space<hbm>>, %arg10: memref<8192xi32, #tpu.memory_space<vmem>>, %arg11: memref<16400xi32, #tpu.memory_space<vmem>>, %arg12: memref<64x768xf32, #tpu.memory_space<vmem>>, %arg13: memref<64x768xf32, #tpu.memory_space<vmem>>, %arg14: memref<2048xf32, #tpu.memory_space<vmem>>, %arg15: memref<!tpu.dma_semaphore, #tpu.memory_space<semaphore_mem>>, %arg16: memref<!tpu.dma_semaphore, #tpu.memory_space<semaphore_mem>>, %arg17: memref<!tpu.dma_semaphore, #tpu.memory_space<semaphore_mem>>) attributes {dimension_semantics = [#tpu.dimension_semantics<core_parallel>, #tpu.dimension_semantics<subcore_parallel>], iteration_bounds = array<i64: 2, 16>, scalar_prefetch = 0 : i64, scratch_operands = 8 : i64, tpu.core_type = #tpu.core_type<sc_vector_subcore>, window_params = [{transform_indices = #map}, {transform_indices = #map}, {transform_indices = #map1}, {transform_indices = #map1}, {transform_indices = #map}, {transform_indices = #map}, {transform_indices = #map}, {transform_indices = #map}]} {
    %mul3A = arith.constant 2 : i32
    %mul3A_0 = arith.muli %arg1, %mul3A : i32
    %add3A = arith.addi %mul3A_0, %arg0 : i32
    %iota3A = tpu.iota {dimensions = array<i32: 0>} : vector<16xi32>
    %min3A = arith.constant 1301 : i32
    %min3A_1 = arith.minsi %add3A, %min3A : i32
    %mul3A_2 = arith.constant 768 : i32
    %mul3A_3 = arith.muli %min3A_1, %mul3A_2 : i32
    %multiple_of3A = tpu.assume_multiple %mul3A_3, 128 : i32
    %dma_start3A = arith.constant 0 : i32
    %dma_start3A_4 = arith.constant 0 : i32
    %dma_start3A_5 = tpu.memref_slice %arg12[%dma_start3A, %dma_start3A_4] : memref<64x768xf32, #tpu.memory_space<vmem>> -> memref<64x384xf32, #tpu.memory_space<vmem>>
    %dma_start3A_6 = arith.constant 0 : i32
    %dma_start3A_7 = tpu.memref_slice %arg4[%dma_start3A_6, %multiple_of3A] : memref<64x1000000xf32, #tpu.memory_space<hbm>> -> memref<64x384xf32, #tpu.memory_space<hbm>>
    %dma_start3A_8 = arith.constant 0 : i32
    %dma_start3A_9 = arith.constant 0 : i32
    %dma_start3A_10 = tpu.memref_slice %arg12[%dma_start3A_8, %dma_start3A_9] : memref<64x768xf32, #tpu.memory_space<vmem>> -> memref<64x384xf32, #tpu.memory_space<vmem>>
    %dma_start3A_11 = arith.constant 0 : i32
    %dma_start3A_12 = tpu.memref_slice %arg4[%dma_start3A_11, %multiple_of3A] : memref<64x1000000xf32, #tpu.memory_space<hbm>> -> memref<64x384xf32, #tpu.memory_space<hbm>>
    tpu.enqueue_dma source(%dma_start3A_12 : memref<64x384xf32, #tpu.memory_space<hbm>>) target(%dma_start3A_10 : memref<64x384xf32, #tpu.memory_space<vmem>>) target_semaphore(%arg16 : memref<!tpu.dma_semaphore, #tpu.memory_space<semaphore_mem>>)
    %add3A_13 = arith.constant 384 : i32
    %add3A_14 = arith.addi %multiple_of3A, %add3A_13 : i32
    %dma_start3A_15 = arith.constant 0 : i32
    %dma_start3A_16 = arith.constant 384 : i32
    %dma_start3A_17 = tpu.memref_slice %arg12[%dma_start3A_15, %dma_start3A_16] : memref<64x768xf32, #tpu.memory_space<vmem>> -> memref<64x384xf32, #tpu.memory_space<vmem>>
    %dma_start3A_18 = arith.constant 0 : i32
    %dma_start3A_19 = tpu.memref_slice %arg4[%dma_start3A_18, %add3A_14] : memref<64x1000000xf32, #tpu.memory_space<hbm>> -> memref<64x384xf32, #tpu.memory_space<hbm>>
    %dma_start3A_20 = arith.constant 0 : i32
    %dma_start3A_21 = arith.constant 384 : i32
    %dma_start3A_22 = tpu.memref_slice %arg12[%dma_start3A_20, %dma_start3A_21] : memref<64x768xf32, #tpu.memory_space<vmem>> -> memref<64x384xf32, #tpu.memory_space<vmem>>
    %dma_start3A_23 = arith.constant 0 : i32
    %dma_start3A_24 = tpu.memref_slice %arg4[%dma_start3A_23, %add3A_14] : memref<64x1000000xf32, #tpu.memory_space<hbm>> -> memref<64x384xf32, #tpu.memory_space<hbm>>
    tpu.enqueue_dma source(%dma_start3A_24 : memref<64x384xf32, #tpu.memory_space<hbm>>) target(%dma_start3A_22 : memref<64x384xf32, #tpu.memory_space<vmem>>) target_semaphore(%arg16 : memref<!tpu.dma_semaphore, #tpu.memory_space<semaphore_mem>>)
    "tpu.region"() ({
      %run_scoped3A = tpu.sem_alloc : memref<!tpu.dma_semaphore, #tpu.memory_space<semaphore_mem>>
      %dma_start3A_230 = arith.constant 0 : i32
      %dma_start3A_231 = tpu.memref_slice %arg2[%dma_start3A_230] : memref<16384xi32, #tpu.memory_space<hbm>> -> memref<8192xi32, #tpu.memory_space<hbm>>
      %dma_start3A_232 = arith.constant 0 : i32
      %dma_start3A_233 = tpu.memref_slice %arg2[%dma_start3A_232] : memref<16384xi32, #tpu.memory_space<hbm>> -> memref<8192xi32, #tpu.memory_space<hbm>>
      tpu.enqueue_dma source(%dma_start3A_233 : memref<8192xi32, #tpu.memory_space<hbm>>) target(%arg10 : memref<8192xi32, #tpu.memory_space<vmem>>) target_semaphore(%run_scoped3A : memref<!tpu.dma_semaphore, #tpu.memory_space<semaphore_mem>>)
      %dma_wait3A = arith.constant 0 : i32
      %dma_wait3A_234 = tpu.memref_slice %arg2[%dma_wait3A] : memref<16384xi32, #tpu.memory_space<hbm>> -> memref<8192xi32, #tpu.memory_space<hbm>>
      %dma_wait3A_235 = arith.constant 0 : i32
      %dma_wait3A_236 = tpu.memref_slice %arg2[%dma_wait3A_235] : memref<16384xi32, #tpu.memory_space<hbm>> -> memref<8192xi32, #tpu.memory_space<hbm>>
      tpu.wait_dma2 semaphore(%run_scoped3A : memref<!tpu.dma_semaphore, #tpu.memory_space<semaphore_mem>>) src(%dma_wait3A_236 : memref<8192xi32, #tpu.memory_space<hbm>>) dst(%arg10 : memref<8192xi32, #tpu.memory_space<vmem>>)
      tpu.yield
    }) : () -> ()
    %scan3A = arith.constant 0 : i32
    %scan3A_25 = arith.constant 0 : i32
    %scan3A_26 = arith.constant 512 : i32
    %scan3A_27 = arith.addi %scan3A_25, %scan3A_26 : i32
    %scan3A_28 = arith.constant 2 : i32
    %scan3A_29 = scf.for %scan3A_230 = %scan3A_25 to %scan3A_27 step %scan3A_28 iter_args(%scan3A_231 = %scan3A) -> (i32)  : i32 {
      %mul3A_232 = arith.constant 16 : i32
      %mul3A_233 = arith.muli %scan3A_230, %mul3A_232 : i32
      %get3A = arith.index_cast %mul3A_233 : i32 to index
      %get3A_234 = tpu.vector_load %arg10[%get3A] {strides = array<i32>} : memref<8192xi32, #tpu.memory_space<vmem>>, vector<16xi32>,
      %shift_right_arithmetic3A_235 = arith.constant 8 : i32
      %shift_right_arithmetic3A_236 = vector.broadcast %shift_right_arithmetic3A_235 : i32 to vector<16xi32>
      %shift_right_arithmetic3A_237 = arith.shrsi %get3A_234, %shift_right_arithmetic3A_236 : vector<16xi32>
      %mul3A_238 = arith.constant 43691 : i32
      %mul3A_239 = vector.broadcast %mul3A_238 : i32 to vector<16xi32>
      %mul3A_240 = arith.muli %shift_right_arithmetic3A_237, %mul3A_239 : vector<16xi32>
      %shift_right_arithmetic3A_241 = arith.constant 17 : i32
      %shift_right_arithmetic3A_242 = vector.broadcast %shift_right_arithmetic3A_241 : i32 to vector<16xi32>
      %shift_right_arithmetic3A_243 = arith.shrsi %mul3A_240, %shift_right_arithmetic3A_242 : vector<16xi32>
      %and3A_244 = arith.constant 31 : i32
      %and3A_245 = vector.broadcast %and3A_244 : i32 to vector<16xi32>
      %and3A_246 = arith.andi %shift_right_arithmetic3A_243, %and3A_245 : vector<16xi32>
      %eq3A_247 = vector.broadcast %add3A : i32 to vector<16xi32>
      %eq3A_248 = arith.cmpi eq, %and3A_246, %eq3A_247 : vector<16xi32>
      %lt3A = arith.constant 999936 : i32
      %lt3A_249 = vector.broadcast %lt3A : i32 to vector<16xi32>
      %lt3A_250 = arith.cmpi slt, %get3A_234, %lt3A_249 : vector<16xi32>
      %and3A_251 = arith.andi %eq3A_248, %lt3A_250 : vector<16xi1>
      %convert_element_type3A_252 = arith.extui %and3A_251 : vector<16xi1> to vector<16xi32>
      %cumsum3A = arith.constant true
      %cumsum3A_253 = vector.broadcast %cumsum3A : i1 to vector<16xi1>
      %cumsum3A_254 = tpu.scan <sum>, %convert_element_type3A_252 masked %cumsum3A_253 : vector<16xi32>, vector<16xi1> -> vector<16xi32>
      %add3A_255 = vector.broadcast %scan3A_231 : i32 to vector<16xi32>
      %add3A_256 = arith.addi %add3A_255, %cumsum3A_254 : vector<16xi32>
      %sub3A_257 = arith.constant 1 : i32
      %sub3A_258 = vector.broadcast %sub3A_257 : i32 to vector<16xi32>
      %sub3A_259 = arith.subi %add3A_256, %sub3A_258 : vector<16xi32>
      %shift_right_arithmetic3A_260 = arith.constant 5 : i32
      %shift_right_arithmetic3A_261 = vector.broadcast %shift_right_arithmetic3A_260 : i32 to vector<16xi32>
      %shift_right_arithmetic3A_262 = arith.shrsi %shift_right_arithmetic3A_243, %shift_right_arithmetic3A_261 : vector<16xi32>
      %shift_left3A = arith.constant 24 : i32
      %shift_left3A_263 = vector.broadcast %shift_left3A : i32 to vector<16xi32>
      %shift_left3A_264 = arith.shli %shift_right_arithmetic3A_262, %shift_left3A_263 : vector<16xi32>
      %mul3A_265 = arith.constant 768 : i32
      %mul3A_266 = vector.broadcast %mul3A_265 : i32 to vector<16xi32>
      %mul3A_267 = arith.muli %shift_right_arithmetic3A_243, %mul3A_266 : vector<16xi32>
      %sub3A_268 = arith.subi %get3A_234, %mul3A_267 : vector<16xi32>
      %shift_left3A_269 = arith.constant 14 : i32
      %shift_left3A_270 = vector.broadcast %shift_left3A_269 : i32 to vector<16xi32>
      %shift_left3A_271 = arith.shli %sub3A_268, %shift_left3A_270 : vector<16xi32>
      %or3A = arith.ori %shift_left3A_264, %shift_left3A_271 : vector<16xi32>
      %mul3A_272 = arith.constant 16 : i32
      %mul3A_273 = arith.muli %scan3A_230, %mul3A_272 : i32
      %add3A_274 = arith.constant 0 : i32
      %add3A_275 = arith.addi %add3A_274, %mul3A_273 : i32
      %add3A_276 = vector.broadcast %add3A_275 : i32 to vector<16xi32>
      %add3A_277 = arith.addi %add3A_276, %iota3A : vector<16xi32>
      %or3A_278 = arith.ori %or3A, %add3A_277 : vector<16xi32>
      tpu.vector_store_idx %arg11[%sub3A_259], %or3A_278 masked %and3A_251 : memref<16400xi32, #tpu.memory_space<vmem>>[vector<16xi32>], vector<16xi32>, vector<16xi1>
      %all_reduce_population_count3A = tpu.all_reduce %and3A_251 {dim = 0 : i64, kind = #tpu.reduction_kind<sum>} : vector<16xi1> -> vector<16xi32>
      %slice3A = vector.extract_strided_slice %all_reduce_population_count3A {offsets = [0], sizes = [1], strides = [1]} : vector<16xi32> to vector<1xi32>
      %squeeze3A = vector.extract %slice3A[0] : i32 from vector<1xi32>
      %add3A_279 = arith.addi %scan3A_231, %squeeze3A : i32
      %scan3A_280 = arith.constant 1 : i32
      %scan3A_281 = arith.addi %scan3A_230, %scan3A_280 : i32
      %mul3A_282 = arith.constant 16 : i32
      %mul3A_283 = arith.muli %scan3A_281, %mul3A_282 : i32
      %get3A_284 = arith.index_cast %mul3A_283 : i32 to index
      %get3A_285 = tpu.vector_load %arg10[%get3A_284] {strides = array<i32>} : memref<8192xi32, #tpu.memory_space<vmem>>, vector<16xi32>,
      %shift_right_arithmetic3A_286 = arith.constant 8 : i32
      %shift_right_arithmetic3A_287 = vector.broadcast %shift_right_arithmetic3A_286 : i32 to vector<16xi32>
      %shift_right_arithmetic3A_288 = arith.shrsi %get3A_285, %shift_right_arithmetic3A_287 : vector<16xi32>
      %mul3A_289 = arith.constant 43691 : i32
      %mul3A_290 = vector.broadcast %mul3A_289 : i32 to vector<16xi32>
      %mul3A_291 = arith.muli %shift_right_arithmetic3A_288, %mul3A_290 : vector<16xi32>
      %shift_right_arithmetic3A_292 = arith.constant 17 : i32
      %shift_right_arithmetic3A_293 = vector.broadcast %shift_right_arithmetic3A_292 : i32 to vector<16xi32>
      %shift_right_arithmetic3A_294 = arith.shrsi %mul3A_291, %shift_right_arithmetic3A_293 : vector<16xi32>
      %and3A_295 = arith.constant 31 : i32
      %and3A_296 = vector.broadcast %and3A_295 : i32 to vector<16xi32>
      %and3A_297 = arith.andi %shift_right_arithmetic3A_294, %and3A_296 : vector<16xi32>
      %eq3A_298 = vector.broadcast %add3A : i32 to vector<16xi32>
      %eq3A_299 = arith.cmpi eq, %and3A_297, %eq3A_298 : vector<16xi32>
      %lt3A_300 = arith.constant 999936 : i32
      %lt3A_301 = vector.broadcast %lt3A_300 : i32 to vector<16xi32>
      %lt3A_302 = arith.cmpi slt, %get3A_285, %lt3A_301 : vector<16xi32>
      %and3A_303 = arith.andi %eq3A_299, %lt3A_302 : vector<16xi1>
      %convert_element_type3A_304 = arith.extui %and3A_303 : vector<16xi1> to vector<16xi32>
      %cumsum3A_305 = arith.constant true
      %cumsum3A_306 = vector.broadcast %cumsum3A_305 : i1 to vector<16xi1>
      %cumsum3A_307 = tpu.scan <sum>, %convert_element_type3A_304 masked %cumsum3A_306 : vector<16xi32>, vector<16xi1> -> vector<16xi32>
      %add3A_308 = vector.broadcast %add3A_279 : i32 to vector<16xi32>
      %add3A_309 = arith.addi %add3A_308, %cumsum3A_307 : vector<16xi32>
      %sub3A_310 = arith.constant 1 : i32
      %sub3A_311 = vector.broadcast %sub3A_310 : i32 to vector<16xi32>
      %sub3A_312 = arith.subi %add3A_309, %sub3A_311 : vector<16xi32>
      %shift_right_arithmetic3A_313 = arith.constant 5 : i32
      %shift_right_arithmetic3A_314 = vector.broadcast %shift_right_arithmetic3A_313 : i32 to vector<16xi32>
      %shift_right_arithmetic3A_315 = arith.shrsi %shift_right_arithmetic3A_294, %shift_right_arithmetic3A_314 : vector<16xi32>
      %shift_left3A_316 = arith.constant 24 : i32
      %shift_left3A_317 = vector.broadcast %shift_left3A_316 : i32 to vector<16xi32>
      %shift_left3A_318 = arith.shli %shift_right_arithmetic3A_315, %shift_left3A_317 : vector<16xi32>
      %mul3A_319 = arith.constant 768 : i32
      %mul3A_320 = vector.broadcast %mul3A_319 : i32 to vector<16xi32>
      %mul3A_321 = arith.muli %shift_right_arithmetic3A_294, %mul3A_320 : vector<16xi32>
      %sub3A_322 = arith.subi %get3A_285, %mul3A_321 : vector<16xi32>
      %shift_left3A_323 = arith.constant 14 : i32
      %shift_left3A_324 = vector.broadcast %shift_left3A_323 : i32 to vector<16xi32>
      %shift_left3A_325 = arith.shli %sub3A_322, %shift_left3A_324 : vector<16xi32>
      %or3A_326 = arith.ori %shift_left3A_318, %shift_left3A_325 : vector<16xi32>
      %mul3A_327 = arith.constant 16 : i32
      %mul3A_328 = arith.muli %scan3A_281, %mul3A_327 : i32
      %add3A_329 = arith.constant 0 : i32
      %add3A_330 = arith.addi %add3A_329, %mul3A_328 : i32
      %add3A_331 = vector.broadcast %add3A_330 : i32 to vector<16xi32>
      %add3A_332 = arith.addi %add3A_331, %iota3A : vector<16xi32>
      %or3A_333 = arith.ori %or3A_326, %add3A_332 : vector<16xi32>
      tpu.vector_store_idx %arg11[%sub3A_312], %or3A_333 masked %and3A_303 : memref<16400xi32, #tpu.memory_space<vmem>>[vector<16xi32>], vector<16xi32>, vector<16xi1>
      %all_reduce_population_count3A_334 = tpu.all_reduce %and3A_303 {dim = 0 : i64, kind = #tpu.reduction_kind<sum>} : vector<16xi1> -> vector<16xi32>
      %slice3A_335 = vector.extract_strided_slice %all_reduce_population_count3A_334 {offsets = [0], sizes = [1], strides = [1]} : vector<16xi32> to vector<1xi32>
      %squeeze3A_336 = vector.extract %slice3A_335[0] : i32 from vector<1xi32>
      %add3A_337 = arith.addi %add3A_279, %squeeze3A_336 : i32
      scf.yield %add3A_337 : i32
    }
    %scan3A_30 = arith.constant 512 : i32
    %jit3A = arith.constant 16 : i32
    %div3A = arith.divsi %add3A, %jit3A : i32
    %sign3A = arith.constant 0 : i32
    %sign3A_31 = arith.cmpi sgt, %add3A, %sign3A : i32
    %sign3A_32 = arith.extui %sign3A_31 : i1 to i32
    %sign3A_33 = arith.constant 0 : i32
    %sign3A_34 = arith.cmpi slt, %add3A, %sign3A_33 : i32
    %sign3A_35 = arith.extui %sign3A_34 : i1 to i32
    %sign3A_36 = arith.subi %sign3A_32, %sign3A_35 : i32
    %sign3A_37 = arith.constant 0 : i32
    %sign3A_38 = arith.cmpi sgt, %jit3A, %sign3A_37 : i32
    %sign3A_39 = arith.extui %sign3A_38 : i1 to i32
    %sign3A_40 = arith.constant 0 : i32
    %sign3A_41 = arith.cmpi slt, %jit3A, %sign3A_40 : i32
    %sign3A_42 = arith.extui %sign3A_41 : i1 to i32
    %sign3A_43 = arith.subi %sign3A_39, %sign3A_42 : i32
    %ne3A = arith.cmpi ne, %sign3A_36, %sign3A_43 : i32
    %rem3A = arith.remsi %add3A, %jit3A : i32
    %ne3A_44 = arith.constant 0 : i32
    %ne3A_45 = arith.cmpi ne, %rem3A, %ne3A_44 : i32
    %and3A = arith.andi %ne3A, %ne3A_45 : i1
    %sub3A = arith.constant 1 : i32
    %sub3A_46 = arith.subi %div3A, %sub3A : i32
    %select_n3A = arith.select %and3A, %sub3A_46, %div3A : i32
    %eq3A = arith.constant 0 : i32
    %eq3A_47 = arith.cmpi eq, %select_n3A, %eq3A : i32
    %convert_element_type3A = arith.extui %eq3A_47 : i1 to i32
    %cond3A = arith.constant 0 : i32
    %cond3A_48 = arith.cmpi ne, %convert_element_type3A, %cond3A : i32
    scf.if %cond3A_48 {
      %scan3A_230 = arith.constant 0 : i32
      %scan3A_231 = arith.constant 0 : i32
      %scan3A_232 = arith.constant 32 : i32
      %scan3A_233 = arith.addi %scan3A_231, %scan3A_232 : i32
      %scan3A_234 = arith.constant 1 : i32
      %scan3A_235 = scf.for %scan3A_237 = %scan3A_231 to %scan3A_233 step %scan3A_234 iter_args(%scan3A_238 = %scan3A_230) -> (i32)  : i32 {
        %jit3A_239 = arith.constant 16 : i32
        %eq3A_240 = arith.constant 0 : i32
        %eq3A_241 = arith.cmpi eq, %jit3A_239, %eq3A_240 : i32
        %jit3A_242 = arith.constant 1 : i32
        %select_n3A_243 = arith.select %eq3A_241, %jit3A_242, %jit3A_239 : i32
        %rem3A_244 = arith.remsi %add3A, %select_n3A_243 : i32
        %ne3A_245 = arith.constant 0 : i32
        %ne3A_246 = arith.cmpi ne, %rem3A_244, %ne3A_245 : i32
        %lt3A = arith.constant 0 : i32
        %lt3A_247 = arith.cmpi slt, %rem3A_244, %lt3A : i32
        %lt3A_248 = arith.constant 0 : i32
        %lt3A_249 = arith.cmpi slt, %select_n3A_243, %lt3A_248 : i32
        %ne3A_250 = arith.xori %lt3A_247, %lt3A_249 : i1
        %and3A_251 = arith.andi %ne3A_250, %ne3A_246 : i1
        %add3A_252 = arith.addi %rem3A_244, %select_n3A_243 : i32
        %select_n3A_253 = arith.select %and3A_251, %add3A_252, %rem3A_244 : i32
        %mul3A_254 = arith.constant 512 : i32
        %mul3A_255 = arith.muli %select_n3A_253, %mul3A_254 : i32
        %mul3A_256 = arith.constant 16 : i32
        %mul3A_257 = arith.muli %scan3A_237, %mul3A_256 : i32
        %add3A_258 = arith.addi %mul3A_255, %mul3A_257 : i32
        %get3A = arith.index_cast %add3A_258 : i32 to index
        %get3A_259 = tpu.vector_load %arg10[%get3A] {strides = array<i32>} : memref<8192xi32, #tpu.memory_space<vmem>>, vector<16xi32>,
        %ge3A = arith.constant 999936 : i32
        %ge3A_260 = vector.broadcast %ge3A : i32 to vector<16xi32>
        %ge3A_261 = arith.cmpi sge, %get3A_259, %ge3A_260 : vector<16xi32>
        %while3A_262 = scf.while (%while3A_264 = %ge3A_261) : (vector<16xi1>) -> vector<16xi1> {
          %all_reduce_population_count3A = tpu.all_reduce %while3A_264 {dim = 0 : i64, kind = #tpu.reduction_kind<sum>} : vector<16xi1> -> vector<16xi32>
          %slice3A = vector.extract_strided_slice %all_reduce_population_count3A {offsets = [0], sizes = [1], strides = [1]} : vector<16xi32> to vector<1xi32>
          %squeeze3A = vector.extract %slice3A[0] : i32 from vector<1xi32>
          %gt3A = arith.constant 0 : i32
          %gt3A_265 = arith.cmpi sgt, %squeeze3A, %gt3A : i32
          scf.condition(%gt3A_265) %while3A_264 : vector<16xi1>
        } do {
        ^bb0(%while3A_264: vector<16xi1>):
          %all_reduce_ffs3A = tpu.all_reduce %while3A_264 {dim = 0 : i64, kind = #tpu.reduction_kind<find_first_set>} : vector<16xi1> -> vector<16xi32>
          %slice3A = vector.extract_strided_slice %all_reduce_ffs3A {offsets = [0], sizes = [1], strides = [1]} : vector<16xi32> to vector<1xi32>
          %squeeze3A = vector.extract %slice3A[0] : i32 from vector<1xi32>
          %add3A_265 = arith.addi %add3A_258, %squeeze3A : i32
          %get3A_266 = arith.index_cast %add3A_265 : i32 to index
          %get3A_267 = tpu.vector_load %arg10[%get3A_266] {strides = array<i32>} : memref<8192xi32, #tpu.memory_space<vmem>>, vector<16xi32>,
          %slice3A_268 = vector.extract_strided_slice %get3A_267 {offsets = [0], sizes = [1], strides = [1]} : vector<16xi32> to vector<1xi32>
          %squeeze3A_269 = vector.extract %slice3A_268[0] : i32 from vector<1xi32>
          %sub3A_270 = arith.constant 999936 : i32
          %sub3A_271 = arith.subi %squeeze3A_269, %sub3A_270 : i32
          %mul3A_272 = arith.constant 64 : i32
          %mul3A_273 = arith.muli %sub3A_271, %mul3A_272 : i32
          "tpu.region"() ({
            %run_scoped3A = tpu.sem_alloc : memref<!tpu.dma_semaphore, #tpu.memory_space<semaphore_mem>>
            %dma_start3A_282 = arith.constant 0 : i32
            %dma_start3A_283 = tpu.memref_slice %arg14[%dma_start3A_282] : memref<2048xf32, #tpu.memory_space<vmem>> -> memref<64xf32, #tpu.memory_space<vmem>>
            %dma_start3A_284 = tpu.memref_slice %arg6[%mul3A_273] : memref<4096xf32, #tpu.memory_space<hbm>> -> memref<64xf32, #tpu.memory_space<hbm>>
            %dma_start3A_285 = arith.constant 0 : i32
            %dma_start3A_286 = tpu.memref_slice %arg14[%dma_start3A_285] : memref<2048xf32, #tpu.memory_space<vmem>> -> memref<64xf32, #tpu.memory_space<vmem>>
            %dma_start3A_287 = tpu.memref_slice %arg6[%mul3A_273] : memref<4096xf32, #tpu.memory_space<hbm>> -> memref<64xf32, #tpu.memory_space<hbm>>
            tpu.enqueue_dma source(%dma_start3A_287 : memref<64xf32, #tpu.memory_space<hbm>>) target(%dma_start3A_286 : memref<64xf32, #tpu.memory_space<vmem>>) target_semaphore(%run_scoped3A : memref<!tpu.dma_semaphore, #tpu.memory_space<semaphore_mem>>)
            %dma_wait3A = arith.constant 0 : i32
            %dma_wait3A_288 = tpu.memref_slice %arg14[%dma_wait3A] : memref<2048xf32, #tpu.memory_space<vmem>> -> memref<64xf32, #tpu.memory_space<vmem>>
            %dma_wait3A_289 = tpu.memref_slice %arg6[%mul3A_273] : memref<4096xf32, #tpu.memory_space<hbm>> -> memref<64xf32, #tpu.memory_space<hbm>>
            %dma_wait3A_290 = arith.constant 0 : i32
            %dma_wait3A_291 = tpu.memref_slice %arg14[%dma_wait3A_290] : memref<2048xf32, #tpu.memory_space<vmem>> -> memref<64xf32, #tpu.memory_space<vmem>>
            %dma_wait3A_292 = tpu.memref_slice %arg6[%mul3A_273] : memref<4096xf32, #tpu.memory_space<hbm>> -> memref<64xf32, #tpu.memory_space<hbm>>
            tpu.wait_dma2 semaphore(%run_scoped3A : memref<!tpu.dma_semaphore, #tpu.memory_space<semaphore_mem>>) src(%dma_wait3A_292 : memref<64xf32, #tpu.memory_space<hbm>>) dst(%dma_wait3A_291 : memref<64xf32, #tpu.memory_space<vmem>>)
            tpu.yield
          }) : () -> ()
          %add3A_274 = arith.constant 0 : i32
          %add3A_275 = arith.addi %add3A_274, %add3A_258 : i32
          %add3A_276 = arith.addi %add3A_275, %squeeze3A : i32
          %mul3A_277 = arith.constant 64 : i32
          %mul3A_278 = arith.muli %add3A_276, %mul3A_277 : i32
          "tpu.region"() ({
            %run_scoped3A = tpu.sem_alloc : memref<!tpu.dma_semaphore, #tpu.memory_space<semaphore_mem>>
            %dma_start3A_282 = arith.constant 0 : i32
            %dma_start3A_283 = tpu.memref_slice %arg14[%dma_start3A_282] : memref<2048xf32, #tpu.memory_space<vmem>> -> memref<64xf32, #tpu.memory_space<vmem>>
            %dma_start3A_284 = tpu.memref_slice %arg8[%mul3A_278] : memref<1048576xf32, #tpu.memory_space<hbm>> -> memref<64xf32, #tpu.memory_space<hbm>>
            %dma_start3A_285 = tpu.memref_slice %arg8[%mul3A_278] : memref<1048576xf32, #tpu.memory_space<hbm>> -> memref<64xf32, #tpu.memory_space<hbm>>
            %dma_start3A_286 = arith.constant 0 : i32
            %dma_start3A_287 = tpu.memref_slice %arg14[%dma_start3A_286] : memref<2048xf32, #tpu.memory_space<vmem>> -> memref<64xf32, #tpu.memory_space<vmem>>
            tpu.enqueue_dma source(%dma_start3A_287 : memref<64xf32, #tpu.memory_space<vmem>>) target(%dma_start3A_285 : memref<64xf32, #tpu.memory_space<hbm>>) target_semaphore(%run_scoped3A : memref<!tpu.dma_semaphore, #tpu.memory_space<semaphore_mem>>)
            %dma_wait3A = arith.constant 0 : i32
            %dma_wait3A_288 = tpu.memref_slice %arg14[%dma_wait3A] : memref<2048xf32, #tpu.memory_space<vmem>> -> memref<64xf32, #tpu.memory_space<vmem>>
            %dma_wait3A_289 = tpu.memref_slice %arg8[%mul3A_278] : memref<1048576xf32, #tpu.memory_space<hbm>> -> memref<64xf32, #tpu.memory_space<hbm>>
            %dma_wait3A_290 = tpu.memref_slice %arg8[%mul3A_278] : memref<1048576xf32, #tpu.memory_space<hbm>> -> memref<64xf32, #tpu.memory_space<hbm>>
            %dma_wait3A_291 = arith.constant 0 : i32
            %dma_wait3A_292 = tpu.memref_slice %arg14[%dma_wait3A_291] : memref<2048xf32, #tpu.memory_space<vmem>> -> memref<64xf32, #tpu.memory_space<vmem>>
            tpu.wait_dma2 semaphore(%run_scoped3A : memref<!tpu.dma_semaphore, #tpu.memory_space<semaphore_mem>>) src(%dma_wait3A_292 : memref<64xf32, #tpu.memory_space<vmem>>) dst(%dma_wait3A_290 : memref<64xf32, #tpu.memory_space<hbm>>)
            tpu.yield
          }) : () -> ()
          %ne3A_279 = vector.broadcast %squeeze3A : i32 to vector<16xi32>
          %ne3A_280 = arith.cmpi ne, %iota3A, %ne3A_279 : vector<16xi32>
          %and3A_281 = arith.andi %while3A_264, %ne3A_280 : vector<16xi1>
          scf.yield %and3A_281 : vector<16xi1>
        }
        %scan3A_263 = arith.constant 0 : i32
        scf.yield %scan3A_263 : i32
      }
      %scan3A_236 = arith.constant 32 : i32
    } else {
    }
    "tpu.region"() ({
      %run_scoped3A = tpu.sem_alloc : memref<!tpu.dma_semaphore, #tpu.memory_space<semaphore_mem>>
      %dma_start3A_230 = arith.constant 8192 : i32
      %dma_start3A_231 = tpu.memref_slice %arg2[%dma_start3A_230] : memref<16384xi32, #tpu.memory_space<hbm>> -> memref<8192xi32, #tpu.memory_space<hbm>>
      %dma_start3A_232 = arith.constant 8192 : i32
      %dma_start3A_233 = tpu.memref_slice %arg2[%dma_start3A_232] : memref<16384xi32, #tpu.memory_space<hbm>> -> memref<8192xi32, #tpu.memory_space<hbm>>
      tpu.enqueue_dma source(%dma_start3A_233 : memref<8192xi32, #tpu.memory_space<hbm>>) target(%arg10 : memref<8192xi32, #tpu.memory_space<vmem>>) target_semaphore(%run_scoped3A : memref<!tpu.dma_semaphore, #tpu.memory_space<semaphore_mem>>)
      %dma_wait3A = arith.constant 8192 : i32
      %dma_wait3A_234 = tpu.memref_slice %arg2[%dma_wait3A] : memref<16384xi32, #tpu.memory_space<hbm>> -> memref<8192xi32, #tpu.memory_space<hbm>>
      %dma_wait3A_235 = arith.constant 8192 : i32
      %dma_wait3A_236 = tpu.memref_slice %arg2[%dma_wait3A_235] : memref<16384xi32, #tpu.memory_space<hbm>> -> memref<8192xi32, #tpu.memory_space<hbm>>
      tpu.wait_dma2 semaphore(%run_scoped3A : memref<!tpu.dma_semaphore, #tpu.memory_space<semaphore_mem>>) src(%dma_wait3A_236 : memref<8192xi32, #tpu.memory_space<hbm>>) dst(%arg10 : memref<8192xi32, #tpu.memory_space<vmem>>)
      tpu.yield
    }) : () -> ()
    %scan3A_49 = arith.constant 0 : i32
    %scan3A_50 = arith.constant 512 : i32
    %scan3A_51 = arith.addi %scan3A_49, %scan3A_50 : i32
    %scan3A_52 = arith.constant 2 : i32
    %scan3A_53 = scf.for %scan3A_230 = %scan3A_49 to %scan3A_51 step %scan3A_52 iter_args(%scan3A_231 = %scan3A_29) -> (i32)  : i32 {
      %mul3A_232 = arith.constant 16 : i32
      %mul3A_233 = arith.muli %scan3A_230, %mul3A_232 : i32
      %get3A = arith.index_cast %mul3A_233 : i32 to index
      %get3A_234 = tpu.vector_load %arg10[%get3A] {strides = array<i32>} : memref<8192xi32, #tpu.memory_space<vmem>>, vector<16xi32>,
      %shift_right_arithmetic3A_235 = arith.constant 8 : i32
      %shift_right_arithmetic3A_236 = vector.broadcast %shift_right_arithmetic3A_235 : i32 to vector<16xi32>
      %shift_right_arithmetic3A_237 = arith.shrsi %get3A_234, %shift_right_arithmetic3A_236 : vector<16xi32>
      %mul3A_238 = arith.constant 43691 : i32
      %mul3A_239 = vector.broadcast %mul3A_238 : i32 to vector<16xi32>
      %mul3A_240 = arith.muli %shift_right_arithmetic3A_237, %mul3A_239 : vector<16xi32>
      %shift_right_arithmetic3A_241 = arith.constant 17 : i32
      %shift_right_arithmetic3A_242 = vector.broadcast %shift_right_arithmetic3A_241 : i32 to vector<16xi32>
      %shift_right_arithmetic3A_243 = arith.shrsi %mul3A_240, %shift_right_arithmetic3A_242 : vector<16xi32>
      %and3A_244 = arith.constant 31 : i32
      %and3A_245 = vector.broadcast %and3A_244 : i32 to vector<16xi32>
      %and3A_246 = arith.andi %shift_right_arithmetic3A_243, %and3A_245 : vector<16xi32>
      %eq3A_247 = vector.broadcast %add3A : i32 to vector<16xi32>
      %eq3A_248 = arith.cmpi eq, %and3A_246, %eq3A_247 : vector<16xi32>
      %lt3A = arith.constant 999936 : i32
      %lt3A_249 = vector.broadcast %lt3A : i32 to vector<16xi32>
      %lt3A_250 = arith.cmpi slt, %get3A_234, %lt3A_249 : vector<16xi32>
      %and3A_251 = arith.andi %eq3A_248, %lt3A_250 : vector<16xi1>
      %convert_element_type3A_252 = arith.extui %and3A_251 : vector<16xi1> to vector<16xi32>
      %cumsum3A = arith.constant true
      %cumsum3A_253 = vector.broadcast %cumsum3A : i1 to vector<16xi1>
      %cumsum3A_254 = tpu.scan <sum>, %convert_element_type3A_252 masked %cumsum3A_253 : vector<16xi32>, vector<16xi1> -> vector<16xi32>
      %add3A_255 = vector.broadcast %scan3A_231 : i32 to vector<16xi32>
      %add3A_256 = arith.addi %add3A_255, %cumsum3A_254 : vector<16xi32>
      %sub3A_257 = arith.constant 1 : i32
      %sub3A_258 = vector.broadcast %sub3A_257 : i32 to vector<16xi32>
      %sub3A_259 = arith.subi %add3A_256, %sub3A_258 : vector<16xi32>
      %shift_right_arithmetic3A_260 = arith.constant 5 : i32
      %shift_right_arithmetic3A_261 = vector.broadcast %shift_right_arithmetic3A_260 : i32 to vector<16xi32>
      %shift_right_arithmetic3A_262 = arith.shrsi %shift_right_arithmetic3A_243, %shift_right_arithmetic3A_261 : vector<16xi32>
      %shift_left3A = arith.constant 24 : i32
      %shift_left3A_263 = vector.broadcast %shift_left3A : i32 to vector<16xi32>
      %shift_left3A_264 = arith.shli %shift_right_arithmetic3A_262, %shift_left3A_263 : vector<16xi32>
      %mul3A_265 = arith.constant 768 : i32
      %mul3A_266 = vector.broadcast %mul3A_265 : i32 to vector<16xi32>
      %mul3A_267 = arith.muli %shift_right_arithmetic3A_243, %mul3A_266 : vector<16xi32>
      %sub3A_268 = arith.subi %get3A_234, %mul3A_267 : vector<16xi32>
      %shift_left3A_269 = arith.constant 14 : i32
      %shift_left3A_270 = vector.broadcast %shift_left3A_269 : i32 to vector<16xi32>
      %shift_left3A_271 = arith.shli %sub3A_268, %shift_left3A_270 : vector<16xi32>
      %or3A = arith.ori %shift_left3A_264, %shift_left3A_271 : vector<16xi32>
      %mul3A_272 = arith.constant 16 : i32
      %mul3A_273 = arith.muli %scan3A_230, %mul3A_272 : i32
      %add3A_274 = arith.constant 8192 : i32
      %add3A_275 = arith.addi %add3A_274, %mul3A_273 : i32
      %add3A_276 = vector.broadcast %add3A_275 : i32 to vector<16xi32>
      %add3A_277 = arith.addi %add3A_276, %iota3A : vector<16xi32>
      %or3A_278 = arith.ori %or3A, %add3A_277 : vector<16xi32>
      tpu.vector_store_idx %arg11[%sub3A_259], %or3A_278 masked %and3A_251 : memref<16400xi32, #tpu.memory_space<vmem>>[vector<16xi32>], vector<16xi32>, vector<16xi1>
      %all_reduce_population_count3A = tpu.all_reduce %and3A_251 {dim = 0 : i64, kind = #tpu.reduction_kind<sum>} : vector<16xi1> -> vector<16xi32>
      %slice3A = vector.extract_strided_slice %all_reduce_population_count3A {offsets = [0], sizes = [1], strides = [1]} : vector<16xi32> to vector<1xi32>
      %squeeze3A = vector.extract %slice3A[0] : i32 from vector<1xi32>
      %add3A_279 = arith.addi %scan3A_231, %squeeze3A : i32
      %scan3A_280 = arith.constant 1 : i32
      %scan3A_281 = arith.addi %scan3A_230, %scan3A_280 : i32
      %mul3A_282 = arith.constant 16 : i32
      %mul3A_283 = arith.muli %scan3A_281, %mul3A_282 : i32
      %get3A_284 = arith.index_cast %mul3A_283 : i32 to index
      %get3A_285 = tpu.vector_load %arg10[%get3A_284] {strides = array<i32>} : memref<8192xi32, #tpu.memory_space<vmem>>, vector<16xi32>,
      %shift_right_arithmetic3A_286 = arith.constant 8 : i32
      %shift_right_arithmetic3A_287 = vector.broadcast %shift_right_arithmetic3A_286 : i32 to vector<16xi32>
      %shift_right_arithmetic3A_288 = arith.shrsi %get3A_285, %shift_right_arithmetic3A_287 : vector<16xi32>
      %mul3A_289 = arith.constant 43691 : i32
      %mul3A_290 = vector.broadcast %mul3A_289 : i32 to vector<16xi32>
      %mul3A_291 = arith.muli %shift_right_arithmetic3A_288, %mul3A_290 : vector<16xi32>
      %shift_right_arithmetic3A_292 = arith.constant 17 : i32
      %shift_right_arithmetic3A_293 = vector.broadcast %shift_right_arithmetic3A_292 : i32 to vector<16xi32>
      %shift_right_arithmetic3A_294 = arith.shrsi %mul3A_291, %shift_right_arithmetic3A_293 : vector<16xi32>
      %and3A_295 = arith.constant 31 : i32
      %and3A_296 = vector.broadcast %and3A_295 : i32 to vector<16xi32>
      %and3A_297 = arith.andi %shift_right_arithmetic3A_294, %and3A_296 : vector<16xi32>
      %eq3A_298 = vector.broadcast %add3A : i32 to vector<16xi32>
      %eq3A_299 = arith.cmpi eq, %and3A_297, %eq3A_298 : vector<16xi32>
      %lt3A_300 = arith.constant 999936 : i32
      %lt3A_301 = vector.broadcast %lt3A_300 : i32 to vector<16xi32>
      %lt3A_302 = arith.cmpi slt, %get3A_285, %lt3A_301 : vector<16xi32>
      %and3A_303 = arith.andi %eq3A_299, %lt3A_302 : vector<16xi1>
      %convert_element_type3A_304 = arith.extui %and3A_303 : vector<16xi1> to vector<16xi32>
      %cumsum3A_305 = arith.constant true
      %cumsum3A_306 = vector.broadcast %cumsum3A_305 : i1 to vector<16xi1>
      %cumsum3A_307 = tpu.scan <sum>, %convert_element_type3A_304 masked %cumsum3A_306 : vector<16xi32>, vector<16xi1> -> vector<16xi32>
      %add3A_308 = vector.broadcast %add3A_279 : i32 to vector<16xi32>
      %add3A_309 = arith.addi %add3A_308, %cumsum3A_307 : vector<16xi32>
      %sub3A_310 = arith.constant 1 : i32
      %sub3A_311 = vector.broadcast %sub3A_310 : i32 to vector<16xi32>
      %sub3A_312 = arith.subi %add3A_309, %sub3A_311 : vector<16xi32>
      %shift_right_arithmetic3A_313 = arith.constant 5 : i32
      %shift_right_arithmetic3A_314 = vector.broadcast %shift_right_arithmetic3A_313 : i32 to vector<16xi32>
      %shift_right_arithmetic3A_315 = arith.shrsi %shift_right_arithmetic3A_294, %shift_right_arithmetic3A_314 : vector<16xi32>
      %shift_left3A_316 = arith.constant 24 : i32
      %shift_left3A_317 = vector.broadcast %shift_left3A_316 : i32 to vector<16xi32>
      %shift_left3A_318 = arith.shli %shift_right_arithmetic3A_315, %shift_left3A_317 : vector<16xi32>
      %mul3A_319 = arith.constant 768 : i32
      %mul3A_320 = vector.broadcast %mul3A_319 : i32 to vector<16xi32>
      %mul3A_321 = arith.muli %shift_right_arithmetic3A_294, %mul3A_320 : vector<16xi32>
      %sub3A_322 = arith.subi %get3A_285, %mul3A_321 : vector<16xi32>
      %shift_left3A_323 = arith.constant 14 : i32
      %shift_left3A_324 = vector.broadcast %shift_left3A_323 : i32 to vector<16xi32>
      %shift_left3A_325 = arith.shli %sub3A_322, %shift_left3A_324 : vector<16xi32>
      %or3A_326 = arith.ori %shift_left3A_318, %shift_left3A_325 : vector<16xi32>
      %mul3A_327 = arith.constant 16 : i32
      %mul3A_328 = arith.muli %scan3A_281, %mul3A_327 : i32
      %add3A_329 = arith.constant 8192 : i32
      %add3A_330 = arith.addi %add3A_329, %mul3A_328 : i32
      %add3A_331 = vector.broadcast %add3A_330 : i32 to vector<16xi32>
      %add3A_332 = arith.addi %add3A_331, %iota3A : vector<16xi32>
      %or3A_333 = arith.ori %or3A_326, %add3A_332 : vector<16xi32>
      tpu.vector_store_idx %arg11[%sub3A_312], %or3A_333 masked %and3A_303 : memref<16400xi32, #tpu.memory_space<vmem>>[vector<16xi32>], vector<16xi32>, vector<16xi1>
      %all_reduce_population_count3A_334 = tpu.all_reduce %and3A_303 {dim = 0 : i64, kind = #tpu.reduction_kind<sum>} : vector<16xi1> -> vector<16xi32>
      %slice3A_335 = vector.extract_strided_slice %all_reduce_population_count3A_334 {offsets = [0], sizes = [1], strides = [1]} : vector<16xi32> to vector<1xi32>
      %squeeze3A_336 = vector.extract %slice3A_335[0] : i32 from vector<1xi32>
      %add3A_337 = arith.addi %add3A_279, %squeeze3A_336 : i32
      scf.yield %add3A_337 : i32
    }
    %scan3A_54 = arith.constant 512 : i32
    %jit3A_55 = arith.constant 16 : i32
    %div3A_56 = arith.divsi %add3A, %jit3A_55 : i32
    %sign3A_57 = arith.constant 0 : i32
    %sign3A_58 = arith.cmpi sgt, %add3A, %sign3A_57 : i32
    %sign3A_59 = arith.extui %sign3A_58 : i1 to i32
    %sign3A_60 = arith.constant 0 : i32
    %sign3A_61 = arith.cmpi slt, %add3A, %sign3A_60 : i32
    %sign3A_62 = arith.extui %sign3A_61 : i1 to i32
    %sign3A_63 = arith.subi %sign3A_59, %sign3A_62 : i32
    %sign3A_64 = arith.constant 0 : i32
    %sign3A_65 = arith.cmpi sgt, %jit3A_55, %sign3A_64 : i32
    %sign3A_66 = arith.extui %sign3A_65 : i1 to i32
    %sign3A_67 = arith.constant 0 : i32
    %sign3A_68 = arith.cmpi slt, %jit3A_55, %sign3A_67 : i32
    %sign3A_69 = arith.extui %sign3A_68 : i1 to i32
    %sign3A_70 = arith.subi %sign3A_66, %sign3A_69 : i32
    %ne3A_71 = arith.cmpi ne, %sign3A_63, %sign3A_70 : i32
    %rem3A_72 = arith.remsi %add3A, %jit3A_55 : i32
    %ne3A_73 = arith.constant 0 : i32
    %ne3A_74 = arith.cmpi ne, %rem3A_72, %ne3A_73 : i32
    %and3A_75 = arith.andi %ne3A_71, %ne3A_74 : i1
    %sub3A_76 = arith.constant 1 : i32
    %sub3A_77 = arith.subi %div3A_56, %sub3A_76 : i32
    %select_n3A_78 = arith.select %and3A_75, %sub3A_77, %div3A_56 : i32
    %eq3A_79 = arith.constant 1 : i32
    %eq3A_80 = arith.cmpi eq, %select_n3A_78, %eq3A_79 : i32
    %convert_element_type3A_81 = arith.extui %eq3A_80 : i1 to i32
    %cond3A_82 = arith.constant 0 : i32
    %cond3A_83 = arith.cmpi ne, %convert_element_type3A_81, %cond3A_82 : i32
    scf.if %cond3A_83 {
      %scan3A_230 = arith.constant 0 : i32
      %scan3A_231 = arith.constant 0 : i32
      %scan3A_232 = arith.constant 32 : i32
      %scan3A_233 = arith.addi %scan3A_231, %scan3A_232 : i32
      %scan3A_234 = arith.constant 1 : i32
      %scan3A_235 = scf.for %scan3A_237 = %scan3A_231 to %scan3A_233 step %scan3A_234 iter_args(%scan3A_238 = %scan3A_230) -> (i32)  : i32 {
        %jit3A_239 = arith.constant 16 : i32
        %eq3A_240 = arith.constant 0 : i32
        %eq3A_241 = arith.cmpi eq, %jit3A_239, %eq3A_240 : i32
        %jit3A_242 = arith.constant 1 : i32
        %select_n3A_243 = arith.select %eq3A_241, %jit3A_242, %jit3A_239 : i32
        %rem3A_244 = arith.remsi %add3A, %select_n3A_243 : i32
        %ne3A_245 = arith.constant 0 : i32
        %ne3A_246 = arith.cmpi ne, %rem3A_244, %ne3A_245 : i32
        %lt3A = arith.constant 0 : i32
        %lt3A_247 = arith.cmpi slt, %rem3A_244, %lt3A : i32
        %lt3A_248 = arith.constant 0 : i32
        %lt3A_249 = arith.cmpi slt, %select_n3A_243, %lt3A_248 : i32
        %ne3A_250 = arith.xori %lt3A_247, %lt3A_249 : i1
        %and3A_251 = arith.andi %ne3A_250, %ne3A_246 : i1
        %add3A_252 = arith.addi %rem3A_244, %select_n3A_243 : i32
        %select_n3A_253 = arith.select %and3A_251, %add3A_252, %rem3A_244 : i32
        %mul3A_254 = arith.constant 512 : i32
        %mul3A_255 = arith.muli %select_n3A_253, %mul3A_254 : i32
        %mul3A_256 = arith.constant 16 : i32
        %mul3A_257 = arith.muli %scan3A_237, %mul3A_256 : i32
        %add3A_258 = arith.addi %mul3A_255, %mul3A_257 : i32
        %get3A = arith.index_cast %add3A_258 : i32 to index
        %get3A_259 = tpu.vector_load %arg10[%get3A] {strides = array<i32>} : memref<8192xi32, #tpu.memory_space<vmem>>, vector<16xi32>,
        %ge3A = arith.constant 999936 : i32
        %ge3A_260 = vector.broadcast %ge3A : i32 to vector<16xi32>
        %ge3A_261 = arith.cmpi sge, %get3A_259, %ge3A_260 : vector<16xi32>
        %while3A_262 = scf.while (%while3A_264 = %ge3A_261) : (vector<16xi1>) -> vector<16xi1> {
          %all_reduce_population_count3A = tpu.all_reduce %while3A_264 {dim = 0 : i64, kind = #tpu.reduction_kind<sum>} : vector<16xi1> -> vector<16xi32>
          %slice3A = vector.extract_strided_slice %all_reduce_population_count3A {offsets = [0], sizes = [1], strides = [1]} : vector<16xi32> to vector<1xi32>
          %squeeze3A = vector.extract %slice3A[0] : i32 from vector<1xi32>
          %gt3A = arith.constant 0 : i32
          %gt3A_265 = arith.cmpi sgt, %squeeze3A, %gt3A : i32
          scf.condition(%gt3A_265) %while3A_264 : vector<16xi1>
        } do {
        ^bb0(%while3A_264: vector<16xi1>):
          %all_reduce_ffs3A = tpu.all_reduce %while3A_264 {dim = 0 : i64, kind = #tpu.reduction_kind<find_first_set>} : vector<16xi1> -> vector<16xi32>
          %slice3A = vector.extract_strided_slice %all_reduce_ffs3A {offsets = [0], sizes = [1], strides = [1]} : vector<16xi32> to vector<1xi32>
          %squeeze3A = vector.extract %slice3A[0] : i32 from vector<1xi32>
          %add3A_265 = arith.addi %add3A_258, %squeeze3A : i32
          %get3A_266 = arith.index_cast %add3A_265 : i32 to index
          %get3A_267 = tpu.vector_load %arg10[%get3A_266] {strides = array<i32>} : memref<8192xi32, #tpu.memory_space<vmem>>, vector<16xi32>,
          %slice3A_268 = vector.extract_strided_slice %get3A_267 {offsets = [0], sizes = [1], strides = [1]} : vector<16xi32> to vector<1xi32>
          %squeeze3A_269 = vector.extract %slice3A_268[0] : i32 from vector<1xi32>
          %sub3A_270 = arith.constant 999936 : i32
          %sub3A_271 = arith.subi %squeeze3A_269, %sub3A_270 : i32
          %mul3A_272 = arith.constant 64 : i32
          %mul3A_273 = arith.muli %sub3A_271, %mul3A_272 : i32
          "tpu.region"() ({
            %run_scoped3A = tpu.sem_alloc : memref<!tpu.dma_semaphore, #tpu.memory_space<semaphore_mem>>
            %dma_start3A_282 = arith.constant 0 : i32
            %dma_start3A_283 = tpu.memref_slice %arg14[%dma_start3A_282] : memref<2048xf32, #tpu.memory_space<vmem>> -> memref<64xf32, #tpu.memory_space<vmem>>
            %dma_start3A_284 = tpu.memref_slice %arg6[%mul3A_273] : memref<4096xf32, #tpu.memory_space<hbm>> -> memref<64xf32, #tpu.memory_space<hbm>>
            %dma_start3A_285 = arith.constant 0 : i32
            %dma_start3A_286 = tpu.memref_slice %arg14[%dma_start3A_285] : memref<2048xf32, #tpu.memory_space<vmem>> -> memref<64xf32, #tpu.memory_space<vmem>>
            %dma_start3A_287 = tpu.memref_slice %arg6[%mul3A_273] : memref<4096xf32, #tpu.memory_space<hbm>> -> memref<64xf32, #tpu.memory_space<hbm>>
            tpu.enqueue_dma source(%dma_start3A_287 : memref<64xf32, #tpu.memory_space<hbm>>) target(%dma_start3A_286 : memref<64xf32, #tpu.memory_space<vmem>>) target_semaphore(%run_scoped3A : memref<!tpu.dma_semaphore, #tpu.memory_space<semaphore_mem>>)
            %dma_wait3A = arith.constant 0 : i32
            %dma_wait3A_288 = tpu.memref_slice %arg14[%dma_wait3A] : memref<2048xf32, #tpu.memory_space<vmem>> -> memref<64xf32, #tpu.memory_space<vmem>>
            %dma_wait3A_289 = tpu.memref_slice %arg6[%mul3A_273] : memref<4096xf32, #tpu.memory_space<hbm>> -> memref<64xf32, #tpu.memory_space<hbm>>
            %dma_wait3A_290 = arith.constant 0 : i32
            %dma_wait3A_291 = tpu.memref_slice %arg14[%dma_wait3A_290] : memref<2048xf32, #tpu.memory_space<vmem>> -> memref<64xf32, #tpu.memory_space<vmem>>
            %dma_wait3A_292 = tpu.memref_slice %arg6[%mul3A_273] : memref<4096xf32, #tpu.memory_space<hbm>> -> memref<64xf32, #tpu.memory_space<hbm>>
            tpu.wait_dma2 semaphore(%run_scoped3A : memref<!tpu.dma_semaphore, #tpu.memory_space<semaphore_mem>>) src(%dma_wait3A_292 : memref<64xf32, #tpu.memory_space<hbm>>) dst(%dma_wait3A_291 : memref<64xf32, #tpu.memory_space<vmem>>)
            tpu.yield
          }) : () -> ()
          %add3A_274 = arith.constant 8192 : i32
          %add3A_275 = arith.addi %add3A_274, %add3A_258 : i32
          %add3A_276 = arith.addi %add3A_275, %squeeze3A : i32
          %mul3A_277 = arith.constant 64 : i32
          %mul3A_278 = arith.muli %add3A_276, %mul3A_277 : i32
          "tpu.region"() ({
            %run_scoped3A = tpu.sem_alloc : memref<!tpu.dma_semaphore, #tpu.memory_space<semaphore_mem>>
            %dma_start3A_282 = arith.constant 0 : i32
            %dma_start3A_283 = tpu.memref_slice %arg14[%dma_start3A_282] : memref<2048xf32, #tpu.memory_space<vmem>> -> memref<64xf32, #tpu.memory_space<vmem>>
            %dma_start3A_284 = tpu.memref_slice %arg8[%mul3A_278] : memref<1048576xf32, #tpu.memory_space<hbm>> -> memref<64xf32, #tpu.memory_space<hbm>>
            %dma_start3A_285 = tpu.memref_slice %arg8[%mul3A_278] : memref<1048576xf32, #tpu.memory_space<hbm>> -> memref<64xf32, #tpu.memory_space<hbm>>
            %dma_start3A_286 = arith.constant 0 : i32
            %dma_start3A_287 = tpu.memref_slice %arg14[%dma_start3A_286] : memref<2048xf32, #tpu.memory_space<vmem>> -> memref<64xf32, #tpu.memory_space<vmem>>
            tpu.enqueue_dma source(%dma_start3A_287 : memref<64xf32, #tpu.memory_space<vmem>>) target(%dma_start3A_285 : memref<64xf32, #tpu.memory_space<hbm>>) target_semaphore(%run_scoped3A : memref<!tpu.dma_semaphore, #tpu.memory_space<semaphore_mem>>)
            %dma_wait3A = arith.constant 0 : i32
            %dma_wait3A_288 = tpu.memref_slice %arg14[%dma_wait3A] : memref<2048xf32, #tpu.memory_space<vmem>> -> memref<64xf32, #tpu.memory_space<vmem>>
            %dma_wait3A_289 = tpu.memref_slice %arg8[%mul3A_278] : memref<1048576xf32, #tpu.memory_space<hbm>> -> memref<64xf32, #tpu.memory_space<hbm>>
            %dma_wait3A_290 = tpu.memref_slice %arg8[%mul3A_278] : memref<1048576xf32, #tpu.memory_space<hbm>> -> memref<64xf32, #tpu.memory_space<hbm>>
            %dma_wait3A_291 = arith.constant 0 : i32
            %dma_wait3A_292 = tpu.memref_slice %arg14[%dma_wait3A_291] : memref<2048xf32, #tpu.memory_space<vmem>> -> memref<64xf32, #tpu.memory_space<vmem>>
            tpu.wait_dma2 semaphore(%run_scoped3A : memref<!tpu.dma_semaphore, #tpu.memory_space<semaphore_mem>>) src(%dma_wait3A_292 : memref<64xf32, #tpu.memory_space<vmem>>) dst(%dma_wait3A_290 : memref<64xf32, #tpu.memory_space<hbm>>)
            tpu.yield
          }) : () -> ()
          %ne3A_279 = vector.broadcast %squeeze3A : i32 to vector<16xi32>
          %ne3A_280 = arith.cmpi ne, %iota3A, %ne3A_279 : vector<16xi32>
          %and3A_281 = arith.andi %while3A_264, %ne3A_280 : vector<16xi1>
          scf.yield %and3A_281 : vector<16xi1>
        }
        %scan3A_263 = arith.constant 0 : i32
        scf.yield %scan3A_263 : i32
      }
      %scan3A_236 = arith.constant 32 : i32
    } else {
    }
    %add3A_84 = arith.constant 15 : i32
    %add3A_85 = arith.addi %scan3A_53, %add3A_84 : i32
    %shift_right_arithmetic3A = arith.constant 4 : i32
    %shift_right_arithmetic3A_86 = arith.shrsi %add3A_85, %shift_right_arithmetic3A : i32
    %scan3A_87 = arith.constant 0 : i32
    %scan3A_88 = arith.constant 0 : i32
    %scan3A_89 = arith.constant 21 : i32
    %scan3A_90 = arith.addi %scan3A_88, %scan3A_89 : i32
    %scan3A_91 = arith.constant 1 : i32
    %scan3A_92 = scf.for %scan3A_230 = %scan3A_88 to %scan3A_90 step %scan3A_91 iter_args(%scan3A_231 = %scan3A_87) -> (i32)  : i32 {
      %mul3A_232 = arith.constant 2 : i32
      %mul3A_233 = arith.muli %scan3A_230, %mul3A_232 : i32
      %add3A_234 = arith.constant 0 : i32
      %add3A_235 = arith.addi %mul3A_233, %add3A_234 : i32
      %add3A_236 = arith.constant 1 : i32
      %add3A_237 = arith.addi %add3A_235, %add3A_236 : i32
      %lt3A = arith.constant 42 : i32
      %lt3A_238 = arith.cmpi slt, %add3A_237, %lt3A : i32
      %convert_element_type3A_239 = arith.extui %lt3A_238 : i1 to i32
      %cond3A_240 = arith.constant 0 : i32
      %cond3A_241 = arith.cmpi ne, %convert_element_type3A_239, %cond3A_240 : i32
      scf.if %cond3A_241 {
        %add3A_322 = arith.constant 1 : i32
        %add3A_323 = arith.addi %add3A_235, %add3A_322 : i32
        %mul3A_324 = arith.constant 32 : i32
        %mul3A_325 = arith.muli %add3A_323, %mul3A_324 : i32
        %add3A_326 = arith.addi %add3A, %mul3A_325 : i32
        %min3A_327 = arith.constant 1301 : i32
        %min3A_328 = arith.minsi %add3A_326, %min3A_327 : i32
        %mul3A_329 = arith.constant 768 : i32
        %mul3A_330 = arith.muli %min3A_328, %mul3A_329 : i32
        %multiple_of3A_331 = tpu.assume_multiple %mul3A_330, 128 : i32
        %dma_start3A_332 = arith.constant 0 : i32
        %dma_start3A_333 = arith.constant 0 : i32
        %dma_start3A_334 = tpu.memref_slice %arg13[%dma_start3A_332, %dma_start3A_333] : memref<64x768xf32, #tpu.memory_space<vmem>> -> memref<64x384xf32, #tpu.memory_space<vmem>>
        %dma_start3A_335 = arith.constant 0 : i32
        %dma_start3A_336 = tpu.memref_slice %arg4[%dma_start3A_335, %multiple_of3A_331] : memref<64x1000000xf32, #tpu.memory_space<hbm>> -> memref<64x384xf32, #tpu.memory_space<hbm>>
        %dma_start3A_337 = arith.constant 0 : i32
        %dma_start3A_338 = arith.constant 0 : i32
        %dma_start3A_339 = tpu.memref_slice %arg13[%dma_start3A_337, %dma_start3A_338] : memref<64x768xf32, #tpu.memory_space<vmem>> -> memref<64x384xf32, #tpu.memory_space<vmem>>
        %dma_start3A_340 = arith.constant 0 : i32
        %dma_start3A_341 = tpu.memref_slice %arg4[%dma_start3A_340, %multiple_of3A_331] : memref<64x1000000xf32, #tpu.memory_space<hbm>> -> memref<64x384xf32, #tpu.memory_space<hbm>>
        tpu.enqueue_dma source(%dma_start3A_341 : memref<64x384xf32, #tpu.memory_space<hbm>>) target(%dma_start3A_339 : memref<64x384xf32, #tpu.memory_space<vmem>>) target_semaphore(%arg17 : memref<!tpu.dma_semaphore, #tpu.memory_space<semaphore_mem>>)
        %add3A_342 = arith.constant 384 : i32
        %add3A_343 = arith.addi %multiple_of3A_331, %add3A_342 : i32
        %dma_start3A_344 = arith.constant 0 : i32
        %dma_start3A_345 = arith.constant 384 : i32
        %dma_start3A_346 = tpu.memref_slice %arg13[%dma_start3A_344, %dma_start3A_345] : memref<64x768xf32, #tpu.memory_space<vmem>> -> memref<64x384xf32, #tpu.memory_space<vmem>>
        %dma_start3A_347 = arith.constant 0 : i32
        %dma_start3A_348 = tpu.memref_slice %arg4[%dma_start3A_347, %add3A_343] : memref<64x1000000xf32, #tpu.memory_space<hbm>> -> memref<64x384xf32, #tpu.memory_space<hbm>>
        %dma_start3A_349 = arith.constant 0 : i32
        %dma_start3A_350 = arith.constant 384 : i32
        %dma_start3A_351 = tpu.memref_slice %arg13[%dma_start3A_349, %dma_start3A_350] : memref<64x768xf32, #tpu.memory_space<vmem>> -> memref<64x384xf32, #tpu.memory_space<vmem>>
        %dma_start3A_352 = arith.constant 0 : i32
        %dma_start3A_353 = tpu.memref_slice %arg4[%dma_start3A_352, %add3A_343] : memref<64x1000000xf32, #tpu.memory_space<hbm>> -> memref<64x384xf32, #tpu.memory_space<hbm>>
        tpu.enqueue_dma source(%dma_start3A_353 : memref<64x384xf32, #tpu.memory_space<hbm>>) target(%dma_start3A_351 : memref<64x384xf32, #tpu.memory_space<vmem>>) target_semaphore(%arg17 : memref<!tpu.dma_semaphore, #tpu.memory_space<semaphore_mem>>)
      } else {
      }
      %dma_wait3A = arith.constant 0 : i32
      %dma_wait3A_242 = arith.constant 0 : i32
      %dma_wait3A_243 = tpu.memref_slice %arg12[%dma_wait3A, %dma_wait3A_242] : memref<64x768xf32, #tpu.memory_space<vmem>> -> memref<64x384xf32, #tpu.memory_space<vmem>>
      %dma_wait3A_244 = arith.constant 0 : i32
      %dma_wait3A_245 = arith.constant 0 : i32
      %dma_wait3A_246 = tpu.memref_slice %arg4[%dma_wait3A_244, %dma_wait3A_245] : memref<64x1000000xf32, #tpu.memory_space<hbm>> -> memref<64x384xf32, #tpu.memory_space<hbm>>
      %dma_wait3A_247 = arith.constant 0 : i32
      %dma_wait3A_248 = arith.constant 0 : i32
      %dma_wait3A_249 = tpu.memref_slice %arg12[%dma_wait3A_247, %dma_wait3A_248] : memref<64x768xf32, #tpu.memory_space<vmem>> -> memref<64x384xf32, #tpu.memory_space<vmem>>
      %dma_wait3A_250 = arith.constant 0 : i32
      %dma_wait3A_251 = arith.constant 0 : i32
      %dma_wait3A_252 = tpu.memref_slice %arg4[%dma_wait3A_250, %dma_wait3A_251] : memref<64x1000000xf32, #tpu.memory_space<hbm>> -> memref<64x384xf32, #tpu.memory_space<hbm>>
      tpu.wait_dma2 semaphore(%arg16 : memref<!tpu.dma_semaphore, #tpu.memory_space<semaphore_mem>>) src(%dma_wait3A_252 : memref<64x384xf32, #tpu.memory_space<hbm>>) dst(%dma_wait3A_249 : memref<64x384xf32, #tpu.memory_space<vmem>>)
      %dma_wait3A_253 = arith.constant 0 : i32
      %dma_wait3A_254 = arith.constant 0 : i32
      %dma_wait3A_255 = tpu.memref_slice %arg12[%dma_wait3A_253, %dma_wait3A_254] : memref<64x768xf32, #tpu.memory_space<vmem>> -> memref<64x384xf32, #tpu.memory_space<vmem>>
      %dma_wait3A_256 = arith.constant 0 : i32
      %dma_wait3A_257 = arith.constant 0 : i32
      %dma_wait3A_258 = tpu.memref_slice %arg4[%dma_wait3A_256, %dma_wait3A_257] : memref<64x1000000xf32, #tpu.memory_space<hbm>> -> memref<64x384xf32, #tpu.memory_space<hbm>>
      %dma_wait3A_259 = arith.constant 0 : i32
      %dma_wait3A_260 = arith.constant 0 : i32
      %dma_wait3A_261 = tpu.memref_slice %arg12[%dma_wait3A_259, %dma_wait3A_260] : memref<64x768xf32, #tpu.memory_space<vmem>> -> memref<64x384xf32, #tpu.memory_space<vmem>>
      %dma_wait3A_262 = arith.constant 0 : i32
      %dma_wait3A_263 = arith.constant 0 : i32
      %dma_wait3A_264 = tpu.memref_slice %arg4[%dma_wait3A_262, %dma_wait3A_263] : memref<64x1000000xf32, #tpu.memory_space<hbm>> -> memref<64x384xf32, #tpu.memory_space<hbm>>
      tpu.wait_dma2 semaphore(%arg16 : memref<!tpu.dma_semaphore, #tpu.memory_space<semaphore_mem>>) src(%dma_wait3A_264 : memref<64x384xf32, #tpu.memory_space<hbm>>) dst(%dma_wait3A_261 : memref<64x384xf32, #tpu.memory_space<vmem>>)
      %while3A_265 = arith.constant 0 : i32
      %while3A_266 = arith.subi %shift_right_arithmetic3A_86, %while3A_265 : i32
      %while3A_267 = arith.addi %while3A_265, %while3A_266 : i32
      %while3A_268 = arith.constant 1 : i32
      %while3A_269 = arith.divsi %while3A_266, %while3A_268 : i32
      %while3A_270 = arith.muli %while3A_269, %while3A_268 : i32
      %while3A_271 = arith.addi %while3A_265, %while3A_270 : i32
      %while3A_272 = arith.constant 1 : i32
      %while3A_273 = scf.for %while3A_322 = %while3A_265 to %while3A_271 step %while3A_272 iter_args(%while3A_323 = %scan3A_231) -> (i32)  : i32 {
        %mul3A_324 = arith.constant 16 : i32
        %mul3A_325 = arith.muli %while3A_322, %mul3A_324 : i32
        %get3A = arith.index_cast %mul3A_325 : i32 to index
        %get3A_326 = tpu.vector_load %arg11[%get3A] {strides = array<i32>} : memref<16400xi32, #tpu.memory_space<vmem>>, vector<16xi32>,
        %shift_right_arithmetic3A_327 = arith.constant 24 : i32
        %shift_right_arithmetic3A_328 = vector.broadcast %shift_right_arithmetic3A_327 : i32 to vector<16xi32>
        %shift_right_arithmetic3A_329 = arith.shrsi %get3A_326, %shift_right_arithmetic3A_328 : vector<16xi32>
        %eq3A_330 = vector.broadcast %add3A_235 : i32 to vector<16xi32>
        %eq3A_331 = arith.cmpi eq, %shift_right_arithmetic3A_329, %eq3A_330 : vector<16xi32>
        %add3A_332 = vector.broadcast %mul3A_325 : i32 to vector<16xi32>
        %add3A_333 = arith.addi %add3A_332, %iota3A : vector<16xi32>
        %lt3A_334 = vector.broadcast %scan3A_53 : i32 to vector<16xi32>
        %lt3A_335 = arith.cmpi slt, %add3A_333, %lt3A_334 : vector<16xi32>
        %and3A_336 = arith.andi %eq3A_331, %lt3A_335 : vector<16xi1>
        %while3A_337:2 = scf.while (%while3A_338 = %and3A_336, %while3A_339 = %while3A_323) : (vector<16xi1>, i32) -> (vector<16xi1>, i32) {
          %all_reduce_population_count3A = tpu.all_reduce %while3A_338 {dim = 0 : i64, kind = #tpu.reduction_kind<sum>} : vector<16xi1> -> vector<16xi32>
          %slice3A = vector.extract_strided_slice %all_reduce_population_count3A {offsets = [0], sizes = [1], strides = [1]} : vector<16xi32> to vector<1xi32>
          %squeeze3A = vector.extract %slice3A[0] : i32 from vector<1xi32>
          %gt3A = arith.constant 0 : i32
          %gt3A_340 = arith.cmpi sgt, %squeeze3A, %gt3A : i32
          scf.condition(%gt3A_340) %while3A_338, %while3A_339 : vector<16xi1>, i32
        } do {
        ^bb0(%while3A_338: vector<16xi1>, %while3A_339: i32):
          %all_reduce_ffs3A = tpu.all_reduce %while3A_338 {dim = 0 : i64, kind = #tpu.reduction_kind<find_first_set>} : vector<16xi1> -> vector<16xi32>
          %slice3A = vector.extract_strided_slice %all_reduce_ffs3A {offsets = [0], sizes = [1], strides = [1]} : vector<16xi32> to vector<1xi32>
          %squeeze3A = vector.extract %slice3A[0] : i32 from vector<1xi32>
          %add3A_340 = arith.addi %mul3A_325, %squeeze3A : i32
          %get3A_341 = arith.index_cast %add3A_340 : i32 to index
          %get3A_342 = tpu.vector_load %arg11[%get3A_341] {strides = array<i32>} : memref<16400xi32, #tpu.memory_space<vmem>>, vector<16xi32>,
          %slice3A_343 = vector.extract_strided_slice %get3A_342 {offsets = [0], sizes = [1], strides = [1]} : vector<16xi32> to vector<1xi32>
          %squeeze3A_344 = vector.extract %slice3A_343[0] : i32 from vector<1xi32>
          %and3A_345 = arith.constant 16383 : i32
          %and3A_346 = arith.andi %squeeze3A_344, %and3A_345 : i32
          %shift_right_arithmetic3A_347 = arith.constant 14 : i32
          %shift_right_arithmetic3A_348 = arith.shrsi %squeeze3A_344, %shift_right_arithmetic3A_347 : i32
          %and3A_349 = arith.constant 1023 : i32
          %and3A_350 = arith.andi %shift_right_arithmetic3A_348, %and3A_349 : i32
          %broadcast_in_dim3A = vector.broadcast %and3A_350 : i32 to vector<16xi32>
          %and3A_351 = arith.constant 31 : i32
          %and3A_352 = arith.andi %while3A_339, %and3A_351 : i32
          %ge3A = arith.constant 32 : i32
          %ge3A_353 = arith.cmpi sge, %while3A_339, %ge3A : i32
          %convert_element_type3A_354 = arith.extui %ge3A_353 : i1 to i32
          %cond3A_355 = arith.constant 0 : i32
          %cond3A_356 = arith.cmpi ne, %convert_element_type3A_354, %cond3A_355 : i32
          scf.if %cond3A_356 {
            %dma_wait3A_408 = arith.constant 0 : i32
            %dma_wait3A_409 = tpu.memref_slice %arg14[%dma_wait3A_408] : memref<2048xf32, #tpu.memory_space<vmem>> -> memref<64xf32, #tpu.memory_space<vmem>>
            %dma_wait3A_410 = arith.constant 0 : i32
            %dma_wait3A_411 = tpu.memref_slice %arg8[%dma_wait3A_410] : memref<1048576xf32, #tpu.memory_space<hbm>> -> memref<64xf32, #tpu.memory_space<hbm>>
            %dma_wait3A_412 = arith.constant 0 : i32
            %dma_wait3A_413 = tpu.memref_slice %arg8[%dma_wait3A_412] : memref<1048576xf32, #tpu.memory_space<hbm>> -> memref<64xf32, #tpu.memory_space<hbm>>
            %dma_wait3A_414 = arith.constant 0 : i32
            %dma_wait3A_415 = tpu.memref_slice %arg14[%dma_wait3A_414] : memref<2048xf32, #tpu.memory_space<vmem>> -> memref<64xf32, #tpu.memory_space<vmem>>
            tpu.wait_dma2 semaphore(%arg15 : memref<!tpu.dma_semaphore, #tpu.memory_space<semaphore_mem>>) src(%dma_wait3A_415 : memref<64xf32, #tpu.memory_space<vmem>>) dst(%dma_wait3A_413 : memref<64xf32, #tpu.memory_space<hbm>>)
          } else {
          }
          %add3A_357 = arith.constant 0 : i32
          %add3A_358 = vector.broadcast %add3A_357 : i32 to vector<16xi32>
          %add3A_359 = arith.addi %add3A_358, %iota3A : vector<16xi32>
          %gather3A = tpu.vector_load_idx %arg12[%add3A_359, %broadcast_in_dim3A] : memref<64x768xf32, #tpu.memory_space<vmem>>[vector<16xi32>, vector<16xi32>], vector<16xf32>,
          %mul3A_360 = arith.constant 64 : i32
          %mul3A_361 = arith.muli %and3A_352, %mul3A_360 : i32
          %add3A_362 = arith.constant 0 : i32
          %add3A_363 = arith.addi %mul3A_361, %add3A_362 : i32
          %swap3A = arith.index_cast %add3A_363 : i32 to index
          %swap3A_364 = tpu.vector_load %arg14[%swap3A] {strides = array<i32>} : memref<2048xf32, #tpu.memory_space<vmem>>, vector<16xf32>,
          tpu.vector_store %arg14[%swap3A], %gather3A {strides = array<i32>} : memref<2048xf32, #tpu.memory_space<vmem>>, vector<16xf32>,
          %add3A_365 = arith.constant 16 : i32
          %add3A_366 = vector.broadcast %add3A_365 : i32 to vector<16xi32>
          %add3A_367 = arith.addi %add3A_366, %iota3A : vector<16xi32>
          %gather3A_368 = tpu.vector_load_idx %arg12[%add3A_367, %broadcast_in_dim3A] : memref<64x768xf32, #tpu.memory_space<vmem>>[vector<16xi32>, vector<16xi32>], vector<16xf32>,
          %mul3A_369 = arith.constant 64 : i32
          %mul3A_370 = arith.muli %and3A_352, %mul3A_369 : i32
          %add3A_371 = arith.constant 16 : i32
          %add3A_372 = arith.addi %mul3A_370, %add3A_371 : i32
          %swap3A_373 = arith.index_cast %add3A_372 : i32 to index
          %swap3A_374 = tpu.vector_load %arg14[%swap3A_373] {strides = array<i32>} : memref<2048xf32, #tpu.memory_space<vmem>>, vector<16xf32>,
          tpu.vector_store %arg14[%swap3A_373], %gather3A_368 {strides = array<i32>} : memref<2048xf32, #tpu.memory_space<vmem>>, vector<16xf32>,
          %add3A_375 = arith.constant 32 : i32
          %add3A_376 = vector.broadcast %add3A_375 : i32 to vector<16xi32>
          %add3A_377 = arith.addi %add3A_376, %iota3A : vector<16xi32>
          %gather3A_378 = tpu.vector_load_idx %arg12[%add3A_377, %broadcast_in_dim3A] : memref<64x768xf32, #tpu.memory_space<vmem>>[vector<16xi32>, vector<16xi32>], vector<16xf32>,
          %mul3A_379 = arith.constant 64 : i32
          %mul3A_380 = arith.muli %and3A_352, %mul3A_379 : i32
          %add3A_381 = arith.constant 32 : i32
          %add3A_382 = arith.addi %mul3A_380, %add3A_381 : i32
          %swap3A_383 = arith.index_cast %add3A_382 : i32 to index
          %swap3A_384 = tpu.vector_load %arg14[%swap3A_383] {strides = array<i32>} : memref<2048xf32, #tpu.memory_space<vmem>>, vector<16xf32>,
          tpu.vector_store %arg14[%swap3A_383], %gather3A_378 {strides = array<i32>} : memref<2048xf32, #tpu.memory_space<vmem>>, vector<16xf32>,
          %add3A_385 = arith.constant 48 : i32
          %add3A_386 = vector.broadcast %add3A_385 : i32 to vector<16xi32>
          %add3A_387 = arith.addi %add3A_386, %iota3A : vector<16xi32>
          %gather3A_388 = tpu.vector_load_idx %arg12[%add3A_387, %broadcast_in_dim3A] : memref<64x768xf32, #tpu.memory_space<vmem>>[vector<16xi32>, vector<16xi32>], vector<16xf32>,
          %mul3A_389 = arith.constant 64 : i32
          %mul3A_390 = arith.muli %and3A_352, %mul3A_389 : i32
          %add3A_391 = arith.constant 48 : i32
          %add3A_392 = arith.addi %mul3A_390, %add3A_391 : i32
          %swap3A_393 = arith.index_cast %add3A_392 : i32 to index
          %swap3A_394 = tpu.vector_load %arg14[%swap3A_393] {strides = array<i32>} : memref<2048xf32, #tpu.memory_space<vmem>>, vector<16xf32>,
          tpu.vector_store %arg14[%swap3A_393], %gather3A_388 {strides = array<i32>} : memref<2048xf32, #tpu.memory_space<vmem>>, vector<16xf32>,
          %mul3A_395 = arith.constant 64 : i32
          %mul3A_396 = arith.muli %and3A_352, %mul3A_395 : i32
          %mul3A_397 = arith.constant 64 : i32
          %mul3A_398 = arith.muli %and3A_346, %mul3A_397 : i32
          %dma_start3A_399 = tpu.memref_slice %arg14[%mul3A_396] : memref<2048xf32, #tpu.memory_space<vmem>> -> memref<64xf32, #tpu.memory_space<vmem>>
          %dma_start3A_400 = tpu.memref_slice %arg8[%mul3A_398] : memref<1048576xf32, #tpu.memory_space<hbm>> -> memref<64xf32, #tpu.memory_space<hbm>>
          %dma_start3A_401 = tpu.memref_slice %arg8[%mul3A_398] : memref<1048576xf32, #tpu.memory_space<hbm>> -> memref<64xf32, #tpu.memory_space<hbm>>
          %dma_start3A_402 = tpu.memref_slice %arg14[%mul3A_396] : memref<2048xf32, #tpu.memory_space<vmem>> -> memref<64xf32, #tpu.memory_space<vmem>>
          tpu.enqueue_dma source(%dma_start3A_402 : memref<64xf32, #tpu.memory_space<vmem>>) target(%dma_start3A_401 : memref<64xf32, #tpu.memory_space<hbm>>) target_semaphore(%arg15 : memref<!tpu.dma_semaphore, #tpu.memory_space<semaphore_mem>>)
          %ne3A_403 = vector.broadcast %squeeze3A : i32 to vector<16xi32>
          %ne3A_404 = arith.cmpi ne, %iota3A, %ne3A_403 : vector<16xi32>
          %and3A_405 = arith.andi %while3A_338, %ne3A_404 : vector<16xi1>
          %add3A_406 = arith.constant 1 : i32
          %add3A_407 = arith.addi %while3A_339, %add3A_406 : i32
          scf.yield %and3A_405, %add3A_407 : vector<16xi1>, i32
        }
        scf.yield %while3A_337#1 : i32
      }
      %while3A_274 = arith.constant 1 : i32
      %while3A_275 = scf.for %while3A_322 = %while3A_271 to %while3A_267 step %while3A_274 iter_args(%while3A_323 = %while3A_273) -> (i32)  : i32 {
        %mul3A_324 = arith.constant 16 : i32
        %mul3A_325 = arith.muli %while3A_322, %mul3A_324 : i32
        %get3A = arith.index_cast %mul3A_325 : i32 to index
        %get3A_326 = tpu.vector_load %arg11[%get3A] {strides = array<i32>} : memref<16400xi32, #tpu.memory_space<vmem>>, vector<16xi32>,
        %shift_right_arithmetic3A_327 = arith.constant 24 : i32
        %shift_right_arithmetic3A_328 = vector.broadcast %shift_right_arithmetic3A_327 : i32 to vector<16xi32>
        %shift_right_arithmetic3A_329 = arith.shrsi %get3A_326, %shift_right_arithmetic3A_328 : vector<16xi32>
        %eq3A_330 = vector.broadcast %add3A_235 : i32 to vector<16xi32>
        %eq3A_331 = arith.cmpi eq, %shift_right_arithmetic3A_329, %eq3A_330 : vector<16xi32>
        %add3A_332 = vector.broadcast %mul3A_325 : i32 to vector<16xi32>
        %add3A_333 = arith.addi %add3A_332, %iota3A : vector<16xi32>
        %lt3A_334 = vector.broadcast %scan3A_53 : i32 to vector<16xi32>
        %lt3A_335 = arith.cmpi slt, %add3A_333, %lt3A_334 : vector<16xi32>
        %and3A_336 = arith.andi %eq3A_331, %lt3A_335 : vector<16xi1>
        %while3A_337:2 = scf.while (%while3A_338 = %and3A_336, %while3A_339 = %while3A_323) : (vector<16xi1>, i32) -> (vector<16xi1>, i32) {
          %all_reduce_population_count3A = tpu.all_reduce %while3A_338 {dim = 0 : i64, kind = #tpu.reduction_kind<sum>} : vector<16xi1> -> vector<16xi32>
          %slice3A = vector.extract_strided_slice %all_reduce_population_count3A {offsets = [0], sizes = [1], strides = [1]} : vector<16xi32> to vector<1xi32>
          %squeeze3A = vector.extract %slice3A[0] : i32 from vector<1xi32>
          %gt3A = arith.constant 0 : i32
          %gt3A_340 = arith.cmpi sgt, %squeeze3A, %gt3A : i32
          scf.condition(%gt3A_340) %while3A_338, %while3A_339 : vector<16xi1>, i32
        } do {
        ^bb0(%while3A_338: vector<16xi1>, %while3A_339: i32):
          %all_reduce_ffs3A = tpu.all_reduce %while3A_338 {dim = 0 : i64, kind = #tpu.reduction_kind<find_first_set>} : vector<16xi1> -> vector<16xi32>
          %slice3A = vector.extract_strided_slice %all_reduce_ffs3A {offsets = [0], sizes = [1], strides = [1]} : vector<16xi32> to vector<1xi32>
          %squeeze3A = vector.extract %slice3A[0] : i32 from vector<1xi32>
          %add3A_340 = arith.addi %mul3A_325, %squeeze3A : i32
          %get3A_341 = arith.index_cast %add3A_340 : i32 to index
          %get3A_342 = tpu.vector_load %arg11[%get3A_341] {strides = array<i32>} : memref<16400xi32, #tpu.memory_space<vmem>>, vector<16xi32>,
          %slice3A_343 = vector.extract_strided_slice %get3A_342 {offsets = [0], sizes = [1], strides = [1]} : vector<16xi32> to vector<1xi32>
          %squeeze3A_344 = vector.extract %slice3A_343[0] : i32 from vector<1xi32>
          %and3A_345 = arith.constant 16383 : i32
          %and3A_346 = arith.andi %squeeze3A_344, %and3A_345 : i32
          %shift_right_arithmetic3A_347 = arith.constant 14 : i32
          %shift_right_arithmetic3A_348 = arith.shrsi %squeeze3A_344, %shift_right_arithmetic3A_347 : i32
          %and3A_349 = arith.constant 1023 : i32
          %and3A_350 = arith.andi %shift_right_arithmetic3A_348, %and3A_349 : i32
          %broadcast_in_dim3A = vector.broadcast %and3A_350 : i32 to vector<16xi32>
          %and3A_351 = arith.constant 31 : i32
          %and3A_352 = arith.andi %while3A_339, %and3A_351 : i32
          %ge3A = arith.constant 32 : i32
          %ge3A_353 = arith.cmpi sge, %while3A_339, %ge3A : i32
          %convert_element_type3A_354 = arith.extui %ge3A_353 : i1 to i32
          %cond3A_355 = arith.constant 0 : i32
          %cond3A_356 = arith.cmpi ne, %convert_element_type3A_354, %cond3A_355 : i32
          scf.if %cond3A_356 {
            %dma_wait3A_408 = arith.constant 0 : i32
            %dma_wait3A_409 = tpu.memref_slice %arg14[%dma_wait3A_408] : memref<2048xf32, #tpu.memory_space<vmem>> -> memref<64xf32, #tpu.memory_space<vmem>>
            %dma_wait3A_410 = arith.constant 0 : i32
            %dma_wait3A_411 = tpu.memref_slice %arg8[%dma_wait3A_410] : memref<1048576xf32, #tpu.memory_space<hbm>> -> memref<64xf32, #tpu.memory_space<hbm>>
            %dma_wait3A_412 = arith.constant 0 : i32
            %dma_wait3A_413 = tpu.memref_slice %arg8[%dma_wait3A_412] : memref<1048576xf32, #tpu.memory_space<hbm>> -> memref<64xf32, #tpu.memory_space<hbm>>
            %dma_wait3A_414 = arith.constant 0 : i32
            %dma_wait3A_415 = tpu.memref_slice %arg14[%dma_wait3A_414] : memref<2048xf32, #tpu.memory_space<vmem>> -> memref<64xf32, #tpu.memory_space<vmem>>
            tpu.wait_dma2 semaphore(%arg15 : memref<!tpu.dma_semaphore, #tpu.memory_space<semaphore_mem>>) src(%dma_wait3A_415 : memref<64xf32, #tpu.memory_space<vmem>>) dst(%dma_wait3A_413 : memref<64xf32, #tpu.memory_space<hbm>>)
          } else {
          }
          %add3A_357 = arith.constant 0 : i32
          %add3A_358 = vector.broadcast %add3A_357 : i32 to vector<16xi32>
          %add3A_359 = arith.addi %add3A_358, %iota3A : vector<16xi32>
          %gather3A = tpu.vector_load_idx %arg12[%add3A_359, %broadcast_in_dim3A] : memref<64x768xf32, #tpu.memory_space<vmem>>[vector<16xi32>, vector<16xi32>], vector<16xf32>,
          %mul3A_360 = arith.constant 64 : i32
          %mul3A_361 = arith.muli %and3A_352, %mul3A_360 : i32
          %add3A_362 = arith.constant 0 : i32
          %add3A_363 = arith.addi %mul3A_361, %add3A_362 : i32
          %swap3A = arith.index_cast %add3A_363 : i32 to index
          %swap3A_364 = tpu.vector_load %arg14[%swap3A] {strides = array<i32>} : memref<2048xf32, #tpu.memory_space<vmem>>, vector<16xf32>,
          tpu.vector_store %arg14[%swap3A], %gather3A {strides = array<i32>} : memref<2048xf32, #tpu.memory_space<vmem>>, vector<16xf32>,
          %add3A_365 = arith.constant 16 : i32
          %add3A_366 = vector.broadcast %add3A_365 : i32 to vector<16xi32>
          %add3A_367 = arith.addi %add3A_366, %iota3A : vector<16xi32>
          %gather3A_368 = tpu.vector_load_idx %arg12[%add3A_367, %broadcast_in_dim3A] : memref<64x768xf32, #tpu.memory_space<vmem>>[vector<16xi32>, vector<16xi32>], vector<16xf32>,
          %mul3A_369 = arith.constant 64 : i32
          %mul3A_370 = arith.muli %and3A_352, %mul3A_369 : i32
          %add3A_371 = arith.constant 16 : i32
          %add3A_372 = arith.addi %mul3A_370, %add3A_371 : i32
          %swap3A_373 = arith.index_cast %add3A_372 : i32 to index
          %swap3A_374 = tpu.vector_load %arg14[%swap3A_373] {strides = array<i32>} : memref<2048xf32, #tpu.memory_space<vmem>>, vector<16xf32>,
          tpu.vector_store %arg14[%swap3A_373], %gather3A_368 {strides = array<i32>} : memref<2048xf32, #tpu.memory_space<vmem>>, vector<16xf32>,
          %add3A_375 = arith.constant 32 : i32
          %add3A_376 = vector.broadcast %add3A_375 : i32 to vector<16xi32>
          %add3A_377 = arith.addi %add3A_376, %iota3A : vector<16xi32>
          %gather3A_378 = tpu.vector_load_idx %arg12[%add3A_377, %broadcast_in_dim3A] : memref<64x768xf32, #tpu.memory_space<vmem>>[vector<16xi32>, vector<16xi32>], vector<16xf32>,
          %mul3A_379 = arith.constant 64 : i32
          %mul3A_380 = arith.muli %and3A_352, %mul3A_379 : i32
          %add3A_381 = arith.constant 32 : i32
          %add3A_382 = arith.addi %mul3A_380, %add3A_381 : i32
          %swap3A_383 = arith.index_cast %add3A_382 : i32 to index
          %swap3A_384 = tpu.vector_load %arg14[%swap3A_383] {strides = array<i32>} : memref<2048xf32, #tpu.memory_space<vmem>>, vector<16xf32>,
          tpu.vector_store %arg14[%swap3A_383], %gather3A_378 {strides = array<i32>} : memref<2048xf32, #tpu.memory_space<vmem>>, vector<16xf32>,
          %add3A_385 = arith.constant 48 : i32
          %add3A_386 = vector.broadcast %add3A_385 : i32 to vector<16xi32>
          %add3A_387 = arith.addi %add3A_386, %iota3A : vector<16xi32>
          %gather3A_388 = tpu.vector_load_idx %arg12[%add3A_387, %broadcast_in_dim3A] : memref<64x768xf32, #tpu.memory_space<vmem>>[vector<16xi32>, vector<16xi32>], vector<16xf32>,
          %mul3A_389 = arith.constant 64 : i32
          %mul3A_390 = arith.muli %and3A_352, %mul3A_389 : i32
          %add3A_391 = arith.constant 48 : i32
          %add3A_392 = arith.addi %mul3A_390, %add3A_391 : i32
          %swap3A_393 = arith.index_cast %add3A_392 : i32 to index
          %swap3A_394 = tpu.vector_load %arg14[%swap3A_393] {strides = array<i32>} : memref<2048xf32, #tpu.memory_space<vmem>>, vector<16xf32>,
          tpu.vector_store %arg14[%swap3A_393], %gather3A_388 {strides = array<i32>} : memref<2048xf32, #tpu.memory_space<vmem>>, vector<16xf32>,
          %mul3A_395 = arith.constant 64 : i32
          %mul3A_396 = arith.muli %and3A_352, %mul3A_395 : i32
          %mul3A_397 = arith.constant 64 : i32
          %mul3A_398 = arith.muli %and3A_346, %mul3A_397 : i32
          %dma_start3A_399 = tpu.memref_slice %arg14[%mul3A_396] : memref<2048xf32, #tpu.memory_space<vmem>> -> memref<64xf32, #tpu.memory_space<vmem>>
          %dma_start3A_400 = tpu.memref_slice %arg8[%mul3A_398] : memref<1048576xf32, #tpu.memory_space<hbm>> -> memref<64xf32, #tpu.memory_space<hbm>>
          %dma_start3A_401 = tpu.memref_slice %arg8[%mul3A_398] : memref<1048576xf32, #tpu.memory_space<hbm>> -> memref<64xf32, #tpu.memory_space<hbm>>
          %dma_start3A_402 = tpu.memref_slice %arg14[%mul3A_396] : memref<2048xf32, #tpu.memory_space<vmem>> -> memref<64xf32, #tpu.memory_space<vmem>>
          tpu.enqueue_dma source(%dma_start3A_402 : memref<64xf32, #tpu.memory_space<vmem>>) target(%dma_start3A_401 : memref<64xf32, #tpu.memory_space<hbm>>) target_semaphore(%arg15 : memref<!tpu.dma_semaphore, #tpu.memory_space<semaphore_mem>>)
          %ne3A_403 = vector.broadcast %squeeze3A : i32 to vector<16xi32>
          %ne3A_404 = arith.cmpi ne, %iota3A, %ne3A_403 : vector<16xi32>
          %and3A_405 = arith.andi %while3A_338, %ne3A_404 : vector<16xi1>
          %add3A_406 = arith.constant 1 : i32
          %add3A_407 = arith.addi %while3A_339, %add3A_406 : i32
          scf.yield %and3A_405, %add3A_407 : vector<16xi1>, i32
        }
        scf.yield %while3A_337#1 : i32
      }
      %mul3A_276 = arith.constant 2 : i32
      %mul3A_277 = arith.muli %scan3A_230, %mul3A_276 : i32
      %add3A_278 = arith.constant 1 : i32
      %add3A_279 = arith.addi %mul3A_277, %add3A_278 : i32
      %add3A_280 = arith.constant 1 : i32
      %add3A_281 = arith.addi %add3A_279, %add3A_280 : i32
      %lt3A_282 = arith.constant 42 : i32
      %lt3A_283 = arith.cmpi slt, %add3A_281, %lt3A_282 : i32
      %convert_element_type3A_284 = arith.extui %lt3A_283 : i1 to i32
      %cond3A_285 = arith.constant 0 : i32
      %cond3A_286 = arith.cmpi ne, %convert_element_type3A_284, %cond3A_285 : i32
      scf.if %cond3A_286 {
        %add3A_322 = arith.constant 1 : i32
        %add3A_323 = arith.addi %add3A_279, %add3A_322 : i32
        %mul3A_324 = arith.constant 32 : i32
        %mul3A_325 = arith.muli %add3A_323, %mul3A_324 : i32
        %add3A_326 = arith.addi %add3A, %mul3A_325 : i32
        %min3A_327 = arith.constant 1301 : i32
        %min3A_328 = arith.minsi %add3A_326, %min3A_327 : i32
        %mul3A_329 = arith.constant 768 : i32
        %mul3A_330 = arith.muli %min3A_328, %mul3A_329 : i32
        %multiple_of3A_331 = tpu.assume_multiple %mul3A_330, 128 : i32
        %dma_start3A_332 = arith.constant 0 : i32
        %dma_start3A_333 = arith.constant 0 : i32
        %dma_start3A_334 = tpu.memref_slice %arg12[%dma_start3A_332, %dma_start3A_333] : memref<64x768xf32, #tpu.memory_space<vmem>> -> memref<64x384xf32, #tpu.memory_space<vmem>>
        %dma_start3A_335 = arith.constant 0 : i32
        %dma_start3A_336 = tpu.memref_slice %arg4[%dma_start3A_335, %multiple_of3A_331] : memref<64x1000000xf32, #tpu.memory_space<hbm>> -> memref<64x384xf32, #tpu.memory_space<hbm>>
        %dma_start3A_337 = arith.constant 0 : i32
        %dma_start3A_338 = arith.constant 0 : i32
        %dma_start3A_339 = tpu.memref_slice %arg12[%dma_start3A_337, %dma_start3A_338] : memref<64x768xf32, #tpu.memory_space<vmem>> -> memref<64x384xf32, #tpu.memory_space<vmem>>
        %dma_start3A_340 = arith.constant 0 : i32
        %dma_start3A_341 = tpu.memref_slice %arg4[%dma_start3A_340, %multiple_of3A_331] : memref<64x1000000xf32, #tpu.memory_space<hbm>> -> memref<64x384xf32, #tpu.memory_space<hbm>>
        tpu.enqueue_dma source(%dma_start3A_341 : memref<64x384xf32, #tpu.memory_space<hbm>>) target(%dma_start3A_339 : memref<64x384xf32, #tpu.memory_space<vmem>>) target_semaphore(%arg16 : memref<!tpu.dma_semaphore, #tpu.memory_space<semaphore_mem>>)
        %add3A_342 = arith.constant 384 : i32
        %add3A_343 = arith.addi %multiple_of3A_331, %add3A_342 : i32
        %dma_start3A_344 = arith.constant 0 : i32
        %dma_start3A_345 = arith.constant 384 : i32
        %dma_start3A_346 = tpu.memref_slice %arg12[%dma_start3A_344, %dma_start3A_345] : memref<64x768xf32, #tpu.memory_space<vmem>> -> memref<64x384xf32, #tpu.memory_space<vmem>>
        %dma_start3A_347 = arith.constant 0 : i32
        %dma_start3A_348 = tpu.memref_slice %arg4[%dma_start3A_347, %add3A_343] : memref<64x1000000xf32, #tpu.memory_space<hbm>> -> memref<64x384xf32, #tpu.memory_space<hbm>>
        %dma_start3A_349 = arith.constant 0 : i32
        %dma_start3A_350 = arith.constant 384 : i32
        %dma_start3A_351 = tpu.memref_slice %arg12[%dma_start3A_349, %dma_start3A_350] : memref<64x768xf32, #tpu.memory_space<vmem>> -> memref<64x384xf32, #tpu.memory_space<vmem>>
        %dma_start3A_352 = arith.constant 0 : i32
        %dma_start3A_353 = tpu.memref_slice %arg4[%dma_start3A_352, %add3A_343] : memref<64x1000000xf32, #tpu.memory_space<hbm>> -> memref<64x384xf32, #tpu.memory_space<hbm>>
        tpu.enqueue_dma source(%dma_start3A_353 : memref<64x384xf32, #tpu.memory_space<hbm>>) target(%dma_start3A_351 : memref<64x384xf32, #tpu.memory_space<vmem>>) target_semaphore(%arg16 : memref<!tpu.dma_semaphore, #tpu.memory_space<semaphore_mem>>)
      } else {
      }
      %dma_wait3A_287 = arith.constant 0 : i32
      %dma_wait3A_288 = arith.constant 0 : i32
      %dma_wait3A_289 = tpu.memref_slice %arg13[%dma_wait3A_287, %dma_wait3A_288] : memref<64x768xf32, #tpu.memory_space<vmem>> -> memref<64x384xf32, #tpu.memory_space<vmem>>
      %dma_wait3A_290 = arith.constant 0 : i32
      %dma_wait3A_291 = arith.constant 0 : i32
      %dma_wait3A_292 = tpu.memref_slice %arg4[%dma_wait3A_290, %dma_wait3A_291] : memref<64x1000000xf32, #tpu.memory_space<hbm>> -> memref<64x384xf32, #tpu.memory_space<hbm>>
      %dma_wait3A_293 = arith.constant 0 : i32
      %dma_wait3A_294 = arith.constant 0 : i32
      %dma_wait3A_295 = tpu.memref_slice %arg13[%dma_wait3A_293, %dma_wait3A_294] : memref<64x768xf32, #tpu.memory_space<vmem>> -> memref<64x384xf32, #tpu.memory_space<vmem>>
      %dma_wait3A_296 = arith.constant 0 : i32
      %dma_wait3A_297 = arith.constant 0 : i32
      %dma_wait3A_298 = tpu.memref_slice %arg4[%dma_wait3A_296, %dma_wait3A_297] : memref<64x1000000xf32, #tpu.memory_space<hbm>> -> memref<64x384xf32, #tpu.memory_space<hbm>>
      tpu.wait_dma2 semaphore(%arg17 : memref<!tpu.dma_semaphore, #tpu.memory_space<semaphore_mem>>) src(%dma_wait3A_298 : memref<64x384xf32, #tpu.memory_space<hbm>>) dst(%dma_wait3A_295 : memref<64x384xf32, #tpu.memory_space<vmem>>)
      %dma_wait3A_299 = arith.constant 0 : i32
      %dma_wait3A_300 = arith.constant 0 : i32
      %dma_wait3A_301 = tpu.memref_slice %arg13[%dma_wait3A_299, %dma_wait3A_300] : memref<64x768xf32, #tpu.memory_space<vmem>> -> memref<64x384xf32, #tpu.memory_space<vmem>>
      %dma_wait3A_302 = arith.constant 0 : i32
      %dma_wait3A_303 = arith.constant 0 : i32
      %dma_wait3A_304 = tpu.memref_slice %arg4[%dma_wait3A_302, %dma_wait3A_303] : memref<64x1000000xf32, #tpu.memory_space<hbm>> -> memref<64x384xf32, #tpu.memory_space<hbm>>
      %dma_wait3A_305 = arith.constant 0 : i32
      %dma_wait3A_306 = arith.constant 0 : i32
      %dma_wait3A_307 = tpu.memref_slice %arg13[%dma_wait3A_305, %dma_wait3A_306] : memref<64x768xf32, #tpu.memory_space<vmem>> -> memref<64x384xf32, #tpu.memory_space<vmem>>
      %dma_wait3A_308 = arith.constant 0 : i32
      %dma_wait3A_309 = arith.constant 0 : i32
      %dma_wait3A_310 = tpu.memref_slice %arg4[%dma_wait3A_308, %dma_wait3A_309] : memref<64x1000000xf32, #tpu.memory_space<hbm>> -> memref<64x384xf32, #tpu.memory_space<hbm>>
      tpu.wait_dma2 semaphore(%arg17 : memref<!tpu.dma_semaphore, #tpu.memory_space<semaphore_mem>>) src(%dma_wait3A_310 : memref<64x384xf32, #tpu.memory_space<hbm>>) dst(%dma_wait3A_307 : memref<64x384xf32, #tpu.memory_space<vmem>>)
      %while3A_311 = arith.constant 0 : i32
      %while3A_312 = arith.subi %shift_right_arithmetic3A_86, %while3A_311 : i32
      %while3A_313 = arith.addi %while3A_311, %while3A_312 : i32
      %while3A_314 = arith.constant 1 : i32
      %while3A_315 = arith.divsi %while3A_312, %while3A_314 : i32
      %while3A_316 = arith.muli %while3A_315, %while3A_314 : i32
      %while3A_317 = arith.addi %while3A_311, %while3A_316 : i32
      %while3A_318 = arith.constant 1 : i32
      %while3A_319 = scf.for %while3A_322 = %while3A_311 to %while3A_317 step %while3A_318 iter_args(%while3A_323 = %while3A_275) -> (i32)  : i32 {
        %mul3A_324 = arith.constant 16 : i32
        %mul3A_325 = arith.muli %while3A_322, %mul3A_324 : i32
        %get3A = arith.index_cast %mul3A_325 : i32 to index
        %get3A_326 = tpu.vector_load %arg11[%get3A] {strides = array<i32>} : memref<16400xi32, #tpu.memory_space<vmem>>, vector<16xi32>,
        %shift_right_arithmetic3A_327 = arith.constant 24 : i32
        %shift_right_arithmetic3A_328 = vector.broadcast %shift_right_arithmetic3A_327 : i32 to vector<16xi32>
        %shift_right_arithmetic3A_329 = arith.shrsi %get3A_326, %shift_right_arithmetic3A_328 : vector<16xi32>
        %eq3A_330 = vector.broadcast %add3A_279 : i32 to vector<16xi32>
        %eq3A_331 = arith.cmpi eq, %shift_right_arithmetic3A_329, %eq3A_330 : vector<16xi32>
        %add3A_332 = vector.broadcast %mul3A_325 : i32 to vector<16xi32>
        %add3A_333 = arith.addi %add3A_332, %iota3A : vector<16xi32>
        %lt3A_334 = vector.broadcast %scan3A_53 : i32 to vector<16xi32>
        %lt3A_335 = arith.cmpi slt, %add3A_333, %lt3A_334 : vector<16xi32>
        %and3A_336 = arith.andi %eq3A_331, %lt3A_335 : vector<16xi1>
        %while3A_337:2 = scf.while (%while3A_338 = %and3A_336, %while3A_339 = %while3A_323) : (vector<16xi1>, i32) -> (vector<16xi1>, i32) {
          %all_reduce_population_count3A = tpu.all_reduce %while3A_338 {dim = 0 : i64, kind = #tpu.reduction_kind<sum>} : vector<16xi1> -> vector<16xi32>
          %slice3A = vector.extract_strided_slice %all_reduce_population_count3A {offsets = [0], sizes = [1], strides = [1]} : vector<16xi32> to vector<1xi32>
          %squeeze3A = vector.extract %slice3A[0] : i32 from vector<1xi32>
          %gt3A = arith.constant 0 : i32
          %gt3A_340 = arith.cmpi sgt, %squeeze3A, %gt3A : i32
          scf.condition(%gt3A_340) %while3A_338, %while3A_339 : vector<16xi1>, i32
        } do {
        ^bb0(%while3A_338: vector<16xi1>, %while3A_339: i32):
          %all_reduce_ffs3A = tpu.all_reduce %while3A_338 {dim = 0 : i64, kind = #tpu.reduction_kind<find_first_set>} : vector<16xi1> -> vector<16xi32>
          %slice3A = vector.extract_strided_slice %all_reduce_ffs3A {offsets = [0], sizes = [1], strides = [1]} : vector<16xi32> to vector<1xi32>
          %squeeze3A = vector.extract %slice3A[0] : i32 from vector<1xi32>
          %add3A_340 = arith.addi %mul3A_325, %squeeze3A : i32
          %get3A_341 = arith.index_cast %add3A_340 : i32 to index
          %get3A_342 = tpu.vector_load %arg11[%get3A_341] {strides = array<i32>} : memref<16400xi32, #tpu.memory_space<vmem>>, vector<16xi32>,
          %slice3A_343 = vector.extract_strided_slice %get3A_342 {offsets = [0], sizes = [1], strides = [1]} : vector<16xi32> to vector<1xi32>
          %squeeze3A_344 = vector.extract %slice3A_343[0] : i32 from vector<1xi32>
          %and3A_345 = arith.constant 16383 : i32
          %and3A_346 = arith.andi %squeeze3A_344, %and3A_345 : i32
          %shift_right_arithmetic3A_347 = arith.constant 14 : i32
          %shift_right_arithmetic3A_348 = arith.shrsi %squeeze3A_344, %shift_right_arithmetic3A_347 : i32
          %and3A_349 = arith.constant 1023 : i32
          %and3A_350 = arith.andi %shift_right_arithmetic3A_348, %and3A_349 : i32
          %broadcast_in_dim3A = vector.broadcast %and3A_350 : i32 to vector<16xi32>
          %and3A_351 = arith.constant 31 : i32
          %and3A_352 = arith.andi %while3A_339, %and3A_351 : i32
          %ge3A = arith.constant 32 : i32
          %ge3A_353 = arith.cmpi sge, %while3A_339, %ge3A : i32
          %convert_element_type3A_354 = arith.extui %ge3A_353 : i1 to i32
          %cond3A_355 = arith.constant 0 : i32
          %cond3A_356 = arith.cmpi ne, %convert_element_type3A_354, %cond3A_355 : i32
          scf.if %cond3A_356 {
            %dma_wait3A_408 = arith.constant 0 : i32
            %dma_wait3A_409 = tpu.memref_slice %arg14[%dma_wait3A_408] : memref<2048xf32, #tpu.memory_space<vmem>> -> memref<64xf32, #tpu.memory_space<vmem>>
            %dma_wait3A_410 = arith.constant 0 : i32
            %dma_wait3A_411 = tpu.memref_slice %arg8[%dma_wait3A_410] : memref<1048576xf32, #tpu.memory_space<hbm>> -> memref<64xf32, #tpu.memory_space<hbm>>
            %dma_wait3A_412 = arith.constant 0 : i32
            %dma_wait3A_413 = tpu.memref_slice %arg8[%dma_wait3A_412] : memref<1048576xf32, #tpu.memory_space<hbm>> -> memref<64xf32, #tpu.memory_space<hbm>>
            %dma_wait3A_414 = arith.constant 0 : i32
            %dma_wait3A_415 = tpu.memref_slice %arg14[%dma_wait3A_414] : memref<2048xf32, #tpu.memory_space<vmem>> -> memref<64xf32, #tpu.memory_space<vmem>>
            tpu.wait_dma2 semaphore(%arg15 : memref<!tpu.dma_semaphore, #tpu.memory_space<semaphore_mem>>) src(%dma_wait3A_415 : memref<64xf32, #tpu.memory_space<vmem>>) dst(%dma_wait3A_413 : memref<64xf32, #tpu.memory_space<hbm>>)
          } else {
          }
          %add3A_357 = arith.constant 0 : i32
          %add3A_358 = vector.broadcast %add3A_357 : i32 to vector<16xi32>
          %add3A_359 = arith.addi %add3A_358, %iota3A : vector<16xi32>
          %gather3A = tpu.vector_load_idx %arg13[%add3A_359, %broadcast_in_dim3A] : memref<64x768xf32, #tpu.memory_space<vmem>>[vector<16xi32>, vector<16xi32>], vector<16xf32>,
          %mul3A_360 = arith.constant 64 : i32
          %mul3A_361 = arith.muli %and3A_352, %mul3A_360 : i32
          %add3A_362 = arith.constant 0 : i32
          %add3A_363 = arith.addi %mul3A_361, %add3A_362 : i32
          %swap3A = arith.index_cast %add3A_363 : i32 to index
          %swap3A_364 = tpu.vector_load %arg14[%swap3A] {strides = array<i32>} : memref<2048xf32, #tpu.memory_space<vmem>>, vector<16xf32>,
          tpu.vector_store %arg14[%swap3A], %gather3A {strides = array<i32>} : memref<2048xf32, #tpu.memory_space<vmem>>, vector<16xf32>,
          %add3A_365 = arith.constant 16 : i32
          %add3A_366 = vector.broadcast %add3A_365 : i32 to vector<16xi32>
          %add3A_367 = arith.addi %add3A_366, %iota3A : vector<16xi32>
          %gather3A_368 = tpu.vector_load_idx %arg13[%add3A_367, %broadcast_in_dim3A] : memref<64x768xf32, #tpu.memory_space<vmem>>[vector<16xi32>, vector<16xi32>], vector<16xf32>,
          %mul3A_369 = arith.constant 64 : i32
          %mul3A_370 = arith.muli %and3A_352, %mul3A_369 : i32
          %add3A_371 = arith.constant 16 : i32
          %add3A_372 = arith.addi %mul3A_370, %add3A_371 : i32
          %swap3A_373 = arith.index_cast %add3A_372 : i32 to index
          %swap3A_374 = tpu.vector_load %arg14[%swap3A_373] {strides = array<i32>} : memref<2048xf32, #tpu.memory_space<vmem>>, vector<16xf32>,
          tpu.vector_store %arg14[%swap3A_373], %gather3A_368 {strides = array<i32>} : memref<2048xf32, #tpu.memory_space<vmem>>, vector<16xf32>,
          %add3A_375 = arith.constant 32 : i32
          %add3A_376 = vector.broadcast %add3A_375 : i32 to vector<16xi32>
          %add3A_377 = arith.addi %add3A_376, %iota3A : vector<16xi32>
          %gather3A_378 = tpu.vector_load_idx %arg13[%add3A_377, %broadcast_in_dim3A] : memref<64x768xf32, #tpu.memory_space<vmem>>[vector<16xi32>, vector<16xi32>], vector<16xf32>,
          %mul3A_379 = arith.constant 64 : i32
          %mul3A_380 = arith.muli %and3A_352, %mul3A_379 : i32
          %add3A_381 = arith.constant 32 : i32
          %add3A_382 = arith.addi %mul3A_380, %add3A_381 : i32
          %swap3A_383 = arith.index_cast %add3A_382 : i32 to index
          %swap3A_384 = tpu.vector_load %arg14[%swap3A_383] {strides = array<i32>} : memref<2048xf32, #tpu.memory_space<vmem>>, vector<16xf32>,
          tpu.vector_store %arg14[%swap3A_383], %gather3A_378 {strides = array<i32>} : memref<2048xf32, #tpu.memory_space<vmem>>, vector<16xf32>,
          %add3A_385 = arith.constant 48 : i32
          %add3A_386 = vector.broadcast %add3A_385 : i32 to vector<16xi32>
          %add3A_387 = arith.addi %add3A_386, %iota3A : vector<16xi32>
          %gather3A_388 = tpu.vector_load_idx %arg13[%add3A_387, %broadcast_in_dim3A] : memref<64x768xf32, #tpu.memory_space<vmem>>[vector<16xi32>, vector<16xi32>], vector<16xf32>,
          %mul3A_389 = arith.constant 64 : i32
          %mul3A_390 = arith.muli %and3A_352, %mul3A_389 : i32
          %add3A_391 = arith.constant 48 : i32
          %add3A_392 = arith.addi %mul3A_390, %add3A_391 : i32
          %swap3A_393 = arith.index_cast %add3A_392 : i32 to index
          %swap3A_394 = tpu.vector_load %arg14[%swap3A_393] {strides = array<i32>} : memref<2048xf32, #tpu.memory_space<vmem>>, vector<16xf32>,
          tpu.vector_store %arg14[%swap3A_393], %gather3A_388 {strides = array<i32>} : memref<2048xf32, #tpu.memory_space<vmem>>, vector<16xf32>,
          %mul3A_395 = arith.constant 64 : i32
          %mul3A_396 = arith.muli %and3A_352, %mul3A_395 : i32
          %mul3A_397 = arith.constant 64 : i32
          %mul3A_398 = arith.muli %and3A_346, %mul3A_397 : i32
          %dma_start3A_399 = tpu.memref_slice %arg14[%mul3A_396] : memref<2048xf32, #tpu.memory_space<vmem>> -> memref<64xf32, #tpu.memory_space<vmem>>
          %dma_start3A_400 = tpu.memref_slice %arg8[%mul3A_398] : memref<1048576xf32, #tpu.memory_space<hbm>> -> memref<64xf32, #tpu.memory_space<hbm>>
          %dma_start3A_401 = tpu.memref_slice %arg8[%mul3A_398] : memref<1048576xf32, #tpu.memory_space<hbm>> -> memref<64xf32, #tpu.memory_space<hbm>>
          %dma_start3A_402 = tpu.memref_slice %arg14[%mul3A_396] : memref<2048xf32, #tpu.memory_space<vmem>> -> memref<64xf32, #tpu.memory_space<vmem>>
          tpu.enqueue_dma source(%dma_start3A_402 : memref<64xf32, #tpu.memory_space<vmem>>) target(%dma_start3A_401 : memref<64xf32, #tpu.memory_space<hbm>>) target_semaphore(%arg15 : memref<!tpu.dma_semaphore, #tpu.memory_space<semaphore_mem>>)
          %ne3A_403 = vector.broadcast %squeeze3A : i32 to vector<16xi32>
          %ne3A_404 = arith.cmpi ne, %iota3A, %ne3A_403 : vector<16xi32>
          %and3A_405 = arith.andi %while3A_338, %ne3A_404 : vector<16xi1>
          %add3A_406 = arith.constant 1 : i32
          %add3A_407 = arith.addi %while3A_339, %add3A_406 : i32
          scf.yield %and3A_405, %add3A_407 : vector<16xi1>, i32
        }
        scf.yield %while3A_337#1 : i32
      }
      %while3A_320 = arith.constant 1 : i32
      %while3A_321 = scf.for %while3A_322 = %while3A_317 to %while3A_313 step %while3A_320 iter_args(%while3A_323 = %while3A_319) -> (i32)  : i32 {
        %mul3A_324 = arith.constant 16 : i32
        %mul3A_325 = arith.muli %while3A_322, %mul3A_324 : i32
        %get3A = arith.index_cast %mul3A_325 : i32 to index
        %get3A_326 = tpu.vector_load %arg11[%get3A] {strides = array<i32>} : memref<16400xi32, #tpu.memory_space<vmem>>, vector<16xi32>,
        %shift_right_arithmetic3A_327 = arith.constant 24 : i32
        %shift_right_arithmetic3A_328 = vector.broadcast %shift_right_arithmetic3A_327 : i32 to vector<16xi32>
        %shift_right_arithmetic3A_329 = arith.shrsi %get3A_326, %shift_right_arithmetic3A_328 : vector<16xi32>
        %eq3A_330 = vector.broadcast %add3A_279 : i32 to vector<16xi32>
        %eq3A_331 = arith.cmpi eq, %shift_right_arithmetic3A_329, %eq3A_330 : vector<16xi32>
        %add3A_332 = vector.broadcast %mul3A_325 : i32 to vector<16xi32>
        %add3A_333 = arith.addi %add3A_332, %iota3A : vector<16xi32>
        %lt3A_334 = vector.broadcast %scan3A_53 : i32 to vector<16xi32>
        %lt3A_335 = arith.cmpi slt, %add3A_333, %lt3A_334 : vector<16xi32>
        %and3A_336 = arith.andi %eq3A_331, %lt3A_335 : vector<16xi1>
        %while3A_337:2 = scf.while (%while3A_338 = %and3A_336, %while3A_339 = %while3A_323) : (vector<16xi1>, i32) -> (vector<16xi1>, i32) {
          %all_reduce_population_count3A = tpu.all_reduce %while3A_338 {dim = 0 : i64, kind = #tpu.reduction_kind<sum>} : vector<16xi1> -> vector<16xi32>
          %slice3A = vector.extract_strided_slice %all_reduce_population_count3A {offsets = [0], sizes = [1], strides = [1]} : vector<16xi32> to vector<1xi32>
          %squeeze3A = vector.extract %slice3A[0] : i32 from vector<1xi32>
          %gt3A = arith.constant 0 : i32
          %gt3A_340 = arith.cmpi sgt, %squeeze3A, %gt3A : i32
          scf.condition(%gt3A_340) %while3A_338, %while3A_339 : vector<16xi1>, i32
        } do {
        ^bb0(%while3A_338: vector<16xi1>, %while3A_339: i32):
          %all_reduce_ffs3A = tpu.all_reduce %while3A_338 {dim = 0 : i64, kind = #tpu.reduction_kind<find_first_set>} : vector<16xi1> -> vector<16xi32>
          %slice3A = vector.extract_strided_slice %all_reduce_ffs3A {offsets = [0], sizes = [1], strides = [1]} : vector<16xi32> to vector<1xi32>
          %squeeze3A = vector.extract %slice3A[0] : i32 from vector<1xi32>
          %add3A_340 = arith.addi %mul3A_325, %squeeze3A : i32
          %get3A_341 = arith.index_cast %add3A_340 : i32 to index
          %get3A_342 = tpu.vector_load %arg11[%get3A_341] {strides = array<i32>} : memref<16400xi32, #tpu.memory_space<vmem>>, vector<16xi32>,
          %slice3A_343 = vector.extract_strided_slice %get3A_342 {offsets = [0], sizes = [1], strides = [1]} : vector<16xi32> to vector<1xi32>
          %squeeze3A_344 = vector.extract %slice3A_343[0] : i32 from vector<1xi32>
          %and3A_345 = arith.constant 16383 : i32
          %and3A_346 = arith.andi %squeeze3A_344, %and3A_345 : i32
          %shift_right_arithmetic3A_347 = arith.constant 14 : i32
          %shift_right_arithmetic3A_348 = arith.shrsi %squeeze3A_344, %shift_right_arithmetic3A_347 : i32
          %and3A_349 = arith.constant 1023 : i32
          %and3A_350 = arith.andi %shift_right_arithmetic3A_348, %and3A_349 : i32
          %broadcast_in_dim3A = vector.broadcast %and3A_350 : i32 to vector<16xi32>
          %and3A_351 = arith.constant 31 : i32
          %and3A_352 = arith.andi %while3A_339, %and3A_351 : i32
          %ge3A = arith.constant 32 : i32
          %ge3A_353 = arith.cmpi sge, %while3A_339, %ge3A : i32
          %convert_element_type3A_354 = arith.extui %ge3A_353 : i1 to i32
          %cond3A_355 = arith.constant 0 : i32
          %cond3A_356 = arith.cmpi ne, %convert_element_type3A_354, %cond3A_355 : i32
          scf.if %cond3A_356 {
            %dma_wait3A_408 = arith.constant 0 : i32
            %dma_wait3A_409 = tpu.memref_slice %arg14[%dma_wait3A_408] : memref<2048xf32, #tpu.memory_space<vmem>> -> memref<64xf32, #tpu.memory_space<vmem>>
            %dma_wait3A_410 = arith.constant 0 : i32
            %dma_wait3A_411 = tpu.memref_slice %arg8[%dma_wait3A_410] : memref<1048576xf32, #tpu.memory_space<hbm>> -> memref<64xf32, #tpu.memory_space<hbm>>
            %dma_wait3A_412 = arith.constant 0 : i32
            %dma_wait3A_413 = tpu.memref_slice %arg8[%dma_wait3A_412] : memref<1048576xf32, #tpu.memory_space<hbm>> -> memref<64xf32, #tpu.memory_space<hbm>>
            %dma_wait3A_414 = arith.constant 0 : i32
            %dma_wait3A_415 = tpu.memref_slice %arg14[%dma_wait3A_414] : memref<2048xf32, #tpu.memory_space<vmem>> -> memref<64xf32, #tpu.memory_space<vmem>>
            tpu.wait_dma2 semaphore(%arg15 : memref<!tpu.dma_semaphore, #tpu.memory_space<semaphore_mem>>) src(%dma_wait3A_415 : memref<64xf32, #tpu.memory_space<vmem>>) dst(%dma_wait3A_413 : memref<64xf32, #tpu.memory_space<hbm>>)
          } else {
          }
          %add3A_357 = arith.constant 0 : i32
          %add3A_358 = vector.broadcast %add3A_357 : i32 to vector<16xi32>
          %add3A_359 = arith.addi %add3A_358, %iota3A : vector<16xi32>
          %gather3A = tpu.vector_load_idx %arg13[%add3A_359, %broadcast_in_dim3A] : memref<64x768xf32, #tpu.memory_space<vmem>>[vector<16xi32>, vector<16xi32>], vector<16xf32>,
          %mul3A_360 = arith.constant 64 : i32
          %mul3A_361 = arith.muli %and3A_352, %mul3A_360 : i32
          %add3A_362 = arith.constant 0 : i32
          %add3A_363 = arith.addi %mul3A_361, %add3A_362 : i32
          %swap3A = arith.index_cast %add3A_363 : i32 to index
          %swap3A_364 = tpu.vector_load %arg14[%swap3A] {strides = array<i32>} : memref<2048xf32, #tpu.memory_space<vmem>>, vector<16xf32>,
          tpu.vector_store %arg14[%swap3A], %gather3A {strides = array<i32>} : memref<2048xf32, #tpu.memory_space<vmem>>, vector<16xf32>,
          %add3A_365 = arith.constant 16 : i32
          %add3A_366 = vector.broadcast %add3A_365 : i32 to vector<16xi32>
          %add3A_367 = arith.addi %add3A_366, %iota3A : vector<16xi32>
          %gather3A_368 = tpu.vector_load_idx %arg13[%add3A_367, %broadcast_in_dim3A] : memref<64x768xf32, #tpu.memory_space<vmem>>[vector<16xi32>, vector<16xi32>], vector<16xf32>,
          %mul3A_369 = arith.constant 64 : i32
          %mul3A_370 = arith.muli %and3A_352, %mul3A_369 : i32
          %add3A_371 = arith.constant 16 : i32
          %add3A_372 = arith.addi %mul3A_370, %add3A_371 : i32
          %swap3A_373 = arith.index_cast %add3A_372 : i32 to index
          %swap3A_374 = tpu.vector_load %arg14[%swap3A_373] {strides = array<i32>} : memref<2048xf32, #tpu.memory_space<vmem>>, vector<16xf32>,
          tpu.vector_store %arg14[%swap3A_373], %gather3A_368 {strides = array<i32>} : memref<2048xf32, #tpu.memory_space<vmem>>, vector<16xf32>,
          %add3A_375 = arith.constant 32 : i32
          %add3A_376 = vector.broadcast %add3A_375 : i32 to vector<16xi32>
          %add3A_377 = arith.addi %add3A_376, %iota3A : vector<16xi32>
          %gather3A_378 = tpu.vector_load_idx %arg13[%add3A_377, %broadcast_in_dim3A] : memref<64x768xf32, #tpu.memory_space<vmem>>[vector<16xi32>, vector<16xi32>], vector<16xf32>,
          %mul3A_379 = arith.constant 64 : i32
          %mul3A_380 = arith.muli %and3A_352, %mul3A_379 : i32
          %add3A_381 = arith.constant 32 : i32
          %add3A_382 = arith.addi %mul3A_380, %add3A_381 : i32
          %swap3A_383 = arith.index_cast %add3A_382 : i32 to index
          %swap3A_384 = tpu.vector_load %arg14[%swap3A_383] {strides = array<i32>} : memref<2048xf32, #tpu.memory_space<vmem>>, vector<16xf32>,
          tpu.vector_store %arg14[%swap3A_383], %gather3A_378 {strides = array<i32>} : memref<2048xf32, #tpu.memory_space<vmem>>, vector<16xf32>,
          %add3A_385 = arith.constant 48 : i32
          %add3A_386 = vector.broadcast %add3A_385 : i32 to vector<16xi32>
          %add3A_387 = arith.addi %add3A_386, %iota3A : vector<16xi32>
          %gather3A_388 = tpu.vector_load_idx %arg13[%add3A_387, %broadcast_in_dim3A] : memref<64x768xf32, #tpu.memory_space<vmem>>[vector<16xi32>, vector<16xi32>], vector<16xf32>,
          %mul3A_389 = arith.constant 64 : i32
          %mul3A_390 = arith.muli %and3A_352, %mul3A_389 : i32
          %add3A_391 = arith.constant 48 : i32
          %add3A_392 = arith.addi %mul3A_390, %add3A_391 : i32
          %swap3A_393 = arith.index_cast %add3A_392 : i32 to index
          %swap3A_394 = tpu.vector_load %arg14[%swap3A_393] {strides = array<i32>} : memref<2048xf32, #tpu.memory_space<vmem>>, vector<16xf32>,
          tpu.vector_store %arg14[%swap3A_393], %gather3A_388 {strides = array<i32>} : memref<2048xf32, #tpu.memory_space<vmem>>, vector<16xf32>,
          %mul3A_395 = arith.constant 64 : i32
          %mul3A_396 = arith.muli %and3A_352, %mul3A_395 : i32
          %mul3A_397 = arith.constant 64 : i32
          %mul3A_398 = arith.muli %and3A_346, %mul3A_397 : i32
          %dma_start3A_399 = tpu.memref_slice %arg14[%mul3A_396] : memref<2048xf32, #tpu.memory_space<vmem>> -> memref<64xf32, #tpu.memory_space<vmem>>
          %dma_start3A_400 = tpu.memref_slice %arg8[%mul3A_398] : memref<1048576xf32, #tpu.memory_space<hbm>> -> memref<64xf32, #tpu.memory_space<hbm>>
          %dma_start3A_401 = tpu.memref_slice %arg8[%mul3A_398] : memref<1048576xf32, #tpu.memory_space<hbm>> -> memref<64xf32, #tpu.memory_space<hbm>>
          %dma_start3A_402 = tpu.memref_slice %arg14[%mul3A_396] : memref<2048xf32, #tpu.memory_space<vmem>> -> memref<64xf32, #tpu.memory_space<vmem>>
          tpu.enqueue_dma source(%dma_start3A_402 : memref<64xf32, #tpu.memory_space<vmem>>) target(%dma_start3A_401 : memref<64xf32, #tpu.memory_space<hbm>>) target_semaphore(%arg15 : memref<!tpu.dma_semaphore, #tpu.memory_space<semaphore_mem>>)
          %ne3A_403 = vector.broadcast %squeeze3A : i32 to vector<16xi32>
          %ne3A_404 = arith.cmpi ne, %iota3A, %ne3A_403 : vector<16xi32>
          %and3A_405 = arith.andi %while3A_338, %ne3A_404 : vector<16xi1>
          %add3A_406 = arith.constant 1 : i32
          %add3A_407 = arith.addi %while3A_339, %add3A_406 : i32
          scf.yield %and3A_405, %add3A_407 : vector<16xi1>, i32
        }
        scf.yield %while3A_337#1 : i32
      }
      scf.yield %while3A_321 : i32
    }
    %scan3A_93 = arith.constant 21 : i32
    %min3A_94 = arith.constant 32 : i32
    %min3A_95 = arith.minsi %scan3A_92, %min3A_94 : i32
    %while3A = arith.constant 0 : i32
    %while3A_96 = arith.constant 0 : i32
    %while3A_97 = arith.subi %min3A_95, %while3A : i32
    %while3A_98 = arith.addi %while3A, %while3A_97 : i32
    %while3A_99 = arith.constant 1 : i32
    %while3A_100 = arith.divsi %while3A_97, %while3A_99 : i32
    %while3A_101 = arith.muli %while3A_100, %while3A_99 : i32
    %while3A_102 = arith.addi %while3A, %while3A_101 : i32
    %while3A_103 = arith.constant 1 : i32
    %while3A_104 = scf.for %while3A_230 = %while3A to %while3A_102 step %while3A_103 iter_args(%while3A_231 = %while3A_96) -> (i32)  : i32 {
      %dma_wait3A = arith.constant 0 : i32
      %dma_wait3A_232 = tpu.memref_slice %arg14[%dma_wait3A] : memref<2048xf32, #tpu.memory_space<vmem>> -> memref<64xf32, #tpu.memory_space<vmem>>
      %dma_wait3A_233 = arith.constant 0 : i32
      %dma_wait3A_234 = tpu.memref_slice %arg8[%dma_wait3A_233] : memref<1048576xf32, #tpu.memory_space<hbm>> -> memref<64xf32, #tpu.memory_space<hbm>>
      %dma_wait3A_235 = arith.constant 0 : i32
      %dma_wait3A_236 = tpu.memref_slice %arg8[%dma_wait3A_235] : memref<1048576xf32, #tpu.memory_space<hbm>> -> memref<64xf32, #tpu.memory_space<hbm>>
      %dma_wait3A_237 = arith.constant 0 : i32
      %dma_wait3A_238 = tpu.memref_slice %arg14[%dma_wait3A_237] : memref<2048xf32, #tpu.memory_space<vmem>> -> memref<64xf32, #tpu.memory_space<vmem>>
      tpu.wait_dma2 semaphore(%arg15 : memref<!tpu.dma_semaphore, #tpu.memory_space<semaphore_mem>>) src(%dma_wait3A_238 : memref<64xf32, #tpu.memory_space<vmem>>) dst(%dma_wait3A_236 : memref<64xf32, #tpu.memory_space<hbm>>)
      %while3A_239 = arith.constant 0 : i32
      scf.yield %while3A_239 : i32
    }
    %while3A_105 = arith.constant 1 : i32
    %while3A_106 = scf.for %while3A_230 = %while3A_102 to %while3A_98 step %while3A_105 iter_args(%while3A_231 = %while3A_104) -> (i32)  : i32 {
      %dma_wait3A = arith.constant 0 : i32
      %dma_wait3A_232 = tpu.memref_slice %arg14[%dma_wait3A] : memref<2048xf32, #tpu.memory_space<vmem>> -> memref<64xf32, #tpu.memory_space<vmem>>
      %dma_wait3A_233 = arith.constant 0 : i32
      %dma_wait3A_234 = tpu.memref_slice %arg8[%dma_wait3A_233] : memref<1048576xf32, #tpu.memory_space<hbm>> -> memref<64xf32, #tpu.memory_space<hbm>>
      %dma_wait3A_235 = arith.constant 0 : i32
      %dma_wait3A_236 = tpu.memref_slice %arg8[%dma_wait3A_235] : memref<1048576xf32, #tpu.memory_space<hbm>> -> memref<64xf32, #tpu.memory_space<hbm>>
      %dma_wait3A_237 = arith.constant 0 : i32
      %dma_wait3A_238 = tpu.memref_slice %arg14[%dma_wait3A_237] : memref<2048xf32, #tpu.memory_space<vmem>> -> memref<64xf32, #tpu.memory_space<vmem>>
      tpu.wait_dma2 semaphore(%arg15 : memref<!tpu.dma_semaphore, #tpu.memory_space<semaphore_mem>>) src(%dma_wait3A_238 : memref<64xf32, #tpu.memory_space<vmem>>) dst(%dma_wait3A_236 : memref<64xf32, #tpu.memory_space<hbm>>)
      %while3A_239 = arith.constant 0 : i32
      scf.yield %while3A_239 : i32
    }
    %min3A_107 = arith.constant 1301 : i32
    %min3A_108 = arith.minsi %add3A, %min3A_107 : i32
    %mul3A_109 = arith.constant 768 : i32
    %mul3A_110 = arith.muli %min3A_108, %mul3A_109 : i32
    %multiple_of3A_111 = tpu.assume_multiple %mul3A_110, 128 : i32
    %dma_start3A_112 = arith.constant 0 : i32
    %dma_start3A_113 = arith.constant 0 : i32
    %dma_start3A_114 = tpu.memref_slice %arg12[%dma_start3A_112, %dma_start3A_113] : memref<64x768xf32, #tpu.memory_space<vmem>> -> memref<64x384xf32, #tpu.memory_space<vmem>>
    %dma_start3A_115 = arith.constant 0 : i32
    %dma_start3A_116 = tpu.memref_slice %arg5[%dma_start3A_115, %multiple_of3A_111] : memref<64x1000000xf32, #tpu.memory_space<hbm>> -> memref<64x384xf32, #tpu.memory_space<hbm>>
    %dma_start3A_117 = arith.constant 0 : i32
    %dma_start3A_118 = arith.constant 0 : i32
    %dma_start3A_119 = tpu.memref_slice %arg12[%dma_start3A_117, %dma_start3A_118] : memref<64x768xf32, #tpu.memory_space<vmem>> -> memref<64x384xf32, #tpu.memory_space<vmem>>
    %dma_start3A_120 = arith.constant 0 : i32
    %dma_start3A_121 = tpu.memref_slice %arg5[%dma_start3A_120, %multiple_of3A_111] : memref<64x1000000xf32, #tpu.memory_space<hbm>> -> memref<64x384xf32, #tpu.memory_space<hbm>>
    tpu.enqueue_dma source(%dma_start3A_121 : memref<64x384xf32, #tpu.memory_space<hbm>>) target(%dma_start3A_119 : memref<64x384xf32, #tpu.memory_space<vmem>>) target_semaphore(%arg16 : memref<!tpu.dma_semaphore, #tpu.memory_space<semaphore_mem>>)
    %add3A_122 = arith.constant 384 : i32
    %add3A_123 = arith.addi %multiple_of3A_111, %add3A_122 : i32
    %dma_start3A_124 = arith.constant 0 : i32
    %dma_start3A_125 = arith.constant 384 : i32
    %dma_start3A_126 = tpu.memref_slice %arg12[%dma_start3A_124, %dma_start3A_125] : memref<64x768xf32, #tpu.memory_space<vmem>> -> memref<64x384xf32, #tpu.memory_space<vmem>>
    %dma_start3A_127 = arith.constant 0 : i32
    %dma_start3A_128 = tpu.memref_slice %arg5[%dma_start3A_127, %add3A_123] : memref<64x1000000xf32, #tpu.memory_space<hbm>> -> memref<64x384xf32, #tpu.memory_space<hbm>>
    %dma_start3A_129 = arith.constant 0 : i32
    %dma_start3A_130 = arith.constant 384 : i32
    %dma_start3A_131 = tpu.memref_slice %arg12[%dma_start3A_129, %dma_start3A_130] : memref<64x768xf32, #tpu.memory_space<vmem>> -> memref<64x384xf32, #tpu.memory_space<vmem>>
    %dma_start3A_132 = arith.constant 0 : i32
    %dma_start3A_133 = tpu.memref_slice %arg5[%dma_start3A_132, %add3A_123] : memref<64x1000000xf32, #tpu.memory_space<hbm>> -> memref<64x384xf32, #tpu.memory_space<hbm>>
    tpu.enqueue_dma source(%dma_start3A_133 : memref<64x384xf32, #tpu.memory_space<hbm>>) target(%dma_start3A_131 : memref<64x384xf32, #tpu.memory_space<vmem>>) target_semaphore(%arg16 : memref<!tpu.dma_semaphore, #tpu.memory_space<semaphore_mem>>)
    "tpu.region"() ({
      %run_scoped3A = tpu.sem_alloc : memref<!tpu.dma_semaphore, #tpu.memory_space<semaphore_mem>>
      %dma_start3A_230 = arith.constant 0 : i32
      %dma_start3A_231 = tpu.memref_slice %arg3[%dma_start3A_230] : memref<16384xi32, #tpu.memory_space<hbm>> -> memref<8192xi32, #tpu.memory_space<hbm>>
      %dma_start3A_232 = arith.constant 0 : i32
      %dma_start3A_233 = tpu.memref_slice %arg3[%dma_start3A_232] : memref<16384xi32, #tpu.memory_space<hbm>> -> memref<8192xi32, #tpu.memory_space<hbm>>
      tpu.enqueue_dma source(%dma_start3A_233 : memref<8192xi32, #tpu.memory_space<hbm>>) target(%arg10 : memref<8192xi32, #tpu.memory_space<vmem>>) target_semaphore(%run_scoped3A : memref<!tpu.dma_semaphore, #tpu.memory_space<semaphore_mem>>)
      %dma_wait3A = arith.constant 0 : i32
      %dma_wait3A_234 = tpu.memref_slice %arg3[%dma_wait3A] : memref<16384xi32, #tpu.memory_space<hbm>> -> memref<8192xi32, #tpu.memory_space<hbm>>
      %dma_wait3A_235 = arith.constant 0 : i32
      %dma_wait3A_236 = tpu.memref_slice %arg3[%dma_wait3A_235] : memref<16384xi32, #tpu.memory_space<hbm>> -> memref<8192xi32, #tpu.memory_space<hbm>>
      tpu.wait_dma2 semaphore(%run_scoped3A : memref<!tpu.dma_semaphore, #tpu.memory_space<semaphore_mem>>) src(%dma_wait3A_236 : memref<8192xi32, #tpu.memory_space<hbm>>) dst(%arg10 : memref<8192xi32, #tpu.memory_space<vmem>>)
      tpu.yield
    }) : () -> ()
    %scan3A_134 = arith.constant 0 : i32
    %scan3A_135 = arith.constant 0 : i32
    %scan3A_136 = arith.constant 512 : i32
    %scan3A_137 = arith.addi %scan3A_135, %scan3A_136 : i32
    %scan3A_138 = arith.constant 2 : i32
    %scan3A_139 = scf.for %scan3A_230 = %scan3A_135 to %scan3A_137 step %scan3A_138 iter_args(%scan3A_231 = %scan3A_134) -> (i32)  : i32 {
      %mul3A_232 = arith.constant 16 : i32
      %mul3A_233 = arith.muli %scan3A_230, %mul3A_232 : i32
      %get3A = arith.index_cast %mul3A_233 : i32 to index
      %get3A_234 = tpu.vector_load %arg10[%get3A] {strides = array<i32>} : memref<8192xi32, #tpu.memory_space<vmem>>, vector<16xi32>,
      %shift_right_arithmetic3A_235 = arith.constant 8 : i32
      %shift_right_arithmetic3A_236 = vector.broadcast %shift_right_arithmetic3A_235 : i32 to vector<16xi32>
      %shift_right_arithmetic3A_237 = arith.shrsi %get3A_234, %shift_right_arithmetic3A_236 : vector<16xi32>
      %mul3A_238 = arith.constant 43691 : i32
      %mul3A_239 = vector.broadcast %mul3A_238 : i32 to vector<16xi32>
      %mul3A_240 = arith.muli %shift_right_arithmetic3A_237, %mul3A_239 : vector<16xi32>
      %shift_right_arithmetic3A_241 = arith.constant 17 : i32
      %shift_right_arithmetic3A_242 = vector.broadcast %shift_right_arithmetic3A_241 : i32 to vector<16xi32>
      %shift_right_arithmetic3A_243 = arith.shrsi %mul3A_240, %shift_right_arithmetic3A_242 : vector<16xi32>
      %and3A_244 = arith.constant 31 : i32
      %and3A_245 = vector.broadcast %and3A_244 : i32 to vector<16xi32>
      %and3A_246 = arith.andi %shift_right_arithmetic3A_243, %and3A_245 : vector<16xi32>
      %eq3A_247 = vector.broadcast %add3A : i32 to vector<16xi32>
      %eq3A_248 = arith.cmpi eq, %and3A_246, %eq3A_247 : vector<16xi32>
      %lt3A = arith.constant 999936 : i32
      %lt3A_249 = vector.broadcast %lt3A : i32 to vector<16xi32>
      %lt3A_250 = arith.cmpi slt, %get3A_234, %lt3A_249 : vector<16xi32>
      %and3A_251 = arith.andi %eq3A_248, %lt3A_250 : vector<16xi1>
      %convert_element_type3A_252 = arith.extui %and3A_251 : vector<16xi1> to vector<16xi32>
      %cumsum3A = arith.constant true
      %cumsum3A_253 = vector.broadcast %cumsum3A : i1 to vector<16xi1>
      %cumsum3A_254 = tpu.scan <sum>, %convert_element_type3A_252 masked %cumsum3A_253 : vector<16xi32>, vector<16xi1> -> vector<16xi32>
      %add3A_255 = vector.broadcast %scan3A_231 : i32 to vector<16xi32>
      %add3A_256 = arith.addi %add3A_255, %cumsum3A_254 : vector<16xi32>
      %sub3A_257 = arith.constant 1 : i32
      %sub3A_258 = vector.broadcast %sub3A_257 : i32 to vector<16xi32>
      %sub3A_259 = arith.subi %add3A_256, %sub3A_258 : vector<16xi32>
      %shift_right_arithmetic3A_260 = arith.constant 5 : i32
      %shift_right_arithmetic3A_261 = vector.broadcast %shift_right_arithmetic3A_260 : i32 to vector<16xi32>
      %shift_right_arithmetic3A_262 = arith.shrsi %shift_right_arithmetic3A_243, %shift_right_arithmetic3A_261 : vector<16xi32>
      %shift_left3A = arith.constant 24 : i32
      %shift_left3A_263 = vector.broadcast %shift_left3A : i32 to vector<16xi32>
      %shift_left3A_264 = arith.shli %shift_right_arithmetic3A_262, %shift_left3A_263 : vector<16xi32>
      %mul3A_265 = arith.constant 768 : i32
      %mul3A_266 = vector.broadcast %mul3A_265 : i32 to vector<16xi32>
      %mul3A_267 = arith.muli %shift_right_arithmetic3A_243, %mul3A_266 : vector<16xi32>
      %sub3A_268 = arith.subi %get3A_234, %mul3A_267 : vector<16xi32>
      %shift_left3A_269 = arith.constant 14 : i32
      %shift_left3A_270 = vector.broadcast %shift_left3A_269 : i32 to vector<16xi32>
      %shift_left3A_271 = arith.shli %sub3A_268, %shift_left3A_270 : vector<16xi32>
      %or3A = arith.ori %shift_left3A_264, %shift_left3A_271 : vector<16xi32>
      %mul3A_272 = arith.constant 16 : i32
      %mul3A_273 = arith.muli %scan3A_230, %mul3A_272 : i32
      %add3A_274 = arith.constant 0 : i32
      %add3A_275 = arith.addi %add3A_274, %mul3A_273 : i32
      %add3A_276 = vector.broadcast %add3A_275 : i32 to vector<16xi32>
      %add3A_277 = arith.addi %add3A_276, %iota3A : vector<16xi32>
      %or3A_278 = arith.ori %or3A, %add3A_277 : vector<16xi32>
      tpu.vector_store_idx %arg11[%sub3A_259], %or3A_278 masked %and3A_251 : memref<16400xi32, #tpu.memory_space<vmem>>[vector<16xi32>], vector<16xi32>, vector<16xi1>
      %all_reduce_population_count3A = tpu.all_reduce %and3A_251 {dim = 0 : i64, kind = #tpu.reduction_kind<sum>} : vector<16xi1> -> vector<16xi32>
      %slice3A = vector.extract_strided_slice %all_reduce_population_count3A {offsets = [0], sizes = [1], strides = [1]} : vector<16xi32> to vector<1xi32>
      %squeeze3A = vector.extract %slice3A[0] : i32 from vector<1xi32>
      %add3A_279 = arith.addi %scan3A_231, %squeeze3A : i32
      %scan3A_280 = arith.constant 1 : i32
      %scan3A_281 = arith.addi %scan3A_230, %scan3A_280 : i32
      %mul3A_282 = arith.constant 16 : i32
      %mul3A_283 = arith.muli %scan3A_281, %mul3A_282 : i32
      %get3A_284 = arith.index_cast %mul3A_283 : i32 to index
      %get3A_285 = tpu.vector_load %arg10[%get3A_284] {strides = array<i32>} : memref<8192xi32, #tpu.memory_space<vmem>>, vector<16xi32>,
      %shift_right_arithmetic3A_286 = arith.constant 8 : i32
      %shift_right_arithmetic3A_287 = vector.broadcast %shift_right_arithmetic3A_286 : i32 to vector<16xi32>
      %shift_right_arithmetic3A_288 = arith.shrsi %get3A_285, %shift_right_arithmetic3A_287 : vector<16xi32>
      %mul3A_289 = arith.constant 43691 : i32
      %mul3A_290 = vector.broadcast %mul3A_289 : i32 to vector<16xi32>
      %mul3A_291 = arith.muli %shift_right_arithmetic3A_288, %mul3A_290 : vector<16xi32>
      %shift_right_arithmetic3A_292 = arith.constant 17 : i32
      %shift_right_arithmetic3A_293 = vector.broadcast %shift_right_arithmetic3A_292 : i32 to vector<16xi32>
      %shift_right_arithmetic3A_294 = arith.shrsi %mul3A_291, %shift_right_arithmetic3A_293 : vector<16xi32>
      %and3A_295 = arith.constant 31 : i32
      %and3A_296 = vector.broadcast %and3A_295 : i32 to vector<16xi32>
      %and3A_297 = arith.andi %shift_right_arithmetic3A_294, %and3A_296 : vector<16xi32>
      %eq3A_298 = vector.broadcast %add3A : i32 to vector<16xi32>
      %eq3A_299 = arith.cmpi eq, %and3A_297, %eq3A_298 : vector<16xi32>
      %lt3A_300 = arith.constant 999936 : i32
      %lt3A_301 = vector.broadcast %lt3A_300 : i32 to vector<16xi32>
      %lt3A_302 = arith.cmpi slt, %get3A_285, %lt3A_301 : vector<16xi32>
      %and3A_303 = arith.andi %eq3A_299, %lt3A_302 : vector<16xi1>
      %convert_element_type3A_304 = arith.extui %and3A_303 : vector<16xi1> to vector<16xi32>
      %cumsum3A_305 = arith.constant true
      %cumsum3A_306 = vector.broadcast %cumsum3A_305 : i1 to vector<16xi1>
      %cumsum3A_307 = tpu.scan <sum>, %convert_element_type3A_304 masked %cumsum3A_306 : vector<16xi32>, vector<16xi1> -> vector<16xi32>
      %add3A_308 = vector.broadcast %add3A_279 : i32 to vector<16xi32>
      %add3A_309 = arith.addi %add3A_308, %cumsum3A_307 : vector<16xi32>
      %sub3A_310 = arith.constant 1 : i32
      %sub3A_311 = vector.broadcast %sub3A_310 : i32 to vector<16xi32>
      %sub3A_312 = arith.subi %add3A_309, %sub3A_311 : vector<16xi32>
      %shift_right_arithmetic3A_313 = arith.constant 5 : i32
      %shift_right_arithmetic3A_314 = vector.broadcast %shift_right_arithmetic3A_313 : i32 to vector<16xi32>
      %shift_right_arithmetic3A_315 = arith.shrsi %shift_right_arithmetic3A_294, %shift_right_arithmetic3A_314 : vector<16xi32>
      %shift_left3A_316 = arith.constant 24 : i32
      %shift_left3A_317 = vector.broadcast %shift_left3A_316 : i32 to vector<16xi32>
      %shift_left3A_318 = arith.shli %shift_right_arithmetic3A_315, %shift_left3A_317 : vector<16xi32>
      %mul3A_319 = arith.constant 768 : i32
      %mul3A_320 = vector.broadcast %mul3A_319 : i32 to vector<16xi32>
      %mul3A_321 = arith.muli %shift_right_arithmetic3A_294, %mul3A_320 : vector<16xi32>
      %sub3A_322 = arith.subi %get3A_285, %mul3A_321 : vector<16xi32>
      %shift_left3A_323 = arith.constant 14 : i32
      %shift_left3A_324 = vector.broadcast %shift_left3A_323 : i32 to vector<16xi32>
      %shift_left3A_325 = arith.shli %sub3A_322, %shift_left3A_324 : vector<16xi32>
      %or3A_326 = arith.ori %shift_left3A_318, %shift_left3A_325 : vector<16xi32>
      %mul3A_327 = arith.constant 16 : i32
      %mul3A_328 = arith.muli %scan3A_281, %mul3A_327 : i32
      %add3A_329 = arith.constant 0 : i32
      %add3A_330 = arith.addi %add3A_329, %mul3A_328 : i32
      %add3A_331 = vector.broadcast %add3A_330 : i32 to vector<16xi32>
      %add3A_332 = arith.addi %add3A_331, %iota3A : vector<16xi32>
      %or3A_333 = arith.ori %or3A_326, %add3A_332 : vector<16xi32>
      tpu.vector_store_idx %arg11[%sub3A_312], %or3A_333 masked %and3A_303 : memref<16400xi32, #tpu.memory_space<vmem>>[vector<16xi32>], vector<16xi32>, vector<16xi1>
      %all_reduce_population_count3A_334 = tpu.all_reduce %and3A_303 {dim = 0 : i64, kind = #tpu.reduction_kind<sum>} : vector<16xi1> -> vector<16xi32>
      %slice3A_335 = vector.extract_strided_slice %all_reduce_population_count3A_334 {offsets = [0], sizes = [1], strides = [1]} : vector<16xi32> to vector<1xi32>
      %squeeze3A_336 = vector.extract %slice3A_335[0] : i32 from vector<1xi32>
      %add3A_337 = arith.addi %add3A_279, %squeeze3A_336 : i32
      scf.yield %add3A_337 : i32
    }
    %scan3A_140 = arith.constant 512 : i32
    %jit3A_141 = arith.constant 16 : i32
    %div3A_142 = arith.divsi %add3A, %jit3A_141 : i32
    %sign3A_143 = arith.constant 0 : i32
    %sign3A_144 = arith.cmpi sgt, %add3A, %sign3A_143 : i32
    %sign3A_145 = arith.extui %sign3A_144 : i1 to i32
    %sign3A_146 = arith.constant 0 : i32
    %sign3A_147 = arith.cmpi slt, %add3A, %sign3A_146 : i32
    %sign3A_148 = arith.extui %sign3A_147 : i1 to i32
    %sign3A_149 = arith.subi %sign3A_145, %sign3A_148 : i32
    %sign3A_150 = arith.constant 0 : i32
    %sign3A_151 = arith.cmpi sgt, %jit3A_141, %sign3A_150 : i32
    %sign3A_152 = arith.extui %sign3A_151 : i1 to i32
    %sign3A_153 = arith.constant 0 : i32
    %sign3A_154 = arith.cmpi slt, %jit3A_141, %sign3A_153 : i32
    %sign3A_155 = arith.extui %sign3A_154 : i1 to i32
    %sign3A_156 = arith.subi %sign3A_152, %sign3A_155 : i32
    %ne3A_157 = arith.cmpi ne, %sign3A_149, %sign3A_156 : i32
    %rem3A_158 = arith.remsi %add3A, %jit3A_141 : i32
    %ne3A_159 = arith.constant 0 : i32
    %ne3A_160 = arith.cmpi ne, %rem3A_158, %ne3A_159 : i32
    %and3A_161 = arith.andi %ne3A_157, %ne3A_160 : i1
    %sub3A_162 = arith.constant 1 : i32
    %sub3A_163 = arith.subi %div3A_142, %sub3A_162 : i32
    %select_n3A_164 = arith.select %and3A_161, %sub3A_163, %div3A_142 : i32
    %eq3A_165 = arith.constant 0 : i32
    %eq3A_166 = arith.cmpi eq, %select_n3A_164, %eq3A_165 : i32
    %convert_element_type3A_167 = arith.extui %eq3A_166 : i1 to i32
    %cond3A_168 = arith.constant 0 : i32
    %cond3A_169 = arith.cmpi ne, %convert_element_type3A_167, %cond3A_168 : i32
    scf.if %cond3A_169 {
      %scan3A_230 = arith.constant 0 : i32
      %scan3A_231 = arith.constant 0 : i32
      %scan3A_232 = arith.constant 32 : i32
      %scan3A_233 = arith.addi %scan3A_231, %scan3A_232 : i32
      %scan3A_234 = arith.constant 1 : i32
      %scan3A_235 = scf.for %scan3A_237 = %scan3A_231 to %scan3A_233 step %scan3A_234 iter_args(%scan3A_238 = %scan3A_230) -> (i32)  : i32 {
        %jit3A_239 = arith.constant 16 : i32
        %eq3A_240 = arith.constant 0 : i32
        %eq3A_241 = arith.cmpi eq, %jit3A_239, %eq3A_240 : i32
        %jit3A_242 = arith.constant 1 : i32
        %select_n3A_243 = arith.select %eq3A_241, %jit3A_242, %jit3A_239 : i32
        %rem3A_244 = arith.remsi %add3A, %select_n3A_243 : i32
        %ne3A_245 = arith.constant 0 : i32
        %ne3A_246 = arith.cmpi ne, %rem3A_244, %ne3A_245 : i32
        %lt3A = arith.constant 0 : i32
        %lt3A_247 = arith.cmpi slt, %rem3A_244, %lt3A : i32
        %lt3A_248 = arith.constant 0 : i32
        %lt3A_249 = arith.cmpi slt, %select_n3A_243, %lt3A_248 : i32
        %ne3A_250 = arith.xori %lt3A_247, %lt3A_249 : i1
        %and3A_251 = arith.andi %ne3A_250, %ne3A_246 : i1
        %add3A_252 = arith.addi %rem3A_244, %select_n3A_243 : i32
        %select_n3A_253 = arith.select %and3A_251, %add3A_252, %rem3A_244 : i32
        %mul3A_254 = arith.constant 512 : i32
        %mul3A_255 = arith.muli %select_n3A_253, %mul3A_254 : i32
        %mul3A_256 = arith.constant 16 : i32
        %mul3A_257 = arith.muli %scan3A_237, %mul3A_256 : i32
        %add3A_258 = arith.addi %mul3A_255, %mul3A_257 : i32
        %get3A = arith.index_cast %add3A_258 : i32 to index
        %get3A_259 = tpu.vector_load %arg10[%get3A] {strides = array<i32>} : memref<8192xi32, #tpu.memory_space<vmem>>, vector<16xi32>,
        %ge3A = arith.constant 999936 : i32
        %ge3A_260 = vector.broadcast %ge3A : i32 to vector<16xi32>
        %ge3A_261 = arith.cmpi sge, %get3A_259, %ge3A_260 : vector<16xi32>
        %while3A_262 = scf.while (%while3A_264 = %ge3A_261) : (vector<16xi1>) -> vector<16xi1> {
          %all_reduce_population_count3A = tpu.all_reduce %while3A_264 {dim = 0 : i64, kind = #tpu.reduction_kind<sum>} : vector<16xi1> -> vector<16xi32>
          %slice3A = vector.extract_strided_slice %all_reduce_population_count3A {offsets = [0], sizes = [1], strides = [1]} : vector<16xi32> to vector<1xi32>
          %squeeze3A = vector.extract %slice3A[0] : i32 from vector<1xi32>
          %gt3A = arith.constant 0 : i32
          %gt3A_265 = arith.cmpi sgt, %squeeze3A, %gt3A : i32
          scf.condition(%gt3A_265) %while3A_264 : vector<16xi1>
        } do {
        ^bb0(%while3A_264: vector<16xi1>):
          %all_reduce_ffs3A = tpu.all_reduce %while3A_264 {dim = 0 : i64, kind = #tpu.reduction_kind<find_first_set>} : vector<16xi1> -> vector<16xi32>
          %slice3A = vector.extract_strided_slice %all_reduce_ffs3A {offsets = [0], sizes = [1], strides = [1]} : vector<16xi32> to vector<1xi32>
          %squeeze3A = vector.extract %slice3A[0] : i32 from vector<1xi32>
          %add3A_265 = arith.addi %add3A_258, %squeeze3A : i32
          %get3A_266 = arith.index_cast %add3A_265 : i32 to index
          %get3A_267 = tpu.vector_load %arg10[%get3A_266] {strides = array<i32>} : memref<8192xi32, #tpu.memory_space<vmem>>, vector<16xi32>,
          %slice3A_268 = vector.extract_strided_slice %get3A_267 {offsets = [0], sizes = [1], strides = [1]} : vector<16xi32> to vector<1xi32>
          %squeeze3A_269 = vector.extract %slice3A_268[0] : i32 from vector<1xi32>
          %sub3A_270 = arith.constant 999936 : i32
          %sub3A_271 = arith.subi %squeeze3A_269, %sub3A_270 : i32
          %mul3A_272 = arith.constant 64 : i32
          %mul3A_273 = arith.muli %sub3A_271, %mul3A_272 : i32
          "tpu.region"() ({
            %run_scoped3A = tpu.sem_alloc : memref<!tpu.dma_semaphore, #tpu.memory_space<semaphore_mem>>
            %dma_start3A_282 = arith.constant 0 : i32
            %dma_start3A_283 = tpu.memref_slice %arg14[%dma_start3A_282] : memref<2048xf32, #tpu.memory_space<vmem>> -> memref<64xf32, #tpu.memory_space<vmem>>
            %dma_start3A_284 = tpu.memref_slice %arg7[%mul3A_273] : memref<4096xf32, #tpu.memory_space<hbm>> -> memref<64xf32, #tpu.memory_space<hbm>>
            %dma_start3A_285 = arith.constant 0 : i32
            %dma_start3A_286 = tpu.memref_slice %arg14[%dma_start3A_285] : memref<2048xf32, #tpu.memory_space<vmem>> -> memref<64xf32, #tpu.memory_space<vmem>>
            %dma_start3A_287 = tpu.memref_slice %arg7[%mul3A_273] : memref<4096xf32, #tpu.memory_space<hbm>> -> memref<64xf32, #tpu.memory_space<hbm>>
            tpu.enqueue_dma source(%dma_start3A_287 : memref<64xf32, #tpu.memory_space<hbm>>) target(%dma_start3A_286 : memref<64xf32, #tpu.memory_space<vmem>>) target_semaphore(%run_scoped3A : memref<!tpu.dma_semaphore, #tpu.memory_space<semaphore_mem>>)
            %dma_wait3A = arith.constant 0 : i32
            %dma_wait3A_288 = tpu.memref_slice %arg14[%dma_wait3A] : memref<2048xf32, #tpu.memory_space<vmem>> -> memref<64xf32, #tpu.memory_space<vmem>>
            %dma_wait3A_289 = tpu.memref_slice %arg7[%mul3A_273] : memref<4096xf32, #tpu.memory_space<hbm>> -> memref<64xf32, #tpu.memory_space<hbm>>
            %dma_wait3A_290 = arith.constant 0 : i32
            %dma_wait3A_291 = tpu.memref_slice %arg14[%dma_wait3A_290] : memref<2048xf32, #tpu.memory_space<vmem>> -> memref<64xf32, #tpu.memory_space<vmem>>
            %dma_wait3A_292 = tpu.memref_slice %arg7[%mul3A_273] : memref<4096xf32, #tpu.memory_space<hbm>> -> memref<64xf32, #tpu.memory_space<hbm>>
            tpu.wait_dma2 semaphore(%run_scoped3A : memref<!tpu.dma_semaphore, #tpu.memory_space<semaphore_mem>>) src(%dma_wait3A_292 : memref<64xf32, #tpu.memory_space<hbm>>) dst(%dma_wait3A_291 : memref<64xf32, #tpu.memory_space<vmem>>)
            tpu.yield
          }) : () -> ()
          %add3A_274 = arith.constant 0 : i32
          %add3A_275 = arith.addi %add3A_274, %add3A_258 : i32
          %add3A_276 = arith.addi %add3A_275, %squeeze3A : i32
          %mul3A_277 = arith.constant 64 : i32
          %mul3A_278 = arith.muli %add3A_276, %mul3A_277 : i32
          "tpu.region"() ({
            %run_scoped3A = tpu.sem_alloc : memref<!tpu.dma_semaphore, #tpu.memory_space<semaphore_mem>>
            %dma_start3A_282 = arith.constant 0 : i32
            %dma_start3A_283 = tpu.memref_slice %arg14[%dma_start3A_282] : memref<2048xf32, #tpu.memory_space<vmem>> -> memref<64xf32, #tpu.memory_space<vmem>>
            %dma_start3A_284 = tpu.memref_slice %arg9[%mul3A_278] : memref<1048576xf32, #tpu.memory_space<hbm>> -> memref<64xf32, #tpu.memory_space<hbm>>
            %dma_start3A_285 = tpu.memref_slice %arg9[%mul3A_278] : memref<1048576xf32, #tpu.memory_space<hbm>> -> memref<64xf32, #tpu.memory_space<hbm>>
            %dma_start3A_286 = arith.constant 0 : i32
            %dma_start3A_287 = tpu.memref_slice %arg14[%dma_start3A_286] : memref<2048xf32, #tpu.memory_space<vmem>> -> memref<64xf32, #tpu.memory_space<vmem>>
            tpu.enqueue_dma source(%dma_start3A_287 : memref<64xf32, #tpu.memory_space<vmem>>) target(%dma_start3A_285 : memref<64xf32, #tpu.memory_space<hbm>>) target_semaphore(%run_scoped3A : memref<!tpu.dma_semaphore, #tpu.memory_space<semaphore_mem>>)
            %dma_wait3A = arith.constant 0 : i32
            %dma_wait3A_288 = tpu.memref_slice %arg14[%dma_wait3A] : memref<2048xf32, #tpu.memory_space<vmem>> -> memref<64xf32, #tpu.memory_space<vmem>>
            %dma_wait3A_289 = tpu.memref_slice %arg9[%mul3A_278] : memref<1048576xf32, #tpu.memory_space<hbm>> -> memref<64xf32, #tpu.memory_space<hbm>>
            %dma_wait3A_290 = tpu.memref_slice %arg9[%mul3A_278] : memref<1048576xf32, #tpu.memory_space<hbm>> -> memref<64xf32, #tpu.memory_space<hbm>>
            %dma_wait3A_291 = arith.constant 0 : i32
            %dma_wait3A_292 = tpu.memref_slice %arg14[%dma_wait3A_291] : memref<2048xf32, #tpu.memory_space<vmem>> -> memref<64xf32, #tpu.memory_space<vmem>>
            tpu.wait_dma2 semaphore(%run_scoped3A : memref<!tpu.dma_semaphore, #tpu.memory_space<semaphore_mem>>) src(%dma_wait3A_292 : memref<64xf32, #tpu.memory_space<vmem>>) dst(%dma_wait3A_290 : memref<64xf32, #tpu.memory_space<hbm>>)
            tpu.yield
          }) : () -> ()
          %ne3A_279 = vector.broadcast %squeeze3A : i32 to vector<16xi32>
          %ne3A_280 = arith.cmpi ne, %iota3A, %ne3A_279 : vector<16xi32>
          %and3A_281 = arith.andi %while3A_264, %ne3A_280 : vector<16xi1>
          scf.yield %and3A_281 : vector<16xi1>
        }
        %scan3A_263 = arith.constant 0 : i32
        scf.yield %scan3A_263 : i32
      }
      %scan3A_236 = arith.constant 32 : i32
    } else {
    }
    "tpu.region"() ({
      %run_scoped3A = tpu.sem_alloc : memref<!tpu.dma_semaphore, #tpu.memory_space<semaphore_mem>>
      %dma_start3A_230 = arith.constant 8192 : i32
      %dma_start3A_231 = tpu.memref_slice %arg3[%dma_start3A_230] : memref<16384xi32, #tpu.memory_space<hbm>> -> memref<8192xi32, #tpu.memory_space<hbm>>
      %dma_start3A_232 = arith.constant 8192 : i32
      %dma_start3A_233 = tpu.memref_slice %arg3[%dma_start3A_232] : memref<16384xi32, #tpu.memory_space<hbm>> -> memref<8192xi32, #tpu.memory_space<hbm>>
      tpu.enqueue_dma source(%dma_start3A_233 : memref<8192xi32, #tpu.memory_space<hbm>>) target(%arg10 : memref<8192xi32, #tpu.memory_space<vmem>>) target_semaphore(%run_scoped3A : memref<!tpu.dma_semaphore, #tpu.memory_space<semaphore_mem>>)
      %dma_wait3A = arith.constant 8192 : i32
      %dma_wait3A_234 = tpu.memref_slice %arg3[%dma_wait3A] : memref<16384xi32, #tpu.memory_space<hbm>> -> memref<8192xi32, #tpu.memory_space<hbm>>
      %dma_wait3A_235 = arith.constant 8192 : i32
      %dma_wait3A_236 = tpu.memref_slice %arg3[%dma_wait3A_235] : memref<16384xi32, #tpu.memory_space<hbm>> -> memref<8192xi32, #tpu.memory_space<hbm>>
      tpu.wait_dma2 semaphore(%run_scoped3A : memref<!tpu.dma_semaphore, #tpu.memory_space<semaphore_mem>>) src(%dma_wait3A_236 : memref<8192xi32, #tpu.memory_space<hbm>>) dst(%arg10 : memref<8192xi32, #tpu.memory_space<vmem>>)
      tpu.yield
    }) : () -> ()
    %scan3A_170 = arith.constant 0 : i32
    %scan3A_171 = arith.constant 512 : i32
    %scan3A_172 = arith.addi %scan3A_170, %scan3A_171 : i32
    %scan3A_173 = arith.constant 2 : i32
    %scan3A_174 = scf.for %scan3A_230 = %scan3A_170 to %scan3A_172 step %scan3A_173 iter_args(%scan3A_231 = %scan3A_139) -> (i32)  : i32 {
      %mul3A_232 = arith.constant 16 : i32
      %mul3A_233 = arith.muli %scan3A_230, %mul3A_232 : i32
      %get3A = arith.index_cast %mul3A_233 : i32 to index
      %get3A_234 = tpu.vector_load %arg10[%get3A] {strides = array<i32>} : memref<8192xi32, #tpu.memory_space<vmem>>, vector<16xi32>,
      %shift_right_arithmetic3A_235 = arith.constant 8 : i32
      %shift_right_arithmetic3A_236 = vector.broadcast %shift_right_arithmetic3A_235 : i32 to vector<16xi32>
      %shift_right_arithmetic3A_237 = arith.shrsi %get3A_234, %shift_right_arithmetic3A_236 : vector<16xi32>
      %mul3A_238 = arith.constant 43691 : i32
      %mul3A_239 = vector.broadcast %mul3A_238 : i32 to vector<16xi32>
      %mul3A_240 = arith.muli %shift_right_arithmetic3A_237, %mul3A_239 : vector<16xi32>
      %shift_right_arithmetic3A_241 = arith.constant 17 : i32
      %shift_right_arithmetic3A_242 = vector.broadcast %shift_right_arithmetic3A_241 : i32 to vector<16xi32>
      %shift_right_arithmetic3A_243 = arith.shrsi %mul3A_240, %shift_right_arithmetic3A_242 : vector<16xi32>
      %and3A_244 = arith.constant 31 : i32
      %and3A_245 = vector.broadcast %and3A_244 : i32 to vector<16xi32>
      %and3A_246 = arith.andi %shift_right_arithmetic3A_243, %and3A_245 : vector<16xi32>
      %eq3A_247 = vector.broadcast %add3A : i32 to vector<16xi32>
      %eq3A_248 = arith.cmpi eq, %and3A_246, %eq3A_247 : vector<16xi32>
      %lt3A = arith.constant 999936 : i32
      %lt3A_249 = vector.broadcast %lt3A : i32 to vector<16xi32>
      %lt3A_250 = arith.cmpi slt, %get3A_234, %lt3A_249 : vector<16xi32>
      %and3A_251 = arith.andi %eq3A_248, %lt3A_250 : vector<16xi1>
      %convert_element_type3A_252 = arith.extui %and3A_251 : vector<16xi1> to vector<16xi32>
      %cumsum3A = arith.constant true
      %cumsum3A_253 = vector.broadcast %cumsum3A : i1 to vector<16xi1>
      %cumsum3A_254 = tpu.scan <sum>, %convert_element_type3A_252 masked %cumsum3A_253 : vector<16xi32>, vector<16xi1> -> vector<16xi32>
      %add3A_255 = vector.broadcast %scan3A_231 : i32 to vector<16xi32>
      %add3A_256 = arith.addi %add3A_255, %cumsum3A_254 : vector<16xi32>
      %sub3A_257 = arith.constant 1 : i32
      %sub3A_258 = vector.broadcast %sub3A_257 : i32 to vector<16xi32>
      %sub3A_259 = arith.subi %add3A_256, %sub3A_258 : vector<16xi32>
      %shift_right_arithmetic3A_260 = arith.constant 5 : i32
      %shift_right_arithmetic3A_261 = vector.broadcast %shift_right_arithmetic3A_260 : i32 to vector<16xi32>
      %shift_right_arithmetic3A_262 = arith.shrsi %shift_right_arithmetic3A_243, %shift_right_arithmetic3A_261 : vector<16xi32>
      %shift_left3A = arith.constant 24 : i32
      %shift_left3A_263 = vector.broadcast %shift_left3A : i32 to vector<16xi32>
      %shift_left3A_264 = arith.shli %shift_right_arithmetic3A_262, %shift_left3A_263 : vector<16xi32>
      %mul3A_265 = arith.constant 768 : i32
      %mul3A_266 = vector.broadcast %mul3A_265 : i32 to vector<16xi32>
      %mul3A_267 = arith.muli %shift_right_arithmetic3A_243, %mul3A_266 : vector<16xi32>
      %sub3A_268 = arith.subi %get3A_234, %mul3A_267 : vector<16xi32>
      %shift_left3A_269 = arith.constant 14 : i32
      %shift_left3A_270 = vector.broadcast %shift_left3A_269 : i32 to vector<16xi32>
      %shift_left3A_271 = arith.shli %sub3A_268, %shift_left3A_270 : vector<16xi32>
      %or3A = arith.ori %shift_left3A_264, %shift_left3A_271 : vector<16xi32>
      %mul3A_272 = arith.constant 16 : i32
      %mul3A_273 = arith.muli %scan3A_230, %mul3A_272 : i32
      %add3A_274 = arith.constant 8192 : i32
      %add3A_275 = arith.addi %add3A_274, %mul3A_273 : i32
      %add3A_276 = vector.broadcast %add3A_275 : i32 to vector<16xi32>
      %add3A_277 = arith.addi %add3A_276, %iota3A : vector<16xi32>
      %or3A_278 = arith.ori %or3A, %add3A_277 : vector<16xi32>
      tpu.vector_store_idx %arg11[%sub3A_259], %or3A_278 masked %and3A_251 : memref<16400xi32, #tpu.memory_space<vmem>>[vector<16xi32>], vector<16xi32>, vector<16xi1>
      %all_reduce_population_count3A = tpu.all_reduce %and3A_251 {dim = 0 : i64, kind = #tpu.reduction_kind<sum>} : vector<16xi1> -> vector<16xi32>
      %slice3A = vector.extract_strided_slice %all_reduce_population_count3A {offsets = [0], sizes = [1], strides = [1]} : vector<16xi32> to vector<1xi32>
      %squeeze3A = vector.extract %slice3A[0] : i32 from vector<1xi32>
      %add3A_279 = arith.addi %scan3A_231, %squeeze3A : i32
      %scan3A_280 = arith.constant 1 : i32
      %scan3A_281 = arith.addi %scan3A_230, %scan3A_280 : i32
      %mul3A_282 = arith.constant 16 : i32
      %mul3A_283 = arith.muli %scan3A_281, %mul3A_282 : i32
      %get3A_284 = arith.index_cast %mul3A_283 : i32 to index
      %get3A_285 = tpu.vector_load %arg10[%get3A_284] {strides = array<i32>} : memref<8192xi32, #tpu.memory_space<vmem>>, vector<16xi32>,
      %shift_right_arithmetic3A_286 = arith.constant 8 : i32
      %shift_right_arithmetic3A_287 = vector.broadcast %shift_right_arithmetic3A_286 : i32 to vector<16xi32>
      %shift_right_arithmetic3A_288 = arith.shrsi %get3A_285, %shift_right_arithmetic3A_287 : vector<16xi32>
      %mul3A_289 = arith.constant 43691 : i32
      %mul3A_290 = vector.broadcast %mul3A_289 : i32 to vector<16xi32>
      %mul3A_291 = arith.muli %shift_right_arithmetic3A_288, %mul3A_290 : vector<16xi32>
      %shift_right_arithmetic3A_292 = arith.constant 17 : i32
      %shift_right_arithmetic3A_293 = vector.broadcast %shift_right_arithmetic3A_292 : i32 to vector<16xi32>
      %shift_right_arithmetic3A_294 = arith.shrsi %mul3A_291, %shift_right_arithmetic3A_293 : vector<16xi32>
      %and3A_295 = arith.constant 31 : i32
      %and3A_296 = vector.broadcast %and3A_295 : i32 to vector<16xi32>
      %and3A_297 = arith.andi %shift_right_arithmetic3A_294, %and3A_296 : vector<16xi32>
      %eq3A_298 = vector.broadcast %add3A : i32 to vector<16xi32>
      %eq3A_299 = arith.cmpi eq, %and3A_297, %eq3A_298 : vector<16xi32>
      %lt3A_300 = arith.constant 999936 : i32
      %lt3A_301 = vector.broadcast %lt3A_300 : i32 to vector<16xi32>
      %lt3A_302 = arith.cmpi slt, %get3A_285, %lt3A_301 : vector<16xi32>
      %and3A_303 = arith.andi %eq3A_299, %lt3A_302 : vector<16xi1>
      %convert_element_type3A_304 = arith.extui %and3A_303 : vector<16xi1> to vector<16xi32>
      %cumsum3A_305 = arith.constant true
      %cumsum3A_306 = vector.broadcast %cumsum3A_305 : i1 to vector<16xi1>
      %cumsum3A_307 = tpu.scan <sum>, %convert_element_type3A_304 masked %cumsum3A_306 : vector<16xi32>, vector<16xi1> -> vector<16xi32>
      %add3A_308 = vector.broadcast %add3A_279 : i32 to vector<16xi32>
      %add3A_309 = arith.addi %add3A_308, %cumsum3A_307 : vector<16xi32>
      %sub3A_310 = arith.constant 1 : i32
      %sub3A_311 = vector.broadcast %sub3A_310 : i32 to vector<16xi32>
      %sub3A_312 = arith.subi %add3A_309, %sub3A_311 : vector<16xi32>
      %shift_right_arithmetic3A_313 = arith.constant 5 : i32
      %shift_right_arithmetic3A_314 = vector.broadcast %shift_right_arithmetic3A_313 : i32 to vector<16xi32>
      %shift_right_arithmetic3A_315 = arith.shrsi %shift_right_arithmetic3A_294, %shift_right_arithmetic3A_314 : vector<16xi32>
      %shift_left3A_316 = arith.constant 24 : i32
      %shift_left3A_317 = vector.broadcast %shift_left3A_316 : i32 to vector<16xi32>
      %shift_left3A_318 = arith.shli %shift_right_arithmetic3A_315, %shift_left3A_317 : vector<16xi32>
      %mul3A_319 = arith.constant 768 : i32
      %mul3A_320 = vector.broadcast %mul3A_319 : i32 to vector<16xi32>
      %mul3A_321 = arith.muli %shift_right_arithmetic3A_294, %mul3A_320 : vector<16xi32>
      %sub3A_322 = arith.subi %get3A_285, %mul3A_321 : vector<16xi32>
      %shift_left3A_323 = arith.constant 14 : i32
      %shift_left3A_324 = vector.broadcast %shift_left3A_323 : i32 to vector<16xi32>
      %shift_left3A_325 = arith.shli %sub3A_322, %shift_left3A_324 : vector<16xi32>
      %or3A_326 = arith.ori %shift_left3A_318, %shift_left3A_325 : vector<16xi32>
      %mul3A_327 = arith.constant 16 : i32
      %mul3A_328 = arith.muli %scan3A_281, %mul3A_327 : i32
      %add3A_329 = arith.constant 8192 : i32
      %add3A_330 = arith.addi %add3A_329, %mul3A_328 : i32
      %add3A_331 = vector.broadcast %add3A_330 : i32 to vector<16xi32>
      %add3A_332 = arith.addi %add3A_331, %iota3A : vector<16xi32>
      %or3A_333 = arith.ori %or3A_326, %add3A_332 : vector<16xi32>
      tpu.vector_store_idx %arg11[%sub3A_312], %or3A_333 masked %and3A_303 : memref<16400xi32, #tpu.memory_space<vmem>>[vector<16xi32>], vector<16xi32>, vector<16xi1>
      %all_reduce_population_count3A_334 = tpu.all_reduce %and3A_303 {dim = 0 : i64, kind = #tpu.reduction_kind<sum>} : vector<16xi1> -> vector<16xi32>
      %slice3A_335 = vector.extract_strided_slice %all_reduce_population_count3A_334 {offsets = [0], sizes = [1], strides = [1]} : vector<16xi32> to vector<1xi32>
      %squeeze3A_336 = vector.extract %slice3A_335[0] : i32 from vector<1xi32>
      %add3A_337 = arith.addi %add3A_279, %squeeze3A_336 : i32
      scf.yield %add3A_337 : i32
    }
    %scan3A_175 = arith.constant 512 : i32
    %jit3A_176 = arith.constant 16 : i32
    %div3A_177 = arith.divsi %add3A, %jit3A_176 : i32
    %sign3A_178 = arith.constant 0 : i32
    %sign3A_179 = arith.cmpi sgt, %add3A, %sign3A_178 : i32
    %sign3A_180 = arith.extui %sign3A_179 : i1 to i32
    %sign3A_181 = arith.constant 0 : i32
    %sign3A_182 = arith.cmpi slt, %add3A, %sign3A_181 : i32
    %sign3A_183 = arith.extui %sign3A_182 : i1 to i32
    %sign3A_184 = arith.subi %sign3A_180, %sign3A_183 : i32
    %sign3A_185 = arith.constant 0 : i32
    %sign3A_186 = arith.cmpi sgt, %jit3A_176, %sign3A_185 : i32
    %sign3A_187 = arith.extui %sign3A_186 : i1 to i32
    %sign3A_188 = arith.constant 0 : i32
    %sign3A_189 = arith.cmpi slt, %jit3A_176, %sign3A_188 : i32
    %sign3A_190 = arith.extui %sign3A_189 : i1 to i32
    %sign3A_191 = arith.subi %sign3A_187, %sign3A_190 : i32
    %ne3A_192 = arith.cmpi ne, %sign3A_184, %sign3A_191 : i32
    %rem3A_193 = arith.remsi %add3A, %jit3A_176 : i32
    %ne3A_194 = arith.constant 0 : i32
    %ne3A_195 = arith.cmpi ne, %rem3A_193, %ne3A_194 : i32
    %and3A_196 = arith.andi %ne3A_192, %ne3A_195 : i1
    %sub3A_197 = arith.constant 1 : i32
    %sub3A_198 = arith.subi %div3A_177, %sub3A_197 : i32
    %select_n3A_199 = arith.select %and3A_196, %sub3A_198, %div3A_177 : i32
    %eq3A_200 = arith.constant 1 : i32
    %eq3A_201 = arith.cmpi eq, %select_n3A_199, %eq3A_200 : i32
    %convert_element_type3A_202 = arith.extui %eq3A_201 : i1 to i32
    %cond3A_203 = arith.constant 0 : i32
    %cond3A_204 = arith.cmpi ne, %convert_element_type3A_202, %cond3A_203 : i32
    scf.if %cond3A_204 {
      %scan3A_230 = arith.constant 0 : i32
      %scan3A_231 = arith.constant 0 : i32
      %scan3A_232 = arith.constant 32 : i32
      %scan3A_233 = arith.addi %scan3A_231, %scan3A_232 : i32
      %scan3A_234 = arith.constant 1 : i32
      %scan3A_235 = scf.for %scan3A_237 = %scan3A_231 to %scan3A_233 step %scan3A_234 iter_args(%scan3A_238 = %scan3A_230) -> (i32)  : i32 {
        %jit3A_239 = arith.constant 16 : i32
        %eq3A_240 = arith.constant 0 : i32
        %eq3A_241 = arith.cmpi eq, %jit3A_239, %eq3A_240 : i32
        %jit3A_242 = arith.constant 1 : i32
        %select_n3A_243 = arith.select %eq3A_241, %jit3A_242, %jit3A_239 : i32
        %rem3A_244 = arith.remsi %add3A, %select_n3A_243 : i32
        %ne3A_245 = arith.constant 0 : i32
        %ne3A_246 = arith.cmpi ne, %rem3A_244, %ne3A_245 : i32
        %lt3A = arith.constant 0 : i32
        %lt3A_247 = arith.cmpi slt, %rem3A_244, %lt3A : i32
        %lt3A_248 = arith.constant 0 : i32
        %lt3A_249 = arith.cmpi slt, %select_n3A_243, %lt3A_248 : i32
        %ne3A_250 = arith.xori %lt3A_247, %lt3A_249 : i1
        %and3A_251 = arith.andi %ne3A_250, %ne3A_246 : i1
        %add3A_252 = arith.addi %rem3A_244, %select_n3A_243 : i32
        %select_n3A_253 = arith.select %and3A_251, %add3A_252, %rem3A_244 : i32
        %mul3A_254 = arith.constant 512 : i32
        %mul3A_255 = arith.muli %select_n3A_253, %mul3A_254 : i32
        %mul3A_256 = arith.constant 16 : i32
        %mul3A_257 = arith.muli %scan3A_237, %mul3A_256 : i32
        %add3A_258 = arith.addi %mul3A_255, %mul3A_257 : i32
        %get3A = arith.index_cast %add3A_258 : i32 to index
        %get3A_259 = tpu.vector_load %arg10[%get3A] {strides = array<i32>} : memref<8192xi32, #tpu.memory_space<vmem>>, vector<16xi32>,
        %ge3A = arith.constant 999936 : i32
        %ge3A_260 = vector.broadcast %ge3A : i32 to vector<16xi32>
        %ge3A_261 = arith.cmpi sge, %get3A_259, %ge3A_260 : vector<16xi32>
        %while3A_262 = scf.while (%while3A_264 = %ge3A_261) : (vector<16xi1>) -> vector<16xi1> {
          %all_reduce_population_count3A = tpu.all_reduce %while3A_264 {dim = 0 : i64, kind = #tpu.reduction_kind<sum>} : vector<16xi1> -> vector<16xi32>
          %slice3A = vector.extract_strided_slice %all_reduce_population_count3A {offsets = [0], sizes = [1], strides = [1]} : vector<16xi32> to vector<1xi32>
          %squeeze3A = vector.extract %slice3A[0] : i32 from vector<1xi32>
          %gt3A = arith.constant 0 : i32
          %gt3A_265 = arith.cmpi sgt, %squeeze3A, %gt3A : i32
          scf.condition(%gt3A_265) %while3A_264 : vector<16xi1>
        } do {
        ^bb0(%while3A_264: vector<16xi1>):
          %all_reduce_ffs3A = tpu.all_reduce %while3A_264 {dim = 0 : i64, kind = #tpu.reduction_kind<find_first_set>} : vector<16xi1> -> vector<16xi32>
          %slice3A = vector.extract_strided_slice %all_reduce_ffs3A {offsets = [0], sizes = [1], strides = [1]} : vector<16xi32> to vector<1xi32>
          %squeeze3A = vector.extract %slice3A[0] : i32 from vector<1xi32>
          %add3A_265 = arith.addi %add3A_258, %squeeze3A : i32
          %get3A_266 = arith.index_cast %add3A_265 : i32 to index
          %get3A_267 = tpu.vector_load %arg10[%get3A_266] {strides = array<i32>} : memref<8192xi32, #tpu.memory_space<vmem>>, vector<16xi32>,
          %slice3A_268 = vector.extract_strided_slice %get3A_267 {offsets = [0], sizes = [1], strides = [1]} : vector<16xi32> to vector<1xi32>
          %squeeze3A_269 = vector.extract %slice3A_268[0] : i32 from vector<1xi32>
          %sub3A_270 = arith.constant 999936 : i32
          %sub3A_271 = arith.subi %squeeze3A_269, %sub3A_270 : i32
          %mul3A_272 = arith.constant 64 : i32
          %mul3A_273 = arith.muli %sub3A_271, %mul3A_272 : i32
          "tpu.region"() ({
            %run_scoped3A = tpu.sem_alloc : memref<!tpu.dma_semaphore, #tpu.memory_space<semaphore_mem>>
            %dma_start3A_282 = arith.constant 0 : i32
            %dma_start3A_283 = tpu.memref_slice %arg14[%dma_start3A_282] : memref<2048xf32, #tpu.memory_space<vmem>> -> memref<64xf32, #tpu.memory_space<vmem>>
            %dma_start3A_284 = tpu.memref_slice %arg7[%mul3A_273] : memref<4096xf32, #tpu.memory_space<hbm>> -> memref<64xf32, #tpu.memory_space<hbm>>
            %dma_start3A_285 = arith.constant 0 : i32
            %dma_start3A_286 = tpu.memref_slice %arg14[%dma_start3A_285] : memref<2048xf32, #tpu.memory_space<vmem>> -> memref<64xf32, #tpu.memory_space<vmem>>
            %dma_start3A_287 = tpu.memref_slice %arg7[%mul3A_273] : memref<4096xf32, #tpu.memory_space<hbm>> -> memref<64xf32, #tpu.memory_space<hbm>>
            tpu.enqueue_dma source(%dma_start3A_287 : memref<64xf32, #tpu.memory_space<hbm>>) target(%dma_start3A_286 : memref<64xf32, #tpu.memory_space<vmem>>) target_semaphore(%run_scoped3A : memref<!tpu.dma_semaphore, #tpu.memory_space<semaphore_mem>>)
            %dma_wait3A = arith.constant 0 : i32
            %dma_wait3A_288 = tpu.memref_slice %arg14[%dma_wait3A] : memref<2048xf32, #tpu.memory_space<vmem>> -> memref<64xf32, #tpu.memory_space<vmem>>
            %dma_wait3A_289 = tpu.memref_slice %arg7[%mul3A_273] : memref<4096xf32, #tpu.memory_space<hbm>> -> memref<64xf32, #tpu.memory_space<hbm>>
            %dma_wait3A_290 = arith.constant 0 : i32
            %dma_wait3A_291 = tpu.memref_slice %arg14[%dma_wait3A_290] : memref<2048xf32, #tpu.memory_space<vmem>> -> memref<64xf32, #tpu.memory_space<vmem>>
            %dma_wait3A_292 = tpu.memref_slice %arg7[%mul3A_273] : memref<4096xf32, #tpu.memory_space<hbm>> -> memref<64xf32, #tpu.memory_space<hbm>>
            tpu.wait_dma2 semaphore(%run_scoped3A : memref<!tpu.dma_semaphore, #tpu.memory_space<semaphore_mem>>) src(%dma_wait3A_292 : memref<64xf32, #tpu.memory_space<hbm>>) dst(%dma_wait3A_291 : memref<64xf32, #tpu.memory_space<vmem>>)
            tpu.yield
          }) : () -> ()
          %add3A_274 = arith.constant 8192 : i32
          %add3A_275 = arith.addi %add3A_274, %add3A_258 : i32
          %add3A_276 = arith.addi %add3A_275, %squeeze3A : i32
          %mul3A_277 = arith.constant 64 : i32
          %mul3A_278 = arith.muli %add3A_276, %mul3A_277 : i32
          "tpu.region"() ({
            %run_scoped3A = tpu.sem_alloc : memref<!tpu.dma_semaphore, #tpu.memory_space<semaphore_mem>>
            %dma_start3A_282 = arith.constant 0 : i32
            %dma_start3A_283 = tpu.memref_slice %arg14[%dma_start3A_282] : memref<2048xf32, #tpu.memory_space<vmem>> -> memref<64xf32, #tpu.memory_space<vmem>>
            %dma_start3A_284 = tpu.memref_slice %arg9[%mul3A_278] : memref<1048576xf32, #tpu.memory_space<hbm>> -> memref<64xf32, #tpu.memory_space<hbm>>
            %dma_start3A_285 = tpu.memref_slice %arg9[%mul3A_278] : memref<1048576xf32, #tpu.memory_space<hbm>> -> memref<64xf32, #tpu.memory_space<hbm>>
            %dma_start3A_286 = arith.constant 0 : i32
            %dma_start3A_287 = tpu.memref_slice %arg14[%dma_start3A_286] : memref<2048xf32, #tpu.memory_space<vmem>> -> memref<64xf32, #tpu.memory_space<vmem>>
            tpu.enqueue_dma source(%dma_start3A_287 : memref<64xf32, #tpu.memory_space<vmem>>) target(%dma_start3A_285 : memref<64xf32, #tpu.memory_space<hbm>>) target_semaphore(%run_scoped3A : memref<!tpu.dma_semaphore, #tpu.memory_space<semaphore_mem>>)
            %dma_wait3A = arith.constant 0 : i32
            %dma_wait3A_288 = tpu.memref_slice %arg14[%dma_wait3A] : memref<2048xf32, #tpu.memory_space<vmem>> -> memref<64xf32, #tpu.memory_space<vmem>>
            %dma_wait3A_289 = tpu.memref_slice %arg9[%mul3A_278] : memref<1048576xf32, #tpu.memory_space<hbm>> -> memref<64xf32, #tpu.memory_space<hbm>>
            %dma_wait3A_290 = tpu.memref_slice %arg9[%mul3A_278] : memref<1048576xf32, #tpu.memory_space<hbm>> -> memref<64xf32, #tpu.memory_space<hbm>>
            %dma_wait3A_291 = arith.constant 0 : i32
            %dma_wait3A_292 = tpu.memref_slice %arg14[%dma_wait3A_291] : memref<2048xf32, #tpu.memory_space<vmem>> -> memref<64xf32, #tpu.memory_space<vmem>>
            tpu.wait_dma2 semaphore(%run_scoped3A : memref<!tpu.dma_semaphore, #tpu.memory_space<semaphore_mem>>) src(%dma_wait3A_292 : memref<64xf32, #tpu.memory_space<vmem>>) dst(%dma_wait3A_290 : memref<64xf32, #tpu.memory_space<hbm>>)
            tpu.yield
          }) : () -> ()
          %ne3A_279 = vector.broadcast %squeeze3A : i32 to vector<16xi32>
          %ne3A_280 = arith.cmpi ne, %iota3A, %ne3A_279 : vector<16xi32>
          %and3A_281 = arith.andi %while3A_264, %ne3A_280 : vector<16xi1>
          scf.yield %and3A_281 : vector<16xi1>
        }
        %scan3A_263 = arith.constant 0 : i32
        scf.yield %scan3A_263 : i32
      }
      %scan3A_236 = arith.constant 32 : i32
    } else {
    }
    %add3A_205 = arith.constant 15 : i32
    %add3A_206 = arith.addi %scan3A_174, %add3A_205 : i32
    %shift_right_arithmetic3A_207 = arith.constant 4 : i32
    %shift_right_arithmetic3A_208 = arith.shrsi %add3A_206, %shift_right_arithmetic3A_207 : i32
    %scan3A_209 = arith.constant 0 : i32
    %scan3A_210 = arith.constant 0 : i32
    %scan3A_211 = arith.constant 21 : i32
    %scan3A_212 = arith.addi %scan3A_210, %scan3A_211 : i32
    %scan3A_213 = arith.constant 1 : i32
    %scan3A_214 = scf.for %scan3A_230 = %scan3A_210 to %scan3A_212 step %scan3A_213 iter_args(%scan3A_231 = %scan3A_209) -> (i32)  : i32 {
      %mul3A_232 = arith.constant 2 : i32
      %mul3A_233 = arith.muli %scan3A_230, %mul3A_232 : i32
      %add3A_234 = arith.constant 0 : i32
      %add3A_235 = arith.addi %mul3A_233, %add3A_234 : i32
      %add3A_236 = arith.constant 1 : i32
      %add3A_237 = arith.addi %add3A_235, %add3A_236 : i32
      %lt3A = arith.constant 42 : i32
      %lt3A_238 = arith.cmpi slt, %add3A_237, %lt3A : i32
      %convert_element_type3A_239 = arith.extui %lt3A_238 : i1 to i32
      %cond3A_240 = arith.constant 0 : i32
      %cond3A_241 = arith.cmpi ne, %convert_element_type3A_239, %cond3A_240 : i32
      scf.if %cond3A_241 {
        %add3A_322 = arith.constant 1 : i32
        %add3A_323 = arith.addi %add3A_235, %add3A_322 : i32
        %mul3A_324 = arith.constant 32 : i32
        %mul3A_325 = arith.muli %add3A_323, %mul3A_324 : i32
        %add3A_326 = arith.addi %add3A, %mul3A_325 : i32
        %min3A_327 = arith.constant 1301 : i32
        %min3A_328 = arith.minsi %add3A_326, %min3A_327 : i32
        %mul3A_329 = arith.constant 768 : i32
        %mul3A_330 = arith.muli %min3A_328, %mul3A_329 : i32
        %multiple_of3A_331 = tpu.assume_multiple %mul3A_330, 128 : i32
        %dma_start3A_332 = arith.constant 0 : i32
        %dma_start3A_333 = arith.constant 0 : i32
        %dma_start3A_334 = tpu.memref_slice %arg13[%dma_start3A_332, %dma_start3A_333] : memref<64x768xf32, #tpu.memory_space<vmem>> -> memref<64x384xf32, #tpu.memory_space<vmem>>
        %dma_start3A_335 = arith.constant 0 : i32
        %dma_start3A_336 = tpu.memref_slice %arg5[%dma_start3A_335, %multiple_of3A_331] : memref<64x1000000xf32, #tpu.memory_space<hbm>> -> memref<64x384xf32, #tpu.memory_space<hbm>>
        %dma_start3A_337 = arith.constant 0 : i32
        %dma_start3A_338 = arith.constant 0 : i32
        %dma_start3A_339 = tpu.memref_slice %arg13[%dma_start3A_337, %dma_start3A_338] : memref<64x768xf32, #tpu.memory_space<vmem>> -> memref<64x384xf32, #tpu.memory_space<vmem>>
        %dma_start3A_340 = arith.constant 0 : i32
        %dma_start3A_341 = tpu.memref_slice %arg5[%dma_start3A_340, %multiple_of3A_331] : memref<64x1000000xf32, #tpu.memory_space<hbm>> -> memref<64x384xf32, #tpu.memory_space<hbm>>
        tpu.enqueue_dma source(%dma_start3A_341 : memref<64x384xf32, #tpu.memory_space<hbm>>) target(%dma_start3A_339 : memref<64x384xf32, #tpu.memory_space<vmem>>) target_semaphore(%arg17 : memref<!tpu.dma_semaphore, #tpu.memory_space<semaphore_mem>>)
        %add3A_342 = arith.constant 384 : i32
        %add3A_343 = arith.addi %multiple_of3A_331, %add3A_342 : i32
        %dma_start3A_344 = arith.constant 0 : i32
        %dma_start3A_345 = arith.constant 384 : i32
        %dma_start3A_346 = tpu.memref_slice %arg13[%dma_start3A_344, %dma_start3A_345] : memref<64x768xf32, #tpu.memory_space<vmem>> -> memref<64x384xf32, #tpu.memory_space<vmem>>
        %dma_start3A_347 = arith.constant 0 : i32
        %dma_start3A_348 = tpu.memref_slice %arg5[%dma_start3A_347, %add3A_343] : memref<64x1000000xf32, #tpu.memory_space<hbm>> -> memref<64x384xf32, #tpu.memory_space<hbm>>
        %dma_start3A_349 = arith.constant 0 : i32
        %dma_start3A_350 = arith.constant 384 : i32
        %dma_start3A_351 = tpu.memref_slice %arg13[%dma_start3A_349, %dma_start3A_350] : memref<64x768xf32, #tpu.memory_space<vmem>> -> memref<64x384xf32, #tpu.memory_space<vmem>>
        %dma_start3A_352 = arith.constant 0 : i32
        %dma_start3A_353 = tpu.memref_slice %arg5[%dma_start3A_352, %add3A_343] : memref<64x1000000xf32, #tpu.memory_space<hbm>> -> memref<64x384xf32, #tpu.memory_space<hbm>>
        tpu.enqueue_dma source(%dma_start3A_353 : memref<64x384xf32, #tpu.memory_space<hbm>>) target(%dma_start3A_351 : memref<64x384xf32, #tpu.memory_space<vmem>>) target_semaphore(%arg17 : memref<!tpu.dma_semaphore, #tpu.memory_space<semaphore_mem>>)
      } else {
      }
      %dma_wait3A = arith.constant 0 : i32
      %dma_wait3A_242 = arith.constant 0 : i32
      %dma_wait3A_243 = tpu.memref_slice %arg12[%dma_wait3A, %dma_wait3A_242] : memref<64x768xf32, #tpu.memory_space<vmem>> -> memref<64x384xf32, #tpu.memory_space<vmem>>
      %dma_wait3A_244 = arith.constant 0 : i32
      %dma_wait3A_245 = arith.constant 0 : i32
      %dma_wait3A_246 = tpu.memref_slice %arg5[%dma_wait3A_244, %dma_wait3A_245] : memref<64x1000000xf32, #tpu.memory_space<hbm>> -> memref<64x384xf32, #tpu.memory_space<hbm>>
      %dma_wait3A_247 = arith.constant 0 : i32
      %dma_wait3A_248 = arith.constant 0 : i32
      %dma_wait3A_249 = tpu.memref_slice %arg12[%dma_wait3A_247, %dma_wait3A_248] : memref<64x768xf32, #tpu.memory_space<vmem>> -> memref<64x384xf32, #tpu.memory_space<vmem>>
      %dma_wait3A_250 = arith.constant 0 : i32
      %dma_wait3A_251 = arith.constant 0 : i32
      %dma_wait3A_252 = tpu.memref_slice %arg5[%dma_wait3A_250, %dma_wait3A_251] : memref<64x1000000xf32, #tpu.memory_space<hbm>> -> memref<64x384xf32, #tpu.memory_space<hbm>>
      tpu.wait_dma2 semaphore(%arg16 : memref<!tpu.dma_semaphore, #tpu.memory_space<semaphore_mem>>) src(%dma_wait3A_252 : memref<64x384xf32, #tpu.memory_space<hbm>>) dst(%dma_wait3A_249 : memref<64x384xf32, #tpu.memory_space<vmem>>)
      %dma_wait3A_253 = arith.constant 0 : i32
      %dma_wait3A_254 = arith.constant 0 : i32
      %dma_wait3A_255 = tpu.memref_slice %arg12[%dma_wait3A_253, %dma_wait3A_254] : memref<64x768xf32, #tpu.memory_space<vmem>> -> memref<64x384xf32, #tpu.memory_space<vmem>>
      %dma_wait3A_256 = arith.constant 0 : i32
      %dma_wait3A_257 = arith.constant 0 : i32
      %dma_wait3A_258 = tpu.memref_slice %arg5[%dma_wait3A_256, %dma_wait3A_257] : memref<64x1000000xf32, #tpu.memory_space<hbm>> -> memref<64x384xf32, #tpu.memory_space<hbm>>
      %dma_wait3A_259 = arith.constant 0 : i32
      %dma_wait3A_260 = arith.constant 0 : i32
      %dma_wait3A_261 = tpu.memref_slice %arg12[%dma_wait3A_259, %dma_wait3A_260] : memref<64x768xf32, #tpu.memory_space<vmem>> -> memref<64x384xf32, #tpu.memory_space<vmem>>
      %dma_wait3A_262 = arith.constant 0 : i32
      %dma_wait3A_263 = arith.constant 0 : i32
      %dma_wait3A_264 = tpu.memref_slice %arg5[%dma_wait3A_262, %dma_wait3A_263] : memref<64x1000000xf32, #tpu.memory_space<hbm>> -> memref<64x384xf32, #tpu.memory_space<hbm>>
      tpu.wait_dma2 semaphore(%arg16 : memref<!tpu.dma_semaphore, #tpu.memory_space<semaphore_mem>>) src(%dma_wait3A_264 : memref<64x384xf32, #tpu.memory_space<hbm>>) dst(%dma_wait3A_261 : memref<64x384xf32, #tpu.memory_space<vmem>>)
      %while3A_265 = arith.constant 0 : i32
      %while3A_266 = arith.subi %shift_right_arithmetic3A_208, %while3A_265 : i32
      %while3A_267 = arith.addi %while3A_265, %while3A_266 : i32
      %while3A_268 = arith.constant 1 : i32
      %while3A_269 = arith.divsi %while3A_266, %while3A_268 : i32
      %while3A_270 = arith.muli %while3A_269, %while3A_268 : i32
      %while3A_271 = arith.addi %while3A_265, %while3A_270 : i32
      %while3A_272 = arith.constant 1 : i32
      %while3A_273 = scf.for %while3A_322 = %while3A_265 to %while3A_271 step %while3A_272 iter_args(%while3A_323 = %scan3A_231) -> (i32)  : i32 {
        %mul3A_324 = arith.constant 16 : i32
        %mul3A_325 = arith.muli %while3A_322, %mul3A_324 : i32
        %get3A = arith.index_cast %mul3A_325 : i32 to index
        %get3A_326 = tpu.vector_load %arg11[%get3A] {strides = array<i32>} : memref<16400xi32, #tpu.memory_space<vmem>>, vector<16xi32>,
        %shift_right_arithmetic3A_327 = arith.constant 24 : i32
        %shift_right_arithmetic3A_328 = vector.broadcast %shift_right_arithmetic3A_327 : i32 to vector<16xi32>
        %shift_right_arithmetic3A_329 = arith.shrsi %get3A_326, %shift_right_arithmetic3A_328 : vector<16xi32>
        %eq3A_330 = vector.broadcast %add3A_235 : i32 to vector<16xi32>
        %eq3A_331 = arith.cmpi eq, %shift_right_arithmetic3A_329, %eq3A_330 : vector<16xi32>
        %add3A_332 = vector.broadcast %mul3A_325 : i32 to vector<16xi32>
        %add3A_333 = arith.addi %add3A_332, %iota3A : vector<16xi32>
        %lt3A_334 = vector.broadcast %scan3A_174 : i32 to vector<16xi32>
        %lt3A_335 = arith.cmpi slt, %add3A_333, %lt3A_334 : vector<16xi32>
        %and3A_336 = arith.andi %eq3A_331, %lt3A_335 : vector<16xi1>
        %while3A_337:2 = scf.while (%while3A_338 = %and3A_336, %while3A_339 = %while3A_323) : (vector<16xi1>, i32) -> (vector<16xi1>, i32) {
          %all_reduce_population_count3A = tpu.all_reduce %while3A_338 {dim = 0 : i64, kind = #tpu.reduction_kind<sum>} : vector<16xi1> -> vector<16xi32>
          %slice3A = vector.extract_strided_slice %all_reduce_population_count3A {offsets = [0], sizes = [1], strides = [1]} : vector<16xi32> to vector<1xi32>
          %squeeze3A = vector.extract %slice3A[0] : i32 from vector<1xi32>
          %gt3A = arith.constant 0 : i32
          %gt3A_340 = arith.cmpi sgt, %squeeze3A, %gt3A : i32
          scf.condition(%gt3A_340) %while3A_338, %while3A_339 : vector<16xi1>, i32
        } do {
        ^bb0(%while3A_338: vector<16xi1>, %while3A_339: i32):
          %all_reduce_ffs3A = tpu.all_reduce %while3A_338 {dim = 0 : i64, kind = #tpu.reduction_kind<find_first_set>} : vector<16xi1> -> vector<16xi32>
          %slice3A = vector.extract_strided_slice %all_reduce_ffs3A {offsets = [0], sizes = [1], strides = [1]} : vector<16xi32> to vector<1xi32>
          %squeeze3A = vector.extract %slice3A[0] : i32 from vector<1xi32>
          %add3A_340 = arith.addi %mul3A_325, %squeeze3A : i32
          %get3A_341 = arith.index_cast %add3A_340 : i32 to index
          %get3A_342 = tpu.vector_load %arg11[%get3A_341] {strides = array<i32>} : memref<16400xi32, #tpu.memory_space<vmem>>, vector<16xi32>,
          %slice3A_343 = vector.extract_strided_slice %get3A_342 {offsets = [0], sizes = [1], strides = [1]} : vector<16xi32> to vector<1xi32>
          %squeeze3A_344 = vector.extract %slice3A_343[0] : i32 from vector<1xi32>
          %and3A_345 = arith.constant 16383 : i32
          %and3A_346 = arith.andi %squeeze3A_344, %and3A_345 : i32
          %shift_right_arithmetic3A_347 = arith.constant 14 : i32
          %shift_right_arithmetic3A_348 = arith.shrsi %squeeze3A_344, %shift_right_arithmetic3A_347 : i32
          %and3A_349 = arith.constant 1023 : i32
          %and3A_350 = arith.andi %shift_right_arithmetic3A_348, %and3A_349 : i32
          %broadcast_in_dim3A = vector.broadcast %and3A_350 : i32 to vector<16xi32>
          %and3A_351 = arith.constant 31 : i32
          %and3A_352 = arith.andi %while3A_339, %and3A_351 : i32
          %ge3A = arith.constant 32 : i32
          %ge3A_353 = arith.cmpi sge, %while3A_339, %ge3A : i32
          %convert_element_type3A_354 = arith.extui %ge3A_353 : i1 to i32
          %cond3A_355 = arith.constant 0 : i32
          %cond3A_356 = arith.cmpi ne, %convert_element_type3A_354, %cond3A_355 : i32
          scf.if %cond3A_356 {
            %dma_wait3A_408 = arith.constant 0 : i32
            %dma_wait3A_409 = tpu.memref_slice %arg14[%dma_wait3A_408] : memref<2048xf32, #tpu.memory_space<vmem>> -> memref<64xf32, #tpu.memory_space<vmem>>
            %dma_wait3A_410 = arith.constant 0 : i32
            %dma_wait3A_411 = tpu.memref_slice %arg9[%dma_wait3A_410] : memref<1048576xf32, #tpu.memory_space<hbm>> -> memref<64xf32, #tpu.memory_space<hbm>>
            %dma_wait3A_412 = arith.constant 0 : i32
            %dma_wait3A_413 = tpu.memref_slice %arg9[%dma_wait3A_412] : memref<1048576xf32, #tpu.memory_space<hbm>> -> memref<64xf32, #tpu.memory_space<hbm>>
            %dma_wait3A_414 = arith.constant 0 : i32
            %dma_wait3A_415 = tpu.memref_slice %arg14[%dma_wait3A_414] : memref<2048xf32, #tpu.memory_space<vmem>> -> memref<64xf32, #tpu.memory_space<vmem>>
            tpu.wait_dma2 semaphore(%arg15 : memref<!tpu.dma_semaphore, #tpu.memory_space<semaphore_mem>>) src(%dma_wait3A_415 : memref<64xf32, #tpu.memory_space<vmem>>) dst(%dma_wait3A_413 : memref<64xf32, #tpu.memory_space<hbm>>)
          } else {
          }
          %add3A_357 = arith.constant 0 : i32
          %add3A_358 = vector.broadcast %add3A_357 : i32 to vector<16xi32>
          %add3A_359 = arith.addi %add3A_358, %iota3A : vector<16xi32>
          %gather3A = tpu.vector_load_idx %arg12[%add3A_359, %broadcast_in_dim3A] : memref<64x768xf32, #tpu.memory_space<vmem>>[vector<16xi32>, vector<16xi32>], vector<16xf32>,
          %mul3A_360 = arith.constant 64 : i32
          %mul3A_361 = arith.muli %and3A_352, %mul3A_360 : i32
          %add3A_362 = arith.constant 0 : i32
          %add3A_363 = arith.addi %mul3A_361, %add3A_362 : i32
          %swap3A = arith.index_cast %add3A_363 : i32 to index
          %swap3A_364 = tpu.vector_load %arg14[%swap3A] {strides = array<i32>} : memref<2048xf32, #tpu.memory_space<vmem>>, vector<16xf32>,
          tpu.vector_store %arg14[%swap3A], %gather3A {strides = array<i32>} : memref<2048xf32, #tpu.memory_space<vmem>>, vector<16xf32>,
          %add3A_365 = arith.constant 16 : i32
          %add3A_366 = vector.broadcast %add3A_365 : i32 to vector<16xi32>
          %add3A_367 = arith.addi %add3A_366, %iota3A : vector<16xi32>
          %gather3A_368 = tpu.vector_load_idx %arg12[%add3A_367, %broadcast_in_dim3A] : memref<64x768xf32, #tpu.memory_space<vmem>>[vector<16xi32>, vector<16xi32>], vector<16xf32>,
          %mul3A_369 = arith.constant 64 : i32
          %mul3A_370 = arith.muli %and3A_352, %mul3A_369 : i32
          %add3A_371 = arith.constant 16 : i32
          %add3A_372 = arith.addi %mul3A_370, %add3A_371 : i32
          %swap3A_373 = arith.index_cast %add3A_372 : i32 to index
          %swap3A_374 = tpu.vector_load %arg14[%swap3A_373] {strides = array<i32>} : memref<2048xf32, #tpu.memory_space<vmem>>, vector<16xf32>,
          tpu.vector_store %arg14[%swap3A_373], %gather3A_368 {strides = array<i32>} : memref<2048xf32, #tpu.memory_space<vmem>>, vector<16xf32>,
          %add3A_375 = arith.constant 32 : i32
          %add3A_376 = vector.broadcast %add3A_375 : i32 to vector<16xi32>
          %add3A_377 = arith.addi %add3A_376, %iota3A : vector<16xi32>
          %gather3A_378 = tpu.vector_load_idx %arg12[%add3A_377, %broadcast_in_dim3A] : memref<64x768xf32, #tpu.memory_space<vmem>>[vector<16xi32>, vector<16xi32>], vector<16xf32>,
          %mul3A_379 = arith.constant 64 : i32
          %mul3A_380 = arith.muli %and3A_352, %mul3A_379 : i32
          %add3A_381 = arith.constant 32 : i32
          %add3A_382 = arith.addi %mul3A_380, %add3A_381 : i32
          %swap3A_383 = arith.index_cast %add3A_382 : i32 to index
          %swap3A_384 = tpu.vector_load %arg14[%swap3A_383] {strides = array<i32>} : memref<2048xf32, #tpu.memory_space<vmem>>, vector<16xf32>,
          tpu.vector_store %arg14[%swap3A_383], %gather3A_378 {strides = array<i32>} : memref<2048xf32, #tpu.memory_space<vmem>>, vector<16xf32>,
          %add3A_385 = arith.constant 48 : i32
          %add3A_386 = vector.broadcast %add3A_385 : i32 to vector<16xi32>
          %add3A_387 = arith.addi %add3A_386, %iota3A : vector<16xi32>
          %gather3A_388 = tpu.vector_load_idx %arg12[%add3A_387, %broadcast_in_dim3A] : memref<64x768xf32, #tpu.memory_space<vmem>>[vector<16xi32>, vector<16xi32>], vector<16xf32>,
          %mul3A_389 = arith.constant 64 : i32
          %mul3A_390 = arith.muli %and3A_352, %mul3A_389 : i32
          %add3A_391 = arith.constant 48 : i32
          %add3A_392 = arith.addi %mul3A_390, %add3A_391 : i32
          %swap3A_393 = arith.index_cast %add3A_392 : i32 to index
          %swap3A_394 = tpu.vector_load %arg14[%swap3A_393] {strides = array<i32>} : memref<2048xf32, #tpu.memory_space<vmem>>, vector<16xf32>,
          tpu.vector_store %arg14[%swap3A_393], %gather3A_388 {strides = array<i32>} : memref<2048xf32, #tpu.memory_space<vmem>>, vector<16xf32>,
          %mul3A_395 = arith.constant 64 : i32
          %mul3A_396 = arith.muli %and3A_352, %mul3A_395 : i32
          %mul3A_397 = arith.constant 64 : i32
          %mul3A_398 = arith.muli %and3A_346, %mul3A_397 : i32
          %dma_start3A_399 = tpu.memref_slice %arg14[%mul3A_396] : memref<2048xf32, #tpu.memory_space<vmem>> -> memref<64xf32, #tpu.memory_space<vmem>>
          %dma_start3A_400 = tpu.memref_slice %arg9[%mul3A_398] : memref<1048576xf32, #tpu.memory_space<hbm>> -> memref<64xf32, #tpu.memory_space<hbm>>
          %dma_start3A_401 = tpu.memref_slice %arg9[%mul3A_398] : memref<1048576xf32, #tpu.memory_space<hbm>> -> memref<64xf32, #tpu.memory_space<hbm>>
          %dma_start3A_402 = tpu.memref_slice %arg14[%mul3A_396] : memref<2048xf32, #tpu.memory_space<vmem>> -> memref<64xf32, #tpu.memory_space<vmem>>
          tpu.enqueue_dma source(%dma_start3A_402 : memref<64xf32, #tpu.memory_space<vmem>>) target(%dma_start3A_401 : memref<64xf32, #tpu.memory_space<hbm>>) target_semaphore(%arg15 : memref<!tpu.dma_semaphore, #tpu.memory_space<semaphore_mem>>)
          %ne3A_403 = vector.broadcast %squeeze3A : i32 to vector<16xi32>
          %ne3A_404 = arith.cmpi ne, %iota3A, %ne3A_403 : vector<16xi32>
          %and3A_405 = arith.andi %while3A_338, %ne3A_404 : vector<16xi1>
          %add3A_406 = arith.constant 1 : i32
          %add3A_407 = arith.addi %while3A_339, %add3A_406 : i32
          scf.yield %and3A_405, %add3A_407 : vector<16xi1>, i32
        }
        scf.yield %while3A_337#1 : i32
      }
      %while3A_274 = arith.constant 1 : i32
      %while3A_275 = scf.for %while3A_322 = %while3A_271 to %while3A_267 step %while3A_274 iter_args(%while3A_323 = %while3A_273) -> (i32)  : i32 {
        %mul3A_324 = arith.constant 16 : i32
        %mul3A_325 = arith.muli %while3A_322, %mul3A_324 : i32
        %get3A = arith.index_cast %mul3A_325 : i32 to index
        %get3A_326 = tpu.vector_load %arg11[%get3A] {strides = array<i32>} : memref<16400xi32, #tpu.memory_space<vmem>>, vector<16xi32>,
        %shift_right_arithmetic3A_327 = arith.constant 24 : i32
        %shift_right_arithmetic3A_328 = vector.broadcast %shift_right_arithmetic3A_327 : i32 to vector<16xi32>
        %shift_right_arithmetic3A_329 = arith.shrsi %get3A_326, %shift_right_arithmetic3A_328 : vector<16xi32>
        %eq3A_330 = vector.broadcast %add3A_235 : i32 to vector<16xi32>
        %eq3A_331 = arith.cmpi eq, %shift_right_arithmetic3A_329, %eq3A_330 : vector<16xi32>
        %add3A_332 = vector.broadcast %mul3A_325 : i32 to vector<16xi32>
        %add3A_333 = arith.addi %add3A_332, %iota3A : vector<16xi32>
        %lt3A_334 = vector.broadcast %scan3A_174 : i32 to vector<16xi32>
        %lt3A_335 = arith.cmpi slt, %add3A_333, %lt3A_334 : vector<16xi32>
        %and3A_336 = arith.andi %eq3A_331, %lt3A_335 : vector<16xi1>
        %while3A_337:2 = scf.while (%while3A_338 = %and3A_336, %while3A_339 = %while3A_323) : (vector<16xi1>, i32) -> (vector<16xi1>, i32) {
          %all_reduce_population_count3A = tpu.all_reduce %while3A_338 {dim = 0 : i64, kind = #tpu.reduction_kind<sum>} : vector<16xi1> -> vector<16xi32>
          %slice3A = vector.extract_strided_slice %all_reduce_population_count3A {offsets = [0], sizes = [1], strides = [1]} : vector<16xi32> to vector<1xi32>
          %squeeze3A = vector.extract %slice3A[0] : i32 from vector<1xi32>
          %gt3A = arith.constant 0 : i32
          %gt3A_340 = arith.cmpi sgt, %squeeze3A, %gt3A : i32
          scf.condition(%gt3A_340) %while3A_338, %while3A_339 : vector<16xi1>, i32
        } do {
        ^bb0(%while3A_338: vector<16xi1>, %while3A_339: i32):
          %all_reduce_ffs3A = tpu.all_reduce %while3A_338 {dim = 0 : i64, kind = #tpu.reduction_kind<find_first_set>} : vector<16xi1> -> vector<16xi32>
          %slice3A = vector.extract_strided_slice %all_reduce_ffs3A {offsets = [0], sizes = [1], strides = [1]} : vector<16xi32> to vector<1xi32>
          %squeeze3A = vector.extract %slice3A[0] : i32 from vector<1xi32>
          %add3A_340 = arith.addi %mul3A_325, %squeeze3A : i32
          %get3A_341 = arith.index_cast %add3A_340 : i32 to index
          %get3A_342 = tpu.vector_load %arg11[%get3A_341] {strides = array<i32>} : memref<16400xi32, #tpu.memory_space<vmem>>, vector<16xi32>,
          %slice3A_343 = vector.extract_strided_slice %get3A_342 {offsets = [0], sizes = [1], strides = [1]} : vector<16xi32> to vector<1xi32>
          %squeeze3A_344 = vector.extract %slice3A_343[0] : i32 from vector<1xi32>
          %and3A_345 = arith.constant 16383 : i32
          %and3A_346 = arith.andi %squeeze3A_344, %and3A_345 : i32
          %shift_right_arithmetic3A_347 = arith.constant 14 : i32
          %shift_right_arithmetic3A_348 = arith.shrsi %squeeze3A_344, %shift_right_arithmetic3A_347 : i32
          %and3A_349 = arith.constant 1023 : i32
          %and3A_350 = arith.andi %shift_right_arithmetic3A_348, %and3A_349 : i32
          %broadcast_in_dim3A = vector.broadcast %and3A_350 : i32 to vector<16xi32>
          %and3A_351 = arith.constant 31 : i32
          %and3A_352 = arith.andi %while3A_339, %and3A_351 : i32
          %ge3A = arith.constant 32 : i32
          %ge3A_353 = arith.cmpi sge, %while3A_339, %ge3A : i32
          %convert_element_type3A_354 = arith.extui %ge3A_353 : i1 to i32
          %cond3A_355 = arith.constant 0 : i32
          %cond3A_356 = arith.cmpi ne, %convert_element_type3A_354, %cond3A_355 : i32
          scf.if %cond3A_356 {
            %dma_wait3A_408 = arith.constant 0 : i32
            %dma_wait3A_409 = tpu.memref_slice %arg14[%dma_wait3A_408] : memref<2048xf32, #tpu.memory_space<vmem>> -> memref<64xf32, #tpu.memory_space<vmem>>
            %dma_wait3A_410 = arith.constant 0 : i32
            %dma_wait3A_411 = tpu.memref_slice %arg9[%dma_wait3A_410] : memref<1048576xf32, #tpu.memory_space<hbm>> -> memref<64xf32, #tpu.memory_space<hbm>>
            %dma_wait3A_412 = arith.constant 0 : i32
            %dma_wait3A_413 = tpu.memref_slice %arg9[%dma_wait3A_412] : memref<1048576xf32, #tpu.memory_space<hbm>> -> memref<64xf32, #tpu.memory_space<hbm>>
            %dma_wait3A_414 = arith.constant 0 : i32
            %dma_wait3A_415 = tpu.memref_slice %arg14[%dma_wait3A_414] : memref<2048xf32, #tpu.memory_space<vmem>> -> memref<64xf32, #tpu.memory_space<vmem>>
            tpu.wait_dma2 semaphore(%arg15 : memref<!tpu.dma_semaphore, #tpu.memory_space<semaphore_mem>>) src(%dma_wait3A_415 : memref<64xf32, #tpu.memory_space<vmem>>) dst(%dma_wait3A_413 : memref<64xf32, #tpu.memory_space<hbm>>)
          } else {
          }
          %add3A_357 = arith.constant 0 : i32
          %add3A_358 = vector.broadcast %add3A_357 : i32 to vector<16xi32>
          %add3A_359 = arith.addi %add3A_358, %iota3A : vector<16xi32>
          %gather3A = tpu.vector_load_idx %arg12[%add3A_359, %broadcast_in_dim3A] : memref<64x768xf32, #tpu.memory_space<vmem>>[vector<16xi32>, vector<16xi32>], vector<16xf32>,
          %mul3A_360 = arith.constant 64 : i32
          %mul3A_361 = arith.muli %and3A_352, %mul3A_360 : i32
          %add3A_362 = arith.constant 0 : i32
          %add3A_363 = arith.addi %mul3A_361, %add3A_362 : i32
          %swap3A = arith.index_cast %add3A_363 : i32 to index
          %swap3A_364 = tpu.vector_load %arg14[%swap3A] {strides = array<i32>} : memref<2048xf32, #tpu.memory_space<vmem>>, vector<16xf32>,
          tpu.vector_store %arg14[%swap3A], %gather3A {strides = array<i32>} : memref<2048xf32, #tpu.memory_space<vmem>>, vector<16xf32>,
          %add3A_365 = arith.constant 16 : i32
          %add3A_366 = vector.broadcast %add3A_365 : i32 to vector<16xi32>
          %add3A_367 = arith.addi %add3A_366, %iota3A : vector<16xi32>
          %gather3A_368 = tpu.vector_load_idx %arg12[%add3A_367, %broadcast_in_dim3A] : memref<64x768xf32, #tpu.memory_space<vmem>>[vector<16xi32>, vector<16xi32>], vector<16xf32>,
          %mul3A_369 = arith.constant 64 : i32
          %mul3A_370 = arith.muli %and3A_352, %mul3A_369 : i32
          %add3A_371 = arith.constant 16 : i32
          %add3A_372 = arith.addi %mul3A_370, %add3A_371 : i32
          %swap3A_373 = arith.index_cast %add3A_372 : i32 to index
          %swap3A_374 = tpu.vector_load %arg14[%swap3A_373] {strides = array<i32>} : memref<2048xf32, #tpu.memory_space<vmem>>, vector<16xf32>,
          tpu.vector_store %arg14[%swap3A_373], %gather3A_368 {strides = array<i32>} : memref<2048xf32, #tpu.memory_space<vmem>>, vector<16xf32>,
          %add3A_375 = arith.constant 32 : i32
          %add3A_376 = vector.broadcast %add3A_375 : i32 to vector<16xi32>
          %add3A_377 = arith.addi %add3A_376, %iota3A : vector<16xi32>
          %gather3A_378 = tpu.vector_load_idx %arg12[%add3A_377, %broadcast_in_dim3A] : memref<64x768xf32, #tpu.memory_space<vmem>>[vector<16xi32>, vector<16xi32>], vector<16xf32>,
          %mul3A_379 = arith.constant 64 : i32
          %mul3A_380 = arith.muli %and3A_352, %mul3A_379 : i32
          %add3A_381 = arith.constant 32 : i32
          %add3A_382 = arith.addi %mul3A_380, %add3A_381 : i32
          %swap3A_383 = arith.index_cast %add3A_382 : i32 to index
          %swap3A_384 = tpu.vector_load %arg14[%swap3A_383] {strides = array<i32>} : memref<2048xf32, #tpu.memory_space<vmem>>, vector<16xf32>,
          tpu.vector_store %arg14[%swap3A_383], %gather3A_378 {strides = array<i32>} : memref<2048xf32, #tpu.memory_space<vmem>>, vector<16xf32>,
          %add3A_385 = arith.constant 48 : i32
          %add3A_386 = vector.broadcast %add3A_385 : i32 to vector<16xi32>
          %add3A_387 = arith.addi %add3A_386, %iota3A : vector<16xi32>
          %gather3A_388 = tpu.vector_load_idx %arg12[%add3A_387, %broadcast_in_dim3A] : memref<64x768xf32, #tpu.memory_space<vmem>>[vector<16xi32>, vector<16xi32>], vector<16xf32>,
          %mul3A_389 = arith.constant 64 : i32
          %mul3A_390 = arith.muli %and3A_352, %mul3A_389 : i32
          %add3A_391 = arith.constant 48 : i32
          %add3A_392 = arith.addi %mul3A_390, %add3A_391 : i32
          %swap3A_393 = arith.index_cast %add3A_392 : i32 to index
          %swap3A_394 = tpu.vector_load %arg14[%swap3A_393] {strides = array<i32>} : memref<2048xf32, #tpu.memory_space<vmem>>, vector<16xf32>,
          tpu.vector_store %arg14[%swap3A_393], %gather3A_388 {strides = array<i32>} : memref<2048xf32, #tpu.memory_space<vmem>>, vector<16xf32>,
          %mul3A_395 = arith.constant 64 : i32
          %mul3A_396 = arith.muli %and3A_352, %mul3A_395 : i32
          %mul3A_397 = arith.constant 64 : i32
          %mul3A_398 = arith.muli %and3A_346, %mul3A_397 : i32
          %dma_start3A_399 = tpu.memref_slice %arg14[%mul3A_396] : memref<2048xf32, #tpu.memory_space<vmem>> -> memref<64xf32, #tpu.memory_space<vmem>>
          %dma_start3A_400 = tpu.memref_slice %arg9[%mul3A_398] : memref<1048576xf32, #tpu.memory_space<hbm>> -> memref<64xf32, #tpu.memory_space<hbm>>
          %dma_start3A_401 = tpu.memref_slice %arg9[%mul3A_398] : memref<1048576xf32, #tpu.memory_space<hbm>> -> memref<64xf32, #tpu.memory_space<hbm>>
          %dma_start3A_402 = tpu.memref_slice %arg14[%mul3A_396] : memref<2048xf32, #tpu.memory_space<vmem>> -> memref<64xf32, #tpu.memory_space<vmem>>
          tpu.enqueue_dma source(%dma_start3A_402 : memref<64xf32, #tpu.memory_space<vmem>>) target(%dma_start3A_401 : memref<64xf32, #tpu.memory_space<hbm>>) target_semaphore(%arg15 : memref<!tpu.dma_semaphore, #tpu.memory_space<semaphore_mem>>)
          %ne3A_403 = vector.broadcast %squeeze3A : i32 to vector<16xi32>
          %ne3A_404 = arith.cmpi ne, %iota3A, %ne3A_403 : vector<16xi32>
          %and3A_405 = arith.andi %while3A_338, %ne3A_404 : vector<16xi1>
          %add3A_406 = arith.constant 1 : i32
          %add3A_407 = arith.addi %while3A_339, %add3A_406 : i32
          scf.yield %and3A_405, %add3A_407 : vector<16xi1>, i32
        }
        scf.yield %while3A_337#1 : i32
      }
      %mul3A_276 = arith.constant 2 : i32
      %mul3A_277 = arith.muli %scan3A_230, %mul3A_276 : i32
      %add3A_278 = arith.constant 1 : i32
      %add3A_279 = arith.addi %mul3A_277, %add3A_278 : i32
      %add3A_280 = arith.constant 1 : i32
      %add3A_281 = arith.addi %add3A_279, %add3A_280 : i32
      %lt3A_282 = arith.constant 42 : i32
      %lt3A_283 = arith.cmpi slt, %add3A_281, %lt3A_282 : i32
      %convert_element_type3A_284 = arith.extui %lt3A_283 : i1 to i32
      %cond3A_285 = arith.constant 0 : i32
      %cond3A_286 = arith.cmpi ne, %convert_element_type3A_284, %cond3A_285 : i32
      scf.if %cond3A_286 {
        %add3A_322 = arith.constant 1 : i32
        %add3A_323 = arith.addi %add3A_279, %add3A_322 : i32
        %mul3A_324 = arith.constant 32 : i32
        %mul3A_325 = arith.muli %add3A_323, %mul3A_324 : i32
        %add3A_326 = arith.addi %add3A, %mul3A_325 : i32
        %min3A_327 = arith.constant 1301 : i32
        %min3A_328 = arith.minsi %add3A_326, %min3A_327 : i32
        %mul3A_329 = arith.constant 768 : i32
        %mul3A_330 = arith.muli %min3A_328, %mul3A_329 : i32
        %multiple_of3A_331 = tpu.assume_multiple %mul3A_330, 128 : i32
        %dma_start3A_332 = arith.constant 0 : i32
        %dma_start3A_333 = arith.constant 0 : i32
        %dma_start3A_334 = tpu.memref_slice %arg12[%dma_start3A_332, %dma_start3A_333] : memref<64x768xf32, #tpu.memory_space<vmem>> -> memref<64x384xf32, #tpu.memory_space<vmem>>
        %dma_start3A_335 = arith.constant 0 : i32
        %dma_start3A_336 = tpu.memref_slice %arg5[%dma_start3A_335, %multiple_of3A_331] : memref<64x1000000xf32, #tpu.memory_space<hbm>> -> memref<64x384xf32, #tpu.memory_space<hbm>>
        %dma_start3A_337 = arith.constant 0 : i32
        %dma_start3A_338 = arith.constant 0 : i32
        %dma_start3A_339 = tpu.memref_slice %arg12[%dma_start3A_337, %dma_start3A_338] : memref<64x768xf32, #tpu.memory_space<vmem>> -> memref<64x384xf32, #tpu.memory_space<vmem>>
        %dma_start3A_340 = arith.constant 0 : i32
        %dma_start3A_341 = tpu.memref_slice %arg5[%dma_start3A_340, %multiple_of3A_331] : memref<64x1000000xf32, #tpu.memory_space<hbm>> -> memref<64x384xf32, #tpu.memory_space<hbm>>
        tpu.enqueue_dma source(%dma_start3A_341 : memref<64x384xf32, #tpu.memory_space<hbm>>) target(%dma_start3A_339 : memref<64x384xf32, #tpu.memory_space<vmem>>) target_semaphore(%arg16 : memref<!tpu.dma_semaphore, #tpu.memory_space<semaphore_mem>>)
        %add3A_342 = arith.constant 384 : i32
        %add3A_343 = arith.addi %multiple_of3A_331, %add3A_342 : i32
        %dma_start3A_344 = arith.constant 0 : i32
        %dma_start3A_345 = arith.constant 384 : i32
        %dma_start3A_346 = tpu.memref_slice %arg12[%dma_start3A_344, %dma_start3A_345] : memref<64x768xf32, #tpu.memory_space<vmem>> -> memref<64x384xf32, #tpu.memory_space<vmem>>
        %dma_start3A_347 = arith.constant 0 : i32
        %dma_start3A_348 = tpu.memref_slice %arg5[%dma_start3A_347, %add3A_343] : memref<64x1000000xf32, #tpu.memory_space<hbm>> -> memref<64x384xf32, #tpu.memory_space<hbm>>
        %dma_start3A_349 = arith.constant 0 : i32
        %dma_start3A_350 = arith.constant 384 : i32
        %dma_start3A_351 = tpu.memref_slice %arg12[%dma_start3A_349, %dma_start3A_350] : memref<64x768xf32, #tpu.memory_space<vmem>> -> memref<64x384xf32, #tpu.memory_space<vmem>>
        %dma_start3A_352 = arith.constant 0 : i32
        %dma_start3A_353 = tpu.memref_slice %arg5[%dma_start3A_352, %add3A_343] : memref<64x1000000xf32, #tpu.memory_space<hbm>> -> memref<64x384xf32, #tpu.memory_space<hbm>>
        tpu.enqueue_dma source(%dma_start3A_353 : memref<64x384xf32, #tpu.memory_space<hbm>>) target(%dma_start3A_351 : memref<64x384xf32, #tpu.memory_space<vmem>>) target_semaphore(%arg16 : memref<!tpu.dma_semaphore, #tpu.memory_space<semaphore_mem>>)
      } else {
      }
      %dma_wait3A_287 = arith.constant 0 : i32
      %dma_wait3A_288 = arith.constant 0 : i32
      %dma_wait3A_289 = tpu.memref_slice %arg13[%dma_wait3A_287, %dma_wait3A_288] : memref<64x768xf32, #tpu.memory_space<vmem>> -> memref<64x384xf32, #tpu.memory_space<vmem>>
      %dma_wait3A_290 = arith.constant 0 : i32
      %dma_wait3A_291 = arith.constant 0 : i32
      %dma_wait3A_292 = tpu.memref_slice %arg5[%dma_wait3A_290, %dma_wait3A_291] : memref<64x1000000xf32, #tpu.memory_space<hbm>> -> memref<64x384xf32, #tpu.memory_space<hbm>>
      %dma_wait3A_293 = arith.constant 0 : i32
      %dma_wait3A_294 = arith.constant 0 : i32
      %dma_wait3A_295 = tpu.memref_slice %arg13[%dma_wait3A_293, %dma_wait3A_294] : memref<64x768xf32, #tpu.memory_space<vmem>> -> memref<64x384xf32, #tpu.memory_space<vmem>>
      %dma_wait3A_296 = arith.constant 0 : i32
      %dma_wait3A_297 = arith.constant 0 : i32
      %dma_wait3A_298 = tpu.memref_slice %arg5[%dma_wait3A_296, %dma_wait3A_297] : memref<64x1000000xf32, #tpu.memory_space<hbm>> -> memref<64x384xf32, #tpu.memory_space<hbm>>
      tpu.wait_dma2 semaphore(%arg17 : memref<!tpu.dma_semaphore, #tpu.memory_space<semaphore_mem>>) src(%dma_wait3A_298 : memref<64x384xf32, #tpu.memory_space<hbm>>) dst(%dma_wait3A_295 : memref<64x384xf32, #tpu.memory_space<vmem>>)
      %dma_wait3A_299 = arith.constant 0 : i32
      %dma_wait3A_300 = arith.constant 0 : i32
      %dma_wait3A_301 = tpu.memref_slice %arg13[%dma_wait3A_299, %dma_wait3A_300] : memref<64x768xf32, #tpu.memory_space<vmem>> -> memref<64x384xf32, #tpu.memory_space<vmem>>
      %dma_wait3A_302 = arith.constant 0 : i32
      %dma_wait3A_303 = arith.constant 0 : i32
      %dma_wait3A_304 = tpu.memref_slice %arg5[%dma_wait3A_302, %dma_wait3A_303] : memref<64x1000000xf32, #tpu.memory_space<hbm>> -> memref<64x384xf32, #tpu.memory_space<hbm>>
      %dma_wait3A_305 = arith.constant 0 : i32
      %dma_wait3A_306 = arith.constant 0 : i32
      %dma_wait3A_307 = tpu.memref_slice %arg13[%dma_wait3A_305, %dma_wait3A_306] : memref<64x768xf32, #tpu.memory_space<vmem>> -> memref<64x384xf32, #tpu.memory_space<vmem>>
      %dma_wait3A_308 = arith.constant 0 : i32
      %dma_wait3A_309 = arith.constant 0 : i32
      %dma_wait3A_310 = tpu.memref_slice %arg5[%dma_wait3A_308, %dma_wait3A_309] : memref<64x1000000xf32, #tpu.memory_space<hbm>> -> memref<64x384xf32, #tpu.memory_space<hbm>>
      tpu.wait_dma2 semaphore(%arg17 : memref<!tpu.dma_semaphore, #tpu.memory_space<semaphore_mem>>) src(%dma_wait3A_310 : memref<64x384xf32, #tpu.memory_space<hbm>>) dst(%dma_wait3A_307 : memref<64x384xf32, #tpu.memory_space<vmem>>)
      %while3A_311 = arith.constant 0 : i32
      %while3A_312 = arith.subi %shift_right_arithmetic3A_208, %while3A_311 : i32
      %while3A_313 = arith.addi %while3A_311, %while3A_312 : i32
      %while3A_314 = arith.constant 1 : i32
      %while3A_315 = arith.divsi %while3A_312, %while3A_314 : i32
      %while3A_316 = arith.muli %while3A_315, %while3A_314 : i32
      %while3A_317 = arith.addi %while3A_311, %while3A_316 : i32
      %while3A_318 = arith.constant 1 : i32
      %while3A_319 = scf.for %while3A_322 = %while3A_311 to %while3A_317 step %while3A_318 iter_args(%while3A_323 = %while3A_275) -> (i32)  : i32 {
        %mul3A_324 = arith.constant 16 : i32
        %mul3A_325 = arith.muli %while3A_322, %mul3A_324 : i32
        %get3A = arith.index_cast %mul3A_325 : i32 to index
        %get3A_326 = tpu.vector_load %arg11[%get3A] {strides = array<i32>} : memref<16400xi32, #tpu.memory_space<vmem>>, vector<16xi32>,
        %shift_right_arithmetic3A_327 = arith.constant 24 : i32
        %shift_right_arithmetic3A_328 = vector.broadcast %shift_right_arithmetic3A_327 : i32 to vector<16xi32>
        %shift_right_arithmetic3A_329 = arith.shrsi %get3A_326, %shift_right_arithmetic3A_328 : vector<16xi32>
        %eq3A_330 = vector.broadcast %add3A_279 : i32 to vector<16xi32>
        %eq3A_331 = arith.cmpi eq, %shift_right_arithmetic3A_329, %eq3A_330 : vector<16xi32>
        %add3A_332 = vector.broadcast %mul3A_325 : i32 to vector<16xi32>
        %add3A_333 = arith.addi %add3A_332, %iota3A : vector<16xi32>
        %lt3A_334 = vector.broadcast %scan3A_174 : i32 to vector<16xi32>
        %lt3A_335 = arith.cmpi slt, %add3A_333, %lt3A_334 : vector<16xi32>
        %and3A_336 = arith.andi %eq3A_331, %lt3A_335 : vector<16xi1>
        %while3A_337:2 = scf.while (%while3A_338 = %and3A_336, %while3A_339 = %while3A_323) : (vector<16xi1>, i32) -> (vector<16xi1>, i32) {
          %all_reduce_population_count3A = tpu.all_reduce %while3A_338 {dim = 0 : i64, kind = #tpu.reduction_kind<sum>} : vector<16xi1> -> vector<16xi32>
          %slice3A = vector.extract_strided_slice %all_reduce_population_count3A {offsets = [0], sizes = [1], strides = [1]} : vector<16xi32> to vector<1xi32>
          %squeeze3A = vector.extract %slice3A[0] : i32 from vector<1xi32>
          %gt3A = arith.constant 0 : i32
          %gt3A_340 = arith.cmpi sgt, %squeeze3A, %gt3A : i32
          scf.condition(%gt3A_340) %while3A_338, %while3A_339 : vector<16xi1>, i32
        } do {
        ^bb0(%while3A_338: vector<16xi1>, %while3A_339: i32):
          %all_reduce_ffs3A = tpu.all_reduce %while3A_338 {dim = 0 : i64, kind = #tpu.reduction_kind<find_first_set>} : vector<16xi1> -> vector<16xi32>
          %slice3A = vector.extract_strided_slice %all_reduce_ffs3A {offsets = [0], sizes = [1], strides = [1]} : vector<16xi32> to vector<1xi32>
          %squeeze3A = vector.extract %slice3A[0] : i32 from vector<1xi32>
          %add3A_340 = arith.addi %mul3A_325, %squeeze3A : i32
          %get3A_341 = arith.index_cast %add3A_340 : i32 to index
          %get3A_342 = tpu.vector_load %arg11[%get3A_341] {strides = array<i32>} : memref<16400xi32, #tpu.memory_space<vmem>>, vector<16xi32>,
          %slice3A_343 = vector.extract_strided_slice %get3A_342 {offsets = [0], sizes = [1], strides = [1]} : vector<16xi32> to vector<1xi32>
          %squeeze3A_344 = vector.extract %slice3A_343[0] : i32 from vector<1xi32>
          %and3A_345 = arith.constant 16383 : i32
          %and3A_346 = arith.andi %squeeze3A_344, %and3A_345 : i32
          %shift_right_arithmetic3A_347 = arith.constant 14 : i32
          %shift_right_arithmetic3A_348 = arith.shrsi %squeeze3A_344, %shift_right_arithmetic3A_347 : i32
          %and3A_349 = arith.constant 1023 : i32
          %and3A_350 = arith.andi %shift_right_arithmetic3A_348, %and3A_349 : i32
          %broadcast_in_dim3A = vector.broadcast %and3A_350 : i32 to vector<16xi32>
          %and3A_351 = arith.constant 31 : i32
          %and3A_352 = arith.andi %while3A_339, %and3A_351 : i32
          %ge3A = arith.constant 32 : i32
          %ge3A_353 = arith.cmpi sge, %while3A_339, %ge3A : i32
          %convert_element_type3A_354 = arith.extui %ge3A_353 : i1 to i32
          %cond3A_355 = arith.constant 0 : i32
          %cond3A_356 = arith.cmpi ne, %convert_element_type3A_354, %cond3A_355 : i32
          scf.if %cond3A_356 {
            %dma_wait3A_408 = arith.constant 0 : i32
            %dma_wait3A_409 = tpu.memref_slice %arg14[%dma_wait3A_408] : memref<2048xf32, #tpu.memory_space<vmem>> -> memref<64xf32, #tpu.memory_space<vmem>>
            %dma_wait3A_410 = arith.constant 0 : i32
            %dma_wait3A_411 = tpu.memref_slice %arg9[%dma_wait3A_410] : memref<1048576xf32, #tpu.memory_space<hbm>> -> memref<64xf32, #tpu.memory_space<hbm>>
            %dma_wait3A_412 = arith.constant 0 : i32
            %dma_wait3A_413 = tpu.memref_slice %arg9[%dma_wait3A_412] : memref<1048576xf32, #tpu.memory_space<hbm>> -> memref<64xf32, #tpu.memory_space<hbm>>
            %dma_wait3A_414 = arith.constant 0 : i32
            %dma_wait3A_415 = tpu.memref_slice %arg14[%dma_wait3A_414] : memref<2048xf32, #tpu.memory_space<vmem>> -> memref<64xf32, #tpu.memory_space<vmem>>
            tpu.wait_dma2 semaphore(%arg15 : memref<!tpu.dma_semaphore, #tpu.memory_space<semaphore_mem>>) src(%dma_wait3A_415 : memref<64xf32, #tpu.memory_space<vmem>>) dst(%dma_wait3A_413 : memref<64xf32, #tpu.memory_space<hbm>>)
          } else {
          }
          %add3A_357 = arith.constant 0 : i32
          %add3A_358 = vector.broadcast %add3A_357 : i32 to vector<16xi32>
          %add3A_359 = arith.addi %add3A_358, %iota3A : vector<16xi32>
          %gather3A = tpu.vector_load_idx %arg13[%add3A_359, %broadcast_in_dim3A] : memref<64x768xf32, #tpu.memory_space<vmem>>[vector<16xi32>, vector<16xi32>], vector<16xf32>,
          %mul3A_360 = arith.constant 64 : i32
          %mul3A_361 = arith.muli %and3A_352, %mul3A_360 : i32
          %add3A_362 = arith.constant 0 : i32
          %add3A_363 = arith.addi %mul3A_361, %add3A_362 : i32
          %swap3A = arith.index_cast %add3A_363 : i32 to index
          %swap3A_364 = tpu.vector_load %arg14[%swap3A] {strides = array<i32>} : memref<2048xf32, #tpu.memory_space<vmem>>, vector<16xf32>,
          tpu.vector_store %arg14[%swap3A], %gather3A {strides = array<i32>} : memref<2048xf32, #tpu.memory_space<vmem>>, vector<16xf32>,
          %add3A_365 = arith.constant 16 : i32
          %add3A_366 = vector.broadcast %add3A_365 : i32 to vector<16xi32>
          %add3A_367 = arith.addi %add3A_366, %iota3A : vector<16xi32>
          %gather3A_368 = tpu.vector_load_idx %arg13[%add3A_367, %broadcast_in_dim3A] : memref<64x768xf32, #tpu.memory_space<vmem>>[vector<16xi32>, vector<16xi32>], vector<16xf32>,
          %mul3A_369 = arith.constant 64 : i32
          %mul3A_370 = arith.muli %and3A_352, %mul3A_369 : i32
          %add3A_371 = arith.constant 16 : i32
          %add3A_372 = arith.addi %mul3A_370, %add3A_371 : i32
          %swap3A_373 = arith.index_cast %add3A_372 : i32 to index
          %swap3A_374 = tpu.vector_load %arg14[%swap3A_373] {strides = array<i32>} : memref<2048xf32, #tpu.memory_space<vmem>>, vector<16xf32>,
          tpu.vector_store %arg14[%swap3A_373], %gather3A_368 {strides = array<i32>} : memref<2048xf32, #tpu.memory_space<vmem>>, vector<16xf32>,
          %add3A_375 = arith.constant 32 : i32
          %add3A_376 = vector.broadcast %add3A_375 : i32 to vector<16xi32>
          %add3A_377 = arith.addi %add3A_376, %iota3A : vector<16xi32>
          %gather3A_378 = tpu.vector_load_idx %arg13[%add3A_377, %broadcast_in_dim3A] : memref<64x768xf32, #tpu.memory_space<vmem>>[vector<16xi32>, vector<16xi32>], vector<16xf32>,
          %mul3A_379 = arith.constant 64 : i32
          %mul3A_380 = arith.muli %and3A_352, %mul3A_379 : i32
          %add3A_381 = arith.constant 32 : i32
          %add3A_382 = arith.addi %mul3A_380, %add3A_381 : i32
          %swap3A_383 = arith.index_cast %add3A_382 : i32 to index
          %swap3A_384 = tpu.vector_load %arg14[%swap3A_383] {strides = array<i32>} : memref<2048xf32, #tpu.memory_space<vmem>>, vector<16xf32>,
          tpu.vector_store %arg14[%swap3A_383], %gather3A_378 {strides = array<i32>} : memref<2048xf32, #tpu.memory_space<vmem>>, vector<16xf32>,
          %add3A_385 = arith.constant 48 : i32
          %add3A_386 = vector.broadcast %add3A_385 : i32 to vector<16xi32>
          %add3A_387 = arith.addi %add3A_386, %iota3A : vector<16xi32>
          %gather3A_388 = tpu.vector_load_idx %arg13[%add3A_387, %broadcast_in_dim3A] : memref<64x768xf32, #tpu.memory_space<vmem>>[vector<16xi32>, vector<16xi32>], vector<16xf32>,
          %mul3A_389 = arith.constant 64 : i32
          %mul3A_390 = arith.muli %and3A_352, %mul3A_389 : i32
          %add3A_391 = arith.constant 48 : i32
          %add3A_392 = arith.addi %mul3A_390, %add3A_391 : i32
          %swap3A_393 = arith.index_cast %add3A_392 : i32 to index
          %swap3A_394 = tpu.vector_load %arg14[%swap3A_393] {strides = array<i32>} : memref<2048xf32, #tpu.memory_space<vmem>>, vector<16xf32>,
          tpu.vector_store %arg14[%swap3A_393], %gather3A_388 {strides = array<i32>} : memref<2048xf32, #tpu.memory_space<vmem>>, vector<16xf32>,
          %mul3A_395 = arith.constant 64 : i32
          %mul3A_396 = arith.muli %and3A_352, %mul3A_395 : i32
          %mul3A_397 = arith.constant 64 : i32
          %mul3A_398 = arith.muli %and3A_346, %mul3A_397 : i32
          %dma_start3A_399 = tpu.memref_slice %arg14[%mul3A_396] : memref<2048xf32, #tpu.memory_space<vmem>> -> memref<64xf32, #tpu.memory_space<vmem>>
          %dma_start3A_400 = tpu.memref_slice %arg9[%mul3A_398] : memref<1048576xf32, #tpu.memory_space<hbm>> -> memref<64xf32, #tpu.memory_space<hbm>>
          %dma_start3A_401 = tpu.memref_slice %arg9[%mul3A_398] : memref<1048576xf32, #tpu.memory_space<hbm>> -> memref<64xf32, #tpu.memory_space<hbm>>
          %dma_start3A_402 = tpu.memref_slice %arg14[%mul3A_396] : memref<2048xf32, #tpu.memory_space<vmem>> -> memref<64xf32, #tpu.memory_space<vmem>>
          tpu.enqueue_dma source(%dma_start3A_402 : memref<64xf32, #tpu.memory_space<vmem>>) target(%dma_start3A_401 : memref<64xf32, #tpu.memory_space<hbm>>) target_semaphore(%arg15 : memref<!tpu.dma_semaphore, #tpu.memory_space<semaphore_mem>>)
          %ne3A_403 = vector.broadcast %squeeze3A : i32 to vector<16xi32>
          %ne3A_404 = arith.cmpi ne, %iota3A, %ne3A_403 : vector<16xi32>
          %and3A_405 = arith.andi %while3A_338, %ne3A_404 : vector<16xi1>
          %add3A_406 = arith.constant 1 : i32
          %add3A_407 = arith.addi %while3A_339, %add3A_406 : i32
          scf.yield %and3A_405, %add3A_407 : vector<16xi1>, i32
        }
        scf.yield %while3A_337#1 : i32
      }
      %while3A_320 = arith.constant 1 : i32
      %while3A_321 = scf.for %while3A_322 = %while3A_317 to %while3A_313 step %while3A_320 iter_args(%while3A_323 = %while3A_319) -> (i32)  : i32 {
        %mul3A_324 = arith.constant 16 : i32
        %mul3A_325 = arith.muli %while3A_322, %mul3A_324 : i32
        %get3A = arith.index_cast %mul3A_325 : i32 to index
        %get3A_326 = tpu.vector_load %arg11[%get3A] {strides = array<i32>} : memref<16400xi32, #tpu.memory_space<vmem>>, vector<16xi32>,
        %shift_right_arithmetic3A_327 = arith.constant 24 : i32
        %shift_right_arithmetic3A_328 = vector.broadcast %shift_right_arithmetic3A_327 : i32 to vector<16xi32>
        %shift_right_arithmetic3A_329 = arith.shrsi %get3A_326, %shift_right_arithmetic3A_328 : vector<16xi32>
        %eq3A_330 = vector.broadcast %add3A_279 : i32 to vector<16xi32>
        %eq3A_331 = arith.cmpi eq, %shift_right_arithmetic3A_329, %eq3A_330 : vector<16xi32>
        %add3A_332 = vector.broadcast %mul3A_325 : i32 to vector<16xi32>
        %add3A_333 = arith.addi %add3A_332, %iota3A : vector<16xi32>
        %lt3A_334 = vector.broadcast %scan3A_174 : i32 to vector<16xi32>
        %lt3A_335 = arith.cmpi slt, %add3A_333, %lt3A_334 : vector<16xi32>
        %and3A_336 = arith.andi %eq3A_331, %lt3A_335 : vector<16xi1>
        %while3A_337:2 = scf.while (%while3A_338 = %and3A_336, %while3A_339 = %while3A_323) : (vector<16xi1>, i32) -> (vector<16xi1>, i32) {
          %all_reduce_population_count3A = tpu.all_reduce %while3A_338 {dim = 0 : i64, kind = #tpu.reduction_kind<sum>} : vector<16xi1> -> vector<16xi32>
          %slice3A = vector.extract_strided_slice %all_reduce_population_count3A {offsets = [0], sizes = [1], strides = [1]} : vector<16xi32> to vector<1xi32>
          %squeeze3A = vector.extract %slice3A[0] : i32 from vector<1xi32>
          %gt3A = arith.constant 0 : i32
          %gt3A_340 = arith.cmpi sgt, %squeeze3A, %gt3A : i32
          scf.condition(%gt3A_340) %while3A_338, %while3A_339 : vector<16xi1>, i32
        } do {
        ^bb0(%while3A_338: vector<16xi1>, %while3A_339: i32):
          %all_reduce_ffs3A = tpu.all_reduce %while3A_338 {dim = 0 : i64, kind = #tpu.reduction_kind<find_first_set>} : vector<16xi1> -> vector<16xi32>
          %slice3A = vector.extract_strided_slice %all_reduce_ffs3A {offsets = [0], sizes = [1], strides = [1]} : vector<16xi32> to vector<1xi32>
          %squeeze3A = vector.extract %slice3A[0] : i32 from vector<1xi32>
          %add3A_340 = arith.addi %mul3A_325, %squeeze3A : i32
          %get3A_341 = arith.index_cast %add3A_340 : i32 to index
          %get3A_342 = tpu.vector_load %arg11[%get3A_341] {strides = array<i32>} : memref<16400xi32, #tpu.memory_space<vmem>>, vector<16xi32>,
          %slice3A_343 = vector.extract_strided_slice %get3A_342 {offsets = [0], sizes = [1], strides = [1]} : vector<16xi32> to vector<1xi32>
          %squeeze3A_344 = vector.extract %slice3A_343[0] : i32 from vector<1xi32>
          %and3A_345 = arith.constant 16383 : i32
          %and3A_346 = arith.andi %squeeze3A_344, %and3A_345 : i32
          %shift_right_arithmetic3A_347 = arith.constant 14 : i32
          %shift_right_arithmetic3A_348 = arith.shrsi %squeeze3A_344, %shift_right_arithmetic3A_347 : i32
          %and3A_349 = arith.constant 1023 : i32
          %and3A_350 = arith.andi %shift_right_arithmetic3A_348, %and3A_349 : i32
          %broadcast_in_dim3A = vector.broadcast %and3A_350 : i32 to vector<16xi32>
          %and3A_351 = arith.constant 31 : i32
          %and3A_352 = arith.andi %while3A_339, %and3A_351 : i32
          %ge3A = arith.constant 32 : i32
          %ge3A_353 = arith.cmpi sge, %while3A_339, %ge3A : i32
          %convert_element_type3A_354 = arith.extui %ge3A_353 : i1 to i32
          %cond3A_355 = arith.constant 0 : i32
          %cond3A_356 = arith.cmpi ne, %convert_element_type3A_354, %cond3A_355 : i32
          scf.if %cond3A_356 {
            %dma_wait3A_408 = arith.constant 0 : i32
            %dma_wait3A_409 = tpu.memref_slice %arg14[%dma_wait3A_408] : memref<2048xf32, #tpu.memory_space<vmem>> -> memref<64xf32, #tpu.memory_space<vmem>>
            %dma_wait3A_410 = arith.constant 0 : i32
            %dma_wait3A_411 = tpu.memref_slice %arg9[%dma_wait3A_410] : memref<1048576xf32, #tpu.memory_space<hbm>> -> memref<64xf32, #tpu.memory_space<hbm>>
            %dma_wait3A_412 = arith.constant 0 : i32
            %dma_wait3A_413 = tpu.memref_slice %arg9[%dma_wait3A_412] : memref<1048576xf32, #tpu.memory_space<hbm>> -> memref<64xf32, #tpu.memory_space<hbm>>
            %dma_wait3A_414 = arith.constant 0 : i32
            %dma_wait3A_415 = tpu.memref_slice %arg14[%dma_wait3A_414] : memref<2048xf32, #tpu.memory_space<vmem>> -> memref<64xf32, #tpu.memory_space<vmem>>
            tpu.wait_dma2 semaphore(%arg15 : memref<!tpu.dma_semaphore, #tpu.memory_space<semaphore_mem>>) src(%dma_wait3A_415 : memref<64xf32, #tpu.memory_space<vmem>>) dst(%dma_wait3A_413 : memref<64xf32, #tpu.memory_space<hbm>>)
          } else {
          }
          %add3A_357 = arith.constant 0 : i32
          %add3A_358 = vector.broadcast %add3A_357 : i32 to vector<16xi32>
          %add3A_359 = arith.addi %add3A_358, %iota3A : vector<16xi32>
          %gather3A = tpu.vector_load_idx %arg13[%add3A_359, %broadcast_in_dim3A] : memref<64x768xf32, #tpu.memory_space<vmem>>[vector<16xi32>, vector<16xi32>], vector<16xf32>,
          %mul3A_360 = arith.constant 64 : i32
          %mul3A_361 = arith.muli %and3A_352, %mul3A_360 : i32
          %add3A_362 = arith.constant 0 : i32
          %add3A_363 = arith.addi %mul3A_361, %add3A_362 : i32
          %swap3A = arith.index_cast %add3A_363 : i32 to index
          %swap3A_364 = tpu.vector_load %arg14[%swap3A] {strides = array<i32>} : memref<2048xf32, #tpu.memory_space<vmem>>, vector<16xf32>,
          tpu.vector_store %arg14[%swap3A], %gather3A {strides = array<i32>} : memref<2048xf32, #tpu.memory_space<vmem>>, vector<16xf32>,
          %add3A_365 = arith.constant 16 : i32
          %add3A_366 = vector.broadcast %add3A_365 : i32 to vector<16xi32>
          %add3A_367 = arith.addi %add3A_366, %iota3A : vector<16xi32>
          %gather3A_368 = tpu.vector_load_idx %arg13[%add3A_367, %broadcast_in_dim3A] : memref<64x768xf32, #tpu.memory_space<vmem>>[vector<16xi32>, vector<16xi32>], vector<16xf32>,
          %mul3A_369 = arith.constant 64 : i32
          %mul3A_370 = arith.muli %and3A_352, %mul3A_369 : i32
          %add3A_371 = arith.constant 16 : i32
          %add3A_372 = arith.addi %mul3A_370, %add3A_371 : i32
          %swap3A_373 = arith.index_cast %add3A_372 : i32 to index
          %swap3A_374 = tpu.vector_load %arg14[%swap3A_373] {strides = array<i32>} : memref<2048xf32, #tpu.memory_space<vmem>>, vector<16xf32>,
          tpu.vector_store %arg14[%swap3A_373], %gather3A_368 {strides = array<i32>} : memref<2048xf32, #tpu.memory_space<vmem>>, vector<16xf32>,
          %add3A_375 = arith.constant 32 : i32
          %add3A_376 = vector.broadcast %add3A_375 : i32 to vector<16xi32>
          %add3A_377 = arith.addi %add3A_376, %iota3A : vector<16xi32>
          %gather3A_378 = tpu.vector_load_idx %arg13[%add3A_377, %broadcast_in_dim3A] : memref<64x768xf32, #tpu.memory_space<vmem>>[vector<16xi32>, vector<16xi32>], vector<16xf32>,
          %mul3A_379 = arith.constant 64 : i32
          %mul3A_380 = arith.muli %and3A_352, %mul3A_379 : i32
          %add3A_381 = arith.constant 32 : i32
          %add3A_382 = arith.addi %mul3A_380, %add3A_381 : i32
          %swap3A_383 = arith.index_cast %add3A_382 : i32 to index
          %swap3A_384 = tpu.vector_load %arg14[%swap3A_383] {strides = array<i32>} : memref<2048xf32, #tpu.memory_space<vmem>>, vector<16xf32>,
          tpu.vector_store %arg14[%swap3A_383], %gather3A_378 {strides = array<i32>} : memref<2048xf32, #tpu.memory_space<vmem>>, vector<16xf32>,
          %add3A_385 = arith.constant 48 : i32
          %add3A_386 = vector.broadcast %add3A_385 : i32 to vector<16xi32>
          %add3A_387 = arith.addi %add3A_386, %iota3A : vector<16xi32>
          %gather3A_388 = tpu.vector_load_idx %arg13[%add3A_387, %broadcast_in_dim3A] : memref<64x768xf32, #tpu.memory_space<vmem>>[vector<16xi32>, vector<16xi32>], vector<16xf32>,
          %mul3A_389 = arith.constant 64 : i32
          %mul3A_390 = arith.muli %and3A_352, %mul3A_389 : i32
          %add3A_391 = arith.constant 48 : i32
          %add3A_392 = arith.addi %mul3A_390, %add3A_391 : i32
          %swap3A_393 = arith.index_cast %add3A_392 : i32 to index
          %swap3A_394 = tpu.vector_load %arg14[%swap3A_393] {strides = array<i32>} : memref<2048xf32, #tpu.memory_space<vmem>>, vector<16xf32>,
          tpu.vector_store %arg14[%swap3A_393], %gather3A_388 {strides = array<i32>} : memref<2048xf32, #tpu.memory_space<vmem>>, vector<16xf32>,
          %mul3A_395 = arith.constant 64 : i32
          %mul3A_396 = arith.muli %and3A_352, %mul3A_395 : i32
          %mul3A_397 = arith.constant 64 : i32
          %mul3A_398 = arith.muli %and3A_346, %mul3A_397 : i32
          %dma_start3A_399 = tpu.memref_slice %arg14[%mul3A_396] : memref<2048xf32, #tpu.memory_space<vmem>> -> memref<64xf32, #tpu.memory_space<vmem>>
          %dma_start3A_400 = tpu.memref_slice %arg9[%mul3A_398] : memref<1048576xf32, #tpu.memory_space<hbm>> -> memref<64xf32, #tpu.memory_space<hbm>>
          %dma_start3A_401 = tpu.memref_slice %arg9[%mul3A_398] : memref<1048576xf32, #tpu.memory_space<hbm>> -> memref<64xf32, #tpu.memory_space<hbm>>
          %dma_start3A_402 = tpu.memref_slice %arg14[%mul3A_396] : memref<2048xf32, #tpu.memory_space<vmem>> -> memref<64xf32, #tpu.memory_space<vmem>>
          tpu.enqueue_dma source(%dma_start3A_402 : memref<64xf32, #tpu.memory_space<vmem>>) target(%dma_start3A_401 : memref<64xf32, #tpu.memory_space<hbm>>) target_semaphore(%arg15 : memref<!tpu.dma_semaphore, #tpu.memory_space<semaphore_mem>>)
          %ne3A_403 = vector.broadcast %squeeze3A : i32 to vector<16xi32>
          %ne3A_404 = arith.cmpi ne, %iota3A, %ne3A_403 : vector<16xi32>
          %and3A_405 = arith.andi %while3A_338, %ne3A_404 : vector<16xi1>
          %add3A_406 = arith.constant 1 : i32
          %add3A_407 = arith.addi %while3A_339, %add3A_406 : i32
          scf.yield %and3A_405, %add3A_407 : vector<16xi1>, i32
        }
        scf.yield %while3A_337#1 : i32
      }
      scf.yield %while3A_321 : i32
    }
    %scan3A_215 = arith.constant 21 : i32
    %min3A_216 = arith.constant 32 : i32
    %min3A_217 = arith.minsi %scan3A_214, %min3A_216 : i32
    %while3A_218 = arith.constant 0 : i32
    %while3A_219 = arith.constant 0 : i32
    %while3A_220 = arith.subi %min3A_217, %while3A_218 : i32
    %while3A_221 = arith.addi %while3A_218, %while3A_220 : i32
    %while3A_222 = arith.constant 1 : i32
    %while3A_223 = arith.divsi %while3A_220, %while3A_222 : i32
    %while3A_224 = arith.muli %while3A_223, %while3A_222 : i32
    %while3A_225 = arith.addi %while3A_218, %while3A_224 : i32
    %while3A_226 = arith.constant 1 : i32
    %while3A_227 = scf.for %while3A_230 = %while3A_218 to %while3A_225 step %while3A_226 iter_args(%while3A_231 = %while3A_219) -> (i32)  : i32 {
      %dma_wait3A = arith.constant 0 : i32
      %dma_wait3A_232 = tpu.memref_slice %arg14[%dma_wait3A] : memref<2048xf32, #tpu.memory_space<vmem>> -> memref<64xf32, #tpu.memory_space<vmem>>
      %dma_wait3A_233 = arith.constant 0 : i32
      %dma_wait3A_234 = tpu.memref_slice %arg9[%dma_wait3A_233] : memref<1048576xf32, #tpu.memory_space<hbm>> -> memref<64xf32, #tpu.memory_space<hbm>>
      %dma_wait3A_235 = arith.constant 0 : i32
      %dma_wait3A_236 = tpu.memref_slice %arg9[%dma_wait3A_235] : memref<1048576xf32, #tpu.memory_space<hbm>> -> memref<64xf32, #tpu.memory_space<hbm>>
      %dma_wait3A_237 = arith.constant 0 : i32
      %dma_wait3A_238 = tpu.memref_slice %arg14[%dma_wait3A_237] : memref<2048xf32, #tpu.memory_space<vmem>> -> memref<64xf32, #tpu.memory_space<vmem>>
      tpu.wait_dma2 semaphore(%arg15 : memref<!tpu.dma_semaphore, #tpu.memory_space<semaphore_mem>>) src(%dma_wait3A_238 : memref<64xf32, #tpu.memory_space<vmem>>) dst(%dma_wait3A_236 : memref<64xf32, #tpu.memory_space<hbm>>)
      %while3A_239 = arith.constant 0 : i32
      scf.yield %while3A_239 : i32
    }
    %while3A_228 = arith.constant 1 : i32
    %while3A_229 = scf.for %while3A_230 = %while3A_225 to %while3A_221 step %while3A_228 iter_args(%while3A_231 = %while3A_227) -> (i32)  : i32 {
      %dma_wait3A = arith.constant 0 : i32
      %dma_wait3A_232 = tpu.memref_slice %arg14[%dma_wait3A] : memref<2048xf32, #tpu.memory_space<vmem>> -> memref<64xf32, #tpu.memory_space<vmem>>
      %dma_wait3A_233 = arith.constant 0 : i32
      %dma_wait3A_234 = tpu.memref_slice %arg9[%dma_wait3A_233] : memref<1048576xf32, #tpu.memory_space<hbm>> -> memref<64xf32, #tpu.memory_space<hbm>>
      %dma_wait3A_235 = arith.constant 0 : i32
      %dma_wait3A_236 = tpu.memref_slice %arg9[%dma_wait3A_235] : memref<1048576xf32, #tpu.memory_space<hbm>> -> memref<64xf32, #tpu.memory_space<hbm>>
      %dma_wait3A_237 = arith.constant 0 : i32
      %dma_wait3A_238 = tpu.memref_slice %arg14[%dma_wait3A_237] : memref<2048xf32, #tpu.memory_space<vmem>> -> memref<64xf32, #tpu.memory_space<vmem>>
      tpu.wait_dma2 semaphore(%arg15 : memref<!tpu.dma_semaphore, #tpu.memory_space<semaphore_mem>>) src(%dma_wait3A_238 : memref<64xf32, #tpu.memory_space<vmem>>) dst(%dma_wait3A_236 : memref<64xf32, #tpu.memory_space<hbm>>)
      %while3A_239 = arith.constant 0 : i32
      scf.yield %while3A_239 : i32
    }
    return
  }
}

#map = affine_map<(d0, d1) -> (0)>
module attributes {stable_mosaic.version = 14 : i64} {
  func.func @_dot_kernel(%arg0: i32, %arg1: i32, %arg2: memref<1048576xf32, #tpu.memory_space<hbm>>, %arg3: memref<1048576xf32, #tpu.memory_space<hbm>>, %arg4: memref<16384xf32, #tpu.memory_space<hbm>>, %arg5: memref<32768xf32, #tpu.memory_space<vmem>>, %arg6: memref<32768xf32, #tpu.memory_space<vmem>>, %arg7: memref<512xf32, #tpu.memory_space<vmem>>, %arg8: memref<!tpu.dma_semaphore, #tpu.memory_space<semaphore_mem>>, %arg9: memref<!tpu.dma_semaphore, #tpu.memory_space<semaphore_mem>>) attributes {dimension_semantics = [#tpu.dimension_semantics<core_parallel>, #tpu.dimension_semantics<subcore_parallel>], iteration_bounds = array<i64: 2, 16>, scalar_prefetch = 0 : i64, scratch_operands = 5 : i64, tpu.core_type = #tpu.core_type<sc_vector_subcore>, window_params = [{transform_indices = #map}, {transform_indices = #map}, {transform_indices = #map}]} {
    %mul3A = arith.constant 2 : i32
    %mul3A_0 = arith.muli %arg1, %mul3A : i32
    %add3A = arith.addi %mul3A_0, %arg0 : i32
    %mul3A_1 = arith.constant 512 : i32
    %mul3A_2 = arith.muli %add3A, %mul3A_1 : i32
    %iota3A = tpu.iota {dimensions = array<i32: 0>} : vector<16xi32>
    %add3A_3 = arith.constant 0 : i32
    %add3A_4 = arith.addi %mul3A_2, %add3A_3 : i32
    %mul3A_5 = arith.constant 64 : i32
    %mul3A_6 = arith.muli %add3A_4, %mul3A_5 : i32
    %dma_start3A = arith.constant 0 : i32
    %dma_start3A_7 = tpu.memref_slice %arg5[%dma_start3A] : memref<32768xf32, #tpu.memory_space<vmem>> -> memref<8192xf32, #tpu.memory_space<vmem>>
    %dma_start3A_8 = tpu.memref_slice %arg2[%mul3A_6] : memref<1048576xf32, #tpu.memory_space<hbm>> -> memref<8192xf32, #tpu.memory_space<hbm>>
    %dma_start3A_9 = arith.constant 0 : i32
    %dma_start3A_10 = tpu.memref_slice %arg5[%dma_start3A_9] : memref<32768xf32, #tpu.memory_space<vmem>> -> memref<8192xf32, #tpu.memory_space<vmem>>
    %dma_start3A_11 = tpu.memref_slice %arg2[%mul3A_6] : memref<1048576xf32, #tpu.memory_space<hbm>> -> memref<8192xf32, #tpu.memory_space<hbm>>
    tpu.enqueue_dma source(%dma_start3A_11 : memref<8192xf32, #tpu.memory_space<hbm>>) target(%dma_start3A_10 : memref<8192xf32, #tpu.memory_space<vmem>>) target_semaphore(%arg8 : memref<!tpu.dma_semaphore, #tpu.memory_space<semaphore_mem>>)
    %add3A_12 = arith.constant 0 : i32
    %add3A_13 = arith.addi %mul3A_2, %add3A_12 : i32
    %mul3A_14 = arith.constant 64 : i32
    %mul3A_15 = arith.muli %add3A_13, %mul3A_14 : i32
    %dma_start3A_16 = arith.constant 0 : i32
    %dma_start3A_17 = tpu.memref_slice %arg6[%dma_start3A_16] : memref<32768xf32, #tpu.memory_space<vmem>> -> memref<8192xf32, #tpu.memory_space<vmem>>
    %dma_start3A_18 = tpu.memref_slice %arg3[%mul3A_15] : memref<1048576xf32, #tpu.memory_space<hbm>> -> memref<8192xf32, #tpu.memory_space<hbm>>
    %dma_start3A_19 = arith.constant 0 : i32
    %dma_start3A_20 = tpu.memref_slice %arg6[%dma_start3A_19] : memref<32768xf32, #tpu.memory_space<vmem>> -> memref<8192xf32, #tpu.memory_space<vmem>>
    %dma_start3A_21 = tpu.memref_slice %arg3[%mul3A_15] : memref<1048576xf32, #tpu.memory_space<hbm>> -> memref<8192xf32, #tpu.memory_space<hbm>>
    tpu.enqueue_dma source(%dma_start3A_21 : memref<8192xf32, #tpu.memory_space<hbm>>) target(%dma_start3A_20 : memref<8192xf32, #tpu.memory_space<vmem>>) target_semaphore(%arg9 : memref<!tpu.dma_semaphore, #tpu.memory_space<semaphore_mem>>)
    %add3A_22 = arith.constant 128 : i32
    %add3A_23 = arith.addi %mul3A_2, %add3A_22 : i32
    %mul3A_24 = arith.constant 64 : i32
    %mul3A_25 = arith.muli %add3A_23, %mul3A_24 : i32
    %dma_start3A_26 = arith.constant 8192 : i32
    %dma_start3A_27 = tpu.memref_slice %arg5[%dma_start3A_26] : memref<32768xf32, #tpu.memory_space<vmem>> -> memref<8192xf32, #tpu.memory_space<vmem>>
    %dma_start3A_28 = tpu.memref_slice %arg2[%mul3A_25] : memref<1048576xf32, #tpu.memory_space<hbm>> -> memref<8192xf32, #tpu.memory_space<hbm>>
    %dma_start3A_29 = arith.constant 8192 : i32
    %dma_start3A_30 = tpu.memref_slice %arg5[%dma_start3A_29] : memref<32768xf32, #tpu.memory_space<vmem>> -> memref<8192xf32, #tpu.memory_space<vmem>>
    %dma_start3A_31 = tpu.memref_slice %arg2[%mul3A_25] : memref<1048576xf32, #tpu.memory_space<hbm>> -> memref<8192xf32, #tpu.memory_space<hbm>>
    tpu.enqueue_dma source(%dma_start3A_31 : memref<8192xf32, #tpu.memory_space<hbm>>) target(%dma_start3A_30 : memref<8192xf32, #tpu.memory_space<vmem>>) target_semaphore(%arg8 : memref<!tpu.dma_semaphore, #tpu.memory_space<semaphore_mem>>)
    %add3A_32 = arith.constant 128 : i32
    %add3A_33 = arith.addi %mul3A_2, %add3A_32 : i32
    %mul3A_34 = arith.constant 64 : i32
    %mul3A_35 = arith.muli %add3A_33, %mul3A_34 : i32
    %dma_start3A_36 = arith.constant 8192 : i32
    %dma_start3A_37 = tpu.memref_slice %arg6[%dma_start3A_36] : memref<32768xf32, #tpu.memory_space<vmem>> -> memref<8192xf32, #tpu.memory_space<vmem>>
    %dma_start3A_38 = tpu.memref_slice %arg3[%mul3A_35] : memref<1048576xf32, #tpu.memory_space<hbm>> -> memref<8192xf32, #tpu.memory_space<hbm>>
    %dma_start3A_39 = arith.constant 8192 : i32
    %dma_start3A_40 = tpu.memref_slice %arg6[%dma_start3A_39] : memref<32768xf32, #tpu.memory_space<vmem>> -> memref<8192xf32, #tpu.memory_space<vmem>>
    %dma_start3A_41 = tpu.memref_slice %arg3[%mul3A_35] : memref<1048576xf32, #tpu.memory_space<hbm>> -> memref<8192xf32, #tpu.memory_space<hbm>>
    tpu.enqueue_dma source(%dma_start3A_41 : memref<8192xf32, #tpu.memory_space<hbm>>) target(%dma_start3A_40 : memref<8192xf32, #tpu.memory_space<vmem>>) target_semaphore(%arg9 : memref<!tpu.dma_semaphore, #tpu.memory_space<semaphore_mem>>)
    %add3A_42 = arith.constant 256 : i32
    %add3A_43 = arith.addi %mul3A_2, %add3A_42 : i32
    %mul3A_44 = arith.constant 64 : i32
    %mul3A_45 = arith.muli %add3A_43, %mul3A_44 : i32
    %dma_start3A_46 = arith.constant 16384 : i32
    %dma_start3A_47 = tpu.memref_slice %arg5[%dma_start3A_46] : memref<32768xf32, #tpu.memory_space<vmem>> -> memref<8192xf32, #tpu.memory_space<vmem>>
    %dma_start3A_48 = tpu.memref_slice %arg2[%mul3A_45] : memref<1048576xf32, #tpu.memory_space<hbm>> -> memref<8192xf32, #tpu.memory_space<hbm>>
    %dma_start3A_49 = arith.constant 16384 : i32
    %dma_start3A_50 = tpu.memref_slice %arg5[%dma_start3A_49] : memref<32768xf32, #tpu.memory_space<vmem>> -> memref<8192xf32, #tpu.memory_space<vmem>>
    %dma_start3A_51 = tpu.memref_slice %arg2[%mul3A_45] : memref<1048576xf32, #tpu.memory_space<hbm>> -> memref<8192xf32, #tpu.memory_space<hbm>>
    tpu.enqueue_dma source(%dma_start3A_51 : memref<8192xf32, #tpu.memory_space<hbm>>) target(%dma_start3A_50 : memref<8192xf32, #tpu.memory_space<vmem>>) target_semaphore(%arg8 : memref<!tpu.dma_semaphore, #tpu.memory_space<semaphore_mem>>)
    %add3A_52 = arith.constant 256 : i32
    %add3A_53 = arith.addi %mul3A_2, %add3A_52 : i32
    %mul3A_54 = arith.constant 64 : i32
    %mul3A_55 = arith.muli %add3A_53, %mul3A_54 : i32
    %dma_start3A_56 = arith.constant 16384 : i32
    %dma_start3A_57 = tpu.memref_slice %arg6[%dma_start3A_56] : memref<32768xf32, #tpu.memory_space<vmem>> -> memref<8192xf32, #tpu.memory_space<vmem>>
    %dma_start3A_58 = tpu.memref_slice %arg3[%mul3A_55] : memref<1048576xf32, #tpu.memory_space<hbm>> -> memref<8192xf32, #tpu.memory_space<hbm>>
    %dma_start3A_59 = arith.constant 16384 : i32
    %dma_start3A_60 = tpu.memref_slice %arg6[%dma_start3A_59] : memref<32768xf32, #tpu.memory_space<vmem>> -> memref<8192xf32, #tpu.memory_space<vmem>>
    %dma_start3A_61 = tpu.memref_slice %arg3[%mul3A_55] : memref<1048576xf32, #tpu.memory_space<hbm>> -> memref<8192xf32, #tpu.memory_space<hbm>>
    tpu.enqueue_dma source(%dma_start3A_61 : memref<8192xf32, #tpu.memory_space<hbm>>) target(%dma_start3A_60 : memref<8192xf32, #tpu.memory_space<vmem>>) target_semaphore(%arg9 : memref<!tpu.dma_semaphore, #tpu.memory_space<semaphore_mem>>)
    %add3A_62 = arith.constant 384 : i32
    %add3A_63 = arith.addi %mul3A_2, %add3A_62 : i32
    %mul3A_64 = arith.constant 64 : i32
    %mul3A_65 = arith.muli %add3A_63, %mul3A_64 : i32
    %dma_start3A_66 = arith.constant 24576 : i32
    %dma_start3A_67 = tpu.memref_slice %arg5[%dma_start3A_66] : memref<32768xf32, #tpu.memory_space<vmem>> -> memref<8192xf32, #tpu.memory_space<vmem>>
    %dma_start3A_68 = tpu.memref_slice %arg2[%mul3A_65] : memref<1048576xf32, #tpu.memory_space<hbm>> -> memref<8192xf32, #tpu.memory_space<hbm>>
    %dma_start3A_69 = arith.constant 24576 : i32
    %dma_start3A_70 = tpu.memref_slice %arg5[%dma_start3A_69] : memref<32768xf32, #tpu.memory_space<vmem>> -> memref<8192xf32, #tpu.memory_space<vmem>>
    %dma_start3A_71 = tpu.memref_slice %arg2[%mul3A_65] : memref<1048576xf32, #tpu.memory_space<hbm>> -> memref<8192xf32, #tpu.memory_space<hbm>>
    tpu.enqueue_dma source(%dma_start3A_71 : memref<8192xf32, #tpu.memory_space<hbm>>) target(%dma_start3A_70 : memref<8192xf32, #tpu.memory_space<vmem>>) target_semaphore(%arg8 : memref<!tpu.dma_semaphore, #tpu.memory_space<semaphore_mem>>)
    %add3A_72 = arith.constant 384 : i32
    %add3A_73 = arith.addi %mul3A_2, %add3A_72 : i32
    %mul3A_74 = arith.constant 64 : i32
    %mul3A_75 = arith.muli %add3A_73, %mul3A_74 : i32
    %dma_start3A_76 = arith.constant 24576 : i32
    %dma_start3A_77 = tpu.memref_slice %arg6[%dma_start3A_76] : memref<32768xf32, #tpu.memory_space<vmem>> -> memref<8192xf32, #tpu.memory_space<vmem>>
    %dma_start3A_78 = tpu.memref_slice %arg3[%mul3A_75] : memref<1048576xf32, #tpu.memory_space<hbm>> -> memref<8192xf32, #tpu.memory_space<hbm>>
    %dma_start3A_79 = arith.constant 24576 : i32
    %dma_start3A_80 = tpu.memref_slice %arg6[%dma_start3A_79] : memref<32768xf32, #tpu.memory_space<vmem>> -> memref<8192xf32, #tpu.memory_space<vmem>>
    %dma_start3A_81 = tpu.memref_slice %arg3[%mul3A_75] : memref<1048576xf32, #tpu.memory_space<hbm>> -> memref<8192xf32, #tpu.memory_space<hbm>>
    tpu.enqueue_dma source(%dma_start3A_81 : memref<8192xf32, #tpu.memory_space<hbm>>) target(%dma_start3A_80 : memref<8192xf32, #tpu.memory_space<vmem>>) target_semaphore(%arg9 : memref<!tpu.dma_semaphore, #tpu.memory_space<semaphore_mem>>)
    %dma_wait3A = arith.constant 0 : i32
    %dma_wait3A_82 = tpu.memref_slice %arg5[%dma_wait3A] : memref<32768xf32, #tpu.memory_space<vmem>> -> memref<8192xf32, #tpu.memory_space<vmem>>
    %dma_wait3A_83 = arith.constant 0 : i32
    %dma_wait3A_84 = tpu.memref_slice %arg2[%dma_wait3A_83] : memref<1048576xf32, #tpu.memory_space<hbm>> -> memref<8192xf32, #tpu.memory_space<hbm>>
    %dma_wait3A_85 = arith.constant 0 : i32
    %dma_wait3A_86 = tpu.memref_slice %arg5[%dma_wait3A_85] : memref<32768xf32, #tpu.memory_space<vmem>> -> memref<8192xf32, #tpu.memory_space<vmem>>
    %dma_wait3A_87 = arith.constant 0 : i32
    %dma_wait3A_88 = tpu.memref_slice %arg2[%dma_wait3A_87] : memref<1048576xf32, #tpu.memory_space<hbm>> -> memref<8192xf32, #tpu.memory_space<hbm>>
    tpu.wait_dma2 semaphore(%arg8 : memref<!tpu.dma_semaphore, #tpu.memory_space<semaphore_mem>>) src(%dma_wait3A_88 : memref<8192xf32, #tpu.memory_space<hbm>>) dst(%dma_wait3A_86 : memref<8192xf32, #tpu.memory_space<vmem>>)
    %dma_wait3A_89 = arith.constant 0 : i32
    %dma_wait3A_90 = tpu.memref_slice %arg6[%dma_wait3A_89] : memref<32768xf32, #tpu.memory_space<vmem>> -> memref<8192xf32, #tpu.memory_space<vmem>>
    %dma_wait3A_91 = arith.constant 0 : i32
    %dma_wait3A_92 = tpu.memref_slice %arg3[%dma_wait3A_91] : memref<1048576xf32, #tpu.memory_space<hbm>> -> memref<8192xf32, #tpu.memory_space<hbm>>
    %dma_wait3A_93 = arith.constant 0 : i32
    %dma_wait3A_94 = tpu.memref_slice %arg6[%dma_wait3A_93] : memref<32768xf32, #tpu.memory_space<vmem>> -> memref<8192xf32, #tpu.memory_space<vmem>>
    %dma_wait3A_95 = arith.constant 0 : i32
    %dma_wait3A_96 = tpu.memref_slice %arg3[%dma_wait3A_95] : memref<1048576xf32, #tpu.memory_space<hbm>> -> memref<8192xf32, #tpu.memory_space<hbm>>
    tpu.wait_dma2 semaphore(%arg9 : memref<!tpu.dma_semaphore, #tpu.memory_space<semaphore_mem>>) src(%dma_wait3A_96 : memref<8192xf32, #tpu.memory_space<hbm>>) dst(%dma_wait3A_94 : memref<8192xf32, #tpu.memory_space<vmem>>)
    %scan3A = arith.constant 0 : i32
    %scan3A_97 = arith.constant 0 : i32
    %scan3A_98 = arith.constant 8 : i32
    %scan3A_99 = arith.addi %scan3A_97, %scan3A_98 : i32
    %scan3A_100 = arith.constant 1 : i32
    %scan3A_101 = scf.for %scan3A_172 = %scan3A_97 to %scan3A_99 step %scan3A_100 iter_args(%scan3A_173 = %scan3A) -> (i32)  : i32 {
      %mul3A_174 = arith.constant 16 : i32
      %mul3A_175 = arith.muli %scan3A_172, %mul3A_174 : i32
      %add3A_176 = arith.constant 0 : i32
      %add3A_177 = arith.addi %add3A_176, %mul3A_175 : i32
      %add3A_178 = vector.broadcast %add3A_177 : i32 to vector<16xi32>
      %add3A_179 = arith.addi %add3A_178, %iota3A : vector<16xi32>
      %mul3A_180 = arith.constant 64 : i32
      %mul3A_181 = vector.broadcast %mul3A_180 : i32 to vector<16xi32>
      %mul3A_182 = arith.muli %add3A_179, %mul3A_181 : vector<16xi32>
      %broadcast_in_dim3A = arith.constant 0.000000e+00 : f32
      %broadcast_in_dim3A_183 = vector.broadcast %broadcast_in_dim3A : f32 to vector<16xf32>
      %scan3A_184 = arith.constant 0 : i32
      %scan3A_185 = arith.constant 64 : i32
      %scan3A_186 = arith.addi %scan3A_184, %scan3A_185 : i32
      %scan3A_187 = arith.constant 4 : i32
      %scan3A_188 = scf.for %scan3A_196 = %scan3A_184 to %scan3A_186 step %scan3A_187 iter_args(%scan3A_197 = %broadcast_in_dim3A_183) -> (vector<16xf32>)  : i32 {
        %add3A_198 = vector.broadcast %scan3A_196 : i32 to vector<16xi32>
        %add3A_199 = arith.addi %mul3A_182, %add3A_198 : vector<16xi32>
        %gather3A = tpu.vector_load_idx %arg5[%add3A_199] : memref<32768xf32, #tpu.memory_space<vmem>>[vector<16xi32>], vector<16xf32>,
        %gather3A_200 = tpu.vector_load_idx %arg6[%add3A_199] : memref<32768xf32, #tpu.memory_space<vmem>>[vector<16xi32>], vector<16xf32>,
        %mul3A_201 = arith.mulf %gather3A, %gather3A_200 : vector<16xf32>
        %add3A_202 = arith.addf %scan3A_197, %mul3A_201 : vector<16xf32>
        %scan3A_203 = arith.constant 1 : i32
        %scan3A_204 = arith.addi %scan3A_196, %scan3A_203 : i32
        %add3A_205 = vector.broadcast %scan3A_204 : i32 to vector<16xi32>
        %add3A_206 = arith.addi %mul3A_182, %add3A_205 : vector<16xi32>
        %gather3A_207 = tpu.vector_load_idx %arg5[%add3A_206] : memref<32768xf32, #tpu.memory_space<vmem>>[vector<16xi32>], vector<16xf32>,
        %gather3A_208 = tpu.vector_load_idx %arg6[%add3A_206] : memref<32768xf32, #tpu.memory_space<vmem>>[vector<16xi32>], vector<16xf32>,
        %mul3A_209 = arith.mulf %gather3A_207, %gather3A_208 : vector<16xf32>
        %add3A_210 = arith.addf %add3A_202, %mul3A_209 : vector<16xf32>
        %scan3A_211 = arith.constant 2 : i32
        %scan3A_212 = arith.addi %scan3A_196, %scan3A_211 : i32
        %add3A_213 = vector.broadcast %scan3A_212 : i32 to vector<16xi32>
        %add3A_214 = arith.addi %mul3A_182, %add3A_213 : vector<16xi32>
        %gather3A_215 = tpu.vector_load_idx %arg5[%add3A_214] : memref<32768xf32, #tpu.memory_space<vmem>>[vector<16xi32>], vector<16xf32>,
        %gather3A_216 = tpu.vector_load_idx %arg6[%add3A_214] : memref<32768xf32, #tpu.memory_space<vmem>>[vector<16xi32>], vector<16xf32>,
        %mul3A_217 = arith.mulf %gather3A_215, %gather3A_216 : vector<16xf32>
        %add3A_218 = arith.addf %add3A_210, %mul3A_217 : vector<16xf32>
        %scan3A_219 = arith.constant 3 : i32
        %scan3A_220 = arith.addi %scan3A_196, %scan3A_219 : i32
        %add3A_221 = vector.broadcast %scan3A_220 : i32 to vector<16xi32>
        %add3A_222 = arith.addi %mul3A_182, %add3A_221 : vector<16xi32>
        %gather3A_223 = tpu.vector_load_idx %arg5[%add3A_222] : memref<32768xf32, #tpu.memory_space<vmem>>[vector<16xi32>], vector<16xf32>,
        %gather3A_224 = tpu.vector_load_idx %arg6[%add3A_222] : memref<32768xf32, #tpu.memory_space<vmem>>[vector<16xi32>], vector<16xf32>,
        %mul3A_225 = arith.mulf %gather3A_223, %gather3A_224 : vector<16xf32>
        %add3A_226 = arith.addf %add3A_218, %mul3A_225 : vector<16xf32>
        scf.yield %add3A_226 : vector<16xf32>
      }
      %scan3A_189 = arith.constant 64 : i32
      %mul3A_190 = arith.constant 16 : i32
      %mul3A_191 = arith.muli %scan3A_172, %mul3A_190 : i32
      %add3A_192 = arith.constant 0 : i32
      %add3A_193 = arith.addi %add3A_192, %mul3A_191 : i32
      %swap3A = arith.index_cast %add3A_193 : i32 to index
      %swap3A_194 = tpu.vector_load %arg7[%swap3A] {strides = array<i32>} : memref<512xf32, #tpu.memory_space<vmem>>, vector<16xf32>,
      tpu.vector_store %arg7[%swap3A], %scan3A_188 {strides = array<i32>} : memref<512xf32, #tpu.memory_space<vmem>>, vector<16xf32>,
      %scan3A_195 = arith.constant 0 : i32
      scf.yield %scan3A_195 : i32
    }
    %scan3A_102 = arith.constant 8 : i32
    %dma_wait3A_103 = arith.constant 0 : i32
    %dma_wait3A_104 = tpu.memref_slice %arg5[%dma_wait3A_103] : memref<32768xf32, #tpu.memory_space<vmem>> -> memref<8192xf32, #tpu.memory_space<vmem>>
    %dma_wait3A_105 = arith.constant 0 : i32
    %dma_wait3A_106 = tpu.memref_slice %arg2[%dma_wait3A_105] : memref<1048576xf32, #tpu.memory_space<hbm>> -> memref<8192xf32, #tpu.memory_space<hbm>>
    %dma_wait3A_107 = arith.constant 0 : i32
    %dma_wait3A_108 = tpu.memref_slice %arg5[%dma_wait3A_107] : memref<32768xf32, #tpu.memory_space<vmem>> -> memref<8192xf32, #tpu.memory_space<vmem>>
    %dma_wait3A_109 = arith.constant 0 : i32
    %dma_wait3A_110 = tpu.memref_slice %arg2[%dma_wait3A_109] : memref<1048576xf32, #tpu.memory_space<hbm>> -> memref<8192xf32, #tpu.memory_space<hbm>>
    tpu.wait_dma2 semaphore(%arg8 : memref<!tpu.dma_semaphore, #tpu.memory_space<semaphore_mem>>) src(%dma_wait3A_110 : memref<8192xf32, #tpu.memory_space<hbm>>) dst(%dma_wait3A_108 : memref<8192xf32, #tpu.memory_space<vmem>>)
    %dma_wait3A_111 = arith.constant 0 : i32
    %dma_wait3A_112 = tpu.memref_slice %arg6[%dma_wait3A_111] : memref<32768xf32, #tpu.memory_space<vmem>> -> memref<8192xf32, #tpu.memory_space<vmem>>
    %dma_wait3A_113 = arith.constant 0 : i32
    %dma_wait3A_114 = tpu.memref_slice %arg3[%dma_wait3A_113] : memref<1048576xf32, #tpu.memory_space<hbm>> -> memref<8192xf32, #tpu.memory_space<hbm>>
    %dma_wait3A_115 = arith.constant 0 : i32
    %dma_wait3A_116 = tpu.memref_slice %arg6[%dma_wait3A_115] : memref<32768xf32, #tpu.memory_space<vmem>> -> memref<8192xf32, #tpu.memory_space<vmem>>
    %dma_wait3A_117 = arith.constant 0 : i32
    %dma_wait3A_118 = tpu.memref_slice %arg3[%dma_wait3A_117] : memref<1048576xf32, #tpu.memory_space<hbm>> -> memref<8192xf32, #tpu.memory_space<hbm>>
    tpu.wait_dma2 semaphore(%arg9 : memref<!tpu.dma_semaphore, #tpu.memory_space<semaphore_mem>>) src(%dma_wait3A_118 : memref<8192xf32, #tpu.memory_space<hbm>>) dst(%dma_wait3A_116 : memref<8192xf32, #tpu.memory_space<vmem>>)
    %scan3A_119 = arith.constant 0 : i32
    %scan3A_120 = arith.constant 0 : i32
    %scan3A_121 = arith.constant 8 : i32
    %scan3A_122 = arith.addi %scan3A_120, %scan3A_121 : i32
    %scan3A_123 = arith.constant 1 : i32
    %scan3A_124 = scf.for %scan3A_172 = %scan3A_120 to %scan3A_122 step %scan3A_123 iter_args(%scan3A_173 = %scan3A_119) -> (i32)  : i32 {
      %mul3A_174 = arith.constant 16 : i32
      %mul3A_175 = arith.muli %scan3A_172, %mul3A_174 : i32
      %add3A_176 = arith.constant 128 : i32
      %add3A_177 = arith.addi %add3A_176, %mul3A_175 : i32
      %add3A_178 = vector.broadcast %add3A_177 : i32 to vector<16xi32>
      %add3A_179 = arith.addi %add3A_178, %iota3A : vector<16xi32>
      %mul3A_180 = arith.constant 64 : i32
      %mul3A_181 = vector.broadcast %mul3A_180 : i32 to vector<16xi32>
      %mul3A_182 = arith.muli %add3A_179, %mul3A_181 : vector<16xi32>
      %broadcast_in_dim3A = arith.constant 0.000000e+00 : f32
      %broadcast_in_dim3A_183 = vector.broadcast %broadcast_in_dim3A : f32 to vector<16xf32>
      %scan3A_184 = arith.constant 0 : i32
      %scan3A_185 = arith.constant 64 : i32
      %scan3A_186 = arith.addi %scan3A_184, %scan3A_185 : i32
      %scan3A_187 = arith.constant 4 : i32
      %scan3A_188 = scf.for %scan3A_196 = %scan3A_184 to %scan3A_186 step %scan3A_187 iter_args(%scan3A_197 = %broadcast_in_dim3A_183) -> (vector<16xf32>)  : i32 {
        %add3A_198 = vector.broadcast %scan3A_196 : i32 to vector<16xi32>
        %add3A_199 = arith.addi %mul3A_182, %add3A_198 : vector<16xi32>
        %gather3A = tpu.vector_load_idx %arg5[%add3A_199] : memref<32768xf32, #tpu.memory_space<vmem>>[vector<16xi32>], vector<16xf32>,
        %gather3A_200 = tpu.vector_load_idx %arg6[%add3A_199] : memref<32768xf32, #tpu.memory_space<vmem>>[vector<16xi32>], vector<16xf32>,
        %mul3A_201 = arith.mulf %gather3A, %gather3A_200 : vector<16xf32>
        %add3A_202 = arith.addf %scan3A_197, %mul3A_201 : vector<16xf32>
        %scan3A_203 = arith.constant 1 : i32
        %scan3A_204 = arith.addi %scan3A_196, %scan3A_203 : i32
        %add3A_205 = vector.broadcast %scan3A_204 : i32 to vector<16xi32>
        %add3A_206 = arith.addi %mul3A_182, %add3A_205 : vector<16xi32>
        %gather3A_207 = tpu.vector_load_idx %arg5[%add3A_206] : memref<32768xf32, #tpu.memory_space<vmem>>[vector<16xi32>], vector<16xf32>,
        %gather3A_208 = tpu.vector_load_idx %arg6[%add3A_206] : memref<32768xf32, #tpu.memory_space<vmem>>[vector<16xi32>], vector<16xf32>,
        %mul3A_209 = arith.mulf %gather3A_207, %gather3A_208 : vector<16xf32>
        %add3A_210 = arith.addf %add3A_202, %mul3A_209 : vector<16xf32>
        %scan3A_211 = arith.constant 2 : i32
        %scan3A_212 = arith.addi %scan3A_196, %scan3A_211 : i32
        %add3A_213 = vector.broadcast %scan3A_212 : i32 to vector<16xi32>
        %add3A_214 = arith.addi %mul3A_182, %add3A_213 : vector<16xi32>
        %gather3A_215 = tpu.vector_load_idx %arg5[%add3A_214] : memref<32768xf32, #tpu.memory_space<vmem>>[vector<16xi32>], vector<16xf32>,
        %gather3A_216 = tpu.vector_load_idx %arg6[%add3A_214] : memref<32768xf32, #tpu.memory_space<vmem>>[vector<16xi32>], vector<16xf32>,
        %mul3A_217 = arith.mulf %gather3A_215, %gather3A_216 : vector<16xf32>
        %add3A_218 = arith.addf %add3A_210, %mul3A_217 : vector<16xf32>
        %scan3A_219 = arith.constant 3 : i32
        %scan3A_220 = arith.addi %scan3A_196, %scan3A_219 : i32
        %add3A_221 = vector.broadcast %scan3A_220 : i32 to vector<16xi32>
        %add3A_222 = arith.addi %mul3A_182, %add3A_221 : vector<16xi32>
        %gather3A_223 = tpu.vector_load_idx %arg5[%add3A_222] : memref<32768xf32, #tpu.memory_space<vmem>>[vector<16xi32>], vector<16xf32>,
        %gather3A_224 = tpu.vector_load_idx %arg6[%add3A_222] : memref<32768xf32, #tpu.memory_space<vmem>>[vector<16xi32>], vector<16xf32>,
        %mul3A_225 = arith.mulf %gather3A_223, %gather3A_224 : vector<16xf32>
        %add3A_226 = arith.addf %add3A_218, %mul3A_225 : vector<16xf32>
        scf.yield %add3A_226 : vector<16xf32>
      }
      %scan3A_189 = arith.constant 64 : i32
      %mul3A_190 = arith.constant 16 : i32
      %mul3A_191 = arith.muli %scan3A_172, %mul3A_190 : i32
      %add3A_192 = arith.constant 128 : i32
      %add3A_193 = arith.addi %add3A_192, %mul3A_191 : i32
      %swap3A = arith.index_cast %add3A_193 : i32 to index
      %swap3A_194 = tpu.vector_load %arg7[%swap3A] {strides = array<i32>} : memref<512xf32, #tpu.memory_space<vmem>>, vector<16xf32>,
      tpu.vector_store %arg7[%swap3A], %scan3A_188 {strides = array<i32>} : memref<512xf32, #tpu.memory_space<vmem>>, vector<16xf32>,
      %scan3A_195 = arith.constant 0 : i32
      scf.yield %scan3A_195 : i32
    }
    %scan3A_125 = arith.constant 8 : i32
    %dma_wait3A_126 = arith.constant 0 : i32
    %dma_wait3A_127 = tpu.memref_slice %arg5[%dma_wait3A_126] : memref<32768xf32, #tpu.memory_space<vmem>> -> memref<8192xf32, #tpu.memory_space<vmem>>
    %dma_wait3A_128 = arith.constant 0 : i32
    %dma_wait3A_129 = tpu.memref_slice %arg2[%dma_wait3A_128] : memref<1048576xf32, #tpu.memory_space<hbm>> -> memref<8192xf32, #tpu.memory_space<hbm>>
    %dma_wait3A_130 = arith.constant 0 : i32
    %dma_wait3A_131 = tpu.memref_slice %arg5[%dma_wait3A_130] : memref<32768xf32, #tpu.memory_space<vmem>> -> memref<8192xf32, #tpu.memory_space<vmem>>
    %dma_wait3A_132 = arith.constant 0 : i32
    %dma_wait3A_133 = tpu.memref_slice %arg2[%dma_wait3A_132] : memref<1048576xf32, #tpu.memory_space<hbm>> -> memref<8192xf32, #tpu.memory_space<hbm>>
    tpu.wait_dma2 semaphore(%arg8 : memref<!tpu.dma_semaphore, #tpu.memory_space<semaphore_mem>>) src(%dma_wait3A_133 : memref<8192xf32, #tpu.memory_space<hbm>>) dst(%dma_wait3A_131 : memref<8192xf32, #tpu.memory_space<vmem>>)
    %dma_wait3A_134 = arith.constant 0 : i32
    %dma_wait3A_135 = tpu.memref_slice %arg6[%dma_wait3A_134] : memref<32768xf32, #tpu.memory_space<vmem>> -> memref<8192xf32, #tpu.memory_space<vmem>>
    %dma_wait3A_136 = arith.constant 0 : i32
    %dma_wait3A_137 = tpu.memref_slice %arg3[%dma_wait3A_136] : memref<1048576xf32, #tpu.memory_space<hbm>> -> memref<8192xf32, #tpu.memory_space<hbm>>
    %dma_wait3A_138 = arith.constant 0 : i32
    %dma_wait3A_139 = tpu.memref_slice %arg6[%dma_wait3A_138] : memref<32768xf32, #tpu.memory_space<vmem>> -> memref<8192xf32, #tpu.memory_space<vmem>>
    %dma_wait3A_140 = arith.constant 0 : i32
    %dma_wait3A_141 = tpu.memref_slice %arg3[%dma_wait3A_140] : memref<1048576xf32, #tpu.memory_space<hbm>> -> memref<8192xf32, #tpu.memory_space<hbm>>
    tpu.wait_dma2 semaphore(%arg9 : memref<!tpu.dma_semaphore, #tpu.memory_space<semaphore_mem>>) src(%dma_wait3A_141 : memref<8192xf32, #tpu.memory_space<hbm>>) dst(%dma_wait3A_139 : memref<8192xf32, #tpu.memory_space<vmem>>)
    %scan3A_142 = arith.constant 0 : i32
    %scan3A_143 = arith.constant 0 : i32
    %scan3A_144 = arith.constant 8 : i32
    %scan3A_145 = arith.addi %scan3A_143, %scan3A_144 : i32
    %scan3A_146 = arith.constant 1 : i32
    %scan3A_147 = scf.for %scan3A_172 = %scan3A_143 to %scan3A_145 step %scan3A_146 iter_args(%scan3A_173 = %scan3A_142) -> (i32)  : i32 {
      %mul3A_174 = arith.constant 16 : i32
      %mul3A_175 = arith.muli %scan3A_172, %mul3A_174 : i32
      %add3A_176 = arith.constant 256 : i32
      %add3A_177 = arith.addi %add3A_176, %mul3A_175 : i32
      %add3A_178 = vector.broadcast %add3A_177 : i32 to vector<16xi32>
      %add3A_179 = arith.addi %add3A_178, %iota3A : vector<16xi32>
      %mul3A_180 = arith.constant 64 : i32
      %mul3A_181 = vector.broadcast %mul3A_180 : i32 to vector<16xi32>
      %mul3A_182 = arith.muli %add3A_179, %mul3A_181 : vector<16xi32>
      %broadcast_in_dim3A = arith.constant 0.000000e+00 : f32
      %broadcast_in_dim3A_183 = vector.broadcast %broadcast_in_dim3A : f32 to vector<16xf32>
      %scan3A_184 = arith.constant 0 : i32
      %scan3A_185 = arith.constant 64 : i32
      %scan3A_186 = arith.addi %scan3A_184, %scan3A_185 : i32
      %scan3A_187 = arith.constant 4 : i32
      %scan3A_188 = scf.for %scan3A_196 = %scan3A_184 to %scan3A_186 step %scan3A_187 iter_args(%scan3A_197 = %broadcast_in_dim3A_183) -> (vector<16xf32>)  : i32 {
        %add3A_198 = vector.broadcast %scan3A_196 : i32 to vector<16xi32>
        %add3A_199 = arith.addi %mul3A_182, %add3A_198 : vector<16xi32>
        %gather3A = tpu.vector_load_idx %arg5[%add3A_199] : memref<32768xf32, #tpu.memory_space<vmem>>[vector<16xi32>], vector<16xf32>,
        %gather3A_200 = tpu.vector_load_idx %arg6[%add3A_199] : memref<32768xf32, #tpu.memory_space<vmem>>[vector<16xi32>], vector<16xf32>,
        %mul3A_201 = arith.mulf %gather3A, %gather3A_200 : vector<16xf32>
        %add3A_202 = arith.addf %scan3A_197, %mul3A_201 : vector<16xf32>
        %scan3A_203 = arith.constant 1 : i32
        %scan3A_204 = arith.addi %scan3A_196, %scan3A_203 : i32
        %add3A_205 = vector.broadcast %scan3A_204 : i32 to vector<16xi32>
        %add3A_206 = arith.addi %mul3A_182, %add3A_205 : vector<16xi32>
        %gather3A_207 = tpu.vector_load_idx %arg5[%add3A_206] : memref<32768xf32, #tpu.memory_space<vmem>>[vector<16xi32>], vector<16xf32>,
        %gather3A_208 = tpu.vector_load_idx %arg6[%add3A_206] : memref<32768xf32, #tpu.memory_space<vmem>>[vector<16xi32>], vector<16xf32>,
        %mul3A_209 = arith.mulf %gather3A_207, %gather3A_208 : vector<16xf32>
        %add3A_210 = arith.addf %add3A_202, %mul3A_209 : vector<16xf32>
        %scan3A_211 = arith.constant 2 : i32
        %scan3A_212 = arith.addi %scan3A_196, %scan3A_211 : i32
        %add3A_213 = vector.broadcast %scan3A_212 : i32 to vector<16xi32>
        %add3A_214 = arith.addi %mul3A_182, %add3A_213 : vector<16xi32>
        %gather3A_215 = tpu.vector_load_idx %arg5[%add3A_214] : memref<32768xf32, #tpu.memory_space<vmem>>[vector<16xi32>], vector<16xf32>,
        %gather3A_216 = tpu.vector_load_idx %arg6[%add3A_214] : memref<32768xf32, #tpu.memory_space<vmem>>[vector<16xi32>], vector<16xf32>,
        %mul3A_217 = arith.mulf %gather3A_215, %gather3A_216 : vector<16xf32>
        %add3A_218 = arith.addf %add3A_210, %mul3A_217 : vector<16xf32>
        %scan3A_219 = arith.constant 3 : i32
        %scan3A_220 = arith.addi %scan3A_196, %scan3A_219 : i32
        %add3A_221 = vector.broadcast %scan3A_220 : i32 to vector<16xi32>
        %add3A_222 = arith.addi %mul3A_182, %add3A_221 : vector<16xi32>
        %gather3A_223 = tpu.vector_load_idx %arg5[%add3A_222] : memref<32768xf32, #tpu.memory_space<vmem>>[vector<16xi32>], vector<16xf32>,
        %gather3A_224 = tpu.vector_load_idx %arg6[%add3A_222] : memref<32768xf32, #tpu.memory_space<vmem>>[vector<16xi32>], vector<16xf32>,
        %mul3A_225 = arith.mulf %gather3A_223, %gather3A_224 : vector<16xf32>
        %add3A_226 = arith.addf %add3A_218, %mul3A_225 : vector<16xf32>
        scf.yield %add3A_226 : vector<16xf32>
      }
      %scan3A_189 = arith.constant 64 : i32
      %mul3A_190 = arith.constant 16 : i32
      %mul3A_191 = arith.muli %scan3A_172, %mul3A_190 : i32
      %add3A_192 = arith.constant 256 : i32
      %add3A_193 = arith.addi %add3A_192, %mul3A_191 : i32
      %swap3A = arith.index_cast %add3A_193 : i32 to index
      %swap3A_194 = tpu.vector_load %arg7[%swap3A] {strides = array<i32>} : memref<512xf32, #tpu.memory_space<vmem>>, vector<16xf32>,
      tpu.vector_store %arg7[%swap3A], %scan3A_188 {strides = array<i32>} : memref<512xf32, #tpu.memory_space<vmem>>, vector<16xf32>,
      %scan3A_195 = arith.constant 0 : i32
      scf.yield %scan3A_195 : i32
    }
    %scan3A_148 = arith.constant 8 : i32
    %dma_wait3A_149 = arith.constant 0 : i32
    %dma_wait3A_150 = tpu.memref_slice %arg5[%dma_wait3A_149] : memref<32768xf32, #tpu.memory_space<vmem>> -> memref<8192xf32, #tpu.memory_space<vmem>>
    %dma_wait3A_151 = arith.constant 0 : i32
    %dma_wait3A_152 = tpu.memref_slice %arg2[%dma_wait3A_151] : memref<1048576xf32, #tpu.memory_space<hbm>> -> memref<8192xf32, #tpu.memory_space<hbm>>
    %dma_wait3A_153 = arith.constant 0 : i32
    %dma_wait3A_154 = tpu.memref_slice %arg5[%dma_wait3A_153] : memref<32768xf32, #tpu.memory_space<vmem>> -> memref<8192xf32, #tpu.memory_space<vmem>>
    %dma_wait3A_155 = arith.constant 0 : i32
    %dma_wait3A_156 = tpu.memref_slice %arg2[%dma_wait3A_155] : memref<1048576xf32, #tpu.memory_space<hbm>> -> memref<8192xf32, #tpu.memory_space<hbm>>
    tpu.wait_dma2 semaphore(%arg8 : memref<!tpu.dma_semaphore, #tpu.memory_space<semaphore_mem>>) src(%dma_wait3A_156 : memref<8192xf32, #tpu.memory_space<hbm>>) dst(%dma_wait3A_154 : memref<8192xf32, #tpu.memory_space<vmem>>)
    %dma_wait3A_157 = arith.constant 0 : i32
    %dma_wait3A_158 = tpu.memref_slice %arg6[%dma_wait3A_157] : memref<32768xf32, #tpu.memory_space<vmem>> -> memref<8192xf32, #tpu.memory_space<vmem>>
    %dma_wait3A_159 = arith.constant 0 : i32
    %dma_wait3A_160 = tpu.memref_slice %arg3[%dma_wait3A_159] : memref<1048576xf32, #tpu.memory_space<hbm>> -> memref<8192xf32, #tpu.memory_space<hbm>>
    %dma_wait3A_161 = arith.constant 0 : i32
    %dma_wait3A_162 = tpu.memref_slice %arg6[%dma_wait3A_161] : memref<32768xf32, #tpu.memory_space<vmem>> -> memref<8192xf32, #tpu.memory_space<vmem>>
    %dma_wait3A_163 = arith.constant 0 : i32
    %dma_wait3A_164 = tpu.memref_slice %arg3[%dma_wait3A_163] : memref<1048576xf32, #tpu.memory_space<hbm>> -> memref<8192xf32, #tpu.memory_space<hbm>>
    tpu.wait_dma2 semaphore(%arg9 : memref<!tpu.dma_semaphore, #tpu.memory_space<semaphore_mem>>) src(%dma_wait3A_164 : memref<8192xf32, #tpu.memory_space<hbm>>) dst(%dma_wait3A_162 : memref<8192xf32, #tpu.memory_space<vmem>>)
    %scan3A_165 = arith.constant 0 : i32
    %scan3A_166 = arith.constant 0 : i32
    %scan3A_167 = arith.constant 8 : i32
    %scan3A_168 = arith.addi %scan3A_166, %scan3A_167 : i32
    %scan3A_169 = arith.constant 1 : i32
    %scan3A_170 = scf.for %scan3A_172 = %scan3A_166 to %scan3A_168 step %scan3A_169 iter_args(%scan3A_173 = %scan3A_165) -> (i32)  : i32 {
      %mul3A_174 = arith.constant 16 : i32
      %mul3A_175 = arith.muli %scan3A_172, %mul3A_174 : i32
      %add3A_176 = arith.constant 384 : i32
      %add3A_177 = arith.addi %add3A_176, %mul3A_175 : i32
      %add3A_178 = vector.broadcast %add3A_177 : i32 to vector<16xi32>
      %add3A_179 = arith.addi %add3A_178, %iota3A : vector<16xi32>
      %mul3A_180 = arith.constant 64 : i32
      %mul3A_181 = vector.broadcast %mul3A_180 : i32 to vector<16xi32>
      %mul3A_182 = arith.muli %add3A_179, %mul3A_181 : vector<16xi32>
      %broadcast_in_dim3A = arith.constant 0.000000e+00 : f32
      %broadcast_in_dim3A_183 = vector.broadcast %broadcast_in_dim3A : f32 to vector<16xf32>
      %scan3A_184 = arith.constant 0 : i32
      %scan3A_185 = arith.constant 64 : i32
      %scan3A_186 = arith.addi %scan3A_184, %scan3A_185 : i32
      %scan3A_187 = arith.constant 4 : i32
      %scan3A_188 = scf.for %scan3A_196 = %scan3A_184 to %scan3A_186 step %scan3A_187 iter_args(%scan3A_197 = %broadcast_in_dim3A_183) -> (vector<16xf32>)  : i32 {
        %add3A_198 = vector.broadcast %scan3A_196 : i32 to vector<16xi32>
        %add3A_199 = arith.addi %mul3A_182, %add3A_198 : vector<16xi32>
        %gather3A = tpu.vector_load_idx %arg5[%add3A_199] : memref<32768xf32, #tpu.memory_space<vmem>>[vector<16xi32>], vector<16xf32>,
        %gather3A_200 = tpu.vector_load_idx %arg6[%add3A_199] : memref<32768xf32, #tpu.memory_space<vmem>>[vector<16xi32>], vector<16xf32>,
        %mul3A_201 = arith.mulf %gather3A, %gather3A_200 : vector<16xf32>
        %add3A_202 = arith.addf %scan3A_197, %mul3A_201 : vector<16xf32>
        %scan3A_203 = arith.constant 1 : i32
        %scan3A_204 = arith.addi %scan3A_196, %scan3A_203 : i32
        %add3A_205 = vector.broadcast %scan3A_204 : i32 to vector<16xi32>
        %add3A_206 = arith.addi %mul3A_182, %add3A_205 : vector<16xi32>
        %gather3A_207 = tpu.vector_load_idx %arg5[%add3A_206] : memref<32768xf32, #tpu.memory_space<vmem>>[vector<16xi32>], vector<16xf32>,
        %gather3A_208 = tpu.vector_load_idx %arg6[%add3A_206] : memref<32768xf32, #tpu.memory_space<vmem>>[vector<16xi32>], vector<16xf32>,
        %mul3A_209 = arith.mulf %gather3A_207, %gather3A_208 : vector<16xf32>
        %add3A_210 = arith.addf %add3A_202, %mul3A_209 : vector<16xf32>
        %scan3A_211 = arith.constant 2 : i32
        %scan3A_212 = arith.addi %scan3A_196, %scan3A_211 : i32
        %add3A_213 = vector.broadcast %scan3A_212 : i32 to vector<16xi32>
        %add3A_214 = arith.addi %mul3A_182, %add3A_213 : vector<16xi32>
        %gather3A_215 = tpu.vector_load_idx %arg5[%add3A_214] : memref<32768xf32, #tpu.memory_space<vmem>>[vector<16xi32>], vector<16xf32>,
        %gather3A_216 = tpu.vector_load_idx %arg6[%add3A_214] : memref<32768xf32, #tpu.memory_space<vmem>>[vector<16xi32>], vector<16xf32>,
        %mul3A_217 = arith.mulf %gather3A_215, %gather3A_216 : vector<16xf32>
        %add3A_218 = arith.addf %add3A_210, %mul3A_217 : vector<16xf32>
        %scan3A_219 = arith.constant 3 : i32
        %scan3A_220 = arith.addi %scan3A_196, %scan3A_219 : i32
        %add3A_221 = vector.broadcast %scan3A_220 : i32 to vector<16xi32>
        %add3A_222 = arith.addi %mul3A_182, %add3A_221 : vector<16xi32>
        %gather3A_223 = tpu.vector_load_idx %arg5[%add3A_222] : memref<32768xf32, #tpu.memory_space<vmem>>[vector<16xi32>], vector<16xf32>,
        %gather3A_224 = tpu.vector_load_idx %arg6[%add3A_222] : memref<32768xf32, #tpu.memory_space<vmem>>[vector<16xi32>], vector<16xf32>,
        %mul3A_225 = arith.mulf %gather3A_223, %gather3A_224 : vector<16xf32>
        %add3A_226 = arith.addf %add3A_218, %mul3A_225 : vector<16xf32>
        scf.yield %add3A_226 : vector<16xf32>
      }
      %scan3A_189 = arith.constant 64 : i32
      %mul3A_190 = arith.constant 16 : i32
      %mul3A_191 = arith.muli %scan3A_172, %mul3A_190 : i32
      %add3A_192 = arith.constant 384 : i32
      %add3A_193 = arith.addi %add3A_192, %mul3A_191 : i32
      %swap3A = arith.index_cast %add3A_193 : i32 to index
      %swap3A_194 = tpu.vector_load %arg7[%swap3A] {strides = array<i32>} : memref<512xf32, #tpu.memory_space<vmem>>, vector<16xf32>,
      tpu.vector_store %arg7[%swap3A], %scan3A_188 {strides = array<i32>} : memref<512xf32, #tpu.memory_space<vmem>>, vector<16xf32>,
      %scan3A_195 = arith.constant 0 : i32
      scf.yield %scan3A_195 : i32
    }
    %scan3A_171 = arith.constant 8 : i32
    "tpu.region"() ({
      %run_scoped3A = tpu.sem_alloc : memref<!tpu.dma_semaphore, #tpu.memory_space<semaphore_mem>>
      %dma_start3A_172 = tpu.memref_slice %arg4[%mul3A_2] : memref<16384xf32, #tpu.memory_space<hbm>> -> memref<512xf32, #tpu.memory_space<hbm>>
      %dma_start3A_173 = tpu.memref_slice %arg4[%mul3A_2] : memref<16384xf32, #tpu.memory_space<hbm>> -> memref<512xf32, #tpu.memory_space<hbm>>
      tpu.enqueue_dma source(%arg7 : memref<512xf32, #tpu.memory_space<vmem>>) target(%dma_start3A_173 : memref<512xf32, #tpu.memory_space<hbm>>) target_semaphore(%run_scoped3A : memref<!tpu.dma_semaphore, #tpu.memory_space<semaphore_mem>>)
      %dma_wait3A_174 = tpu.memref_slice %arg4[%mul3A_2] : memref<16384xf32, #tpu.memory_space<hbm>> -> memref<512xf32, #tpu.memory_space<hbm>>
      %dma_wait3A_175 = tpu.memref_slice %arg4[%mul3A_2] : memref<16384xf32, #tpu.memory_space<hbm>> -> memref<512xf32, #tpu.memory_space<hbm>>
      tpu.wait_dma2 semaphore(%run_scoped3A : memref<!tpu.dma_semaphore, #tpu.memory_space<semaphore_mem>>) src(%arg7 : memref<512xf32, #tpu.memory_space<vmem>>) dst(%dma_wait3A_175 : memref<512xf32, #tpu.memory_space<hbm>>)
      tpu.yield
    }) : () -> ()
    return
  }
}

</mosaic_0001>

<sc_bundles>
// kernel: kernel.4.cloned.1.call-start
scs
__scs_entry_jumppad:
0x0: {  	(pc) =	sbr.rel $0x88, $3  }
0x1: {  	(tag) =	ssettag $0x0;
	lr =	simm.s32 $0x1  }
0x2: {  	[smem:$0x3F9E] =	sst lr;
	_ =	strace $0xD0000000  }
0x3: {  	_ = 	snop  }
0x4: {  	_ = 	snop  }
0x5: {  	_ = 	snop  }
0x6: {  	_ = 	snop  }
0x7: {  	_ = 	snop  }
__scs_overlays_trampoline_lowered:
0x8: {  	[smem:$0x3FAD] =	sst s0  }
0x9: {  	[smem:$0x3FAE] =	sst s1  }
0xa: {  	[smem:$0x3FAF] =	sst s2  }
0xb: {  	[smem:$0x3FB0] =	sst s3  }
0xc: {  	[smem:$0x3FB1] =	sst s4  }
0xd: {  	[smem:$0x3FB2] =	sst s5  }
0xe: {  	[smem:$0x3FB3] =	sst s6  }
0xf: {  	[smem:$0x3FB4] =	sst s7  }
0x10: {  	[smem:$0x3FB5] =	sst s8  }
0x11: {  	[smem:$0x3FB6] =	sst s9;
	s0 =	simm.s32 @!p0 $0x0  }
0x12: {  	s1 =	sld [smem:$0x3F9C];
	s0 =	simm.s32 @p0 $0x1  }
0x13: {  	[smem:$0x3FB7] =	sst s0;
	s0 =	simm.s32 @!p1 $0x0  }
0x14: {  	s2 =	sld [smem:$0x3F9B];
	s0 =	simm.s32 @p1 $0x1  }
0x15: {  	[smem:$0x3FB8] =	sst s0;
	s0 =	simm.s32 @!p2 $0x0  }
0x16: {  	s3 =	sld [smem:$0x3FDB];
	s0 =	simm.s32 @p2 $0x1  }
0x17: {  	s4 =	simm.s32 $0x1BF5;
	[smem:$0x3FBA] =	sst s0  }
0x18: {  	s0 =	sld [smem:$0x3F9D];
	_ =	swait.ge [sflag:s4], $0x0  }
0x19: {  	s7 =	sld [smem:$0x3F9E]  }
0x1a: {  	s8 =	sadd.s32 $0xFFFFE003, lr  }
0x1b: {  	s9 =	sadd.s32 $0xFFFFFEF7, lr;
	s5 =	simm.s32 $0xFFFFFFFF;
	p2 =	slt.u32 s8, $0xFFFFF086  }
0x1c: {  	p1 =	slt.u32 s9, $0xF7A;
	s5 =	simm.s32 @!p2 $0x0  }
0x1d: {  	s5 =	simm.s32 @p1 $0x1;
	p0 =	seq.s32 s7, s2  }
0x1e: {  	s7 =	smul.u32 @!p0 $0xF7A, s2;
	p2 =	seq.s32 @!p0 s5, $0x0  }
0x1f: {  	s9 =	smul.u32 $0xF7A, s1;
	s8 =	simm.s32 @!p0 $0x1BF5;
	p2 =	por !p2, p0  }
0x20: {  	[sflag:s8] =	ssyncset.s32 @!p0 $0xFFFFF086;
	s6 =	sadd.s32 @!p0 s3, s7;
	s7 =	simm.s32 @!p0 $0x108  }
0x21: {  	s3 =	sadd.s32 s3, s9;
	s6 =	sadd.s32 @!p0 $0x88, s6;
	s7 =	simm.s32 @p2 $0x1082  }
0x22: {  	[simem:s7], [sflag:s8] =	dma.local @!p0 [hbm:s6], $0xF7A  }
0x23: {  	s9 =	sor.u32 $0xD0000000, s2;
	s6 =	simm.s32 $0x108;
	_ =	swait.ge @!p0 [sflag:s8], $0x0  }
0x24: {  	s3 =	sadd.s32 $0x88, s3;
	s6 =	simm.s32 @!p1 $0x1082;
	[sflag:s4] =	ssyncset.s32 $0xFFFFF086  }
0x25: {  	[simem:s6], [sflag:s4] =	dma.local [hbm:s3], $0xF7A  }
0x26: {  	[smem:$0x3F9E] =	sst s1;
	(tag) =	ssettag s2;
	_ =	strace s9  }
0x27: {  	s1 =	sld [smem:$0x3FAE]  }
0x28: {  	s2 =	sld [smem:$0x3FAF]  }
0x29: {  	s4 =	sld [smem:$0x3FB1]  }
0x2a: {  	p0 =	seq.s32 s5, $0x0;
	s5 =	sld [smem:$0x3FB2]  }
0x2b: {  	s6 =	sld [smem:$0x3FB3]  }
0x2c: {  	s7 =	sld [smem:$0x3FB4]  }
0x2d: {  	s3 =	simm.s32 $0x108;
	s8 =	sld [smem:$0x3FB5]  }
0x2e: {  	s3 =	simm.s32 @!p0 $0x1082;
	s9 =	sld [smem:$0x3FB6]  }
0x2f: {  	lr =	sadd.s32 s0, s3;
	s0 =	sld [smem:$0x3FAD]  }
0x30: {  	s3 =	sld [smem:$0x3FB0]  }
0x31: {  	[smem:$0x3FB9] =	sst s10  }
0x32: {  	s10 =	sld [smem:$0x3FB7];
	_ =	sdelay $0x3  }
0x33: {  	p0 =	seq.s32 s10, $0x1;
	s10 =	sld [smem:$0x3FB9];
	_ =	sdelay $0x3  }
0x34: {  	[smem:$0x3FB9] =	sst s10  }
0x35: {  	s10 =	sld [smem:$0x3FB8];
	_ =	sdelay $0x3  }
0x36: {  	p1 =	seq.s32 s10, $0x1;
	s10 =	sld [smem:$0x3FB9];
	_ =	sdelay $0x3  }
0x37: {  	[smem:$0x3FB9] =	sst s10  }
0x38: {  	s10 =	sld [smem:$0x3FBA]  }
0x39: {  	_ = 	snop;
	(pc) =	sbr.ind lr, $3  }
0x3a: {  	_ = 	snop  }
0x3b: {  	_ = 	snop  }
0x3c: {  	p2 =	seq.s32 s10, $0x1;
	s10 =	sld [smem:$0x3FB9]  }
0x3d: {  	_ =	shalt  }
0x3e: {  	_ =	shalt  }
0x3f: {  	_ =	shalt  }
0x40: {  	_ =	shalt  }
0x41: {  	_ =	shalt  }
0x42: {  	_ =	shalt  }
0x43: {  	_ =	shalt  }
0x44: {  	_ =	shalt  }
0x45: {  	_ =	shalt  }
0x46: {  	_ =	shalt  }
0x47: {  	_ =	shalt  }
0x48: {  	_ =	shalt  }
0x49: {  	_ =	shalt  }
0x4a: {  	_ =	shalt  }
0x4b: {  	_ =	shalt  }
0x4c: {  	_ =	shalt  }
0x4d: {  	_ =	shalt  }
0x4e: {  	_ =	shalt  }
0x4f: {  	_ =	shalt  }
0x50: {  	_ =	shalt  }
0x51: {  	_ =	shalt  }
0x52: {  	_ =	shalt  }
0x53: {  	_ =	shalt  }
0x54: {  	_ =	shalt  }
0x55: {  	_ =	shalt  }
0x56: {  	_ =	shalt  }
0x57: {  	_ =	shalt  }
0x58: {  	_ =	shalt  }
0x59: {  	_ =	shalt  }
0x5a: {  	_ =	shalt  }
0x5b: {  	_ =	shalt  }
0x5c: {  	_ =	shalt  }
0x5d: {  	_ =	shalt  }
0x5e: {  	_ =	shalt  }
0x5f: {  	_ =	shalt  }
0x60: {  	_ =	shalt  }
0x61: {  	_ =	shalt  }
0x62: {  	_ =	shalt  }
0x63: {  	_ =	shalt  }
0x64: {  	_ =	shalt  }
0x65: {  	_ =	shalt  }
0x66: {  	_ =	shalt  }
0x67: {  	_ =	shalt  }
0x68: {  	_ =	shalt  }
0x69: {  	_ =	shalt  }
0x6a: {  	_ =	shalt  }
0x6b: {  	_ =	shalt  }
0x6c: {  	_ =	shalt  }
0x6d: {  	_ =	shalt  }
0x6e: {  	_ =	shalt  }
0x6f: {  	_ =	shalt  }
0x70: {  	_ =	shalt  }
0x71: {  	_ =	shalt  }
0x72: {  	_ =	shalt  }
0x73: {  	_ =	shalt  }
0x74: {  	_ =	shalt  }
0x75: {  	_ =	shalt  }
0x76: {  	_ =	shalt  }
0x77: {  	_ =	shalt  }
0x78: {  	_ =	shalt  }
0x79: {  	_ =	shalt  }
0x7a: {  	_ =	shalt  }
0x7b: {  	_ =	shalt  }
0x7c: {  	_ =	shalt  }
0x7d: {  	_ =	shalt  }
0x7e: {  	_ =	shalt  }
0x7f: {  	_ =	shalt  }
0x80: {  	_ =	shalt  }
0x81: {  	_ =	shalt  }
0x82: {  	_ =	shalt  }
0x83: {  	_ =	shalt  }
0x84: {  	_ =	shalt  }
0x85: {  	_ =	shalt  }
0x86: {  	_ =	shalt  }
0x87: {  	_ =	shalt  }
.Lfunc_end0:
.L_simem_size_0:
called_computation_lowered:
.L_overlay_start_0:
0x88: {  	s2 =	sld [smem:$0x3FD9]  }
0x89: {  	s3 =	sld [smem:$0x3FFE];
	_ =	sdelay $0x1  }
0x8a: {  	s1 =	srdreg.scid  }
0x8b: {  	s0 =	sand.u32 $0x1, s1  }
0x8c: {  	s17 =	sshll.u32 s0, $0xA;
	s2 =	sadd.s32 s3, s2  }
0x8d: {  	s2 =	sadd.s32 s2, s17  }
0x8e: {  	[smem:$0x3FC5] =	sst s2  }
0x8f: {  	_ = 	snop  }
0x90: {  	s2 =	sld [smem:$0x3FC8]  }
0x91: {  	s18 =	sld [smem:$0x3FC7]  }
0x92: {  	s4 =	sld [smem:$0x3FD0];
	(tm) =	ssettm $0x1  }
0x93: {  	s5 =	sld [smem:$0x3FFB];
	_ =	sdelay $0x3  }
0x94: {  	_ =	strace s5  }
0x95: {  	s5 =	sld [smem:$0x3FFC];
	_ =	sdelay $0x3  }
0x96: {  	_ =	strace s5  }
0x97: {  	s5 =	sld [smem:$0x3FFD];
	_ =	sdelay $0x3  }
0x98: {  	_ =	strace s5  }
0x99: {  	_ =	strace $0x8FFFFFFF  }
0x9a: {  	s19 =	sld [smem:$0x3FDB];
	_ =	sdelay $0x1  }
0x9b: {  	s6 =	simm.s32 $_scs_section_size  }
0x9c: {  	s7 =	simm.s32 $_size__tile_overlayer_lowered;
	s8 =	simm.s32 $_tile_overlayer_lowered  }
0x9d: {  	s22 =	simm.s32 $0x1BFF;
	s21 =	sshll.u32 s8, $0x1;
	s5 =	sadd.s32 s6, s19  }
0x9e: {  	s9 =	simm.s32 $0x0;
	s20 =	sshll.u32 s7, $0x1;
	s7 =	sadd.s32 s21, s5  }
0x9f: {  	[timem:s9], [sflag:s22] =	dma.local [hbm:s7], s20  }
0xa0: {  	_ =	swait.ge [sflag:s22], s20  }
0xa1: {  	s6 =	ssub.s32 $0x0, s20;
	[sflag:s22] =	ssyncset.done $0x0  }
0xa2: {  	[sflag:s22] =	ssyncadd.s32 s6;
	_ =	sdelay $0x1  }
0xa3: {  	s23 =	simm.s32 $0x1B8B  }
0xa4: {  	_ =	swait.ge [sflag:s23], $0x1  }
0xa5: {  	[sflag:s23] =	ssyncset.done $0x0  }
0xa6: {  	s25 =	simm.s32 $0x1B8E;
	s24 =	sld [smem:$0x3FFE];
	[sflag:s23] =	ssyncadd.s32 $0xFFFFFFFF  }
0xa7: {  	s26 =	simm.s32 $execute0_lowered;
	[smem:$0x3FD2] =	sst s25  }
0xa8: {  	s7 =	sshll.u32 s26, $0x1;
	_ =	strace $0x80000046;
	[dreg:$0x1] =	wrdreg $0xFFFFFFFF  }
0xa9: {  	s28 =	simm.s32 $_size_execute0_lowered;
	s5 =	sadd.s32 s5, s7;
	[dreg:$0x0] =	wrdreg $0x0  }
0xaa: {  	s7 =	sshll.u32 s28, $0x1;
	[dreg:$0x2] =	wrdreg s5  }
0xab: {  	[dreg:$0x3] =	wrdreg s7  }
0xac: {  	[dreg:$0x4] =	wrdreg $0xC0  }
0xad: {  	_ =	task [dreg:s9], $0x5FFFF  }
0xae: {  	[dreg:$0x1] =	wrdreg $0xFFFFFFFF  }
0xaf: {  	[dreg:$0x0] =	wrdreg $0x60  }
0xb0: {  	[dreg:$0x2] =	wrdreg s24  }
0xb1: {  	[dreg:$0x3] =	wrdreg s4  }
0xb2: {  	[dreg:$0x4] =	wrdreg s2  }
0xb3: {  	[dreg:$0x5] =	wrdreg s18  }
0xb4: {  	[dreg:$0x6] =	wrdreg $0x9  }
0xb5: {  	_ =	task.clear_ibuf [dreg:s9], $0x7FFFF;
	_ =	strace $0x90000046  }
0xb6: {  	s29 =	simm.s32 $0x9;
	_ =	strace $0x80000048  }
0xb7: {  	_ =	swait.ge [sflag:s29], $0x1  }
0xb8: {  	[sflag:s29] =	ssyncadd.s32 $0xFFFFFFFF  }
0xb9: {  	_ =	strace $0x90000048  }
0xba: {  	_ =	sfence  }
0xbb: {  	s30 =	sld [smem:$0x0];
	_ =	sdelay $0x2  }
0xbc: {  	s31 =	sshll.u32 s1, $0xD;
	s1 =	sshrl.u32 s1, $0x2  }
0xbd: {  	s3 =	sand.u32 $0x4000, s31;
	s1 =	sadd.s32 s1, s30  }
0xbe: {  	s0 =	sor.u32 s3, s0;
	s1 =	sshll.u32 s1, $0x11  }
0xbf: {  	s0 =	sor.u32 s1, s0  }
0xc0: {  	s0 =	sadd.s32 $0x8F2B, s0  }
0xc1: {  	[sflag:s0] =	ssyncadd.remote.s32 $0x1  }
0xc2: {  	_ =	sfence.sel $0xFFFF  }
0xc3: {  	[dreg:$0x0] =	wrdreg $0xFFFFFFFF;
	(pc) =	sbr.abs _section_cstart, $3  }
0xc4: {  	[dreg:$0x1] =	wrdreg $0xFFFFFFFF  }
0xc5: {  	_ =	task.clear_ibuf [dreg:s9], $0x2FFFF;
	_ =	strace $0x9FFFFFFF  }
0xc6: {  	(tm) =	ssettm $0x7FFFFFFF  }
0xc7: {  	_ =	shalt  }
tec
execute0_lowered:
.L_overlay_start_1:
0x0: {  	(tag) =	ssettag $0x1  }
0x1: {  	s0 =	rddreg [dreg:$0x0]  }
0x2: {  	s13 =	rddreg [dreg:$0x1]  }
0x3: {  	s2 =	rddreg [dreg:$0x2]  }
0x4: {  	s3 =	rddreg [dreg:$0x3]  }
0x5: {  	v0 =	vimm.s32 $0x1B80;
	s4 =	simm.s32 $0x0;
	s1 =	srdreg.scid;
	s14 =	stileid.u32  }
0x6: {  	vm14 =	vcmask $0x300;
	vm13 =	vcmask $0x704;
	vm12 =	vcmask $0xB08;
	[smem:$0x7FF] =	sst s4;
	s1 =	sand.u32 $0x1, s1;
	s5 =	sshll.u32 s14, $0x1  }
0x7: {  	vm11 =	vcmask $0xF0C;
	vm10 =	vcmask $0x1310;
	vm9 =	vcmask $0x1714;
	s6 =	sadd.s32 $0x1200, s0;
	s7 =	sadd.s32 $0xE00, s0;
	s9 =	sadd.s32 $0x1000, s0  }
0x8: {  	vm8 =	vcmask $0x1B18;
	vm7 =	vcmask $0x1F1C;
	vm6 =	vcmask $0x2320;
	s10 =	sadd.s32 $0x1A00, s0;
	s11 =	sadd.s32 $0x21A00, s0;
	s0 =	sadd.s32 $0x1600, s0  }
0x9: {  	vm5 =	vcmask $0x2724;
	vm4 =	vcmask $0x2B28;
	vm3 =	vcmask $0x2F2C;
	_ =	strace $0x80000047;
	[dreg:$0x5] =	wrdreg s6;
	s8 =	sor.u32 s1, s5  }
0xa: {  	vm2 =	vcmask $0x3330;
	vm0 =	vcmask $0x3734;
	v1 =	vimm.s32 $0x4B80;
	s28 =	sadd.s32 $0x400, s13;
	[dreg:$0x9] =	wrdreg s0;
	s12 =	smul.u32 $0x300, s8  }
0xb: {  	vm1 =	vcmask $0x3B38;
	v3 =	vimm.s32 $0x7B80;
	v5 =	vimm.s32 $0xAB80;
	[dreg:$0xd] =	wrdreg s28;
	s15 =	sshll.u32 s8, $0x9  }
0xc: {  	v2 =	vimm.s32 $0x0;
	s30 =	simm.s32 $0x4;
	v0 =	vsel vm14, $0x0, v0;
	v1 =	vsel vm14, $0x3000, v1;
	[dreg:$0x7] =	wrdreg s15;
	s24 =	sadd.s32 s3, s12  }
0xd: {  	s31 =	simm.s32 $0x1E080;
	v6 =	vsel vm14, $0x6000, v3;
	v5 =	vsel vm14, $0x9000, v5;
	v3 =	vlaneseq.u32;
	s6 =	sadd.s32 s2, s12;
	[dreg:$0xa] =	wrdreg s24  }
0xe: {  	v0 =	vsel vm13, $0x80, v0;
	s1 =	ssub.s32 $0x2, s1;
	v4 =	vsel vm13, $0x3080, v1;
	v6 =	vsel vm13, $0x6080, v6;
	s25 =	sadd.s32 $0x1E8500, s6;
	[dreg:$0x6] =	wrdreg s6  }
0xf: {  	v5 =	vsel vm13, $0x9080, v5;
	v0 =	vsel vm12, $0x100, v0;
	s5 =	smul.u32 $0x1800, s8;
	v1 =	vmov s8;
	s29 =	sadd.s32 $0x3D0A00, s6;
	[dreg:$0xb] =	wrdreg s25  }
0x10: {  	s23 =	sshrl.u32 s1, $0x1;
	v4 =	vsel vm12, $0x3100, v4;
	v6 =	vsel vm12, $0x6100, v6;
	v5 =	vsel vm12, $0x9100, v5;
	s12 =	sadd.s32 $0xF4280, s6;
	[dreg:$0xe] =	wrdreg s29  }
0x11: {  	v0 =	vsel vm11, $0x180, v0;
	s1 =	ssub.s32 s1, s23;
	v4 =	vsel vm11, $0x3180, v4;
	v6 =	vsel vm11, $0x6180, v6;
	s13 =	sadd.s32 $0x5B8F00, s6;
	[dreg:$0x10] =	wrdreg s12  }
0x12: {  	v5 =	vsel vm11, $0x9180, v5;
	v0 =	vsel vm10, $0x200, v0;
	s5 =	sshrl.u32 s5, $0x3;
	v4 =	vsel vm10, $0x3200, v4;
	s20 =	sadd.s32 $0x2DC780, s6;
	[dreg:$0x11] =	wrdreg s13  }
0x13: {  	v6 =	vsel vm10, $0x6200, v6;
	v5 =	vsel vm10, $0x9200, v5;
	v0 =	vsel vm9, $0x280, v0;
	s5 =	sadd.s32 $0x180, s5;
	s23 =	sadd.s32 $0x4C4C80, s6;
	[dreg:$0x13] =	wrdreg s20  }
0x14: {  	p0 =	sgt.u32 s14, $0x7;
	v4 =	vsel vm9, $0x3280, v4;
	v6 =	vsel vm9, $0x6280, v6;
	v5 =	vsel vm9, $0x9280, v5;
	s26 =	sadd.s32 s3, s5;
	[dreg:$0x16] =	wrdreg s23  }
0x15: {  	v0 =	vsel vm8, $0x300, v0;
	s18 =	sadd.s32 s2, s5;
	s5 =	smax.u32 s1, $0x1;
	v4 =	vsel vm8, $0x3300, v4;
	v6 =	vsel vm8, $0x6300, v6;
	[dreg:$0xc] =	wrdreg s26  }
0x16: {  	p1 =	slt.u32 s14, $0x8;
	s14 =	simm.s32 $0x1A480;
	v5 =	vsel vm8, $0x9300, v5;
	v0 =	vsel vm7, $0x380, v0;
	[dreg:$0xf] =	wrdreg s5;
	v4 =	vsel vm7, $0x3380, v4  }
0x17: {  	s17 =	sor.u32 $0x40, s8;
	s19 =	sadd.s32 $0xF4280, s18;
	[dreg:$0x8] =	wrdreg s18;
	v6 =	vsel vm7, $0x6380, v6;
	v5 =	vsel vm7, $0x9380, v5;
	v0 =	vsel vm6, $0x1800, v0  }
0x18: {  	s16 =	sand.u32 $0x1E00, s15;
	s21 =	sadd.s32 $0x1E8500, s18;
	[dreg:$0x12] =	wrdreg s19;
	v4 =	vsel vm6, $0x4800, v4;
	v6 =	vsel vm6, $0x7800, v6;
	v5 =	vsel vm6, $0xA800, v5  }
0x19: {  	s23 =	simm.s32 $0x2000;
	s22 =	sadd.s32 $0x2DC780, s18;
	[dreg:$0x14] =	wrdreg s21;
	v0 =	vsel vm5, $0x1880, v0;
	v4 =	vsel vm5, $0x4880, v4;
	v6 =	vsel vm5, $0x7880, v6  }
0x1a: {  	s12 =	simm.s32 $0x18C80;
	s24 =	sadd.s32 $0x3D0A00, s18;
	[dreg:$0x15] =	wrdreg s22;
	v5 =	vsel vm5, $0xA880, v5;
	v0 =	vsel vm4, $0x1900, v0;
	v4 =	vsel vm4, $0x4900, v4  }
0x1b: {  	s20 =	simm.s32 $0x1D480;
	s25 =	sadd.s32 $0x4C4C80, s18;
	[dreg:$0x17] =	wrdreg s24;
	v6 =	vsel vm4, $0x7900, v6;
	v5 =	vsel vm4, $0xA900, v5;
	v0 =	vsel vm3, $0x1980, v0  }
.Ltmp0:
0x1c: {  	s26 =	sadd.s32 $0x6AD180, s6;
	[dreg:$0x18] =	wrdreg s25;
	v4 =	vsel vm3, $0x4980, v4;
	v6 =	vsel vm3, $0x7980, v6;
	v5 =	vsel vm3, $0xA980, v5;
	(pc) =	sbr.rel .LBB2_1-.Ltmp0, $4  }
0x1d: {  	s13 =	simm.s32 $0x2;
	s28 =	sadd.s32 $0x5B8F00, s18;
	[dreg:$0x19] =	wrdreg s26;
	v0 =	vsel vm2, $0x1A00, v0;
	v4 =	vsel vm2, $0x4A00, v4;
	v6 =	vsel vm2, $0x7A00, v6  }
0x1e: {  	s1 =	simm.s32 $0x3;
	s29 =	sadd.s32 $0x6AD180, s18;
	[dreg:$0x1a] =	wrdreg s28;
	v5 =	vsel vm2, $0xAA00, v5;
	v0 =	vsel vm0, $0x1A80, v0;
	v4 =	vsel vm0, $0x4A80, v4  }
0x1f: {  	s18 =	simm.s32 $0x1BC80;
	s6 =	simm.s32 $0x0;
	[dreg:$0x1b] =	wrdreg s29;
	v6 =	vsel vm0, $0x7A80, v6;
	v7 =	vsel vm0, $0xAA80, v5;
	v0 =	vsel vm1, $0x1B00, v0  }
0x20: {  	s19 =	simm.s32 $0x6080;
	s24 =	simm.s32 $0x12080;
	s26 =	simm.s32 $0x1;
	v4 =	vsel vm1, $0x4B00, v4;
	v5 =	vsel vm1, $0x7B00, v6;
	v6 =	vsel vm1, $0xAB00, v7  }
.LBB2_62:
0x21: {  	[sflag:s26] =	ssyncadd.s32 $0xFFFFFFC0;
	s6 =	rddreg [dreg:$0x1c]  }
.LBB2_63:
0x22: {  	s6 =	sadd.s32 $0x1, s6;
	s0 =	rddreg [dreg:$0xf]  }
0x23: {  	p2 =	sne.s32 s6, s0  }
.Ltmp1:
0x24: {  	_ = 	snop;
	(pc) =	sbr.rel @!p2 .LBB2_64-.Ltmp1, $1  }
0x25: {  	_ =	sdelay $0x3  }
.LBB2_1:
0x26: {  	[dreg:$0x1c] =	wrdreg s6  }
0x27: {  	s0 =	rddreg [dreg:$0x6]  }
0x28: {  	[tilespmem:s19], [sflag:$0x2] =	stream.linear.gather [hbm4b:s0+s4], $0xC00, $0x38;
	[tilespmem:$0x1E880] =	vst v63  }
0x29: {  	s29 =	rddreg [dreg:$0x10];
	s5 =	simm.s32 $0x7880  }
0x2a: {  	[tilespmem:s5], [sflag:$0x2] =	stream.linear.gather [hbm4b:s29+s4], $0xC00, $0x38;
	[tilespmem:$0x1E880] =	vst v63  }
0x2b: {  	s6 =	rddreg [dreg:$0xb];
	s21 =	simm.s32 $0x9080  }
0x2c: {  	[tilespmem:s21], [sflag:$0x2] =	stream.linear.gather [hbm4b:s6+s4], $0xC00, $0x38;
	[tilespmem:$0x1E880] =	vst v63  }
0x2d: {  	s22 =	rddreg [dreg:$0x13];
	s25 =	simm.s32 $0xA880  }
0x2e: {  	[tilespmem:s25], [sflag:$0x2] =	stream.linear.gather [hbm4b:s22+s4], $0xC00, $0x38;
	[tilespmem:$0x1E880] =	vst v63  }
0x2f: {  	s28 =	rddreg [dreg:$0xe];
	s29 =	simm.s32 $0xC080  }
0x30: {  	[tilespmem:s29], [sflag:$0x2] =	stream.linear.gather [hbm4b:s28+s4], $0xC00, $0x38;
	[tilespmem:$0x1E880] =	vst v63  }
0x31: {  	s6 =	rddreg [dreg:$0x16];
	s21 =	simm.s32 $0xD880  }
0x32: {  	[tilespmem:s21], [sflag:$0x2] =	stream.linear.gather [hbm4b:s6+s4], $0xC00, $0x38;
	[tilespmem:$0x1E880] =	vst v63  }
0x33: {  	s22 =	rddreg [dreg:$0x11];
	s25 =	simm.s32 $0xF080  }
0x34: {  	[tilespmem:s25], [sflag:$0x2] =	stream.linear.gather [hbm4b:s22+s4], $0xC00, $0x38;
	[tilespmem:$0x1E880] =	vst v63  }
0x35: {  	s28 =	rddreg [dreg:$0x19];
	s29 =	simm.s32 $0x10880  }
0x36: {  	[tilespmem:s29], [sflag:$0x2] =	stream.linear.gather [hbm4b:s28+s4], $0xC00, $0x38;
	[tilespmem:$0x1E880] =	vst v63  }
0x37: {  	s6 =	rddreg [dreg:$0x8];
	s21 =	simm.s32 $0x6C80  }
0x38: {  	[tilespmem:s21], [sflag:$0x2] =	stream.linear.gather [hbm4b:s6+s4], $0xC00, $0x38;
	[tilespmem:$0x1E880] =	vst v63  }
0x39: {  	s22 =	rddreg [dreg:$0x12];
	s25 =	simm.s32 $0x8480  }
0x3a: {  	[tilespmem:s25], [sflag:$0x2] =	stream.linear.gather [hbm4b:s22+s4], $0xC00, $0x38;
	[tilespmem:$0x1E880] =	vst v63  }
0x3b: {  	s28 =	rddreg [dreg:$0x14];
	s29 =	simm.s32 $0x9C80  }
0x3c: {  	[tilespmem:s29], [sflag:$0x2] =	stream.linear.gather [hbm4b:s28+s4], $0xC00, $0x38;
	[tilespmem:$0x1E880] =	vst v63  }
0x3d: {  	s6 =	rddreg [dreg:$0x15];
	s21 =	simm.s32 $0xB480  }
0x3e: {  	[tilespmem:s21], [sflag:$0x2] =	stream.linear.gather [hbm4b:s6+s4], $0xC00, $0x38;
	[tilespmem:$0x1E880] =	vst v63  }
0x3f: {  	s22 =	rddreg [dreg:$0x17];
	s25 =	simm.s32 $0xCC80  }
0x40: {  	[tilespmem:s25], [sflag:$0x2] =	stream.linear.gather [hbm4b:s22+s4], $0xC00, $0x38;
	[tilespmem:$0x1E880] =	vst v63  }
0x41: {  	s28 =	rddreg [dreg:$0x18];
	s29 =	simm.s32 $0xE480  }
0x42: {  	[tilespmem:s29], [sflag:$0x2] =	stream.linear.gather [hbm4b:s28+s4], $0xC00, $0x38;
	[tilespmem:$0x1E880] =	vst v63  }
0x43: {  	s5 =	rddreg [dreg:$0x1a];
	s6 =	simm.s32 $0xFC80  }
0x44: {  	[tilespmem:s6], [sflag:$0x2] =	stream.linear.gather [hbm4b:s5+s4], $0xC00, $0x38;
	[tilespmem:$0x1E880] =	vst v63  }
0x45: {  	s21 =	rddreg [dreg:$0x1b];
	s22 =	simm.s32 $0x11480  }
0x46: {  	[tilespmem:s22], [sflag:$0x2] =	stream.linear.gather [hbm4b:s21+s4], $0xC00, $0x38;
	[tilespmem:$0x1E880] =	vst v63  }
0x47: {  	s25 =	rddreg [dreg:$0x5]  }
0x48: {  	[tilespmem:s4], [sflag:$0x4] =	stream.linear.gather [hbm4b:s25+s4], $0x2000, $0x38;
	[tilespmem:$0x1E880] =	vst v63  }
0x49: {  	_ =	swait.ge [sflag:s30], $0x2000  }
0x4a: {  	[sflag:s30] =	ssyncset.done $0x0  }
0x4b: {  	s0 =	simm.s32 $0x10;
	[sflag:s30] =	ssyncadd.s32 $0xFFFFE000  }
0x4c: {  	v7 =	vld [tilespmem:s0+$0xFFFFFFF0];
	_ =	sdelay $0x4  }
0x4d: {  	v8 =	vshra.s32 v7, $0x8  }
0x4e: {  	v9 =	vmul.u32 $0xAAAB, v8;
	_ =	sdelay $0x1  }
0x4f: {  	v9 =	vshra.s32 v9, $0x11  }
0x50: {  	v10 =	vand.u32 $0x1F, v9  }
0x51: {  	vm1 =	vlt.s32 v7, $0xF4200;
	vm0 =	veq.s32 v10, v1  }
0x52: {  	vm0 =	vmand vm1, vm0  }
0x53: {  	v56 =	vsel vm0, $0x1, v2  }
0x54: {  	(xrf0) =	vadd.scan.msk.s32 $0xffff, v56;
	_ =	sdelay $0x2  }
0x55: {  	v57 =	vmov s4  }
0x56: {  	v10 =	vadd.s32 $0xFFFFFFFF, v57  }
0x57: {  	v10 =	vbroadcast v10, $0x0  }
0x58: {  	v8 =	vmul.u32 $0x2AAAC, v8;
	v9 =	vmul.u32 $0x3FD00, v9;
	v11, _, _ =	vpop (xrf0)  }
0x59: {  	v10 =	vadd.s32 v11, v10  }
0x5a: {  	s28 =	simm.s32 $0x0;
	v8 =	vand.u32 $0xFF000000, v8;
	v7 =	vadd.s32 v7, v9  }
0x5b: {  	v8 =	vor.u32 s28, v8;
	v7 =	vshll.u32 v7, $0xE  }
0x5c: {  	v7 =	vor.u32 v7, v8  }
0x5d: {  	v7 =	vor.u32 v3, v7  }
0x5e: {  	[tilespmem:v10+s23+$0x0] =	vst.idx.msk vm0, v7;
	v7 =	vmpcnt.ones.xlane vm0;
	_ =	sdelay $0x1  }
0x5f: {  	(v2sf) =	vpush v7, $0x0  }
0x60: {  	v8 =	vld [tilespmem:s0+$0x0];
	_ =	sdelay $0x4  }
0x61: {  	v7 =	vshra.s32 v8, $0x8  }
0x62: {  	v58 =	vmul.u32 $0xAAAB, v7;
	_ =	sdelay $0x1  }
0x63: {  	v9 =	vshra.s32 v58, $0x11  }
0x64: {  	v59 =	vand.u32 $0x1F, v9  }
0x65: {  	vm15 =	vlt.s32 v8, $0xF4200;
	vm14 =	veq.s32 v59, v1  }
0x66: {  	vm0 =	vmand vm15, vm14  }
0x67: {  	v60 =	vmpcnt.ones.xlane vm0;
	v61 =	vsel vm0, $0x1, v2  }
0x68: {  	(xrf0) =	vadd.scan.msk.s32 $0xffff, v61  }
0x69: {  	(v2sf) =	vpush v60, $0x0;
	s29 =	spop (v2sf)  }
0x6a: {  	s6 =	sadd.s32 $0x0, s29  }
0x6b: {  	v62 =	vmov s6  }
0x6c: {  	v10 =	vadd.s32 $0xFFFFFFFF, v62  }
0x6d: {  	v10 =	vbroadcast v10, $0x0  }
0x6e: {  	v7 =	vmul.u32 $0x2AAAC, v7;
	v9 =	vmul.u32 $0x3FD00, v9;
	v63, _, _ =	vpop (xrf0)  }
0x6f: {  	v10 =	vadd.s32 v63, v10  }
0x70: {  	v7 =	vand.u32 $0xFF000000, v7;
	v8 =	vadd.s32 v8, v9  }
0x71: {  	v7 =	vor.u32 s0, v7;
	v8 =	vshll.u32 v8, $0xE  }
0x72: {  	v7 =	vor.u32 v8, v7  }
0x73: {  	v7 =	vor.u32 v3, v7  }
0x74: {  	s5 =	simm.s32 $0x30;
	[tilespmem:v10+s23+$0x0] =	vst.idx.msk vm0, v7  }
0x75: {  	v7 =	vld [tilespmem:s5+$0xFFFFFFF0];
	_ =	sdelay $0x2  }
0x76: {  	s25 =	simm.s32 $0x2;
	s21 =	spop (v2sf)  }
.LBB2_2:
0x77: {  	s25 =	sadd.s32 $0x2, s25;
	s28 =	sadd.s32 s6, s21;
	s0 =	sadd.s32 $0x20, s0  }
0x78: {  	p2 =	slt.u32 s25, $0x1FE;
	v8 =	vshra.s32 v7, $0x8;
	v9 =	vmov s28  }
0x79: {  	v10 =	vmul.u32 $0xAAAB, v8;
	v9 =	vadd.s32 $0xFFFFFFFF, v9;
	_ =	sdelay $0x1  }
0x7a: {  	v10 =	vshra.s32 v10, $0x11  }
0x7b: {  	v8 =	vmul.u32 $0x2AAAC, v8;
	v11 =	vand.u32 $0x1F, v10;
	v10 =	vmul.u32 $0x3FD00, v10  }
0x7c: {  	vm1 =	vlt.s32 v7, $0xF4200;
	vm0 =	veq.s32 v11, v1  }
0x7d: {  	s6 =	sadd.s32 $0xFFFFFFF0, s0;
	v8 =	vand.u32 $0xFF000000, v8;
	vm0 =	vmand vm1, vm0;
	v7 =	vadd.s32 v7, v10  }
0x7e: {  	v8 =	vor.u32 s6, v8;
	v10 =	vsel vm0, $0x1, v2;
	v7 =	vshll.u32 v7, $0xE  }
0x7f: {  	v7 =	vor.u32 v7, v8;
	v8 =	vmpcnt.ones.xlane vm0;
	(xrf0) =	vadd.scan.msk.s32 $0xffff, v10;
	_ =	sdelay $0x1  }
0x80: {  	(v2sf) =	vpush v8, $0x0;
	_ =	sdelay $0x2  }
0x81: {  	v8 =	vbroadcast v9, $0x0  }
0x82: {  	v9, _, _ =	vpop (xrf0)  }
0x83: {  	v8 =	vadd.s32 v9, v8;
	_ =	sdelay $0x3  }
0x84: {  	v7 =	vor.u32 v3, v7  }
0x85: {  	[tilespmem:v8+s23+$0x0] =	vst.idx.msk vm0, v7  }
0x86: {  	v7 =	vld [tilespmem:s5+$0x0];
	_ =	sdelay $0x3  }
0x87: {  	s6 =	spop (v2sf)  }
0x88: {  	v8 =	vshra.s32 v7, $0x8  }
0x89: {  	v9 =	vmul.u32 $0xAAAB, v8;
	v8 =	vmul.u32 $0x2AAAC, v8;
	_ =	sdelay $0x1  }
0x8a: {  	v9 =	vshra.s32 v9, $0x11;
	v8 =	vand.u32 $0xFF000000, v8  }
0x8b: {  	v10 =	vand.u32 $0x1F, v9;
	v9 =	vmul.u32 $0x3FD00, v9  }
0x8c: {  	vm1 =	vlt.s32 v7, $0xF4200;
	vm0 =	veq.s32 v10, v1  }
0x8d: {  	v8 =	vor.u32 s0, v8;
	vm0 =	vmand vm1, vm0;
	v7 =	vadd.s32 v7, v9  }
0x8e: {  	v9 =	vsel vm0, $0x1, v2;
	v7 =	vshll.u32 v7, $0xE;
	v10 =	vmpcnt.ones.xlane vm0  }
0x8f: {  	v7 =	vor.u32 v7, v8;
	(xrf0) =	vadd.scan.msk.s32 $0xffff, v9  }
0x90: {  	(v2sf) =	vpush v10, $0x0  }
0x91: {  	s6 =	sadd.s32 s28, s6  }
0x92: {  	v8 =	vmov s6  }
0x93: {  	v8 =	vadd.s32 $0xFFFFFFFF, v8  }
0x94: {  	v8 =	vbroadcast v8, $0x0  }
0x95: {  	v9, _, _ =	vpop (xrf0)  }
0x96: {  	v8 =	vadd.s32 v9, v8;
	_ =	sdelay $0x3  }
0x97: {  	v7 =	vor.u32 v3, v7  }
.Ltmp2:
0x98: {  	s5 =	sadd.s32 $0x20, s5;
	[tilespmem:v8+s23+$0x0] =	vst.idx.msk vm0, v7;
	(pc) =	sbr.rel @p2 .LBB2_2-.Ltmp2, $2  }
0x99: {  	v7 =	vld [tilespmem:s5+$0xFFFFFFF0];
	_ =	sdelay $0x2  }
0x9a: {  	s21 =	spop (v2sf)  }
0x9b: {  	_ = 	snop  }
0x9c: {  	v8 =	vshra.s32 v7, $0x8  }
0x9d: {  	v9 =	vmul.u32 $0xAAAB, v8;
	_ =	sdelay $0x1  }
0x9e: {  	v9 =	vshra.s32 v9, $0x11  }
0x9f: {  	v10 =	vand.u32 $0x1F, v9  }
0xa0: {  	vm1 =	vlt.s32 v7, $0xF4200;
	vm0 =	veq.s32 v10, v1  }
0xa1: {  	vm0 =	vmand vm1, vm0  }
0xa2: {  	v56 =	vsel vm0, $0x1, v2  }
0xa3: {  	(xrf0) =	vadd.scan.msk.s32 $0xffff, v56;
	_ =	sdelay $0x1  }
0xa4: {  	s6 =	sadd.s32 s6, s21  }
0xa5: {  	v57 =	vmov s6  }
0xa6: {  	v10 =	vadd.s32 $0xFFFFFFFF, v57  }
0xa7: {  	v10 =	vbroadcast v10, $0x0  }
0xa8: {  	v8 =	vmul.u32 $0x2AAAC, v8;
	v9 =	vmul.u32 $0x3FD00, v9;
	v11, _, _ =	vpop (xrf0)  }
0xa9: {  	s0 =	sadd.s32 $0x20, s0;
	v10 =	vadd.s32 v11, v10  }
0xaa: {  	s25 =	sadd.s32 $0xFFFFFFF0, s0;
	v8 =	vand.u32 $0xFF000000, v8;
	v7 =	vadd.s32 v7, v9  }
0xab: {  	v8 =	vor.u32 s25, v8;
	v7 =	vshll.u32 v7, $0xE  }
0xac: {  	v7 =	vor.u32 v7, v8  }
0xad: {  	v7 =	vor.u32 v3, v7  }
0xae: {  	[tilespmem:v10+s23+$0x0] =	vst.idx.msk vm0, v7  }
0xaf: {  	v7 =	vld [tilespmem:s5+$0x0];
	_ =	sdelay $0x1  }
0xb0: {  	v8 =	vmpcnt.ones.xlane vm0;
	_ =	sdelay $0x1  }
0xb1: {  	(v2sf) =	vpush v8, $0x0  }
0xb2: {  	v8 =	vshra.s32 v7, $0x8  }
0xb3: {  	v58 =	vmul.u32 $0xAAAB, v8;
	_ =	sdelay $0x1  }
0xb4: {  	v9 =	vshra.s32 v58, $0x11  }
0xb5: {  	v59 =	vand.u32 $0x1F, v9  }
0xb6: {  	vm15 =	vlt.s32 v7, $0xF4200;
	vm14 =	veq.s32 v59, v1  }
0xb7: {  	vm0 =	vmand vm15, vm14  }
0xb8: {  	v60 =	vmpcnt.ones.xlane vm0;
	_ =	sdelay $0x1  }
0xb9: {  	(v2sf) =	vpush v60, $0x0;
	_ =	sdelay $0x2  }
0xba: {  	v61 =	vsel vm0, $0x1, v2  }
0xbb: {  	(xrf0) =	vadd.scan.msk.s32 $0xffff, v61  }
0xbc: {  	s28 =	spop (v2sf)  }
0xbd: {  	s5 =	sadd.s32 s6, s28  }
0xbe: {  	v62 =	vmov s5  }
0xbf: {  	v10 =	vadd.s32 $0xFFFFFFFF, v62  }
0xc0: {  	v10 =	vbroadcast v10, $0x0  }
0xc1: {  	v8 =	vmul.u32 $0x2AAAC, v8;
	v9 =	vmul.u32 $0x3FD00, v9;
	v63, _, _ =	vpop (xrf0)  }
0xc2: {  	v10 =	vadd.s32 v63, v10  }
.Ltmp3:
0xc3: {  	v8 =	vand.u32 $0xFF000000, v8;
	v7 =	vadd.s32 v7, v9;
	(pc) =	sbr.rel @!p0 .LBB2_4-.Ltmp3, $4  }
0xc4: {  	v8 =	vor.u32 s0, v8;
	v7 =	vshll.u32 v7, $0xE  }
0xc5: {  	v7 =	vor.u32 v7, v8  }
0xc6: {  	v7 =	vor.u32 v3, v7;
	s29 =	spop (v2sf)  }
0xc7: {  	[tilespmem:v10+s23+$0x0] =	vst.idx.msk vm0, v7;
	s0 =	sadd.s32 s5, s29;
	s5 =	simm.s32 $0x0  }
.LBB2_7:
0xc8: {  	s5 =	rddreg [dreg:$0x9]  }
0xc9: {  	[tilespmem:s4], [sflag:$0x4] =	stream.linear.gather [hbm4b:s5+s4], $0x2000, $0x38;
	[tilespmem:$0x1E880] =	vst v63  }
0xca: {  	_ =	swait.ge [sflag:s30], $0x2000  }
0xcb: {  	[sflag:s30] =	ssyncset.done $0x0  }
0xcc: {  	s28 =	simm.s32 $0x10;
	[sflag:s30] =	ssyncadd.s32 $0xFFFFE000  }
0xcd: {  	v7 =	vld [tilespmem:s28+$0xFFFFFFF0];
	_ =	sdelay $0x4  }
0xce: {  	v8 =	vshra.s32 v7, $0x8  }
0xcf: {  	v9 =	vmul.u32 $0xAAAB, v8;
	_ =	sdelay $0x1  }
0xd0: {  	v9 =	vshra.s32 v9, $0x11  }
0xd1: {  	v10 =	vand.u32 $0x1F, v9  }
0xd2: {  	vm1 =	vlt.s32 v7, $0xF4200;
	vm0 =	veq.s32 v10, v1  }
0xd3: {  	vm0 =	vmand vm1, vm0  }
0xd4: {  	v56 =	vsel vm0, $0x1, v2  }
0xd5: {  	(xrf0) =	vadd.scan.msk.s32 $0xffff, v56;
	_ =	sdelay $0x2  }
0xd6: {  	v57 =	vmov s0  }
0xd7: {  	v10 =	vadd.s32 $0xFFFFFFFF, v57  }
0xd8: {  	v10 =	vbroadcast v10, $0x0  }
0xd9: {  	v8 =	vmul.u32 $0x2AAAC, v8;
	v9 =	vmul.u32 $0x3FD00, v9;
	v11, _, _ =	vpop (xrf0)  }
0xda: {  	v10 =	vadd.s32 v11, v10  }
0xdb: {  	s6 =	simm.s32 $0x2000;
	v8 =	vand.u32 $0xFF000000, v8;
	v7 =	vadd.s32 v7, v9  }
0xdc: {  	v8 =	vor.u32 s6, v8;
	v7 =	vshll.u32 v7, $0xE  }
0xdd: {  	v7 =	vor.u32 v7, v8  }
0xde: {  	v7 =	vor.u32 v3, v7  }
0xdf: {  	[tilespmem:v10+s23+$0x0] =	vst.idx.msk vm0, v7;
	v7 =	vmpcnt.ones.xlane vm0;
	_ =	sdelay $0x1  }
0xe0: {  	(v2sf) =	vpush v7, $0x0  }
0xe1: {  	v8 =	vld [tilespmem:s28+$0x0];
	_ =	sdelay $0x4  }
0xe2: {  	v7 =	vshra.s32 v8, $0x8  }
0xe3: {  	v58 =	vmul.u32 $0xAAAB, v7;
	_ =	sdelay $0x1  }
0xe4: {  	v9 =	vshra.s32 v58, $0x11  }
0xe5: {  	v59 =	vand.u32 $0x1F, v9  }
0xe6: {  	vm15 =	vlt.s32 v8, $0xF4200;
	vm14 =	veq.s32 v59, v1  }
0xe7: {  	vm0 =	vmand vm15, vm14  }
0xe8: {  	v60 =	vmpcnt.ones.xlane vm0;
	v61 =	vsel vm0, $0x1, v2  }
0xe9: {  	(xrf0) =	vadd.scan.msk.s32 $0xffff, v61  }
0xea: {  	(v2sf) =	vpush v60, $0x0;
	s29 =	spop (v2sf)  }
0xeb: {  	s6 =	sadd.s32 s0, s29  }
0xec: {  	v62 =	vmov s6  }
0xed: {  	v10 =	vadd.s32 $0xFFFFFFFF, v62  }
0xee: {  	v10 =	vbroadcast v10, $0x0  }
0xef: {  	v7 =	vmul.u32 $0x2AAAC, v7;
	v9 =	vmul.u32 $0x3FD00, v9;
	v63, _, _ =	vpop (xrf0)  }
0xf0: {  	v10 =	vadd.s32 v63, v10  }
0xf1: {  	s5 =	simm.s32 $0x2010;
	v7 =	vand.u32 $0xFF000000, v7;
	v8 =	vadd.s32 v8, v9  }
0xf2: {  	v7 =	vor.u32 s5, v7;
	v8 =	vshll.u32 v8, $0xE  }
0xf3: {  	v7 =	vor.u32 v8, v7  }
0xf4: {  	v7 =	vor.u32 v3, v7  }
0xf5: {  	s0 =	simm.s32 $0x30;
	[tilespmem:v10+s23+$0x0] =	vst.idx.msk vm0, v7  }
0xf6: {  	v7 =	vld [tilespmem:s0+$0xFFFFFFF0];
	_ =	sdelay $0x2  }
0xf7: {  	s25 =	simm.s32 $0x2;
	s21 =	spop (v2sf)  }
.LBB2_8:
0xf8: {  	s25 =	sadd.s32 $0x2, s25;
	s28 =	sadd.s32 s6, s21;
	s5 =	sadd.s32 $0x20, s5  }
0xf9: {  	p2 =	slt.u32 s25, $0x1FE;
	v8 =	vshra.s32 v7, $0x8;
	v9 =	vmov s28  }
0xfa: {  	v10 =	vmul.u32 $0xAAAB, v8;
	v9 =	vadd.s32 $0xFFFFFFFF, v9;
	v8 =	vmul.u32 $0x2AAAC, v8;
	_ =	sdelay $0x1  }
0xfb: {  	v10 =	vshra.s32 v10, $0x11  }
0xfc: {  	v11 =	vand.u32 $0x1F, v10;
	v10 =	vmul.u32 $0x3FD00, v10  }
0xfd: {  	vm1 =	vlt.s32 v7, $0xF4200;
	vm0 =	veq.s32 v11, v1  }
0xfe: {  	s6 =	sadd.s32 $0xFFFFFFF0, s5;
	v8 =	vand.u32 $0xFF000000, v8;
	vm0 =	vmand vm1, vm0;
	v7 =	vadd.s32 v7, v10  }
0xff: {  	v8 =	vor.u32 s6, v8;
	v10 =	vsel vm0, $0x1, v2;
	v7 =	vshll.u32 v7, $0xE  }
0x100: {  	v7 =	vor.u32 v7, v8;
	v8 =	vmpcnt.ones.xlane vm0;
	(xrf0) =	vadd.scan.msk.s32 $0xffff, v10;
	_ =	sdelay $0x1  }
0x101: {  	(v2sf) =	vpush v8, $0x0;
	_ =	sdelay $0x2  }
0x102: {  	v8 =	vbroadcast v9, $0x0  }
0x103: {  	v9, _, _ =	vpop (xrf0)  }
0x104: {  	v8 =	vadd.s32 v9, v8;
	_ =	sdelay $0x3  }
0x105: {  	v7 =	vor.u32 v3, v7  }
0x106: {  	[tilespmem:v8+s23+$0x0] =	vst.idx.msk vm0, v7  }
0x107: {  	v7 =	vld [tilespmem:s0+$0x0];
	_ =	sdelay $0x3  }
0x108: {  	s6 =	spop (v2sf)  }
0x109: {  	v8 =	vshra.s32 v7, $0x8  }
0x10a: {  	v9 =	vmul.u32 $0xAAAB, v8;
	v8 =	vmul.u32 $0x2AAAC, v8;
	_ =	sdelay $0x1  }
0x10b: {  	v9 =	vshra.s32 v9, $0x11  }
0x10c: {  	v10 =	vand.u32 $0x1F, v9;
	v9 =	vmul.u32 $0x3FD00, v9  }
0x10d: {  	vm1 =	vlt.s32 v7, $0xF4200;
	v8 =	vand.u32 $0xFF000000, v8;
	vm0 =	veq.s32 v10, v1  }
0x10e: {  	v8 =	vor.u32 s5, v8;
	vm0 =	vmand vm1, vm0;
	v7 =	vadd.s32 v7, v9  }
0x10f: {  	v9 =	vsel vm0, $0x1, v2;
	v7 =	vshll.u32 v7, $0xE;
	v10 =	vmpcnt.ones.xlane vm0  }
0x110: {  	v7 =	vor.u32 v7, v8;
	(xrf0) =	vadd.scan.msk.s32 $0xffff, v9  }
0x111: {  	(v2sf) =	vpush v10, $0x0  }
0x112: {  	s6 =	sadd.s32 s28, s6  }
0x113: {  	v8 =	vmov s6  }
0x114: {  	v8 =	vadd.s32 $0xFFFFFFFF, v8  }
0x115: {  	v8 =	vbroadcast v8, $0x0  }
0x116: {  	v9, _, _ =	vpop (xrf0)  }
0x117: {  	v8 =	vadd.s32 v9, v8;
	_ =	sdelay $0x3  }
0x118: {  	v7 =	vor.u32 v3, v7  }
.Ltmp4:
0x119: {  	s0 =	sadd.s32 $0x20, s0;
	[tilespmem:v8+s23+$0x0] =	vst.idx.msk vm0, v7;
	(pc) =	sbr.rel @p2 .LBB2_8-.Ltmp4, $2  }
0x11a: {  	v7 =	vld [tilespmem:s0+$0xFFFFFFF0];
	_ =	sdelay $0x2  }
0x11b: {  	s21 =	spop (v2sf)  }
0x11c: {  	_ = 	snop  }
0x11d: {  	v8 =	vshra.s32 v7, $0x8  }
0x11e: {  	v9 =	vmul.u32 $0xAAAB, v8;
	_ =	sdelay $0x1  }
0x11f: {  	v9 =	vshra.s32 v9, $0x11  }
0x120: {  	v10 =	vand.u32 $0x1F, v9  }
0x121: {  	vm1 =	vlt.s32 v7, $0xF4200;
	vm0 =	veq.s32 v10, v1  }
0x122: {  	vm0 =	vmand vm1, vm0  }
0x123: {  	v56 =	vsel vm0, $0x1, v2  }
0x124: {  	(xrf0) =	vadd.scan.msk.s32 $0xffff, v56;
	_ =	sdelay $0x1  }
0x125: {  	s6 =	sadd.s32 s6, s21  }
0x126: {  	v57 =	vmov s6  }
0x127: {  	v10 =	vadd.s32 $0xFFFFFFFF, v57  }
0x128: {  	v10 =	vbroadcast v10, $0x0  }
0x129: {  	v8 =	vmul.u32 $0x2AAAC, v8;
	v9 =	vmul.u32 $0x3FD00, v9;
	v11, _, _ =	vpop (xrf0)  }
0x12a: {  	s5 =	sadd.s32 $0x20, s5;
	v10 =	vadd.s32 v11, v10  }
0x12b: {  	s25 =	sadd.s32 $0xFFFFFFF0, s5;
	v8 =	vand.u32 $0xFF000000, v8;
	v7 =	vadd.s32 v7, v9  }
0x12c: {  	v8 =	vor.u32 s25, v8;
	v7 =	vshll.u32 v7, $0xE  }
0x12d: {  	v7 =	vor.u32 v7, v8  }
0x12e: {  	v7 =	vor.u32 v3, v7  }
0x12f: {  	[tilespmem:v10+s23+$0x0] =	vst.idx.msk vm0, v7  }
0x130: {  	v7 =	vld [tilespmem:s0+$0x0];
	_ =	sdelay $0x1  }
0x131: {  	v8 =	vmpcnt.ones.xlane vm0;
	_ =	sdelay $0x1  }
0x132: {  	(v2sf) =	vpush v8, $0x0  }
0x133: {  	v8 =	vshra.s32 v7, $0x8  }
0x134: {  	v58 =	vmul.u32 $0xAAAB, v8;
	_ =	sdelay $0x1  }
0x135: {  	v9 =	vshra.s32 v58, $0x11  }
0x136: {  	v59 =	vand.u32 $0x1F, v9  }
0x137: {  	vm15 =	vlt.s32 v7, $0xF4200;
	vm14 =	veq.s32 v59, v1  }
0x138: {  	vm0 =	vmand vm15, vm14  }
0x139: {  	v60 =	vmpcnt.ones.xlane vm0;
	_ =	sdelay $0x1  }
0x13a: {  	(v2sf) =	vpush v60, $0x0;
	_ =	sdelay $0x2  }
0x13b: {  	v61 =	vsel vm0, $0x1, v2  }
0x13c: {  	(xrf0) =	vadd.scan.msk.s32 $0xffff, v61  }
0x13d: {  	s28 =	spop (v2sf)  }
0x13e: {  	s0 =	sadd.s32 s6, s28  }
0x13f: {  	v62 =	vmov s0  }
0x140: {  	v10 =	vadd.s32 $0xFFFFFFFF, v62  }
0x141: {  	v10 =	vbroadcast v10, $0x0  }
0x142: {  	v8 =	vmul.u32 $0x2AAAC, v8;
	v9 =	vmul.u32 $0x3FD00, v9;
	v63, _, _ =	vpop (xrf0)  }
0x143: {  	v10 =	vadd.s32 v63, v10  }
.Ltmp5:
0x144: {  	v8 =	vand.u32 $0xFF000000, v8;
	v7 =	vadd.s32 v7, v9;
	(pc) =	sbr.rel @!p1 .LBB2_10-.Ltmp5, $4  }
0x145: {  	v8 =	vor.u32 s5, v8;
	v7 =	vshll.u32 v7, $0xE  }
0x146: {  	v7 =	vor.u32 v7, v8  }
0x147: {  	v7 =	vor.u32 v3, v7;
	s29 =	spop (v2sf)  }
0x148: {  	s5 =	simm.s32 $0x0;
	[tilespmem:v10+s23+$0x0] =	vst.idx.msk vm0, v7;
	s0 =	sadd.s32 s0, s29  }
.LBB2_14:
.Ltmp6:
0x149: {  	(pc) =	sbr.rel .LBB2_15-.Ltmp6, $4  }
0x14a: {  	_ = 	snop  }
0x14b: {  	s5 =	sadd.s32 $0xF, s0  }
0x14c: {  	s25 =	sshra.s32 s5, $0x4  }
0x14d: {  	v7 =	vmov s0;
	s0 =	simm.s32 $0x0;
	s5 =	simm.s32 $0x0;
	p2 =	slt.s32 s25, $0x1  }
.LBB2_27:
0x14e: {  	s0 =	sadd.s32 $0x1, s0  }
0x14f: {  	p3 =	sne.s32 s0, $0x15  }
.Ltmp7:
0x150: {  	_ = 	snop;
	(pc) =	sbr.rel @!p3 .LBB2_28-.Ltmp7, $1  }
0x151: {  	_ =	sdelay $0x3  }
.LBB2_15:
0x152: {  	s28 =	sshllo.u32 s0, $0x1  }
0x153: {  	s6 =	sshll.u32 s28, $0x5  }
0x154: {  	s6 =	sor.u32 s8, s6  }
0x155: {  	s6 =	smin.u32 s6, $0x515  }
0x156: {  	s21 =	smul.u32 $0x300, s6;
	_ =	sdelay $0x1  }
0x157: {  	s21 =	sadd.s32 s2, s21  }
0x158: {  	[tilespmem:s24], [sflag:$0x3] =	stream.linear.gather [hbm4b:s21+s4], $0xC00, $0x38;
	[tilespmem:$0x1E880] =	vst v63  }
0x159: {  	s22 =	simm.s32 $0x13880;
	s15 =	sadd.s32 $0xF4280, s21  }
0x15a: {  	[tilespmem:s22], [sflag:$0x3] =	stream.linear.gather [hbm4b:s15+s4], $0xC00, $0x38;
	[tilespmem:$0x1E880] =	vst v63  }
0x15b: {  	s29 =	simm.s32 $0x15080;
	s22 =	sadd.s32 $0x1E8500, s21  }
0x15c: {  	[tilespmem:s29], [sflag:$0x3] =	stream.linear.gather [hbm4b:s22+s4], $0xC00, $0x38;
	[tilespmem:$0x1E880] =	vst v63  }
0x15d: {  	s22 =	sadd.s32 $0x2DC780, s21;
	s29 =	simm.s32 $0x16880  }
0x15e: {  	[tilespmem:s29], [sflag:$0x3] =	stream.linear.gather [hbm4b:s22+s4], $0xC00, $0x38;
	[tilespmem:$0x1E880] =	vst v63  }
0x15f: {  	s22 =	sadd.s32 $0x3D0A00, s21;
	s29 =	simm.s32 $0x18080  }
0x160: {  	[tilespmem:s29], [sflag:$0x3] =	stream.linear.gather [hbm4b:s22+s4], $0xC00, $0x38;
	[tilespmem:$0x1E880] =	vst v63  }
0x161: {  	s6 =	smul.u32 $0x1800, s6;
	s22 =	sadd.s32 $0x4C4C80, s21;
	s29 =	simm.s32 $0x19880  }
0x162: {  	[tilespmem:s29], [sflag:$0x3] =	stream.linear.gather [hbm4b:s22+s4], $0xC00, $0x38;
	[tilespmem:$0x1E880] =	vst v63  }
0x163: {  	s6 =	sshrl.u32 s6, $0x3;
	s22 =	sadd.s32 $0x5B8F00, s21;
	s29 =	simm.s32 $0x1B080  }
0x164: {  	[tilespmem:s29], [sflag:$0x3] =	stream.linear.gather [hbm4b:s22+s4], $0xC00, $0x38;
	[tilespmem:$0x1E880] =	vst v63  }
0x165: {  	s6 =	sadd.s32 s2, s6;
	s22 =	sadd.s32 $0x6AD180, s21;
	s29 =	simm.s32 $0x1C880  }
0x166: {  	[tilespmem:s29], [sflag:$0x3] =	stream.linear.gather [hbm4b:s22+s4], $0xC00, $0x38;
	[tilespmem:$0x1E880] =	vst v63  }
0x167: {  	s22 =	sadd.s32 $0x180, s6;
	s29 =	simm.s32 $0x12C80  }
0x168: {  	[tilespmem:s29], [sflag:$0x3] =	stream.linear.gather [hbm4b:s22+s4], $0xC00, $0x38;
	[tilespmem:$0x1E880] =	vst v63  }
0x169: {  	s22 =	sadd.s32 $0xF4400, s6;
	s29 =	simm.s32 $0x14480  }
0x16a: {  	[tilespmem:s29], [sflag:$0x3] =	stream.linear.gather [hbm4b:s22+s4], $0xC00, $0x38;
	[tilespmem:$0x1E880] =	vst v63  }
0x16b: {  	s22 =	sadd.s32 $0x1E8680, s6;
	s29 =	simm.s32 $0x15C80  }
0x16c: {  	[tilespmem:s29], [sflag:$0x3] =	stream.linear.gather [hbm4b:s22+s4], $0xC00, $0x38;
	[tilespmem:$0x1E880] =	vst v63  }
0x16d: {  	s22 =	sadd.s32 $0x2DC900, s6;
	s29 =	simm.s32 $0x17480  }
0x16e: {  	[tilespmem:s29], [sflag:$0x3] =	stream.linear.gather [hbm4b:s22+s4], $0xC00, $0x38;
	[tilespmem:$0x1E880] =	vst v63  }
0x16f: {  	s21 =	sadd.s32 $0x3D0B80, s6  }
0x170: {  	[tilespmem:s12], [sflag:$0x3] =	stream.linear.gather [hbm4b:s21+s4], $0xC00, $0x38;
	[tilespmem:$0x1E880] =	vst v63  }
0x171: {  	s22 =	sadd.s32 $0x4C4E00, s6  }
0x172: {  	[tilespmem:s14], [sflag:$0x3] =	stream.linear.gather [hbm4b:s22+s4], $0xC00, $0x38;
	[tilespmem:$0x1E880] =	vst v63  }
0x173: {  	s29 =	sadd.s32 $0x5B9080, s6  }
0x174: {  	[tilespmem:s18], [sflag:$0x3] =	stream.linear.gather [hbm4b:s29+s4], $0xC00, $0x38;
	[tilespmem:$0x1E880] =	vst v63  }
0x175: {  	s6 =	sadd.s32 $0x6AD300, s6  }
0x176: {  	[tilespmem:s20], [sflag:$0x3] =	stream.linear.gather [hbm4b:s6+s4], $0xC00, $0x38;
	[tilespmem:$0x1E880] =	vst v63  }
0x177: {  	_ =	swait.ge [sflag:s13], $0x6000  }
.Ltmp8:
0x178: {  	[sflag:s13] =	ssyncset.done $0x0;
	(pc) =	sbr.rel @p2 .LBB2_21-.Ltmp8, $4  }
0x179: {  	[sflag:s13] =	ssyncadd.s32 $0xFFFFA000  }
0x17a: {  	_ =	swait.ge [sflag:s13], $0x6000  }
0x17b: {  	[sflag:s13] =	ssyncset.done $0x0  }
0x17c: {  	[sflag:s13] =	ssyncadd.s32 $0xFFFFA000  }
.Ltmp9:
0x17d: {  	(pc) =	sbr.rel .LBB2_17-.Ltmp9, $3  }
0x17e: {  	_ =	sdelay $0x1  }
0x17f: {  	s6 =	sshll.u32 s0, $0x1  }
0x180: {  	v8 =	vmov s6;
	s6 =	simm.s32 $0x0  }
.LBB2_20:
0x181: {  	s6 =	sadd.s32 $0x1, s6  }
0x182: {  	p3 =	sne.s32 s6, s25  }
.Ltmp10:
0x183: {  	_ = 	snop;
	(pc) =	sbr.rel @!p3 .LBB2_21-.Ltmp10, $1  }
0x184: {  	_ =	sdelay $0x3  }
.LBB2_17:
0x185: {  	s21 =	sshll.u32 s6, $0x4  }
0x186: {  	v9 =	vld [tilespmem:s21+$0x2000];
	_ =	sdelay $0x4  }
0x187: {  	v10 =	vor.u32 s21, v3;
	v9 =	vshra.s32 v9, $0x18  }
0x188: {  	vm1 =	vlt.s32 v10, v7;
	vm0 =	veq.s32 v9, v8  }
0x189: {  	vm0 =	vmand vm1, vm0  }
0x18a: {  	v9 =	vmpcnt.ones.xlane vm0;
	_ =	sdelay $0x1  }
0x18b: {  	(v2sf) =	vpush v9, $0x0;
	_ =	sdelay $0xe  }
0x18c: {  	s15 =	spop (v2sf)  }
0x18d: {  	p3 =	slt.s32 s15, $0x1  }
.Ltmp11:
0x18e: {  	_ = 	snop;
	(pc) =	sbr.rel @p3 .LBB2_20-.Ltmp11, $1  }
0x18f: {  	_ =	sdelay $0x3  }
0x190: {  	s15 =	sadd.s32 $0x2000, s21  }
0x191: {  	s21 =	sshll.u32 s5, $0x6;
	v9 =	vmov s15  }
.LBB2_19:
0x192: {  	v10 =	vmctz.xlane vm0;
	_ =	sdelay $0x1  }
0x193: {  	(v2sf) =	vpush v10, $0x0;
	_ =	sdelay $0xe  }
0x194: {  	s15 =	spop (v2sf)  }
0x195: {  	v11 =	vld.idx.msk [tilespmem:v9+s15+$0x0 ss:$0x1], $0xffff;
	_ =	sdelay $0x4  }
0x196: {  	(v2sf) =	vpush v11, $0x0;
	_ =	sdelay $0xe  }
0x197: {  	s22 =	spop (v2sf)  }
0x198: {  	s29 =	sshrl.u32 s22, $0xE  }
0x199: {  	s29 =	sand.u32 $0x3FF, s29  }
0x19a: {  	v11 =	vmov s29  }
0x19b: {  	v12 =	vshll.u32 v11, $0x3  }
0x19c: {  	v11 =	vand.u32 $0x7F, v11;
	v12 =	vand.u32 $0x1C00, v12  }
0x19d: {  	v11 =	vor.u32 v11, v12  }
0x19e: {  	p3 =	slt.s32 s5, $0x20;
	v12 =	vadd.s32 v0, v11  }
0x19f: {  	s29 =	simm.s32 @!p3 $0x1  }
0x1a0: {  	_ =	swait.ge @!p3 [sflag:s29], $0x40  }
0x1a1: {  	[sflag:s29] =	ssyncset.done @!p3 $0x0  }
0x1a2: {  	[sflag:s29] =	ssyncadd.s32 @!p3 $0xFFFFFFC0  }
0x1a3: {  	v12 =	vld.idx.msk [tilespmem:v12+s19+$0x0], $0xffff  }
0x1a4: {  	v13 =	vadd.s32 v4, v11  }
0x1a5: {  	v10 =	vbroadcast v10, $0x0;
	_ =	sdelay $0x1  }
0x1a6: {  	vm1 =	vne.s32 v10, v3;
	s29 =	sand.u32 $0x7C0, s21  }
0x1a7: {  	vm0 =	vmand vm0, vm1;
	[tilespmem:s29+$0x1E080] =	vst v12  }
0x1a8: {  	v63 =	vmpcnt.ones.xlane vm0;
	v12 =	vld.idx.msk [tilespmem:v13+s19+$0x0], $0xffff  }
0x1a9: {  	v10 =	vadd.s32 v5, v11  }
0x1aa: {  	(v2sf) =	vpush v63, $0x0;
	_ =	sdelay $0x2  }
0x1ab: {  	[tilespmem:s29+$0x1E090] =	vst v12  }
0x1ac: {  	v10 =	vld.idx.msk [tilespmem:v10+s19+$0x0], $0xffff  }
0x1ad: {  	v11 =	vadd.s32 v6, v11;
	_ =	sdelay $0x3  }
0x1ae: {  	[tilespmem:s29+$0x1E0A0] =	vst v10  }
0x1af: {  	v10 =	vld.idx.msk [tilespmem:v11+s19+$0x0], $0xffff;
	_ =	sdelay $0x4  }
0x1b0: {  	s15 =	sshll.u32 s22, $0x3;
	s22 =	sadd.s32 $0x1E080, s29;
	[tilespmem:s29+$0x1E0B0] =	vst v10;
	s29 =	spop (v2sf)  }
0x1b1: {  	p3 =	sgt.s32 s29, $0x0  }
.Ltmp12:
0x1b2: {  	_ = 	snop;
	(pc) =	sbr.rel @p3 .LBB2_19-.Ltmp12, $4  }
0x1b3: {  	_ = 	snop  }
0x1b4: {  	s15 =	sand.u32 $0x1FFF8, s15  }
0x1b5: {  	s5 =	sadd.s32 $0x1, s5;
	s15 =	sadd.s32 s10, s15;
	s21 =	sadd.s32 $0x40, s21  }
0x1b6: {  	[hbm4b:s15+s4] =	stream.linear.scatter [tilespmem:s22], [sflag:$0x1], $0x40, $0x38;
	[tilespmem:$0x1E880] =	vst v63  }
.Ltmp13:
0x1b7: {  	_ = 	snop;
	(pc) =	sbr.rel .LBB2_20-.Ltmp13, $1  }
0x1b8: {  	_ =	sdelay $0x3  }
.LBB2_21:
0x1b9: {  	p3 =	seq.s32 s0, $0x14  }
0x1ba: {  	s6 =	sshll.u32 @!p3 s0, $0x6  }
0x1bb: {  	s6 =	sadd.s32 @!p3 s17, s6  }
0x1bc: {  	s6 =	smin.u32 @!p3 s6, $0x515  }
0x1bd: {  	s15 =	smul.u32 @!p3 $0x300, s6;
	_ =	sdelay $0x1  }
0x1be: {  	s21 =	simm.s32 @!p3 $0x0;
	s22 =	simm.s32 @!p3 $0x6080;
	s15 =	sadd.s32 @!p3 s2, s15  }
0x1bf: {  	[tilespmem:s22], [sflag:$0x2] =	stream.linear.gather @!p3 [hbm4b:s15+s21], $0xC00, $0x38;
	[tilespmem:$0x1E880] =	vst v63  }
0x1c0: {  	s29 =	simm.s32 @!p3 $0x7880;
	s22 =	sadd.s32 @!p3 $0xF4280, s15  }
0x1c1: {  	[tilespmem:s29], [sflag:$0x2] =	stream.linear.gather @!p3 [hbm4b:s22+s21], $0xC00, $0x38;
	[tilespmem:$0x1E880] =	vst v63  }
0x1c2: {  	s22 =	sadd.s32 @!p3 $0x1E8500, s15;
	s29 =	simm.s32 @!p3 $0x9080  }
0x1c3: {  	[tilespmem:s29], [sflag:$0x2] =	stream.linear.gather @!p3 [hbm4b:s22+s21], $0xC00, $0x38;
	[tilespmem:$0x1E880] =	vst v63  }
0x1c4: {  	s22 =	sadd.s32 @!p3 $0x2DC780, s15;
	s29 =	simm.s32 @!p3 $0xA880  }
0x1c5: {  	[tilespmem:s29], [sflag:$0x2] =	stream.linear.gather @!p3 [hbm4b:s22+s21], $0xC00, $0x38;
	[tilespmem:$0x1E880] =	vst v63  }
0x1c6: {  	s22 =	sadd.s32 @!p3 $0x3D0A00, s15;
	s29 =	simm.s32 @!p3 $0xC080  }
0x1c7: {  	[tilespmem:s29], [sflag:$0x2] =	stream.linear.gather @!p3 [hbm4b:s22+s21], $0xC00, $0x38;
	[tilespmem:$0x1E880] =	vst v63  }
0x1c8: {  	s6 =	smul.u32 @!p3 $0x1800, s6;
	s22 =	sadd.s32 @!p3 $0x4C4C80, s15;
	s29 =	simm.s32 @!p3 $0xD880  }
0x1c9: {  	[tilespmem:s29], [sflag:$0x2] =	stream.linear.gather @!p3 [hbm4b:s22+s21], $0xC00, $0x38;
	[tilespmem:$0x1E880] =	vst v63  }
0x1ca: {  	s6 =	sshrl.u32 @!p3 s6, $0x3;
	s22 =	sadd.s32 @!p3 $0x5B8F00, s15;
	s29 =	simm.s32 @!p3 $0xF080  }
0x1cb: {  	[tilespmem:s29], [sflag:$0x2] =	stream.linear.gather @!p3 [hbm4b:s22+s21], $0xC00, $0x38;
	[tilespmem:$0x1E880] =	vst v63  }
0x1cc: {  	s6 =	sadd.s32 @!p3 s2, s6;
	s15 =	sadd.s32 @!p3 $0x6AD180, s15;
	s22 =	simm.s32 @!p3 $0x10880  }
0x1cd: {  	[tilespmem:s22], [sflag:$0x2] =	stream.linear.gather @!p3 [hbm4b:s15+s21], $0xC00, $0x38;
	[tilespmem:$0x1E880] =	vst v63  }
0x1ce: {  	s15 =	sadd.s32 @!p3 $0x180, s6;
	s22 =	simm.s32 @!p3 $0x6C80  }
0x1cf: {  	[tilespmem:s22], [sflag:$0x2] =	stream.linear.gather @!p3 [hbm4b:s15+s21], $0xC00, $0x38;
	[tilespmem:$0x1E880] =	vst v63  }
0x1d0: {  	s15 =	sadd.s32 @!p3 $0xF4400, s6;
	s22 =	simm.s32 @!p3 $0x8480  }
0x1d1: {  	[tilespmem:s22], [sflag:$0x2] =	stream.linear.gather @!p3 [hbm4b:s15+s21], $0xC00, $0x38;
	[tilespmem:$0x1E880] =	vst v63  }
0x1d2: {  	s15 =	sadd.s32 @!p3 $0x1E8680, s6;
	s22 =	simm.s32 @!p3 $0x9C80  }
0x1d3: {  	[tilespmem:s22], [sflag:$0x2] =	stream.linear.gather @!p3 [hbm4b:s15+s21], $0xC00, $0x38;
	[tilespmem:$0x1E880] =	vst v63  }
0x1d4: {  	s15 =	sadd.s32 @!p3 $0x2DC900, s6;
	s22 =	simm.s32 @!p3 $0xB480  }
0x1d5: {  	[tilespmem:s22], [sflag:$0x2] =	stream.linear.gather @!p3 [hbm4b:s15+s21], $0xC00, $0x38;
	[tilespmem:$0x1E880] =	vst v63  }
0x1d6: {  	s15 =	sadd.s32 @!p3 $0x3D0B80, s6;
	s22 =	simm.s32 @!p3 $0xCC80  }
0x1d7: {  	[tilespmem:s22], [sflag:$0x2] =	stream.linear.gather @!p3 [hbm4b:s15+s21], $0xC00, $0x38;
	[tilespmem:$0x1E880] =	vst v63  }
0x1d8: {  	s15 =	sadd.s32 @!p3 $0x4C4E00, s6;
	s22 =	simm.s32 @!p3 $0xE480  }
0x1d9: {  	[tilespmem:s22], [sflag:$0x2] =	stream.linear.gather @!p3 [hbm4b:s15+s21], $0xC00, $0x38;
	[tilespmem:$0x1E880] =	vst v63  }
0x1da: {  	s15 =	sadd.s32 @!p3 $0x5B9080, s6;
	s22 =	simm.s32 @!p3 $0xFC80  }
0x1db: {  	[tilespmem:s22], [sflag:$0x2] =	stream.linear.gather @!p3 [hbm4b:s15+s21], $0xC00, $0x38;
	[tilespmem:$0x1E880] =	vst v63  }
0x1dc: {  	s6 =	sadd.s32 @!p3 $0x6AD300, s6;
	s15 =	simm.s32 @!p3 $0x11480  }
0x1dd: {  	[tilespmem:s15], [sflag:$0x2] =	stream.linear.gather @!p3 [hbm4b:s6+s21], $0xC00, $0x38;
	[tilespmem:$0x1E880] =	vst v63  }
0x1de: {  	_ =	swait.ge [sflag:s1], $0x6000  }
.Ltmp14:
0x1df: {  	[sflag:s1] =	ssyncset.done $0x0;
	(pc) =	sbr.rel @p2 .LBB2_27-.Ltmp14, $4  }
0x1e0: {  	[sflag:s1] =	ssyncadd.s32 $0xFFFFA000  }
0x1e1: {  	_ =	swait.ge [sflag:s1], $0x6000  }
0x1e2: {  	[sflag:s1] =	ssyncset.done $0x0  }
0x1e3: {  	[sflag:s1] =	ssyncadd.s32 $0xFFFFA000  }
.Ltmp15:
0x1e4: {  	(pc) =	sbr.rel .LBB2_23-.Ltmp15, $2  }
0x1e5: {  	_ =	sdelay $0x2  }
0x1e6: {  	v8 =	vmov s28;
	s6 =	simm.s32 $0x0  }
.LBB2_26:
0x1e7: {  	s6 =	sadd.s32 $0x1, s6  }
0x1e8: {  	p3 =	sne.s32 s6, s25  }
.Ltmp16:
0x1e9: {  	_ = 	snop;
	(pc) =	sbr.rel @!p3 .LBB2_27-.Ltmp16, $1  }
0x1ea: {  	_ =	sdelay $0x3  }
.LBB2_23:
0x1eb: {  	s21 =	sshll.u32 s6, $0x4  }
0x1ec: {  	v9 =	vld [tilespmem:s21+$0x2000];
	_ =	sdelay $0x4  }
0x1ed: {  	v10 =	vor.u32 s21, v3;
	v9 =	vshra.s32 v9, $0x18  }
0x1ee: {  	vm1 =	vlt.s32 v10, v7;
	vm0 =	veq.s32 v9, v8  }
0x1ef: {  	vm0 =	vmand vm1, vm0  }
0x1f0: {  	v9 =	vmpcnt.ones.xlane vm0;
	_ =	sdelay $0x1  }
0x1f1: {  	(v2sf) =	vpush v9, $0x0;
	_ =	sdelay $0xe  }
0x1f2: {  	s15 =	spop (v2sf)  }
0x1f3: {  	p3 =	slt.s32 s15, $0x1  }
.Ltmp17:
0x1f4: {  	_ = 	snop;
	(pc) =	sbr.rel @p3 .LBB2_26-.Ltmp17, $1  }
0x1f5: {  	_ =	sdelay $0x3  }
0x1f6: {  	s15 =	sadd.s32 $0x2000, s21  }
0x1f7: {  	s21 =	sshll.u32 s5, $0x6;
	v9 =	vmov s15  }
.LBB2_25:
0x1f8: {  	v10 =	vmctz.xlane vm0;
	_ =	sdelay $0x1  }
0x1f9: {  	(v2sf) =	vpush v10, $0x0;
	_ =	sdelay $0xe  }
0x1fa: {  	s15 =	spop (v2sf)  }
0x1fb: {  	v11 =	vld.idx.msk [tilespmem:v9+s15+$0x0 ss:$0x1], $0xffff;
	_ =	sdelay $0x4  }
0x1fc: {  	(v2sf) =	vpush v11, $0x0;
	_ =	sdelay $0xe  }
0x1fd: {  	s28 =	spop (v2sf)  }
0x1fe: {  	s22 =	sshrl.u32 s28, $0xE  }
0x1ff: {  	s22 =	sand.u32 $0x3FF, s22  }
0x200: {  	v11 =	vmov s22  }
0x201: {  	v12 =	vshll.u32 v11, $0x3  }
0x202: {  	v11 =	vand.u32 $0x7F, v11;
	v12 =	vand.u32 $0x1C00, v12  }
0x203: {  	v11 =	vor.u32 v11, v12  }
0x204: {  	p3 =	slt.s32 s5, $0x20;
	v12 =	vadd.s32 v0, v11  }
0x205: {  	s22 =	simm.s32 @!p3 $0x1  }
0x206: {  	_ =	swait.ge @!p3 [sflag:s22], $0x40  }
0x207: {  	[sflag:s22] =	ssyncset.done @!p3 $0x0  }
0x208: {  	[sflag:s22] =	ssyncadd.s32 @!p3 $0xFFFFFFC0  }
0x209: {  	v12 =	vld.idx.msk [tilespmem:v12+s24+$0x0], $0xffff  }
0x20a: {  	v13 =	vadd.s32 v4, v11  }
0x20b: {  	v10 =	vbroadcast v10, $0x0;
	_ =	sdelay $0x1  }
0x20c: {  	s29 =	sand.u32 $0x7C0, s21;
	vm1 =	vne.s32 v10, v3  }
0x20d: {  	vm0 =	vmand vm0, vm1;
	[tilespmem:s29+$0x1E080] =	vst v12  }
0x20e: {  	v63 =	vmpcnt.ones.xlane vm0;
	v12 =	vld.idx.msk [tilespmem:v13+s24+$0x0], $0xffff  }
0x20f: {  	v10 =	vadd.s32 v5, v11  }
0x210: {  	(v2sf) =	vpush v63, $0x0;
	_ =	sdelay $0x2  }
0x211: {  	[tilespmem:s29+$0x1E090] =	vst v12  }
0x212: {  	v10 =	vld.idx.msk [tilespmem:v10+s24+$0x0], $0xffff  }
0x213: {  	v11 =	vadd.s32 v6, v11;
	_ =	sdelay $0x3  }
0x214: {  	[tilespmem:s29+$0x1E0A0] =	vst v10  }
0x215: {  	v10 =	vld.idx.msk [tilespmem:v11+s24+$0x0], $0xffff;
	_ =	sdelay $0x4  }
0x216: {  	s15 =	sshll.u32 s28, $0x3;
	s28 =	sadd.s32 $0x1E080, s29;
	[tilespmem:s29+$0x1E0B0] =	vst v10;
	s29 =	spop (v2sf)  }
0x217: {  	p3 =	sgt.s32 s29, $0x0  }
.Ltmp18:
0x218: {  	_ = 	snop;
	(pc) =	sbr.rel @p3 .LBB2_25-.Ltmp18, $4  }
0x219: {  	_ = 	snop  }
0x21a: {  	s15 =	sand.u32 $0x1FFF8, s15  }
0x21b: {  	s5 =	sadd.s32 $0x1, s5;
	s21 =	sadd.s32 $0x40, s21;
	s15 =	sadd.s32 s10, s15  }
0x21c: {  	[hbm4b:s15+s4] =	stream.linear.scatter [tilespmem:s28], [sflag:$0x1], $0x40, $0x38;
	[tilespmem:$0x1E880] =	vst v63  }
.Ltmp19:
0x21d: {  	_ = 	snop;
	(pc) =	sbr.rel .LBB2_26-.Ltmp19, $1  }
0x21e: {  	_ =	sdelay $0x3  }
.LBB2_6:
0x21f: {  	s5 =	sadd.s32 $0x1, s5  }
0x220: {  	p2 =	sne.s32 s5, $0x20  }
.Ltmp20:
0x221: {  	_ = 	snop;
	(pc) =	sbr.rel @!p2 .LBB2_7-.Ltmp20, $1  }
0x222: {  	_ =	sdelay $0x3  }
.LBB2_4:
0x223: {  	s21 =	sshll.u32 s5, $0x4  }
0x224: {  	s6 =	sadd.s32 s15, s21  }
0x225: {  	s21 =	sand.u32 $0x70, s21;
	s25 =	sand.u32 $0x1F80, s6  }
0x226: {  	s21 =	sor.u32 s21, s25  }
0x227: {  	v7 =	vld [tilespmem:s21+$0x0];
	_ =	sdelay $0x4  }
0x228: {  	vm0 =	vgt.s32 v7, $0xF41FF  }
0x229: {  	v7 =	vmpcnt.ones.xlane vm0;
	_ =	sdelay $0x1  }
0x22a: {  	(v2sf) =	vpush v7, $0x0;
	_ =	sdelay $0xe  }
0x22b: {  	s29 =	spop (v2sf)  }
0x22c: {  	p2 =	slt.s32 s29, $0x1  }
.Ltmp21:
0x22d: {  	_ = 	snop;
	(pc) =	sbr.rel @p2 .LBB2_6-.Ltmp21, $1  }
0x22e: {  	_ =	sdelay $0x3  }
.LBB2_5:
0x22f: {  	v7 =	vmctz.xlane vm0;
	_ =	sdelay $0x1  }
0x230: {  	(v2sf) =	vpush v7, $0x0;
	_ =	sdelay $0xe  }
0x231: {  	s21 =	spop (v2sf)  }
0x232: {  	s21 =	sadd.s32 s6, s21  }
0x233: {  	v8 =	vld [tilespmem:s21+$0x0];
	_ =	sdelay $0x4  }
0x234: {  	(v2sf) =	vpush v8, $0x0;
	_ =	sdelay $0xe  }
0x235: {  	s25 =	spop (v2sf)  }
0x236: {  	s25 =	sshll.u32 s25, $0x6  }
0x237: {  	s25 =	sadd.s32 $0xFC2F8000, s25  }
0x238: {  	s25 =	sshrl.u32 s25, $0x3  }
0x239: {  	s25 =	sadd.s32 s7, s25  }
0x23a: {  	v7 =	vbroadcast v7, $0x0;
	[tilespmem:s31], [sflag:$0x4] =	stream.linear.gather [hbm4b:s25+s4], $0x40, $0x38;
	[tilespmem:$0x1E880] =	vst v63  }
0x23b: {  	s21 =	sshll.u32 s21, $0x3;
	_ =	swait.ge [sflag:s30], $0x40  }
0x23c: {  	vm1 =	vne.s32 v7, v3;
	s21 =	sand.u32 $0x1FFFFFF8, s21;
	[sflag:s30] =	ssyncset.done $0x0  }
0x23d: {  	vm0 =	vmand vm0, vm1;
	s21 =	sadd.s32 s10, s21;
	[sflag:s30] =	ssyncadd.s32 $0xFFFFFFC0  }
0x23e: {  	v7 =	vmpcnt.ones.xlane vm0;
	[hbm4b:s21+s4] =	stream.linear.scatter [tilespmem:s31], [sflag:$0x4], $0x40, $0x38;
	[tilespmem:$0x1E880] =	vst v63  }
0x23f: {  	_ =	swait.ge [sflag:s30], $0x40  }
0x240: {  	(v2sf) =	vpush v7, $0x0;
	_ =	sdelay $0xe  }
0x241: {  	s29 =	spop (v2sf)  }
0x242: {  	p2 =	sgt.s32 s29, $0x0  }
.Ltmp22:
0x243: {  	_ = 	snop;
	(pc) =	sbr.rel @p2 .LBB2_5-.Ltmp22, $3  }
0x244: {  	_ =	sdelay $0x1  }
0x245: {  	[sflag:s30] =	ssyncset.done $0x0  }
0x246: {  	[sflag:s30] =	ssyncadd.s32 $0xFFFFFFC0  }
.Ltmp23:
0x247: {  	_ = 	snop;
	(pc) =	sbr.rel .LBB2_6-.Ltmp23, $1  }
0x248: {  	_ =	sdelay $0x3  }
.LBB2_13:
0x249: {  	s5 =	sadd.s32 $0x1, s5  }
0x24a: {  	p2 =	sne.s32 s5, $0x20  }
.Ltmp24:
0x24b: {  	_ = 	snop;
	(pc) =	sbr.rel @!p2 .LBB2_14-.Ltmp24, $1  }
0x24c: {  	_ =	sdelay $0x3  }
.LBB2_10:
0x24d: {  	s6 =	sshll.u32 s5, $0x4  }
0x24e: {  	s21 =	sand.u32 $0x1F80, s16;
	s25 =	sand.u32 $0x1FF0, s6  }
0x24f: {  	s21 =	sor.u32 s21, s25  }
0x250: {  	v7 =	vld [tilespmem:s21+$0x0];
	_ =	sdelay $0x4  }
0x251: {  	vm0 =	vgt.s32 v7, $0xF41FF  }
0x252: {  	v7 =	vmpcnt.ones.xlane vm0;
	_ =	sdelay $0x1  }
0x253: {  	(v2sf) =	vpush v7, $0x0;
	_ =	sdelay $0xe  }
0x254: {  	s29 =	spop (v2sf)  }
0x255: {  	p2 =	slt.s32 s29, $0x1  }
.Ltmp25:
0x256: {  	_ = 	snop;
	(pc) =	sbr.rel @p2 .LBB2_13-.Ltmp25, $1  }
0x257: {  	_ =	sdelay $0x3  }
0x258: {  	s21 =	sor.u32 s16, s6  }
0x259: {  	s6 =	sadd.s32 $0x2000, s21;
	v7 =	vmov s21  }
.LBB2_12:
0x25a: {  	v8 =	vmctz.xlane vm0;
	_ =	sdelay $0x1  }
0x25b: {  	(v2sf) =	vpush v8, $0x0;
	_ =	sdelay $0xe  }
0x25c: {  	s21 =	spop (v2sf)  }
0x25d: {  	v9 =	vld.idx.msk [tilespmem:v7+s21+$0x0 ss:$0x1], $0xffff;
	_ =	sdelay $0x4  }
0x25e: {  	(v2sf) =	vpush v9, $0x0;
	_ =	sdelay $0xe  }
0x25f: {  	s25 =	spop (v2sf)  }
0x260: {  	s25 =	sshll.u32 s25, $0x6  }
0x261: {  	s25 =	sadd.s32 $0xFC2F8000, s25  }
0x262: {  	s25 =	sshrl.u32 s25, $0x3  }
0x263: {  	s21 =	sadd.s32 s21, s6;
	s25 =	sadd.s32 s7, s25  }
0x264: {  	v8 =	vbroadcast v8, $0x0;
	[tilespmem:s31], [sflag:$0x4] =	stream.linear.gather [hbm4b:s25+s4], $0x40, $0x38;
	[tilespmem:$0x1E880] =	vst v63  }
0x265: {  	s21 =	sshll.u32 s21, $0x3;
	_ =	swait.ge [sflag:s30], $0x40  }
0x266: {  	vm1 =	vne.s32 v8, v3;
	s21 =	sand.u32 $0x1FFFFFF8, s21;
	[sflag:s30] =	ssyncset.done $0x0  }
0x267: {  	vm0 =	vmand vm0, vm1;
	s21 =	sadd.s32 s10, s21;
	[sflag:s30] =	ssyncadd.s32 $0xFFFFFFC0  }
0x268: {  	v8 =	vmpcnt.ones.xlane vm0;
	[hbm4b:s21+s4] =	stream.linear.scatter [tilespmem:s31], [sflag:$0x4], $0x40, $0x38;
	[tilespmem:$0x1E880] =	vst v63  }
0x269: {  	_ =	swait.ge [sflag:s30], $0x40  }
0x26a: {  	(v2sf) =	vpush v8, $0x0;
	_ =	sdelay $0xe  }
0x26b: {  	s29 =	spop (v2sf)  }
0x26c: {  	p2 =	sgt.s32 s29, $0x0  }
.Ltmp26:
0x26d: {  	_ = 	snop;
	(pc) =	sbr.rel @p2 .LBB2_12-.Ltmp26, $3  }
0x26e: {  	_ =	sdelay $0x1  }
0x26f: {  	[sflag:s30] =	ssyncset.done $0x0  }
0x270: {  	[sflag:s30] =	ssyncadd.s32 $0xFFFFFFC0  }
.Ltmp27:
0x271: {  	_ = 	snop;
	(pc) =	sbr.rel .LBB2_13-.Ltmp27, $1  }
0x272: {  	_ =	sdelay $0x3  }
.LBB2_28:
0x273: {  	p2 =	slt.s32 s5, $0x1  }
.Ltmp28:
0x274: {  	_ = 	snop;
	(pc) =	sbr.rel @p2 .LBB2_32-.Ltmp28, $2  }
0x275: {  	_ =	sdelay $0x2  }
0x276: {  	s22 =	rddreg [dreg:$0x7]  }
0x277: {  	p2 =	slt.s32 s5, $0x20  }
0x278: {  	s5 =	simm.s32 @!p2 $0x20  }
0x279: {  	p2 =	sne.s32 s5, $0x1  }
.Ltmp29:
0x27a: {  	_ = 	snop;
	(pc) =	sbr.rel @!p2 .LBB2_31-.Ltmp29, $3  }
0x27b: {  	_ =	sdelay $0x1  }
0x27c: {  	_ =	swait.ge [sflag:s26], $0x40  }
0x27d: {  	[sflag:s26] =	ssyncset.done $0x0;
	s0 =	sadd.s32 $0xFFFFFFFF, s5  }
.LBB2_30:
0x27e: {  	p2 =	sne.s32 s0, $0x1;
	s0 =	sadd.s32 $0xFFFFFFFF, s0;
	[sflag:s26] =	ssyncadd.s32 $0xFFFFFFC0  }
.Ltmp30:
0x27f: {  	(pc) =	sbr.rel @p2 .LBB2_30-.Ltmp30, $3  }
0x280: {  	_ =	sdelay $0x1  }
0x281: {  	_ =	swait.ge [sflag:s26], $0x40  }
0x282: {  	[sflag:s26] =	ssyncset.done $0x0  }
.LBB2_31:
0x283: {  	[sflag:s26] =	ssyncadd.s32 $0xFFFFFFC0  }
.LBB2_32:
0x284: {  	s5 =	simm.s32 $0x0;
	s6 =	rddreg [dreg:$0xa]  }
0x285: {  	[tilespmem:s19], [sflag:$0x2] =	stream.linear.gather [hbm4b:s6+s5], $0xC00, $0x38;
	[tilespmem:$0x1E880] =	vst v63  }
0x286: {  	s15 =	simm.s32 $0x7880;
	s0 =	sadd.s32 $0xF4280, s6  }
0x287: {  	[tilespmem:s15], [sflag:$0x2] =	stream.linear.gather [hbm4b:s0+s5], $0xC00, $0x38;
	[tilespmem:$0x1E880] =	vst v63  }
0x288: {  	s25 =	simm.s32 $0x9080;
	s21 =	sadd.s32 $0x1E8500, s6  }
0x289: {  	[tilespmem:s25], [sflag:$0x2] =	stream.linear.gather [hbm4b:s21+s5], $0xC00, $0x38;
	[tilespmem:$0x1E880] =	vst v63  }
0x28a: {  	s29 =	simm.s32 $0xA880;
	s28 =	sadd.s32 $0x2DC780, s6  }
0x28b: {  	[tilespmem:s29], [sflag:$0x2] =	stream.linear.gather [hbm4b:s28+s5], $0xC00, $0x38;
	[tilespmem:$0x1E880] =	vst v63  }
0x28c: {  	s21 =	sadd.s32 $0x3D0A00, s6;
	s25 =	simm.s32 $0xC080  }
0x28d: {  	[tilespmem:s25], [sflag:$0x2] =	stream.linear.gather [hbm4b:s21+s5], $0xC00, $0x38;
	[tilespmem:$0x1E880] =	vst v63  }
0x28e: {  	s28 =	sadd.s32 $0x4C4C80, s6;
	s29 =	simm.s32 $0xD880  }
0x28f: {  	[tilespmem:s29], [sflag:$0x2] =	stream.linear.gather [hbm4b:s28+s5], $0xC00, $0x38;
	[tilespmem:$0x1E880] =	vst v63  }
0x290: {  	s21 =	sadd.s32 $0x5B8F00, s6;
	s25 =	simm.s32 $0xF080  }
0x291: {  	[tilespmem:s25], [sflag:$0x2] =	stream.linear.gather [hbm4b:s21+s5], $0xC00, $0x38;
	[tilespmem:$0x1E880] =	vst v63  }
0x292: {  	s28 =	sadd.s32 $0x6AD180, s6;
	s29 =	simm.s32 $0x10880  }
0x293: {  	[tilespmem:s29], [sflag:$0x2] =	stream.linear.gather [hbm4b:s28+s5], $0xC00, $0x38;
	[tilespmem:$0x1E880] =	vst v63  }
0x294: {  	s15 =	simm.s32 $0x6C80;
	s6 =	rddreg [dreg:$0xc]  }
0x295: {  	[tilespmem:s15], [sflag:$0x2] =	stream.linear.gather [hbm4b:s6+s5], $0xC00, $0x38;
	[tilespmem:$0x1E880] =	vst v63  }
0x296: {  	s21 =	sadd.s32 $0xF4280, s6;
	s25 =	simm.s32 $0x8480  }
0x297: {  	[tilespmem:s25], [sflag:$0x2] =	stream.linear.gather [hbm4b:s21+s5], $0xC00, $0x38;
	[tilespmem:$0x1E880] =	vst v63  }
0x298: {  	s28 =	sadd.s32 $0x1E8500, s6;
	s29 =	simm.s32 $0x9C80  }
0x299: {  	[tilespmem:s29], [sflag:$0x2] =	stream.linear.gather [hbm4b:s28+s5], $0xC00, $0x38;
	[tilespmem:$0x1E880] =	vst v63  }
0x29a: {  	s21 =	sadd.s32 $0x2DC780, s6;
	s25 =	simm.s32 $0xB480  }
0x29b: {  	[tilespmem:s25], [sflag:$0x2] =	stream.linear.gather [hbm4b:s21+s5], $0xC00, $0x38;
	[tilespmem:$0x1E880] =	vst v63  }
0x29c: {  	s28 =	sadd.s32 $0x3D0A00, s6;
	s29 =	simm.s32 $0xCC80  }
0x29d: {  	[tilespmem:s29], [sflag:$0x2] =	stream.linear.gather [hbm4b:s28+s5], $0xC00, $0x38;
	[tilespmem:$0x1E880] =	vst v63  }
0x29e: {  	s21 =	sadd.s32 $0x4C4C80, s6;
	s25 =	simm.s32 $0xE480  }
0x29f: {  	[tilespmem:s25], [sflag:$0x2] =	stream.linear.gather [hbm4b:s21+s5], $0xC00, $0x38;
	[tilespmem:$0x1E880] =	vst v63  }
0x2a0: {  	s28 =	sadd.s32 $0x5B8F00, s6;
	s29 =	simm.s32 $0xFC80  }
0x2a1: {  	[tilespmem:s29], [sflag:$0x2] =	stream.linear.gather [hbm4b:s28+s5], $0xC00, $0x38;
	[tilespmem:$0x1E880] =	vst v63  }
0x2a2: {  	s15 =	sadd.s32 $0x6AD180, s6;
	s21 =	simm.s32 $0x11480  }
0x2a3: {  	[tilespmem:s21], [sflag:$0x2] =	stream.linear.gather [hbm4b:s15+s5], $0xC00, $0x38;
	[tilespmem:$0x1E880] =	vst v63  }
0x2a4: {  	s25 =	rddreg [dreg:$0x1]  }
0x2a5: {  	[tilespmem:s5], [sflag:$0x4] =	stream.linear.gather [hbm4b:s25+s5], $0x2000, $0x38;
	[tilespmem:$0x1E880] =	vst v63  }
0x2a6: {  	_ =	swait.ge [sflag:s30], $0x2000  }
0x2a7: {  	[sflag:s30] =	ssyncset.done $0x0  }
0x2a8: {  	s0 =	simm.s32 $0x10;
	[sflag:s30] =	ssyncadd.s32 $0xFFFFE000  }
0x2a9: {  	v7 =	vld [tilespmem:s0+$0xFFFFFFF0];
	_ =	sdelay $0x4  }
0x2aa: {  	v8 =	vshra.s32 v7, $0x8  }
0x2ab: {  	v9 =	vmul.u32 $0xAAAB, v8;
	_ =	sdelay $0x1  }
0x2ac: {  	v9 =	vshra.s32 v9, $0x11  }
0x2ad: {  	v10 =	vand.u32 $0x1F, v9  }
0x2ae: {  	vm1 =	vlt.s32 v7, $0xF4200;
	vm0 =	veq.s32 v10, v1  }
0x2af: {  	vm0 =	vmand vm1, vm0  }
0x2b0: {  	v56 =	vsel vm0, $0x1, v2  }
0x2b1: {  	(xrf0) =	vadd.scan.msk.s32 $0xffff, v56;
	_ =	sdelay $0x2  }
0x2b2: {  	v57 =	vmov s5  }
0x2b3: {  	v10 =	vadd.s32 $0xFFFFFFFF, v57  }
0x2b4: {  	v10 =	vbroadcast v10, $0x0  }
0x2b5: {  	v8 =	vmul.u32 $0x2AAAC, v8;
	v9 =	vmul.u32 $0x3FD00, v9;
	v11, _, _ =	vpop (xrf0)  }
0x2b6: {  	v10 =	vadd.s32 v11, v10  }
0x2b7: {  	s28 =	simm.s32 $0x0;
	v8 =	vand.u32 $0xFF000000, v8;
	v7 =	vadd.s32 v7, v9  }
0x2b8: {  	v8 =	vor.u32 s28, v8;
	v7 =	vshll.u32 v7, $0xE  }
0x2b9: {  	v7 =	vor.u32 v7, v8  }
0x2ba: {  	v7 =	vor.u32 v3, v7  }
0x2bb: {  	[tilespmem:v10+s23+$0x0] =	vst.idx.msk vm0, v7;
	v7 =	vmpcnt.ones.xlane vm0;
	_ =	sdelay $0x1  }
0x2bc: {  	(v2sf) =	vpush v7, $0x0  }
0x2bd: {  	v8 =	vld [tilespmem:s0+$0x0];
	_ =	sdelay $0x4  }
0x2be: {  	v7 =	vshra.s32 v8, $0x8  }
0x2bf: {  	v58 =	vmul.u32 $0xAAAB, v7;
	_ =	sdelay $0x1  }
0x2c0: {  	v9 =	vshra.s32 v58, $0x11  }
0x2c1: {  	v59 =	vand.u32 $0x1F, v9  }
0x2c2: {  	vm15 =	vlt.s32 v8, $0xF4200;
	vm14 =	veq.s32 v59, v1  }
0x2c3: {  	vm0 =	vmand vm15, vm14  }
0x2c4: {  	v60 =	vmpcnt.ones.xlane vm0;
	v61 =	vsel vm0, $0x1, v2  }
0x2c5: {  	(xrf0) =	vadd.scan.msk.s32 $0xffff, v61  }
0x2c6: {  	(v2sf) =	vpush v60, $0x0;
	s29 =	spop (v2sf)  }
0x2c7: {  	s6 =	sadd.s32 $0x0, s29  }
0x2c8: {  	v62 =	vmov s6  }
0x2c9: {  	v10 =	vadd.s32 $0xFFFFFFFF, v62  }
0x2ca: {  	v10 =	vbroadcast v10, $0x0  }
0x2cb: {  	v7 =	vmul.u32 $0x2AAAC, v7;
	v9 =	vmul.u32 $0x3FD00, v9;
	v63, _, _ =	vpop (xrf0)  }
0x2cc: {  	v10 =	vadd.s32 v63, v10  }
0x2cd: {  	v7 =	vand.u32 $0xFF000000, v7;
	v8 =	vadd.s32 v8, v9  }
0x2ce: {  	v7 =	vor.u32 s0, v7;
	v8 =	vshll.u32 v8, $0xE  }
0x2cf: {  	v7 =	vor.u32 v8, v7  }
0x2d0: {  	v7 =	vor.u32 v3, v7  }
0x2d1: {  	s5 =	simm.s32 $0x30;
	[tilespmem:v10+s23+$0x0] =	vst.idx.msk vm0, v7  }
0x2d2: {  	v7 =	vld [tilespmem:s5+$0xFFFFFFF0];
	_ =	sdelay $0x2  }
0x2d3: {  	s25 =	simm.s32 $0x2;
	s21 =	spop (v2sf)  }
.LBB2_33:
0x2d4: {  	s25 =	sadd.s32 $0x2, s25;
	s28 =	sadd.s32 s6, s21;
	s0 =	sadd.s32 $0x20, s0  }
0x2d5: {  	p2 =	slt.u32 s25, $0x1FE;
	v8 =	vshra.s32 v7, $0x8;
	v9 =	vmov s28  }
0x2d6: {  	v10 =	vmul.u32 $0xAAAB, v8;
	v9 =	vadd.s32 $0xFFFFFFFF, v9;
	_ =	sdelay $0x1  }
0x2d7: {  	v10 =	vshra.s32 v10, $0x11  }
0x2d8: {  	v8 =	vmul.u32 $0x2AAAC, v8;
	v11 =	vand.u32 $0x1F, v10;
	v10 =	vmul.u32 $0x3FD00, v10  }
0x2d9: {  	vm1 =	vlt.s32 v7, $0xF4200;
	vm0 =	veq.s32 v11, v1  }
0x2da: {  	s6 =	sadd.s32 $0xFFFFFFF0, s0;
	v8 =	vand.u32 $0xFF000000, v8;
	vm0 =	vmand vm1, vm0;
	v7 =	vadd.s32 v7, v10  }
0x2db: {  	v8 =	vor.u32 s6, v8;
	v10 =	vsel vm0, $0x1, v2;
	v7 =	vshll.u32 v7, $0xE  }
0x2dc: {  	v7 =	vor.u32 v7, v8;
	v8 =	vmpcnt.ones.xlane vm0;
	(xrf0) =	vadd.scan.msk.s32 $0xffff, v10;
	_ =	sdelay $0x1  }
0x2dd: {  	(v2sf) =	vpush v8, $0x0;
	_ =	sdelay $0x2  }
0x2de: {  	v8 =	vbroadcast v9, $0x0  }
0x2df: {  	v9, _, _ =	vpop (xrf0)  }
0x2e0: {  	v8 =	vadd.s32 v9, v8;
	_ =	sdelay $0x3  }
0x2e1: {  	v7 =	vor.u32 v3, v7  }
0x2e2: {  	[tilespmem:v8+s23+$0x0] =	vst.idx.msk vm0, v7  }
0x2e3: {  	v7 =	vld [tilespmem:s5+$0x0];
	_ =	sdelay $0x3  }
0x2e4: {  	s6 =	spop (v2sf)  }
0x2e5: {  	v8 =	vshra.s32 v7, $0x8  }
0x2e6: {  	v9 =	vmul.u32 $0xAAAB, v8;
	v8 =	vmul.u32 $0x2AAAC, v8;
	_ =	sdelay $0x1  }
0x2e7: {  	v9 =	vshra.s32 v9, $0x11;
	v8 =	vand.u32 $0xFF000000, v8  }
0x2e8: {  	v10 =	vand.u32 $0x1F, v9;
	v9 =	vmul.u32 $0x3FD00, v9  }
0x2e9: {  	vm1 =	vlt.s32 v7, $0xF4200;
	vm0 =	veq.s32 v10, v1  }
0x2ea: {  	v8 =	vor.u32 s0, v8;
	vm0 =	vmand vm1, vm0;
	v7 =	vadd.s32 v7, v9  }
0x2eb: {  	v9 =	vsel vm0, $0x1, v2;
	v7 =	vshll.u32 v7, $0xE;
	v10 =	vmpcnt.ones.xlane vm0  }
0x2ec: {  	v7 =	vor.u32 v7, v8;
	(xrf0) =	vadd.scan.msk.s32 $0xffff, v9  }
0x2ed: {  	(v2sf) =	vpush v10, $0x0  }
0x2ee: {  	s6 =	sadd.s32 s28, s6  }
0x2ef: {  	v8 =	vmov s6  }
0x2f0: {  	v8 =	vadd.s32 $0xFFFFFFFF, v8  }
0x2f1: {  	v8 =	vbroadcast v8, $0x0  }
0x2f2: {  	v9, _, _ =	vpop (xrf0)  }
0x2f3: {  	v8 =	vadd.s32 v9, v8;
	_ =	sdelay $0x3  }
0x2f4: {  	v7 =	vor.u32 v3, v7  }
.Ltmp31:
0x2f5: {  	s5 =	sadd.s32 $0x20, s5;
	[tilespmem:v8+s23+$0x0] =	vst.idx.msk vm0, v7;
	(pc) =	sbr.rel @p2 .LBB2_33-.Ltmp31, $2  }
0x2f6: {  	v7 =	vld [tilespmem:s5+$0xFFFFFFF0];
	_ =	sdelay $0x2  }
0x2f7: {  	s21 =	spop (v2sf)  }
0x2f8: {  	_ = 	snop  }
0x2f9: {  	v8 =	vshra.s32 v7, $0x8  }
0x2fa: {  	v9 =	vmul.u32 $0xAAAB, v8;
	_ =	sdelay $0x1  }
0x2fb: {  	v9 =	vshra.s32 v9, $0x11  }
0x2fc: {  	v10 =	vand.u32 $0x1F, v9  }
0x2fd: {  	vm1 =	vlt.s32 v7, $0xF4200;
	vm0 =	veq.s32 v10, v1  }
0x2fe: {  	vm0 =	vmand vm1, vm0  }
0x2ff: {  	v56 =	vsel vm0, $0x1, v2  }
0x300: {  	(xrf0) =	vadd.scan.msk.s32 $0xffff, v56;
	_ =	sdelay $0x1  }
0x301: {  	s6 =	sadd.s32 s6, s21  }
0x302: {  	v57 =	vmov s6  }
0x303: {  	v10 =	vadd.s32 $0xFFFFFFFF, v57  }
0x304: {  	v10 =	vbroadcast v10, $0x0  }
0x305: {  	v8 =	vmul.u32 $0x2AAAC, v8;
	v9 =	vmul.u32 $0x3FD00, v9;
	v11, _, _ =	vpop (xrf0)  }
0x306: {  	s0 =	sadd.s32 $0x20, s0;
	v10 =	vadd.s32 v11, v10  }
0x307: {  	s15 =	sadd.s32 $0xFFFFFFF0, s0;
	v8 =	vand.u32 $0xFF000000, v8;
	v7 =	vadd.s32 v7, v9  }
0x308: {  	v8 =	vor.u32 s15, v8;
	v7 =	vshll.u32 v7, $0xE  }
0x309: {  	v7 =	vor.u32 v7, v8  }
0x30a: {  	v7 =	vor.u32 v3, v7  }
0x30b: {  	[tilespmem:v10+s23+$0x0] =	vst.idx.msk vm0, v7  }
0x30c: {  	v7 =	vld [tilespmem:s5+$0x0];
	_ =	sdelay $0x1  }
0x30d: {  	v8 =	vmpcnt.ones.xlane vm0;
	_ =	sdelay $0x1  }
0x30e: {  	(v2sf) =	vpush v8, $0x0  }
0x30f: {  	v8 =	vshra.s32 v7, $0x8  }
0x310: {  	v58 =	vmul.u32 $0xAAAB, v8;
	_ =	sdelay $0x1  }
0x311: {  	v9 =	vshra.s32 v58, $0x11  }
0x312: {  	v59 =	vand.u32 $0x1F, v9  }
0x313: {  	vm15 =	vlt.s32 v7, $0xF4200;
	vm14 =	veq.s32 v59, v1  }
0x314: {  	vm0 =	vmand vm15, vm14  }
0x315: {  	v60 =	vmpcnt.ones.xlane vm0;
	_ =	sdelay $0x1  }
0x316: {  	(v2sf) =	vpush v60, $0x0;
	_ =	sdelay $0x2  }
0x317: {  	v61 =	vsel vm0, $0x1, v2  }
0x318: {  	(xrf0) =	vadd.scan.msk.s32 $0xffff, v61  }
0x319: {  	s28 =	spop (v2sf)  }
0x31a: {  	s5 =	sadd.s32 s6, s28  }
0x31b: {  	v62 =	vmov s5  }
0x31c: {  	v10 =	vadd.s32 $0xFFFFFFFF, v62  }
0x31d: {  	v10 =	vbroadcast v10, $0x0  }
0x31e: {  	v8 =	vmul.u32 $0x2AAAC, v8;
	v9 =	vmul.u32 $0x3FD00, v9;
	v63, _, _ =	vpop (xrf0)  }
0x31f: {  	v10 =	vadd.s32 v63, v10  }
.Ltmp32:
0x320: {  	v8 =	vand.u32 $0xFF000000, v8;
	v7 =	vadd.s32 v7, v9;
	(pc) =	sbr.rel @!p0 .LBB2_35-.Ltmp32, $4  }
0x321: {  	v8 =	vor.u32 s0, v8;
	v7 =	vshll.u32 v7, $0xE  }
0x322: {  	v7 =	vor.u32 v7, v8  }
0x323: {  	v7 =	vor.u32 v3, v7;
	s29 =	spop (v2sf)  }
0x324: {  	[tilespmem:v10+s23+$0x0] =	vst.idx.msk vm0, v7;
	s0 =	sadd.s32 s5, s29;
	s5 =	simm.s32 $0x0  }
.LBB2_38:
0x325: {  	s5 =	rddreg [dreg:$0xd]  }
0x326: {  	[tilespmem:s4], [sflag:$0x4] =	stream.linear.gather [hbm4b:s5+s4], $0x2000, $0x38;
	[tilespmem:$0x1E880] =	vst v63  }
0x327: {  	_ =	swait.ge [sflag:s30], $0x2000  }
0x328: {  	[sflag:s30] =	ssyncset.done $0x0  }
0x329: {  	s28 =	simm.s32 $0x10;
	[sflag:s30] =	ssyncadd.s32 $0xFFFFE000  }
0x32a: {  	v7 =	vld [tilespmem:s28+$0xFFFFFFF0];
	_ =	sdelay $0x4  }
0x32b: {  	v8 =	vshra.s32 v7, $0x8  }
0x32c: {  	v9 =	vmul.u32 $0xAAAB, v8;
	_ =	sdelay $0x1  }
0x32d: {  	v9 =	vshra.s32 v9, $0x11  }
0x32e: {  	v10 =	vand.u32 $0x1F, v9  }
0x32f: {  	vm1 =	vlt.s32 v7, $0xF4200;
	vm0 =	veq.s32 v10, v1  }
0x330: {  	vm0 =	vmand vm1, vm0  }
0x331: {  	v56 =	vsel vm0, $0x1, v2  }
0x332: {  	(xrf0) =	vadd.scan.msk.s32 $0xffff, v56;
	_ =	sdelay $0x2  }
0x333: {  	v57 =	vmov s0  }
0x334: {  	v10 =	vadd.s32 $0xFFFFFFFF, v57  }
0x335: {  	v10 =	vbroadcast v10, $0x0  }
0x336: {  	v8 =	vmul.u32 $0x2AAAC, v8;
	v9 =	vmul.u32 $0x3FD00, v9;
	v11, _, _ =	vpop (xrf0)  }
0x337: {  	v10 =	vadd.s32 v11, v10  }
0x338: {  	s6 =	simm.s32 $0x2000;
	v8 =	vand.u32 $0xFF000000, v8;
	v7 =	vadd.s32 v7, v9  }
0x339: {  	v8 =	vor.u32 s6, v8;
	v7 =	vshll.u32 v7, $0xE  }
0x33a: {  	v7 =	vor.u32 v7, v8  }
0x33b: {  	v7 =	vor.u32 v3, v7  }
0x33c: {  	[tilespmem:v10+s23+$0x0] =	vst.idx.msk vm0, v7;
	v7 =	vmpcnt.ones.xlane vm0;
	_ =	sdelay $0x1  }
0x33d: {  	(v2sf) =	vpush v7, $0x0  }
0x33e: {  	v8 =	vld [tilespmem:s28+$0x0];
	_ =	sdelay $0x4  }
0x33f: {  	v7 =	vshra.s32 v8, $0x8  }
0x340: {  	v58 =	vmul.u32 $0xAAAB, v7;
	_ =	sdelay $0x1  }
0x341: {  	v9 =	vshra.s32 v58, $0x11  }
0x342: {  	v59 =	vand.u32 $0x1F, v9  }
0x343: {  	vm15 =	vlt.s32 v8, $0xF4200;
	vm14 =	veq.s32 v59, v1  }
0x344: {  	vm0 =	vmand vm15, vm14  }
0x345: {  	v60 =	vmpcnt.ones.xlane vm0;
	v61 =	vsel vm0, $0x1, v2  }
0x346: {  	(xrf0) =	vadd.scan.msk.s32 $0xffff, v61  }
0x347: {  	(v2sf) =	vpush v60, $0x0;
	s29 =	spop (v2sf)  }
0x348: {  	s6 =	sadd.s32 s0, s29  }
0x349: {  	v62 =	vmov s6  }
0x34a: {  	v10 =	vadd.s32 $0xFFFFFFFF, v62  }
0x34b: {  	v10 =	vbroadcast v10, $0x0  }
0x34c: {  	v7 =	vmul.u32 $0x2AAAC, v7;
	v9 =	vmul.u32 $0x3FD00, v9;
	v63, _, _ =	vpop (xrf0)  }
0x34d: {  	v10 =	vadd.s32 v63, v10  }
0x34e: {  	s5 =	simm.s32 $0x2010;
	v7 =	vand.u32 $0xFF000000, v7;
	v8 =	vadd.s32 v8, v9  }
0x34f: {  	v7 =	vor.u32 s5, v7;
	v8 =	vshll.u32 v8, $0xE  }
0x350: {  	v7 =	vor.u32 v8, v7  }
0x351: {  	v7 =	vor.u32 v3, v7  }
0x352: {  	s0 =	simm.s32 $0x30;
	[tilespmem:v10+s23+$0x0] =	vst.idx.msk vm0, v7  }
0x353: {  	v7 =	vld [tilespmem:s0+$0xFFFFFFF0];
	_ =	sdelay $0x2  }
0x354: {  	s25 =	simm.s32 $0x2;
	s21 =	spop (v2sf)  }
.LBB2_39:
0x355: {  	s25 =	sadd.s32 $0x2, s25;
	s28 =	sadd.s32 s6, s21;
	s5 =	sadd.s32 $0x20, s5  }
0x356: {  	p2 =	slt.u32 s25, $0x1FE;
	v8 =	vshra.s32 v7, $0x8;
	v9 =	vmov s28  }
0x357: {  	v10 =	vmul.u32 $0xAAAB, v8;
	v9 =	vadd.s32 $0xFFFFFFFF, v9;
	v8 =	vmul.u32 $0x2AAAC, v8;
	_ =	sdelay $0x1  }
0x358: {  	v10 =	vshra.s32 v10, $0x11  }
0x359: {  	v11 =	vand.u32 $0x1F, v10;
	v10 =	vmul.u32 $0x3FD00, v10  }
0x35a: {  	vm1 =	vlt.s32 v7, $0xF4200;
	vm0 =	veq.s32 v11, v1  }
0x35b: {  	s6 =	sadd.s32 $0xFFFFFFF0, s5;
	v8 =	vand.u32 $0xFF000000, v8;
	vm0 =	vmand vm1, vm0;
	v7 =	vadd.s32 v7, v10  }
0x35c: {  	v8 =	vor.u32 s6, v8;
	v10 =	vsel vm0, $0x1, v2;
	v7 =	vshll.u32 v7, $0xE  }
0x35d: {  	v7 =	vor.u32 v7, v8;
	v8 =	vmpcnt.ones.xlane vm0;
	(xrf0) =	vadd.scan.msk.s32 $0xffff, v10;
	_ =	sdelay $0x1  }
0x35e: {  	(v2sf) =	vpush v8, $0x0;
	_ =	sdelay $0x2  }
0x35f: {  	v8 =	vbroadcast v9, $0x0  }
0x360: {  	v9, _, _ =	vpop (xrf0)  }
0x361: {  	v8 =	vadd.s32 v9, v8;
	_ =	sdelay $0x3  }
0x362: {  	v7 =	vor.u32 v3, v7  }
0x363: {  	[tilespmem:v8+s23+$0x0] =	vst.idx.msk vm0, v7  }
0x364: {  	v7 =	vld [tilespmem:s0+$0x0];
	_ =	sdelay $0x3  }
0x365: {  	s6 =	spop (v2sf)  }
0x366: {  	v8 =	vshra.s32 v7, $0x8  }
0x367: {  	v9 =	vmul.u32 $0xAAAB, v8;
	v8 =	vmul.u32 $0x2AAAC, v8;
	_ =	sdelay $0x1  }
0x368: {  	v9 =	vshra.s32 v9, $0x11  }
0x369: {  	v10 =	vand.u32 $0x1F, v9;
	v9 =	vmul.u32 $0x3FD00, v9  }
0x36a: {  	vm1 =	vlt.s32 v7, $0xF4200;
	v8 =	vand.u32 $0xFF000000, v8;
	vm0 =	veq.s32 v10, v1  }
0x36b: {  	v8 =	vor.u32 s5, v8;
	vm0 =	vmand vm1, vm0;
	v7 =	vadd.s32 v7, v9  }
0x36c: {  	v9 =	vsel vm0, $0x1, v2;
	v7 =	vshll.u32 v7, $0xE;
	v10 =	vmpcnt.ones.xlane vm0  }
0x36d: {  	v7 =	vor.u32 v7, v8;
	(xrf0) =	vadd.scan.msk.s32 $0xffff, v9  }
0x36e: {  	(v2sf) =	vpush v10, $0x0  }
0x36f: {  	s6 =	sadd.s32 s28, s6  }
0x370: {  	v8 =	vmov s6  }
0x371: {  	v8 =	vadd.s32 $0xFFFFFFFF, v8  }
0x372: {  	v8 =	vbroadcast v8, $0x0  }
0x373: {  	v9, _, _ =	vpop (xrf0)  }
0x374: {  	v8 =	vadd.s32 v9, v8;
	_ =	sdelay $0x3  }
0x375: {  	v7 =	vor.u32 v3, v7  }
.Ltmp33:
0x376: {  	s0 =	sadd.s32 $0x20, s0;
	[tilespmem:v8+s23+$0x0] =	vst.idx.msk vm0, v7;
	(pc) =	sbr.rel @p2 .LBB2_39-.Ltmp33, $2  }
0x377: {  	v7 =	vld [tilespmem:s0+$0xFFFFFFF0];
	_ =	sdelay $0x2  }
0x378: {  	s21 =	spop (v2sf)  }
0x379: {  	_ = 	snop  }
0x37a: {  	v8 =	vshra.s32 v7, $0x8  }
0x37b: {  	v9 =	vmul.u32 $0xAAAB, v8;
	_ =	sdelay $0x1  }
0x37c: {  	v9 =	vshra.s32 v9, $0x11  }
0x37d: {  	v10 =	vand.u32 $0x1F, v9  }
0x37e: {  	vm1 =	vlt.s32 v7, $0xF4200;
	vm0 =	veq.s32 v10, v1  }
0x37f: {  	vm0 =	vmand vm1, vm0  }
0x380: {  	v56 =	vsel vm0, $0x1, v2  }
0x381: {  	(xrf0) =	vadd.scan.msk.s32 $0xffff, v56;
	_ =	sdelay $0x1  }
0x382: {  	s6 =	sadd.s32 s6, s21  }
0x383: {  	v57 =	vmov s6  }
0x384: {  	v10 =	vadd.s32 $0xFFFFFFFF, v57  }
0x385: {  	v10 =	vbroadcast v10, $0x0  }
0x386: {  	v8 =	vmul.u32 $0x2AAAC, v8;
	v9 =	vmul.u32 $0x3FD00, v9;
	v11, _, _ =	vpop (xrf0)  }
0x387: {  	s5 =	sadd.s32 $0x20, s5;
	v10 =	vadd.s32 v11, v10  }
0x388: {  	s15 =	sadd.s32 $0xFFFFFFF0, s5;
	v8 =	vand.u32 $0xFF000000, v8;
	v7 =	vadd.s32 v7, v9  }
0x389: {  	v8 =	vor.u32 s15, v8;
	v7 =	vshll.u32 v7, $0xE  }
0x38a: {  	v7 =	vor.u32 v7, v8  }
0x38b: {  	v7 =	vor.u32 v3, v7  }
0x38c: {  	[tilespmem:v10+s23+$0x0] =	vst.idx.msk vm0, v7  }
0x38d: {  	v7 =	vld [tilespmem:s0+$0x0];
	_ =	sdelay $0x1  }
0x38e: {  	v8 =	vmpcnt.ones.xlane vm0;
	_ =	sdelay $0x1  }
0x38f: {  	(v2sf) =	vpush v8, $0x0  }
0x390: {  	v8 =	vshra.s32 v7, $0x8  }
0x391: {  	v58 =	vmul.u32 $0xAAAB, v8;
	_ =	sdelay $0x1  }
0x392: {  	v9 =	vshra.s32 v58, $0x11  }
0x393: {  	v59 =	vand.u32 $0x1F, v9  }
0x394: {  	vm15 =	vlt.s32 v7, $0xF4200;
	vm14 =	veq.s32 v59, v1  }
0x395: {  	vm0 =	vmand vm15, vm14  }
0x396: {  	v60 =	vmpcnt.ones.xlane vm0;
	_ =	sdelay $0x1  }
0x397: {  	(v2sf) =	vpush v60, $0x0;
	_ =	sdelay $0x2  }
0x398: {  	v61 =	vsel vm0, $0x1, v2  }
0x399: {  	(xrf0) =	vadd.scan.msk.s32 $0xffff, v61  }
0x39a: {  	s28 =	spop (v2sf)  }
0x39b: {  	s0 =	sadd.s32 s6, s28  }
0x39c: {  	v62 =	vmov s0  }
0x39d: {  	v10 =	vadd.s32 $0xFFFFFFFF, v62  }
0x39e: {  	v10 =	vbroadcast v10, $0x0  }
0x39f: {  	v8 =	vmul.u32 $0x2AAAC, v8;
	v9 =	vmul.u32 $0x3FD00, v9;
	v63, _, _ =	vpop (xrf0)  }
0x3a0: {  	v10 =	vadd.s32 v63, v10  }
.Ltmp34:
0x3a1: {  	v8 =	vand.u32 $0xFF000000, v8;
	v7 =	vadd.s32 v7, v9;
	(pc) =	sbr.rel @!p1 .LBB2_41-.Ltmp34, $4  }
0x3a2: {  	v8 =	vor.u32 s5, v8;
	v7 =	vshll.u32 v7, $0xE  }
0x3a3: {  	v7 =	vor.u32 v7, v8  }
0x3a4: {  	v7 =	vor.u32 v3, v7;
	s29 =	spop (v2sf)  }
0x3a5: {  	s5 =	simm.s32 $0x0;
	[tilespmem:v10+s23+$0x0] =	vst.idx.msk vm0, v7;
	s0 =	sadd.s32 s0, s29  }
.LBB2_45:
.Ltmp35:
0x3a6: {  	(pc) =	sbr.rel .LBB2_46-.Ltmp35, $4  }
0x3a7: {  	_ = 	snop  }
0x3a8: {  	s5 =	sadd.s32 $0xF, s0  }
0x3a9: {  	s25 =	sshra.s32 s5, $0x4  }
0x3aa: {  	v7 =	vmov s0;
	s0 =	simm.s32 $0x0;
	s5 =	simm.s32 $0x0;
	p2 =	slt.s32 s25, $0x1  }
.LBB2_58:
0x3ab: {  	s0 =	sadd.s32 $0x1, s0  }
0x3ac: {  	p3 =	sne.s32 s0, $0x15  }
.Ltmp36:
0x3ad: {  	_ = 	snop;
	(pc) =	sbr.rel @!p3 .LBB2_59-.Ltmp36, $1  }
0x3ae: {  	_ =	sdelay $0x3  }
.LBB2_46:
0x3af: {  	s28 =	sshllo.u32 s0, $0x1  }
0x3b0: {  	s6 =	sshll.u32 s28, $0x5  }
0x3b1: {  	s6 =	sor.u32 s8, s6  }
0x3b2: {  	s6 =	smin.u32 s6, $0x515  }
0x3b3: {  	s15 =	smul.u32 $0x300, s6;
	_ =	sdelay $0x1  }
0x3b4: {  	s15 =	sadd.s32 s3, s15  }
0x3b5: {  	[tilespmem:s24], [sflag:$0x3] =	stream.linear.gather [hbm4b:s15+s4], $0xC00, $0x38;
	[tilespmem:$0x1E880] =	vst v63  }
0x3b6: {  	s22 =	simm.s32 $0x13880;
	s21 =	sadd.s32 $0xF4280, s15  }
0x3b7: {  	[tilespmem:s22], [sflag:$0x3] =	stream.linear.gather [hbm4b:s21+s4], $0xC00, $0x38;
	[tilespmem:$0x1E880] =	vst v63  }
0x3b8: {  	s29 =	simm.s32 $0x15080;
	s22 =	sadd.s32 $0x1E8500, s15  }
0x3b9: {  	[tilespmem:s29], [sflag:$0x3] =	stream.linear.gather [hbm4b:s22+s4], $0xC00, $0x38;
	[tilespmem:$0x1E880] =	vst v63  }
0x3ba: {  	s22 =	sadd.s32 $0x2DC780, s15;
	s29 =	simm.s32 $0x16880  }
0x3bb: {  	[tilespmem:s29], [sflag:$0x3] =	stream.linear.gather [hbm4b:s22+s4], $0xC00, $0x38;
	[tilespmem:$0x1E880] =	vst v63  }
0x3bc: {  	s22 =	sadd.s32 $0x3D0A00, s15;
	s29 =	simm.s32 $0x18080  }
0x3bd: {  	[tilespmem:s29], [sflag:$0x3] =	stream.linear.gather [hbm4b:s22+s4], $0xC00, $0x38;
	[tilespmem:$0x1E880] =	vst v63  }
0x3be: {  	s6 =	smul.u32 $0x1800, s6;
	s22 =	sadd.s32 $0x4C4C80, s15;
	s29 =	simm.s32 $0x19880  }
0x3bf: {  	[tilespmem:s29], [sflag:$0x3] =	stream.linear.gather [hbm4b:s22+s4], $0xC00, $0x38;
	[tilespmem:$0x1E880] =	vst v63  }
0x3c0: {  	s6 =	sshrl.u32 s6, $0x3;
	s22 =	sadd.s32 $0x5B8F00, s15;
	s29 =	simm.s32 $0x1B080  }
0x3c1: {  	[tilespmem:s29], [sflag:$0x3] =	stream.linear.gather [hbm4b:s22+s4], $0xC00, $0x38;
	[tilespmem:$0x1E880] =	vst v63  }
0x3c2: {  	s6 =	sadd.s32 s3, s6;
	s15 =	sadd.s32 $0x6AD180, s15;
	s29 =	simm.s32 $0x1C880  }
0x3c3: {  	[tilespmem:s29], [sflag:$0x3] =	stream.linear.gather [hbm4b:s15+s4], $0xC00, $0x38;
	[tilespmem:$0x1E880] =	vst v63  }
0x3c4: {  	s22 =	sadd.s32 $0x180, s6;
	s29 =	simm.s32 $0x12C80  }
0x3c5: {  	[tilespmem:s29], [sflag:$0x3] =	stream.linear.gather [hbm4b:s22+s4], $0xC00, $0x38;
	[tilespmem:$0x1E880] =	vst v63  }
0x3c6: {  	s22 =	sadd.s32 $0xF4400, s6;
	s29 =	simm.s32 $0x14480  }
0x3c7: {  	[tilespmem:s29], [sflag:$0x3] =	stream.linear.gather [hbm4b:s22+s4], $0xC00, $0x38;
	[tilespmem:$0x1E880] =	vst v63  }
0x3c8: {  	s22 =	sadd.s32 $0x1E8680, s6;
	s29 =	simm.s32 $0x15C80  }
0x3c9: {  	[tilespmem:s29], [sflag:$0x3] =	stream.linear.gather [hbm4b:s22+s4], $0xC00, $0x38;
	[tilespmem:$0x1E880] =	vst v63  }
0x3ca: {  	s22 =	sadd.s32 $0x2DC900, s6;
	s29 =	simm.s32 $0x17480  }
0x3cb: {  	[tilespmem:s29], [sflag:$0x3] =	stream.linear.gather [hbm4b:s22+s4], $0xC00, $0x38;
	[tilespmem:$0x1E880] =	vst v63  }
0x3cc: {  	s21 =	sadd.s32 $0x3D0B80, s6  }
0x3cd: {  	[tilespmem:s12], [sflag:$0x3] =	stream.linear.gather [hbm4b:s21+s4], $0xC00, $0x38;
	[tilespmem:$0x1E880] =	vst v63  }
0x3ce: {  	s22 =	sadd.s32 $0x4C4E00, s6  }
0x3cf: {  	[tilespmem:s14], [sflag:$0x3] =	stream.linear.gather [hbm4b:s22+s4], $0xC00, $0x38;
	[tilespmem:$0x1E880] =	vst v63  }
0x3d0: {  	s29 =	sadd.s32 $0x5B9080, s6  }
0x3d1: {  	[tilespmem:s18], [sflag:$0x3] =	stream.linear.gather [hbm4b:s29+s4], $0xC00, $0x38;
	[tilespmem:$0x1E880] =	vst v63  }
0x3d2: {  	s6 =	sadd.s32 $0x6AD300, s6  }
0x3d3: {  	[tilespmem:s20], [sflag:$0x3] =	stream.linear.gather [hbm4b:s6+s4], $0xC00, $0x38;
	[tilespmem:$0x1E880] =	vst v63  }
0x3d4: {  	_ =	swait.ge [sflag:s13], $0x6000  }
.Ltmp37:
0x3d5: {  	[sflag:s13] =	ssyncset.done $0x0;
	(pc) =	sbr.rel @p2 .LBB2_52-.Ltmp37, $4  }
0x3d6: {  	[sflag:s13] =	ssyncadd.s32 $0xFFFFA000  }
0x3d7: {  	_ =	swait.ge [sflag:s13], $0x6000  }
0x3d8: {  	[sflag:s13] =	ssyncset.done $0x0  }
0x3d9: {  	[sflag:s13] =	ssyncadd.s32 $0xFFFFA000  }
.Ltmp38:
0x3da: {  	(pc) =	sbr.rel .LBB2_48-.Ltmp38, $3  }
0x3db: {  	_ =	sdelay $0x1  }
0x3dc: {  	s6 =	sshll.u32 s0, $0x1  }
0x3dd: {  	v8 =	vmov s6;
	s6 =	simm.s32 $0x0  }
.LBB2_51:
0x3de: {  	s6 =	sadd.s32 $0x1, s6  }
0x3df: {  	p3 =	sne.s32 s6, s25  }
.Ltmp39:
0x3e0: {  	_ = 	snop;
	(pc) =	sbr.rel @!p3 .LBB2_52-.Ltmp39, $1  }
0x3e1: {  	_ =	sdelay $0x3  }
.LBB2_48:
0x3e2: {  	s21 =	sshll.u32 s6, $0x4  }
0x3e3: {  	v9 =	vld [tilespmem:s21+$0x2000];
	_ =	sdelay $0x4  }
0x3e4: {  	v10 =	vor.u32 s21, v3;
	v9 =	vshra.s32 v9, $0x18  }
0x3e5: {  	vm1 =	vlt.s32 v10, v7;
	vm0 =	veq.s32 v9, v8  }
0x3e6: {  	vm0 =	vmand vm1, vm0  }
0x3e7: {  	v9 =	vmpcnt.ones.xlane vm0;
	_ =	sdelay $0x1  }
0x3e8: {  	(v2sf) =	vpush v9, $0x0;
	_ =	sdelay $0xe  }
0x3e9: {  	s15 =	spop (v2sf)  }
0x3ea: {  	p3 =	slt.s32 s15, $0x1  }
.Ltmp40:
0x3eb: {  	_ = 	snop;
	(pc) =	sbr.rel @p3 .LBB2_51-.Ltmp40, $1  }
0x3ec: {  	_ =	sdelay $0x3  }
0x3ed: {  	s15 =	sadd.s32 $0x2000, s21  }
0x3ee: {  	s21 =	sshll.u32 s5, $0x6;
	v9 =	vmov s15  }
.LBB2_50:
0x3ef: {  	v10 =	vmctz.xlane vm0;
	_ =	sdelay $0x1  }
0x3f0: {  	(v2sf) =	vpush v10, $0x0;
	_ =	sdelay $0xe  }
0x3f1: {  	s15 =	spop (v2sf)  }
0x3f2: {  	v11 =	vld.idx.msk [tilespmem:v9+s15+$0x0 ss:$0x1], $0xffff;
	_ =	sdelay $0x4  }
0x3f3: {  	(v2sf) =	vpush v11, $0x0;
	_ =	sdelay $0xe  }
0x3f4: {  	s29 =	spop (v2sf)  }
0x3f5: {  	s22 =	sshrl.u32 s29, $0xE  }
0x3f6: {  	s22 =	sand.u32 $0x3FF, s22  }
0x3f7: {  	v11 =	vmov s22  }
0x3f8: {  	v12 =	vshll.u32 v11, $0x3  }
0x3f9: {  	v11 =	vand.u32 $0x7F, v11;
	v12 =	vand.u32 $0x1C00, v12  }
0x3fa: {  	v11 =	vor.u32 v11, v12  }
0x3fb: {  	p3 =	slt.s32 s5, $0x20;
	v12 =	vadd.s32 v0, v11  }
0x3fc: {  	s22 =	simm.s32 @!p3 $0x1  }
0x3fd: {  	_ =	swait.ge @!p3 [sflag:s22], $0x40  }
0x3fe: {  	[sflag:s22] =	ssyncset.done @!p3 $0x0  }
0x3ff: {  	[sflag:s22] =	ssyncadd.s32 @!p3 $0xFFFFFFC0  }
0x400: {  	v12 =	vld.idx.msk [tilespmem:v12+s19+$0x0], $0xffff  }
0x401: {  	v13 =	vadd.s32 v4, v11;
	_ =	sdelay $0x2  }
0x402: {  	v10 =	vbroadcast v10, $0x0;
	s22 =	sand.u32 $0x7C0, s21  }
0x403: {  	[tilespmem:s22+$0x1E080] =	vst v12  }
0x404: {  	vm1 =	vne.s32 v10, v3;
	v12 =	vld.idx.msk [tilespmem:v13+s19+$0x0], $0xffff  }
0x405: {  	vm0 =	vmand vm0, vm1;
	v10 =	vadd.s32 v5, v11  }
0x406: {  	v63 =	vmpcnt.ones.xlane vm0;
	_ =	sdelay $0x1  }
0x407: {  	(v2sf) =	vpush v63, $0x0  }
0x408: {  	[tilespmem:s22+$0x1E090] =	vst v12  }
0x409: {  	v10 =	vld.idx.msk [tilespmem:v10+s19+$0x0], $0xffff  }
0x40a: {  	v11 =	vadd.s32 v6, v11;
	_ =	sdelay $0x3  }
0x40b: {  	[tilespmem:s22+$0x1E0A0] =	vst v10  }
0x40c: {  	v10 =	vld.idx.msk [tilespmem:v11+s19+$0x0], $0xffff;
	_ =	sdelay $0x2  }
0x40d: {  	s15 =	sshll.u32 s29, $0x3  }
0x40e: {  	s15 =	sand.u32 $0x1FFF8, s15  }
0x40f: {  	s15 =	sadd.s32 s11, s15;
	s29 =	sadd.s32 $0x1E080, s22;
	[tilespmem:s22+$0x1E0B0] =	vst v10  }
0x410: {  	[hbm4b:s15+s4] =	stream.linear.scatter [tilespmem:s29], [sflag:$0x1], $0x40, $0x38;
	[tilespmem:$0x1E880] =	vst v63  }
0x411: {  	s29 =	spop (v2sf)  }
0x412: {  	p3 =	sgt.s32 s29, $0x0  }
.Ltmp41:
0x413: {  	_ = 	snop;
	(pc) =	sbr.rel @p3 .LBB2_50-.Ltmp41, $2  }
0x414: {  	_ =	sdelay $0x2  }
0x415: {  	s5 =	sadd.s32 $0x1, s5;
	s21 =	sadd.s32 $0x40, s21  }
.Ltmp42:
0x416: {  	_ = 	snop;
	(pc) =	sbr.rel .LBB2_51-.Ltmp42, $1  }
0x417: {  	_ =	sdelay $0x3  }
.LBB2_52:
0x418: {  	p3 =	seq.s32 s0, $0x14  }
0x419: {  	s6 =	sshll.u32 @!p3 s0, $0x6  }
0x41a: {  	s6 =	sadd.s32 @!p3 s17, s6  }
0x41b: {  	s6 =	smin.u32 @!p3 s6, $0x515  }
0x41c: {  	s15 =	smul.u32 @!p3 $0x300, s6;
	_ =	sdelay $0x1  }
0x41d: {  	s21 =	simm.s32 @!p3 $0x0;
	s22 =	simm.s32 @!p3 $0x6080;
	s15 =	sadd.s32 @!p3 s3, s15  }
0x41e: {  	[tilespmem:s22], [sflag:$0x2] =	stream.linear.gather @!p3 [hbm4b:s15+s21], $0xC00, $0x38;
	[tilespmem:$0x1E880] =	vst v63  }
0x41f: {  	s29 =	simm.s32 @!p3 $0x7880;
	s22 =	sadd.s32 @!p3 $0xF4280, s15  }
0x420: {  	[tilespmem:s29], [sflag:$0x2] =	stream.linear.gather @!p3 [hbm4b:s22+s21], $0xC00, $0x38;
	[tilespmem:$0x1E880] =	vst v63  }
0x421: {  	s22 =	sadd.s32 @!p3 $0x1E8500, s15;
	s29 =	simm.s32 @!p3 $0x9080  }
0x422: {  	[tilespmem:s29], [sflag:$0x2] =	stream.linear.gather @!p3 [hbm4b:s22+s21], $0xC00, $0x38;
	[tilespmem:$0x1E880] =	vst v63  }
0x423: {  	s22 =	sadd.s32 @!p3 $0x2DC780, s15;
	s29 =	simm.s32 @!p3 $0xA880  }
0x424: {  	[tilespmem:s29], [sflag:$0x2] =	stream.linear.gather @!p3 [hbm4b:s22+s21], $0xC00, $0x38;
	[tilespmem:$0x1E880] =	vst v63  }
0x425: {  	s22 =	sadd.s32 @!p3 $0x3D0A00, s15;
	s29 =	simm.s32 @!p3 $0xC080  }
0x426: {  	[tilespmem:s29], [sflag:$0x2] =	stream.linear.gather @!p3 [hbm4b:s22+s21], $0xC00, $0x38;
	[tilespmem:$0x1E880] =	vst v63  }
0x427: {  	s6 =	smul.u32 @!p3 $0x1800, s6;
	s22 =	sadd.s32 @!p3 $0x4C4C80, s15;
	s29 =	simm.s32 @!p3 $0xD880  }
0x428: {  	[tilespmem:s29], [sflag:$0x2] =	stream.linear.gather @!p3 [hbm4b:s22+s21], $0xC00, $0x38;
	[tilespmem:$0x1E880] =	vst v63  }
0x429: {  	s6 =	sshrl.u32 @!p3 s6, $0x3;
	s22 =	sadd.s32 @!p3 $0x5B8F00, s15;
	s29 =	simm.s32 @!p3 $0xF080  }
0x42a: {  	[tilespmem:s29], [sflag:$0x2] =	stream.linear.gather @!p3 [hbm4b:s22+s21], $0xC00, $0x38;
	[tilespmem:$0x1E880] =	vst v63  }
0x42b: {  	s6 =	sadd.s32 @!p3 s3, s6;
	s15 =	sadd.s32 @!p3 $0x6AD180, s15;
	s22 =	simm.s32 @!p3 $0x10880  }
0x42c: {  	[tilespmem:s22], [sflag:$0x2] =	stream.linear.gather @!p3 [hbm4b:s15+s21], $0xC00, $0x38;
	[tilespmem:$0x1E880] =	vst v63  }
0x42d: {  	s15 =	sadd.s32 @!p3 $0x180, s6;
	s22 =	simm.s32 @!p3 $0x6C80  }
0x42e: {  	[tilespmem:s22], [sflag:$0x2] =	stream.linear.gather @!p3 [hbm4b:s15+s21], $0xC00, $0x38;
	[tilespmem:$0x1E880] =	vst v63  }
0x42f: {  	s15 =	sadd.s32 @!p3 $0xF4400, s6;
	s22 =	simm.s32 @!p3 $0x8480  }
0x430: {  	[tilespmem:s22], [sflag:$0x2] =	stream.linear.gather @!p3 [hbm4b:s15+s21], $0xC00, $0x38;
	[tilespmem:$0x1E880] =	vst v63  }
0x431: {  	s15 =	sadd.s32 @!p3 $0x1E8680, s6;
	s22 =	simm.s32 @!p3 $0x9C80  }
0x432: {  	[tilespmem:s22], [sflag:$0x2] =	stream.linear.gather @!p3 [hbm4b:s15+s21], $0xC00, $0x38;
	[tilespmem:$0x1E880] =	vst v63  }
0x433: {  	s15 =	sadd.s32 @!p3 $0x2DC900, s6;
	s22 =	simm.s32 @!p3 $0xB480  }
0x434: {  	[tilespmem:s22], [sflag:$0x2] =	stream.linear.gather @!p3 [hbm4b:s15+s21], $0xC00, $0x38;
	[tilespmem:$0x1E880] =	vst v63  }
0x435: {  	s15 =	sadd.s32 @!p3 $0x3D0B80, s6;
	s22 =	simm.s32 @!p3 $0xCC80  }
0x436: {  	[tilespmem:s22], [sflag:$0x2] =	stream.linear.gather @!p3 [hbm4b:s15+s21], $0xC00, $0x38;
	[tilespmem:$0x1E880] =	vst v63  }
0x437: {  	s15 =	sadd.s32 @!p3 $0x4C4E00, s6;
	s22 =	simm.s32 @!p3 $0xE480  }
0x438: {  	[tilespmem:s22], [sflag:$0x2] =	stream.linear.gather @!p3 [hbm4b:s15+s21], $0xC00, $0x38;
	[tilespmem:$0x1E880] =	vst v63  }
0x439: {  	s15 =	sadd.s32 @!p3 $0x5B9080, s6;
	s22 =	simm.s32 @!p3 $0xFC80  }
0x43a: {  	[tilespmem:s22], [sflag:$0x2] =	stream.linear.gather @!p3 [hbm4b:s15+s21], $0xC00, $0x38;
	[tilespmem:$0x1E880] =	vst v63  }
0x43b: {  	s6 =	sadd.s32 @!p3 $0x6AD300, s6;
	s15 =	simm.s32 @!p3 $0x11480  }
0x43c: {  	[tilespmem:s15], [sflag:$0x2] =	stream.linear.gather @!p3 [hbm4b:s6+s21], $0xC00, $0x38;
	[tilespmem:$0x1E880] =	vst v63  }
0x43d: {  	_ =	swait.ge [sflag:s1], $0x6000  }
.Ltmp43:
0x43e: {  	[sflag:s1] =	ssyncset.done $0x0;
	(pc) =	sbr.rel @p2 .LBB2_58-.Ltmp43, $4  }
0x43f: {  	[sflag:s1] =	ssyncadd.s32 $0xFFFFA000  }
0x440: {  	_ =	swait.ge [sflag:s1], $0x6000  }
0x441: {  	[sflag:s1] =	ssyncset.done $0x0  }
0x442: {  	[sflag:s1] =	ssyncadd.s32 $0xFFFFA000  }
.Ltmp44:
0x443: {  	(pc) =	sbr.rel .LBB2_54-.Ltmp44, $2  }
0x444: {  	_ =	sdelay $0x2  }
0x445: {  	v8 =	vmov s28;
	s6 =	simm.s32 $0x0  }
.LBB2_57:
0x446: {  	s6 =	sadd.s32 $0x1, s6  }
0x447: {  	p3 =	sne.s32 s6, s25  }
.Ltmp45:
0x448: {  	_ = 	snop;
	(pc) =	sbr.rel @!p3 .LBB2_58-.Ltmp45, $1  }
0x449: {  	_ =	sdelay $0x3  }
.LBB2_54:
0x44a: {  	s21 =	sshll.u32 s6, $0x4  }
0x44b: {  	v9 =	vld [tilespmem:s21+$0x2000];
	_ =	sdelay $0x4  }
0x44c: {  	v10 =	vor.u32 s21, v3;
	v9 =	vshra.s32 v9, $0x18  }
0x44d: {  	vm1 =	vlt.s32 v10, v7;
	vm0 =	veq.s32 v9, v8  }
0x44e: {  	vm0 =	vmand vm1, vm0  }
0x44f: {  	v9 =	vmpcnt.ones.xlane vm0;
	_ =	sdelay $0x1  }
0x450: {  	(v2sf) =	vpush v9, $0x0;
	_ =	sdelay $0xe  }
0x451: {  	s15 =	spop (v2sf)  }
0x452: {  	p3 =	slt.s32 s15, $0x1  }
.Ltmp46:
0x453: {  	_ = 	snop;
	(pc) =	sbr.rel @p3 .LBB2_57-.Ltmp46, $1  }
0x454: {  	_ =	sdelay $0x3  }
0x455: {  	s15 =	sadd.s32 $0x2000, s21  }
0x456: {  	s21 =	sshll.u32 s5, $0x6;
	v9 =	vmov s15  }
.LBB2_56:
0x457: {  	v10 =	vmctz.xlane vm0;
	_ =	sdelay $0x1  }
0x458: {  	(v2sf) =	vpush v10, $0x0;
	_ =	sdelay $0xe  }
0x459: {  	s15 =	spop (v2sf)  }
0x45a: {  	v11 =	vld.idx.msk [tilespmem:v9+s15+$0x0 ss:$0x1], $0xffff;
	_ =	sdelay $0x4  }
0x45b: {  	(v2sf) =	vpush v11, $0x0;
	_ =	sdelay $0xe  }
0x45c: {  	s28 =	spop (v2sf)  }
0x45d: {  	s22 =	sshrl.u32 s28, $0xE  }
0x45e: {  	s22 =	sand.u32 $0x3FF, s22  }
0x45f: {  	v11 =	vmov s22  }
0x460: {  	v12 =	vshll.u32 v11, $0x3  }
0x461: {  	v11 =	vand.u32 $0x7F, v11;
	v12 =	vand.u32 $0x1C00, v12  }
0x462: {  	v11 =	vor.u32 v11, v12  }
0x463: {  	p3 =	slt.s32 s5, $0x20;
	v12 =	vadd.s32 v0, v11  }
0x464: {  	s22 =	simm.s32 @!p3 $0x1  }
0x465: {  	_ =	swait.ge @!p3 [sflag:s22], $0x40  }
0x466: {  	[sflag:s22] =	ssyncset.done @!p3 $0x0  }
0x467: {  	[sflag:s22] =	ssyncadd.s32 @!p3 $0xFFFFFFC0  }
0x468: {  	v12 =	vld.idx.msk [tilespmem:v12+s24+$0x0], $0xffff  }
0x469: {  	v13 =	vadd.s32 v4, v11  }
0x46a: {  	v10 =	vbroadcast v10, $0x0;
	_ =	sdelay $0x1  }
0x46b: {  	s29 =	sand.u32 $0x7C0, s21;
	vm1 =	vne.s32 v10, v3  }
0x46c: {  	vm0 =	vmand vm0, vm1;
	[tilespmem:s29+$0x1E080] =	vst v12  }
0x46d: {  	v63 =	vmpcnt.ones.xlane vm0;
	v12 =	vld.idx.msk [tilespmem:v13+s24+$0x0], $0xffff  }
0x46e: {  	v10 =	vadd.s32 v5, v11  }
0x46f: {  	(v2sf) =	vpush v63, $0x0;
	_ =	sdelay $0x2  }
0x470: {  	[tilespmem:s29+$0x1E090] =	vst v12  }
0x471: {  	v10 =	vld.idx.msk [tilespmem:v10+s24+$0x0], $0xffff  }
0x472: {  	v11 =	vadd.s32 v6, v11;
	_ =	sdelay $0x3  }
0x473: {  	[tilespmem:s29+$0x1E0A0] =	vst v10  }
0x474: {  	v10 =	vld.idx.msk [tilespmem:v11+s24+$0x0], $0xffff;
	_ =	sdelay $0x4  }
0x475: {  	s15 =	sshll.u32 s28, $0x3;
	s28 =	sadd.s32 $0x1E080, s29;
	[tilespmem:s29+$0x1E0B0] =	vst v10;
	s29 =	spop (v2sf)  }
0x476: {  	p3 =	sgt.s32 s29, $0x0  }
.Ltmp47:
0x477: {  	_ = 	snop;
	(pc) =	sbr.rel @p3 .LBB2_56-.Ltmp47, $4  }
0x478: {  	_ = 	snop  }
0x479: {  	s15 =	sand.u32 $0x1FFF8, s15  }
0x47a: {  	s5 =	sadd.s32 $0x1, s5;
	s21 =	sadd.s32 $0x40, s21;
	s15 =	sadd.s32 s11, s15  }
0x47b: {  	[hbm4b:s15+s4] =	stream.linear.scatter [tilespmem:s28], [sflag:$0x1], $0x40, $0x38;
	[tilespmem:$0x1E880] =	vst v63  }
.Ltmp48:
0x47c: {  	_ = 	snop;
	(pc) =	sbr.rel .LBB2_57-.Ltmp48, $1  }
0x47d: {  	_ =	sdelay $0x3  }
.LBB2_37:
0x47e: {  	s5 =	sadd.s32 $0x1, s5  }
0x47f: {  	p2 =	sne.s32 s5, $0x20  }
.Ltmp49:
0x480: {  	_ = 	snop;
	(pc) =	sbr.rel @!p2 .LBB2_38-.Ltmp49, $1  }
0x481: {  	_ =	sdelay $0x3  }
.LBB2_35:
0x482: {  	s15 =	sshll.u32 s5, $0x4  }
0x483: {  	s6 =	sadd.s32 s22, s15  }
0x484: {  	s15 =	sand.u32 $0x70, s15;
	s21 =	sand.u32 $0x1F80, s6  }
0x485: {  	s15 =	sor.u32 s15, s21  }
0x486: {  	v7 =	vld [tilespmem:s15+$0x0];
	_ =	sdelay $0x4  }
0x487: {  	vm0 =	vgt.s32 v7, $0xF41FF  }
0x488: {  	v7 =	vmpcnt.ones.xlane vm0;
	_ =	sdelay $0x1  }
0x489: {  	(v2sf) =	vpush v7, $0x0;
	_ =	sdelay $0xe  }
0x48a: {  	s29 =	spop (v2sf)  }
0x48b: {  	p2 =	slt.s32 s29, $0x1  }
.Ltmp50:
0x48c: {  	_ = 	snop;
	(pc) =	sbr.rel @p2 .LBB2_37-.Ltmp50, $1  }
0x48d: {  	_ =	sdelay $0x3  }
.LBB2_36:
0x48e: {  	v7 =	vmctz.xlane vm0;
	_ =	sdelay $0x1  }
0x48f: {  	(v2sf) =	vpush v7, $0x0;
	_ =	sdelay $0xe  }
0x490: {  	s15 =	spop (v2sf)  }
0x491: {  	s15 =	sadd.s32 s6, s15  }
0x492: {  	v8 =	vld [tilespmem:s15+$0x0];
	_ =	sdelay $0x4  }
0x493: {  	(v2sf) =	vpush v8, $0x0;
	_ =	sdelay $0xe  }
0x494: {  	s21 =	spop (v2sf)  }
0x495: {  	s21 =	sshll.u32 s21, $0x6  }
0x496: {  	s21 =	sadd.s32 $0xFC2F8000, s21  }
0x497: {  	s21 =	sshrl.u32 s21, $0x3  }
0x498: {  	s21 =	sadd.s32 s9, s21  }
0x499: {  	v7 =	vbroadcast v7, $0x0;
	[tilespmem:s31], [sflag:$0x4] =	stream.linear.gather [hbm4b:s21+s4], $0x40, $0x38;
	[tilespmem:$0x1E880] =	vst v63  }
0x49a: {  	s15 =	sshll.u32 s15, $0x3;
	_ =	swait.ge [sflag:s30], $0x40  }
0x49b: {  	vm1 =	vne.s32 v7, v3;
	s15 =	sand.u32 $0x1FFFFFF8, s15;
	[sflag:s30] =	ssyncset.done $0x0  }
0x49c: {  	vm0 =	vmand vm0, vm1;
	s15 =	sadd.s32 s11, s15;
	[sflag:s30] =	ssyncadd.s32 $0xFFFFFFC0  }
0x49d: {  	v7 =	vmpcnt.ones.xlane vm0;
	[hbm4b:s15+s4] =	stream.linear.scatter [tilespmem:s31], [sflag:$0x4], $0x40, $0x38;
	[tilespmem:$0x1E880] =	vst v63  }
0x49e: {  	_ =	swait.ge [sflag:s30], $0x40  }
0x49f: {  	(v2sf) =	vpush v7, $0x0;
	_ =	sdelay $0xe  }
0x4a0: {  	s29 =	spop (v2sf)  }
0x4a1: {  	p2 =	sgt.s32 s29, $0x0  }
.Ltmp51:
0x4a2: {  	_ = 	snop;
	(pc) =	sbr.rel @p2 .LBB2_36-.Ltmp51, $3  }
0x4a3: {  	_ =	sdelay $0x1  }
0x4a4: {  	[sflag:s30] =	ssyncset.done $0x0  }
0x4a5: {  	[sflag:s30] =	ssyncadd.s32 $0xFFFFFFC0  }
.Ltmp52:
0x4a6: {  	_ = 	snop;
	(pc) =	sbr.rel .LBB2_37-.Ltmp52, $1  }
0x4a7: {  	_ =	sdelay $0x3  }
.LBB2_44:
0x4a8: {  	s5 =	sadd.s32 $0x1, s5  }
0x4a9: {  	p2 =	sne.s32 s5, $0x20  }
.Ltmp53:
0x4aa: {  	_ = 	snop;
	(pc) =	sbr.rel @!p2 .LBB2_45-.Ltmp53, $1  }
0x4ab: {  	_ =	sdelay $0x3  }
.LBB2_41:
0x4ac: {  	s6 =	sshll.u32 s5, $0x4  }
0x4ad: {  	s15 =	sand.u32 $0x1F80, s16;
	s21 =	sand.u32 $0x1FF0, s6  }
0x4ae: {  	s15 =	sor.u32 s15, s21  }
0x4af: {  	v7 =	vld [tilespmem:s15+$0x0];
	_ =	sdelay $0x4  }
0x4b0: {  	vm0 =	vgt.s32 v7, $0xF41FF  }
0x4b1: {  	v7 =	vmpcnt.ones.xlane vm0;
	_ =	sdelay $0x1  }
0x4b2: {  	(v2sf) =	vpush v7, $0x0;
	_ =	sdelay $0xe  }
0x4b3: {  	s29 =	spop (v2sf)  }
0x4b4: {  	p2 =	slt.s32 s29, $0x1  }
.Ltmp54:
0x4b5: {  	_ = 	snop;
	(pc) =	sbr.rel @p2 .LBB2_44-.Ltmp54, $1  }
0x4b6: {  	_ =	sdelay $0x3  }
0x4b7: {  	s15 =	sor.u32 s16, s6  }
0x4b8: {  	s6 =	sadd.s32 $0x2000, s15;
	v7 =	vmov s15  }
.LBB2_43:
0x4b9: {  	v8 =	vmctz.xlane vm0;
	_ =	sdelay $0x1  }
0x4ba: {  	(v2sf) =	vpush v8, $0x0;
	_ =	sdelay $0xe  }
0x4bb: {  	s15 =	spop (v2sf)  }
0x4bc: {  	v9 =	vld.idx.msk [tilespmem:v7+s15+$0x0 ss:$0x1], $0xffff;
	_ =	sdelay $0x4  }
0x4bd: {  	(v2sf) =	vpush v9, $0x0;
	_ =	sdelay $0xe  }
0x4be: {  	s21 =	spop (v2sf)  }
0x4bf: {  	s21 =	sshll.u32 s21, $0x6  }
0x4c0: {  	s21 =	sadd.s32 $0xFC2F8000, s21  }
0x4c1: {  	s21 =	sshrl.u32 s21, $0x3  }
0x4c2: {  	s15 =	sadd.s32 s15, s6;
	s21 =	sadd.s32 s9, s21  }
0x4c3: {  	v8 =	vbroadcast v8, $0x0;
	[tilespmem:s31], [sflag:$0x4] =	stream.linear.gather [hbm4b:s21+s4], $0x40, $0x38;
	[tilespmem:$0x1E880] =	vst v63  }
0x4c4: {  	s15 =	sshll.u32 s15, $0x3;
	_ =	swait.ge [sflag:s30], $0x40  }
0x4c5: {  	vm1 =	vne.s32 v8, v3;
	s15 =	sand.u32 $0x1FFFFFF8, s15;
	[sflag:s30] =	ssyncset.done $0x0  }
0x4c6: {  	vm0 =	vmand vm0, vm1;
	s15 =	sadd.s32 s11, s15;
	[sflag:s30] =	ssyncadd.s32 $0xFFFFFFC0  }
0x4c7: {  	v8 =	vmpcnt.ones.xlane vm0;
	[hbm4b:s15+s4] =	stream.linear.scatter [tilespmem:s31], [sflag:$0x4], $0x40, $0x38;
	[tilespmem:$0x1E880] =	vst v63  }
0x4c8: {  	_ =	swait.ge [sflag:s30], $0x40  }
0x4c9: {  	(v2sf) =	vpush v8, $0x0;
	_ =	sdelay $0xe  }
0x4ca: {  	s29 =	spop (v2sf)  }
0x4cb: {  	p2 =	sgt.s32 s29, $0x0  }
.Ltmp55:
0x4cc: {  	_ = 	snop;
	(pc) =	sbr.rel @p2 .LBB2_43-.Ltmp55, $3  }
0x4cd: {  	_ =	sdelay $0x1  }
0x4ce: {  	[sflag:s30] =	ssyncset.done $0x0  }
0x4cf: {  	[sflag:s30] =	ssyncadd.s32 $0xFFFFFFC0  }
.Ltmp56:
0x4d0: {  	_ = 	snop;
	(pc) =	sbr.rel .LBB2_44-.Ltmp56, $1  }
0x4d1: {  	_ =	sdelay $0x3  }
.LBB2_59:
0x4d2: {  	p2 =	slt.s32 s5, $0x1  }
.Ltmp57:
0x4d3: {  	_ = 	snop;
	(pc) =	sbr.rel @p2 .LBB2_63-.Ltmp57, $3  }
0x4d4: {  	_ =	sdelay $0x1  }
0x4d5: {  	s15 =	rddreg [dreg:$0x7]  }
0x4d6: {  	s6 =	rddreg [dreg:$0x1c]  }
0x4d7: {  	p2 =	slt.s32 s5, $0x20  }
0x4d8: {  	s5 =	simm.s32 @!p2 $0x20  }
0x4d9: {  	p2 =	sne.s32 s5, $0x1  }
.Ltmp58:
0x4da: {  	_ = 	snop;
	(pc) =	sbr.rel @!p2 .LBB2_62-.Ltmp58, $3  }
0x4db: {  	_ =	sdelay $0x1  }
0x4dc: {  	_ =	swait.ge [sflag:s26], $0x40  }
0x4dd: {  	[sflag:s26] =	ssyncset.done $0x0;
	s0 =	sadd.s32 $0xFFFFFFFF, s5  }
.LBB2_61:
0x4de: {  	p2 =	sne.s32 s0, $0x1;
	s0 =	sadd.s32 $0xFFFFFFFF, s0;
	[sflag:s26] =	ssyncadd.s32 $0xFFFFFFC0  }
.Ltmp59:
0x4df: {  	(pc) =	sbr.rel @p2 .LBB2_61-.Ltmp59, $3  }
0x4e0: {  	_ =	sdelay $0x1  }
0x4e1: {  	_ =	swait.ge [sflag:s26], $0x40  }
0x4e2: {  	[sflag:s26] =	ssyncset.done $0x0  }
.Ltmp60:
0x4e3: {  	_ = 	snop;
	(pc) =	sbr.rel .LBB2_62-.Ltmp60, $1  }
0x4e4: {  	_ =	sdelay $0x3  }
.LBB2_64:
0x4e5: {  	_ =	sfence.sel $0x180000  }
0x4e6: {  	[bflag:$0x0] =	sbarrier.arrive $0xFFFF  }
0x4e7: {  	_ =	strace $0x90000047  }
0x4e8: {  	s0 =	stileid.u32;
	[bflag:$0x2] =	sbarrier.arrive $0xFFFF  }
0x4e9: {  	p0 =	sne.s32 s0, $0x0;
	s0 =	rddreg [dreg:$0x4]  }
0x4ea: {  	s0 =	sadd.s32 @!p0 $0x100000, s0  }
0x4eb: {  	[sflag:s0] =	ssyncadd.tile.s32 @!p0 $0x1;
	_ =	shalt  }
.Lfunc_end2:
_tile_overlayer_lowered:
.L_overlay_start_2:
0x4ec: {  	(tag) =	ssettag $0x2  }
0x4ed: {  	s0 =	rddreg [dreg:$0x0];
	s2 =	stileid.u32  }
0x4ee: {  	s1 =	rddreg [dreg:$0x1];
	p0 =	sne.s32 s2, $0x0  }
0x4ef: {  	s3 =	rddreg [dreg:$0x2];
	[bflag:$0x3] =	sbarrier.arrive $0xFFFF;
	s2 =	simm.s32 @!p0 $0x1C04  }
0x4f0: {  	[timem:s3], [sflag:s2] =	dma.local @!p0 [hbm:s0], s1  }
0x4f1: {  	s0 =	simm.s32 @!p0 $0x4  }
0x4f2: {  	_ =	swait.ge @!p0 [sflag:s0], s1  }
0x4f3: {  	s1 =	ssub.s32 @!p0 $0x0, s1;
	[sflag:s0] =	ssyncset.done @!p0 $0x0  }
0x4f4: {  	[sflag:s0] =	ssyncadd.s32 @!p0 s1  }
0x4f5: {  	[bflag:$0x3] =	sbarrier.arrive $0xFFFF  }
0x4f6: {  	_ =	shalt  }

// kernel: kernel.7.cloned.1.call-start
scs
__scs_entry_jumppad:
0x0: {  	(pc) =	sbr.rel $0x88, $3  }
0x1: {  	(tag) =	ssettag $0x0;
	lr =	simm.s32 $0x1  }
0x2: {  	[smem:$0x3F9E] =	sst lr;
	_ =	strace $0xD0000000  }
0x3: {  	_ = 	snop  }
0x4: {  	_ = 	snop  }
0x5: {  	_ = 	snop  }
0x6: {  	_ = 	snop  }
0x7: {  	_ = 	snop  }
__scs_overlays_trampoline_lowered:
0x8: {  	[smem:$0x3FAD] =	sst s0  }
0x9: {  	[smem:$0x3FAE] =	sst s1  }
0xa: {  	[smem:$0x3FAF] =	sst s2  }
0xb: {  	[smem:$0x3FB0] =	sst s3  }
0xc: {  	[smem:$0x3FB1] =	sst s4  }
0xd: {  	[smem:$0x3FB2] =	sst s5  }
0xe: {  	[smem:$0x3FB3] =	sst s6  }
0xf: {  	[smem:$0x3FB4] =	sst s7  }
0x10: {  	[smem:$0x3FB5] =	sst s8  }
0x11: {  	[smem:$0x3FB6] =	sst s9;
	s0 =	simm.s32 @!p0 $0x0  }
0x12: {  	s1 =	sld [smem:$0x3F9C];
	s0 =	simm.s32 @p0 $0x1  }
0x13: {  	[smem:$0x3FB7] =	sst s0;
	s0 =	simm.s32 @!p1 $0x0  }
0x14: {  	s2 =	sld [smem:$0x3F9B];
	s0 =	simm.s32 @p1 $0x1  }
0x15: {  	[smem:$0x3FB8] =	sst s0;
	s0 =	simm.s32 @!p2 $0x0  }
0x16: {  	s3 =	sld [smem:$0x3FDB];
	s0 =	simm.s32 @p2 $0x1  }
0x17: {  	s4 =	simm.s32 $0x1BF5;
	[smem:$0x3FBA] =	sst s0  }
0x18: {  	s0 =	sld [smem:$0x3F9D];
	_ =	swait.ge [sflag:s4], $0x0  }
0x19: {  	s7 =	sld [smem:$0x3F9E]  }
0x1a: {  	s8 =	sadd.s32 $0xFFFFE003, lr  }
0x1b: {  	s9 =	sadd.s32 $0xFFFFFEF7, lr;
	s5 =	simm.s32 $0xFFFFFFFF;
	p2 =	slt.u32 s8, $0xFFFFF086  }
0x1c: {  	p1 =	slt.u32 s9, $0xF7A;
	s5 =	simm.s32 @!p2 $0x0  }
0x1d: {  	s5 =	simm.s32 @p1 $0x1;
	p0 =	seq.s32 s7, s2  }
0x1e: {  	s7 =	smul.u32 @!p0 $0xF7A, s2;
	p2 =	seq.s32 @!p0 s5, $0x0  }
0x1f: {  	s9 =	smul.u32 $0xF7A, s1;
	s8 =	simm.s32 @!p0 $0x1BF5;
	p2 =	por !p2, p0  }
0x20: {  	[sflag:s8] =	ssyncset.s32 @!p0 $0xFFFFF086;
	s6 =	sadd.s32 @!p0 s3, s7;
	s7 =	simm.s32 @!p0 $0x108  }
0x21: {  	s3 =	sadd.s32 s3, s9;
	s6 =	sadd.s32 @!p0 $0x88, s6;
	s7 =	simm.s32 @p2 $0x1082  }
0x22: {  	[simem:s7], [sflag:s8] =	dma.local @!p0 [hbm:s6], $0xF7A  }
0x23: {  	s9 =	sor.u32 $0xD0000000, s2;
	s6 =	simm.s32 $0x108;
	_ =	swait.ge @!p0 [sflag:s8], $0x0  }
0x24: {  	s3 =	sadd.s32 $0x88, s3;
	s6 =	simm.s32 @!p1 $0x1082;
	[sflag:s4] =	ssyncset.s32 $0xFFFFF086  }
0x25: {  	[simem:s6], [sflag:s4] =	dma.local [hbm:s3], $0xF7A  }
0x26: {  	[smem:$0x3F9E] =	sst s1;
	(tag) =	ssettag s2;
	_ =	strace s9  }
0x27: {  	s1 =	sld [smem:$0x3FAE]  }
0x28: {  	s2 =	sld [smem:$0x3FAF]  }
0x29: {  	s4 =	sld [smem:$0x3FB1]  }
0x2a: {  	p0 =	seq.s32 s5, $0x0;
	s5 =	sld [smem:$0x3FB2]  }
0x2b: {  	s6 =	sld [smem:$0x3FB3]  }
0x2c: {  	s7 =	sld [smem:$0x3FB4]  }
0x2d: {  	s3 =	simm.s32 $0x108;
	s8 =	sld [smem:$0x3FB5]  }
0x2e: {  	s3 =	simm.s32 @!p0 $0x1082;
	s9 =	sld [smem:$0x3FB6]  }
0x2f: {  	lr =	sadd.s32 s0, s3;
	s0 =	sld [smem:$0x3FAD]  }
0x30: {  	s3 =	sld [smem:$0x3FB0]  }
0x31: {  	[smem:$0x3FB9] =	sst s10  }
0x32: {  	s10 =	sld [smem:$0x3FB7];
	_ =	sdelay $0x3  }
0x33: {  	p0 =	seq.s32 s10, $0x1;
	s10 =	sld [smem:$0x3FB9];
	_ =	sdelay $0x3  }
0x34: {  	[smem:$0x3FB9] =	sst s10  }
0x35: {  	s10 =	sld [smem:$0x3FB8];
	_ =	sdelay $0x3  }
0x36: {  	p1 =	seq.s32 s10, $0x1;
	s10 =	sld [smem:$0x3FB9];
	_ =	sdelay $0x3  }
0x37: {  	[smem:$0x3FB9] =	sst s10  }
0x38: {  	s10 =	sld [smem:$0x3FBA]  }
0x39: {  	_ = 	snop;
	(pc) =	sbr.ind lr, $3  }
0x3a: {  	_ = 	snop  }
0x3b: {  	_ = 	snop  }
0x3c: {  	p2 =	seq.s32 s10, $0x1;
	s10 =	sld [smem:$0x3FB9]  }
0x3d: {  	_ =	shalt  }
0x3e: {  	_ =	shalt  }
0x3f: {  	_ =	shalt  }
0x40: {  	_ =	shalt  }
0x41: {  	_ =	shalt  }
0x42: {  	_ =	shalt  }
0x43: {  	_ =	shalt  }
0x44: {  	_ =	shalt  }
0x45: {  	_ =	shalt  }
0x46: {  	_ =	shalt  }
0x47: {  	_ =	shalt  }
0x48: {  	_ =	shalt  }
0x49: {  	_ =	shalt  }
0x4a: {  	_ =	shalt  }
0x4b: {  	_ =	shalt  }
0x4c: {  	_ =	shalt  }
0x4d: {  	_ =	shalt  }
0x4e: {  	_ =	shalt  }
0x4f: {  	_ =	shalt  }
0x50: {  	_ =	shalt  }
0x51: {  	_ =	shalt  }
0x52: {  	_ =	shalt  }
0x53: {  	_ =	shalt  }
0x54: {  	_ =	shalt  }
0x55: {  	_ =	shalt  }
0x56: {  	_ =	shalt  }
0x57: {  	_ =	shalt  }
0x58: {  	_ =	shalt  }
0x59: {  	_ =	shalt  }
0x5a: {  	_ =	shalt  }
0x5b: {  	_ =	shalt  }
0x5c: {  	_ =	shalt  }
0x5d: {  	_ =	shalt  }
0x5e: {  	_ =	shalt  }
0x5f: {  	_ =	shalt  }
0x60: {  	_ =	shalt  }
0x61: {  	_ =	shalt  }
0x62: {  	_ =	shalt  }
0x63: {  	_ =	shalt  }
0x64: {  	_ =	shalt  }
0x65: {  	_ =	shalt  }
0x66: {  	_ =	shalt  }
0x67: {  	_ =	shalt  }
0x68: {  	_ =	shalt  }
0x69: {  	_ =	shalt  }
0x6a: {  	_ =	shalt  }
0x6b: {  	_ =	shalt  }
0x6c: {  	_ =	shalt  }
0x6d: {  	_ =	shalt  }
0x6e: {  	_ =	shalt  }
0x6f: {  	_ =	shalt  }
0x70: {  	_ =	shalt  }
0x71: {  	_ =	shalt  }
0x72: {  	_ =	shalt  }
0x73: {  	_ =	shalt  }
0x74: {  	_ =	shalt  }
0x75: {  	_ =	shalt  }
0x76: {  	_ =	shalt  }
0x77: {  	_ =	shalt  }
0x78: {  	_ =	shalt  }
0x79: {  	_ =	shalt  }
0x7a: {  	_ =	shalt  }
0x7b: {  	_ =	shalt  }
0x7c: {  	_ =	shalt  }
0x7d: {  	_ =	shalt  }
0x7e: {  	_ =	shalt  }
0x7f: {  	_ =	shalt  }
0x80: {  	_ =	shalt  }
0x81: {  	_ =	shalt  }
0x82: {  	_ =	shalt  }
0x83: {  	_ =	shalt  }
0x84: {  	_ =	shalt  }
0x85: {  	_ =	shalt  }
0x86: {  	_ =	shalt  }
0x87: {  	_ =	shalt  }
.Lfunc_end0:
.L_simem_size_0:
called_computation.1_lowered:
.L_overlay_start_0:
0x88: {  	s2 =	sld [smem:$0x3FD9]  }
0x89: {  	s3 =	sld [smem:$0x3FFE];
	_ =	sdelay $0x1  }
0x8a: {  	s1 =	srdreg.scid  }
0x8b: {  	s0 =	sand.u32 $0x1, s1  }
0x8c: {  	s17 =	sshll.u32 s0, $0xA;
	s2 =	sadd.s32 s3, s2  }
0x8d: {  	s2 =	sadd.s32 s2, s17  }
0x8e: {  	[smem:$0x3FC5] =	sst s2  }
0x8f: {  	_ = 	snop  }
0x90: {  	s2 =	sld [smem:$0x3FD0];
	(tm) =	ssettm $0x1  }
0x91: {  	s18 =	sld [smem:$0x3FFB];
	_ =	sdelay $0x3  }
0x92: {  	_ =	strace s18  }
0x93: {  	s3 =	sld [smem:$0x3FFC];
	_ =	sdelay $0x3  }
0x94: {  	_ =	strace s3  }
0x95: {  	s3 =	sld [smem:$0x3FFD];
	_ =	sdelay $0x3  }
0x96: {  	_ =	strace s3  }
0x97: {  	_ =	strace $0x8FFFFFFF  }
0x98: {  	s19 =	sld [smem:$0x3FDB];
	_ =	sdelay $0x1  }
0x99: {  	s4 =	simm.s32 $_scs_section_size  }
0x9a: {  	s5 =	simm.s32 $_size__tile_overlayer_lowered;
	s6 =	simm.s32 $_tile_overlayer_lowered  }
0x9b: {  	s22 =	simm.s32 $0x1BFF;
	s21 =	sshll.u32 s6, $0x1;
	s3 =	sadd.s32 s4, s19  }
0x9c: {  	s7 =	simm.s32 $0x0;
	s20 =	sshll.u32 s5, $0x1;
	s5 =	sadd.s32 s21, s3  }
0x9d: {  	[timem:s7], [sflag:s22] =	dma.local [hbm:s5], s20  }
0x9e: {  	_ =	swait.ge [sflag:s22], s20  }
0x9f: {  	s4 =	ssub.s32 $0x0, s20;
	[sflag:s22] =	ssyncset.done $0x0  }
0xa0: {  	[sflag:s22] =	ssyncadd.s32 s4;
	_ =	sdelay $0x1  }
0xa1: {  	s23 =	simm.s32 $0x1B8B  }
0xa2: {  	_ =	swait.ge [sflag:s23], $0x1  }
0xa3: {  	[sflag:s23] =	ssyncset.done $0x0  }
0xa4: {  	s25 =	simm.s32 $0x1B8E;
	s24 =	sld [smem:$0x3FFE];
	[sflag:s23] =	ssyncadd.s32 $0xFFFFFFFF  }
0xa5: {  	s26 =	simm.s32 $execute0_lowered;
	[smem:$0x3FD2] =	sst s25  }
0xa6: {  	s5 =	sshll.u32 s26, $0x1;
	_ =	strace $0x80000049;
	[dreg:$0x1] =	wrdreg $0xFFFFFFFF  }
0xa7: {  	s28 =	simm.s32 $_size_execute0_lowered;
	s3 =	sadd.s32 s3, s5;
	[dreg:$0x0] =	wrdreg $0x0  }
0xa8: {  	s5 =	sshll.u32 s28, $0x1;
	[dreg:$0x2] =	wrdreg s3  }
0xa9: {  	[dreg:$0x3] =	wrdreg s5  }
0xaa: {  	[dreg:$0x4] =	wrdreg $0xC0  }
0xab: {  	_ =	task [dreg:s7], $0x5FFFF  }
0xac: {  	[dreg:$0x1] =	wrdreg $0xFFFFFFFF  }
0xad: {  	[dreg:$0x0] =	wrdreg $0x60  }
0xae: {  	[dreg:$0x2] =	wrdreg s24  }
0xaf: {  	[dreg:$0x3] =	wrdreg s2  }
0xb0: {  	[dreg:$0x4] =	wrdreg $0x9  }
0xb1: {  	_ =	task.clear_ibuf [dreg:s7], $0x5FFFF;
	_ =	strace $0x90000049  }
0xb2: {  	s29 =	simm.s32 $0x9;
	_ =	strace $0x8000004B  }
0xb3: {  	_ =	swait.ge [sflag:s29], $0x1  }
0xb4: {  	[sflag:s29] =	ssyncadd.s32 $0xFFFFFFFF  }
0xb5: {  	_ =	strace $0x9000004B  }
0xb6: {  	_ =	sfence  }
0xb7: {  	s30 =	sld [smem:$0x0];
	_ =	sdelay $0x2  }
0xb8: {  	s31 =	sshll.u32 s1, $0xD;
	s1 =	sshrl.u32 s1, $0x2  }
0xb9: {  	s3 =	sand.u32 $0x4000, s31;
	s1 =	sadd.s32 s1, s30  }
0xba: {  	s0 =	sor.u32 s3, s0;
	s1 =	sshll.u32 s1, $0x11  }
0xbb: {  	s0 =	sor.u32 s1, s0  }
0xbc: {  	s0 =	sadd.s32 $0x8F2B, s0  }
0xbd: {  	[sflag:s0] =	ssyncadd.remote.s32 $0x1  }
0xbe: {  	_ =	sfence.sel $0xFFFF  }
0xbf: {  	[dreg:$0x0] =	wrdreg $0xFFFFFFFF;
	(pc) =	sbr.abs _section_cstart, $3  }
0xc0: {  	[dreg:$0x1] =	wrdreg $0xFFFFFFFF  }
0xc1: {  	_ =	task.clear_ibuf [dreg:s7], $0x2FFFF;
	_ =	strace $0x9FFFFFFF  }
0xc2: {  	(tm) =	ssettm $0x7FFFFFFF  }
0xc3: {  	_ =	shalt  }
tec
execute0_lowered:
.L_overlay_start_1:
0x0: {  	(tag) =	ssettag $0x1  }
0x1: {  	s3 =	rddreg [dreg:$0x0]  }
0x2: {  	s11 =	rddreg [dreg:$0x1]  }
0x3: {  	s0 =	rddreg [dreg:$0x2];
	s2 =	simm.s32 $0x0  }
0x4: {  	s4 =	srdreg.scid;
	s1 =	stileid.u32;
	s16 =	simm.s32 $0x4000  }
0x5: {  	s17 =	simm.s32 $0xC000;
	s18 =	simm.s32 $0x6000;
	s19 =	simm.s32 $0xE000  }
0x6: {  	s20 =	simm.s32 $0x1;
	s21 =	simm.s32 $0x2;
	s22 =	simm.s32 $0x10000  }
0x7: {  	s23 =	simm.s32 $0x3;
	s24 =	simm.s32 $0x0;
	[smem:$0x7FF] =	sst s2  }
0x8: {  	s4 =	sand.u32 $0x1, s4;
	s5 =	sshll.u32 s1, $0x1;
	s9 =	sadd.s32 $0x1A00, s3  }
0x9: {  	s12 =	sadd.s32 $0x21A00, s3;
	s6 =	ssub.s32 $0x2, s4;
	s10 =	sor.u32 s4, s5  }
0xa: {  	_ =	strace $0x8000004A;
	s29 =	sshrl.u32 s6, $0x1;
	s8 =	sshll.u32 s10, $0xC  }
0xb: {  	s31 =	sshll.u32 s10, $0x6;
	s13 =	ssub.s32 s6, s29;
	s3 =	sadd.s32 s9, s8  }
0xc: {  	s30 =	sor.u32 $0x400, s8;
	s4 =	sadd.s32 s12, s8;
	s14 =	sor.u32 $0x800, s8  }
0xd: {  	s15 =	sor.u32 $0xC00, s8;
	s11 =	sadd.s32 s11, s31;
	s5 =	sadd.s32 s9, s30  }
0xe: {  	s6 =	sadd.s32 s12, s30;
	s7 =	sadd.s32 s9, s14;
	s8 =	sadd.s32 s12, s14  }
0xf: {  	v0 =	vlaneseq.u32;
	s9 =	sadd.s32 s9, s15;
	s10 =	sadd.s32 s12, s15;
	s12 =	smax.u32 s13, $0x1  }
0x10: {  	v0 =	vmul.u32 $0x40, v0;
	s13 =	simm.s32 $0x8000;
	s14 =	simm.s32 $0x2000;
	s15 =	simm.s32 $0xA000  }
.LBB2_1:
0x11: {  	[tilespmem:s2], [sflag:$0x1] =	stream.linear.gather [hbm4b:s3+s2], $0x2000, $0x38;
	[tilespmem:$0x10200] =	vst v63  }
0x12: {  	_ = 	snop  }
0x13: {  	[tilespmem:s13], [sflag:$0x2] =	stream.linear.gather [hbm4b:s4+s2], $0x2000, $0x38;
	[tilespmem:$0x10200] =	vst v63  }
0x14: {  	_ = 	snop  }
0x15: {  	[tilespmem:s14], [sflag:$0x1] =	stream.linear.gather [hbm4b:s5+s2], $0x2000, $0x38;
	[tilespmem:$0x10200] =	vst v63  }
0x16: {  	_ = 	snop  }
0x17: {  	[tilespmem:s15], [sflag:$0x2] =	stream.linear.gather [hbm4b:s6+s2], $0x2000, $0x38;
	[tilespmem:$0x10200] =	vst v63  }
0x18: {  	_ = 	snop  }
0x19: {  	[tilespmem:s16], [sflag:$0x1] =	stream.linear.gather [hbm4b:s7+s2], $0x2000, $0x38;
	[tilespmem:$0x10200] =	vst v63  }
0x1a: {  	_ = 	snop  }
0x1b: {  	[tilespmem:s17], [sflag:$0x2] =	stream.linear.gather [hbm4b:s8+s2], $0x2000, $0x38;
	[tilespmem:$0x10200] =	vst v63  }
0x1c: {  	_ = 	snop  }
0x1d: {  	[tilespmem:s18], [sflag:$0x1] =	stream.linear.gather [hbm4b:s9+s2], $0x2000, $0x38;
	[tilespmem:$0x10200] =	vst v63  }
0x1e: {  	_ = 	snop  }
0x1f: {  	[tilespmem:s19], [sflag:$0x2] =	stream.linear.gather [hbm4b:s10+s2], $0x2000, $0x38;
	[tilespmem:$0x10200] =	vst v63  }
0x20: {  	_ =	swait.ge [sflag:s20], $0x2000  }
0x21: {  	[sflag:s20] =	ssyncset.done $0x0  }
0x22: {  	[sflag:s20] =	ssyncadd.s32 $0xFFFFE000  }
0x23: {  	_ =	swait.ge [sflag:s21], $0x2000  }
0x24: {  	[sflag:s21] =	ssyncset.done $0x0  }
0x25: {  	s25 =	simm.s32 $0x0;
	[sflag:s21] =	ssyncadd.s32 $0xFFFFE000  }
.LBB2_2:
0x26: {  	s26 =	sshll.u32 s25, $0x4  }
0x27: {  	v1 =	vmov s26  }
0x28: {  	v1 =	vshll.u32 v1, $0x6  }
0x29: {  	s28 =	simm.s32 $0x0;
	v1 =	vor.u32 v0, v1  }
0x2a: {  	v2 =	vor.u32 s28, v1  }
0x2b: {  	s28 =	simm.s32 $0x1  }
0x2c: {  	v3 =	vor.u32 s28, v1  }
0x2d: {  	s28 =	simm.s32 $0x2  }
0x2e: {  	v4 =	vor.u32 s28, v1  }
0x2f: {  	s28 =	simm.s32 $0x3;
	v6 =	vld.idx.msk [tilespmem:v2+s2+$0x0], $0xffff  }
0x30: {  	v7 =	vor.u32 s28, v1;
	v2 =	vld.idx.msk [tilespmem:v2+s13+$0x0], $0xffff  }
0x31: {  	s28 =	simm.s32 $0x4;
	v8 =	vld.idx.msk [tilespmem:v3+s2+$0x0], $0xffff  }
0x32: {  	v10 =	vor.u32 s28, v1;
	v11 =	vld.idx.msk [tilespmem:v3+s13+$0x0], $0xffff  }
0x33: {  	s28 =	simm.s32 $0x5;
	v13 =	vld.idx.msk [tilespmem:v4+s2+$0x0], $0xffff  }
0x34: {  	v12 =	vor.u32 s28, v1;
	v14 =	vld.idx.msk [tilespmem:v4+s13+$0x0], $0xffff  }
0x35: {  	s28 =	simm.s32 $0x6;
	v3 =	vld.idx.msk [tilespmem:v7+s2+$0x0], $0xffff  }
0x36: {  	v5 =	vor.u32 s28, v1;
	v9 =	vld.idx.msk [tilespmem:v7+s13+$0x0], $0xffff;
	v2 =	vmul.f32 v2, v6  }
0x37: {  	s29 =	simm.s32 $0x7;
	v4 =	vld.idx.msk [tilespmem:v10+s2+$0x0], $0xffff;
	v6 =	vimm.f32 $0.0e+00  }
0x38: {  	v10 =	vld.idx.msk [tilespmem:v10+s13+$0x0], $0xffff;
	v15 =	vmul.f32 v11, v8;
	v11 =	vor.u32 s29, v1;
	v7 =	vadd.f32 v2, v6  }
0x39: {  	s28 =	simm.s32 $0x8;
	v2 =	vld.idx.msk [tilespmem:v12+s2+$0x0], $0xffff  }
0x3a: {  	v8 =	vor.u32 s28, v1;
	v6 =	vld.idx.msk [tilespmem:v12+s13+$0x0], $0xffff;
	v13 =	vmul.f32 v14, v13;
	v12 =	vadd.f32 v15, v7  }
0x3b: {  	s30 =	simm.s32 $0x9;
	s29 =	simm.s32 $0xC;
	v7 =	vld.idx.msk [tilespmem:v5+s2+$0x0], $0xffff  }
.LBB2_3:
0x3c: {  	p0 =	slt.u32 s29, $0x3C;
	v14 =	vor.u32 s30, v1;
	v15 =	vld.idx.msk [tilespmem:v5+s13+$0x0], $0xffff;
	v12 =	vadd.f32 v13, v12;
	v13 =	vmul.f32 v9, v3  }
0x3d: {  	s30 =	sadd.s32 $0x2, s28;
	v3 =	vld.idx.msk [tilespmem:v11+s2+$0x0], $0xffff  }
0x3e: {  	v5 =	vor.u32 s30, v1;
	v16 =	vmul.f32 v10, v4;
	v9 =	vld.idx.msk [tilespmem:v11+s13+$0x0], $0xffff;
	v12 =	vadd.f32 v13, v12  }
.Ltmp0:
0x3f: {  	s30 =	sadd.s32 $0x3, s28;
	s28 =	smov.u32 s29;
	v4 =	vld.idx.msk [tilespmem:v8+s2+$0x0], $0xffff;
	(pc) =	sbr.rel @p0 .LBB2_3-.Ltmp0, $4  }
0x40: {  	v11 =	vor.u32 s30, v1;
	v13 =	vmul.f32 v6, v2;
	v10 =	vld.idx.msk [tilespmem:v8+s13+$0x0], $0xffff;
	v12 =	vadd.f32 v16, v12  }
0x41: {  	v2 =	vld.idx.msk [tilespmem:v14+s2+$0x0], $0xffff  }
0x42: {  	v8 =	vor.u32 s29, v1;
	v6 =	vld.idx.msk [tilespmem:v14+s13+$0x0], $0xffff;
	v12 =	vadd.f32 v13, v12;
	v13 =	vmul.f32 v15, v7  }
0x43: {  	s30 =	sadd.s32 $0x1, s28;
	s29 =	sadd.s32 $0x4, s29;
	v7 =	vld.idx.msk [tilespmem:v5+s2+$0x0], $0xffff  }
0x44: {  	_ =	sdelay $0x2  }
0x45: {  	v12 =	vadd.f32 v13, v12;
	v3 =	vmul.f32 v9, v3  }
0x46: {  	v53 =	vor.u32 s30, v1;
	v5 =	vld.idx.msk [tilespmem:v5+s13+$0x0], $0xffff  }
0x47: {  	s29 =	sadd.s32 $0x2, s28;
	v54 =	vld.idx.msk [tilespmem:v11+s2+$0x0], $0xffff;
	v4 =	vmul.f32 v10, v4;
	v3 =	vadd.f32 v3, v12  }
0x48: {  	v56 =	vld.idx.msk [tilespmem:v11+s13+$0x0], $0xffff;
	v55 =	vor.u32 s29, v1  }
0x49: {  	v57 =	vld.idx.msk [tilespmem:v8+s2+$0x0], $0xffff;
	s31 =	sadd.s32 $0x3, s28;
	v2 =	vmul.f32 v6, v2;
	v3 =	vadd.f32 v4, v3  }
0x4a: {  	v58 =	vld.idx.msk [tilespmem:v8+s13+$0x0], $0xffff;
	v1 =	vor.u32 s31, v1  }
0x4b: {  	v59 =	vld.idx.msk [tilespmem:v53+s2+$0x0], $0xffff;
	v2 =	vadd.f32 v2, v3;
	v3 =	vmul.f32 v5, v7  }
0x4c: {  	v60 =	vld.idx.msk [tilespmem:v53+s13+$0x0], $0xffff  }
0x4d: {  	v61 =	vld.idx.msk [tilespmem:v55+s2+$0x0], $0xffff;
	v2 =	vadd.f32 v3, v2;
	v3 =	vmul.f32 v56, v54  }
0x4e: {  	v62 =	vld.idx.msk [tilespmem:v55+s13+$0x0], $0xffff  }
0x4f: {  	v4 =	vmul.f32 v58, v57;
	v63 =	vld.idx.msk [tilespmem:v1+s2+$0x0], $0xffff;
	v2 =	vadd.f32 v3, v2  }
0x50: {  	v1 =	vld.idx.msk [tilespmem:v1+s13+$0x0], $0xffff  }
0x51: {  	v3 =	vmul.f32 v60, v59;
	v2 =	vadd.f32 v4, v2;
	_ =	sdelay $0x1  }
0x52: {  	s25 =	sadd.s32 $0x1, s25;
	v2 =	vadd.f32 v3, v2;
	v3 =	vmul.f32 v62, v61  }
0x53: {  	p0 =	sne.s32 s25, $0x8  }
.Ltmp1:
0x54: {  	v1 =	vmul.f32 v1, v63;
	v2 =	vadd.f32 v3, v2;
	(pc) =	sbr.rel @p0 .LBB2_2-.Ltmp1, $3  }
0x55: {  	_ = 	snop  }
0x56: {  	v1 =	vadd.f32 v1, v2;
	_ =	sdelay $0x1  }
0x57: {  	[tilespmem:s26+$0x10000] =	vst v1  }
0x58: {  	_ =	swait.ge [sflag:s20], $0x2000  }
0x59: {  	[sflag:s20] =	ssyncset.done $0x0  }
0x5a: {  	[sflag:s20] =	ssyncadd.s32 $0xFFFFE000  }
0x5b: {  	_ =	swait.ge [sflag:s21], $0x2000  }
0x5c: {  	[sflag:s21] =	ssyncset.done $0x0  }
0x5d: {  	s25 =	simm.s32 $0x0;
	s26 =	simm.s32 $0x0;
	[sflag:s21] =	ssyncadd.s32 $0xFFFFE000  }
.LBB2_6:
0x5e: {  	s28 =	sshll.u32 s26, $0x4  }
0x5f: {  	s29 =	sor.u32 $0x80, s28  }
0x60: {  	v1 =	vmov s29  }
0x61: {  	v1 =	vshll.u32 v1, $0x6  }
0x62: {  	v1 =	vor.u32 v0, v1  }
0x63: {  	v2 =	vor.u32 s25, v1  }
0x64: {  	s29 =	simm.s32 $0x1  }
0x65: {  	v3 =	vor.u32 s29, v1  }
0x66: {  	s29 =	simm.s32 $0x2  }
0x67: {  	v4 =	vor.u32 s29, v1  }
0x68: {  	s29 =	simm.s32 $0x3;
	v6 =	vld.idx.msk [tilespmem:v2+s2+$0x0], $0xffff  }
0x69: {  	v7 =	vor.u32 s29, v1;
	v2 =	vld.idx.msk [tilespmem:v2+s13+$0x0], $0xffff  }
0x6a: {  	s29 =	simm.s32 $0x4;
	v8 =	vld.idx.msk [tilespmem:v3+s2+$0x0], $0xffff  }
0x6b: {  	v10 =	vor.u32 s29, v1;
	v11 =	vld.idx.msk [tilespmem:v3+s13+$0x0], $0xffff  }
0x6c: {  	s29 =	simm.s32 $0x5;
	v13 =	vld.idx.msk [tilespmem:v4+s2+$0x0], $0xffff  }
0x6d: {  	v12 =	vor.u32 s29, v1;
	v14 =	vld.idx.msk [tilespmem:v4+s13+$0x0], $0xffff  }
0x6e: {  	s29 =	simm.s32 $0x6;
	v3 =	vld.idx.msk [tilespmem:v7+s2+$0x0], $0xffff  }
0x6f: {  	v5 =	vor.u32 s29, v1;
	v9 =	vld.idx.msk [tilespmem:v7+s13+$0x0], $0xffff;
	v2 =	vmul.f32 v2, v6  }
0x70: {  	s30 =	simm.s32 $0x7;
	v4 =	vld.idx.msk [tilespmem:v10+s2+$0x0], $0xffff;
	v6 =	vimm.f32 $0.0e+00  }
0x71: {  	v10 =	vld.idx.msk [tilespmem:v10+s13+$0x0], $0xffff;
	v15 =	vmul.f32 v11, v8;
	v11 =	vor.u32 s30, v1;
	v7 =	vadd.f32 v2, v6  }
0x72: {  	s29 =	simm.s32 $0x8;
	v2 =	vld.idx.msk [tilespmem:v12+s2+$0x0], $0xffff  }
0x73: {  	v8 =	vor.u32 s29, v1;
	v13 =	vmul.f32 v14, v13;
	v6 =	vld.idx.msk [tilespmem:v12+s13+$0x0], $0xffff;
	v12 =	vadd.f32 v15, v7  }
0x74: {  	s31 =	simm.s32 $0x9;
	s30 =	simm.s32 $0xC;
	v7 =	vld.idx.msk [tilespmem:v5+s2+$0x0], $0xffff  }
.LBB2_7:
0x75: {  	p0 =	slt.u32 s30, $0x3C;
	v14 =	vor.u32 s31, v1;
	v15 =	vld.idx.msk [tilespmem:v5+s13+$0x0], $0xffff;
	v12 =	vadd.f32 v13, v12;
	v13 =	vmul.f32 v9, v3  }
0x76: {  	s31 =	sadd.s32 $0x2, s29;
	v3 =	vld.idx.msk [tilespmem:v11+s2+$0x0], $0xffff  }
0x77: {  	v5 =	vor.u32 s31, v1;
	v16 =	vmul.f32 v10, v4;
	v9 =	vld.idx.msk [tilespmem:v11+s13+$0x0], $0xffff;
	v12 =	vadd.f32 v13, v12  }
.Ltmp2:
0x78: {  	s31 =	sadd.s32 $0x3, s29;
	s29 =	smov.u32 s30;
	v4 =	vld.idx.msk [tilespmem:v8+s2+$0x0], $0xffff;
	(pc) =	sbr.rel @p0 .LBB2_7-.Ltmp2, $4  }
0x79: {  	v11 =	vor.u32 s31, v1;
	v13 =	vmul.f32 v6, v2;
	v10 =	vld.idx.msk [tilespmem:v8+s13+$0x0], $0xffff;
	v12 =	vadd.f32 v16, v12  }
0x7a: {  	v2 =	vld.idx.msk [tilespmem:v14+s2+$0x0], $0xffff  }
0x7b: {  	v8 =	vor.u32 s30, v1;
	v6 =	vld.idx.msk [tilespmem:v14+s13+$0x0], $0xffff;
	v12 =	vadd.f32 v13, v12;
	v13 =	vmul.f32 v15, v7  }
0x7c: {  	s31 =	sadd.s32 $0x1, s29;
	s30 =	sadd.s32 $0x4, s30;
	v7 =	vld.idx.msk [tilespmem:v5+s2+$0x0], $0xffff  }
0x7d: {  	_ =	sdelay $0x2  }
0x7e: {  	v12 =	vadd.f32 v13, v12;
	v3 =	vmul.f32 v9, v3  }
0x7f: {  	v53 =	vor.u32 s31, v1;
	v5 =	vld.idx.msk [tilespmem:v5+s13+$0x0], $0xffff  }
0x80: {  	s30 =	sadd.s32 $0x2, s29;
	v54 =	vld.idx.msk [tilespmem:v11+s2+$0x0], $0xffff;
	v4 =	vmul.f32 v10, v4;
	v3 =	vadd.f32 v3, v12  }
0x81: {  	v56 =	vld.idx.msk [tilespmem:v11+s13+$0x0], $0xffff;
	v55 =	vor.u32 s30, v1  }
0x82: {  	v57 =	vld.idx.msk [tilespmem:v8+s2+$0x0], $0xffff;
	s31 =	sadd.s32 $0x3, s29;
	v2 =	vmul.f32 v6, v2;
	v3 =	vadd.f32 v4, v3  }
0x83: {  	v58 =	vld.idx.msk [tilespmem:v8+s13+$0x0], $0xffff;
	v1 =	vor.u32 s31, v1  }
0x84: {  	v59 =	vld.idx.msk [tilespmem:v53+s2+$0x0], $0xffff;
	v2 =	vadd.f32 v2, v3;
	v3 =	vmul.f32 v5, v7  }
0x85: {  	v60 =	vld.idx.msk [tilespmem:v53+s13+$0x0], $0xffff  }
0x86: {  	v61 =	vld.idx.msk [tilespmem:v55+s2+$0x0], $0xffff;
	v2 =	vadd.f32 v3, v2;
	v3 =	vmul.f32 v56, v54  }
0x87: {  	v62 =	vld.idx.msk [tilespmem:v55+s13+$0x0], $0xffff  }
0x88: {  	v4 =	vmul.f32 v58, v57;
	v63 =	vld.idx.msk [tilespmem:v1+s2+$0x0], $0xffff;
	v2 =	vadd.f32 v3, v2  }
0x89: {  	v1 =	vld.idx.msk [tilespmem:v1+s13+$0x0], $0xffff  }
0x8a: {  	v3 =	vmul.f32 v60, v59;
	v2 =	vadd.f32 v4, v2;
	_ =	sdelay $0x1  }
0x8b: {  	s26 =	sadd.s32 $0x1, s26;
	v2 =	vadd.f32 v3, v2;
	v3 =	vmul.f32 v62, v61  }
0x8c: {  	p0 =	sne.s32 s26, $0x8  }
.Ltmp3:
0x8d: {  	v1 =	vmul.f32 v1, v63;
	v2 =	vadd.f32 v3, v2;
	(pc) =	sbr.rel @p0 .LBB2_6-.Ltmp3, $3  }
0x8e: {  	_ = 	snop  }
0x8f: {  	v1 =	vadd.f32 v1, v2;
	_ =	sdelay $0x1  }
0x90: {  	[tilespmem:s28+$0x10080] =	vst v1  }
0x91: {  	_ =	swait.ge [sflag:s20], $0x2000  }
0x92: {  	[sflag:s20] =	ssyncset.done $0x0  }
0x93: {  	[sflag:s20] =	ssyncadd.s32 $0xFFFFE000  }
0x94: {  	_ =	swait.ge [sflag:s21], $0x2000  }
0x95: {  	[sflag:s21] =	ssyncset.done $0x0  }
0x96: {  	s25 =	simm.s32 $0x0;
	s26 =	simm.s32 $0x0;
	[sflag:s21] =	ssyncadd.s32 $0xFFFFE000  }
.LBB2_10:
0x97: {  	s28 =	sshll.u32 s26, $0x4  }
0x98: {  	s29 =	sor.u32 $0x100, s28  }
0x99: {  	v1 =	vmov s29  }
0x9a: {  	v1 =	vshll.u32 v1, $0x6  }
0x9b: {  	v1 =	vor.u32 v0, v1  }
0x9c: {  	v2 =	vor.u32 s25, v1  }
0x9d: {  	s29 =	simm.s32 $0x1  }
0x9e: {  	v3 =	vor.u32 s29, v1  }
0x9f: {  	s29 =	simm.s32 $0x2  }
0xa0: {  	v4 =	vor.u32 s29, v1  }
0xa1: {  	s29 =	simm.s32 $0x3;
	v6 =	vld.idx.msk [tilespmem:v2+s2+$0x0], $0xffff  }
0xa2: {  	v7 =	vor.u32 s29, v1;
	v2 =	vld.idx.msk [tilespmem:v2+s13+$0x0], $0xffff  }
0xa3: {  	s29 =	simm.s32 $0x4;
	v8 =	vld.idx.msk [tilespmem:v3+s2+$0x0], $0xffff  }
0xa4: {  	v10 =	vor.u32 s29, v1;
	v11 =	vld.idx.msk [tilespmem:v3+s13+$0x0], $0xffff  }
0xa5: {  	s29 =	simm.s32 $0x5;
	v13 =	vld.idx.msk [tilespmem:v4+s2+$0x0], $0xffff  }
0xa6: {  	v12 =	vor.u32 s29, v1;
	v14 =	vld.idx.msk [tilespmem:v4+s13+$0x0], $0xffff  }
0xa7: {  	s29 =	simm.s32 $0x6;
	v3 =	vld.idx.msk [tilespmem:v7+s2+$0x0], $0xffff  }
0xa8: {  	v5 =	vor.u32 s29, v1;
	v9 =	vld.idx.msk [tilespmem:v7+s13+$0x0], $0xffff;
	v2 =	vmul.f32 v2, v6  }
0xa9: {  	s30 =	simm.s32 $0x7;
	v4 =	vld.idx.msk [tilespmem:v10+s2+$0x0], $0xffff;
	v6 =	vimm.f32 $0.0e+00  }
0xaa: {  	v10 =	vld.idx.msk [tilespmem:v10+s13+$0x0], $0xffff;
	v15 =	vmul.f32 v11, v8;
	v11 =	vor.u32 s30, v1;
	v7 =	vadd.f32 v2, v6  }
0xab: {  	s29 =	simm.s32 $0x8;
	v2 =	vld.idx.msk [tilespmem:v12+s2+$0x0], $0xffff  }
0xac: {  	v8 =	vor.u32 s29, v1;
	v13 =	vmul.f32 v14, v13;
	v6 =	vld.idx.msk [tilespmem:v12+s13+$0x0], $0xffff;
	v12 =	vadd.f32 v15, v7  }
0xad: {  	s31 =	simm.s32 $0x9;
	s30 =	simm.s32 $0xC;
	v7 =	vld.idx.msk [tilespmem:v5+s2+$0x0], $0xffff  }
.LBB2_11:
0xae: {  	p0 =	slt.u32 s30, $0x3C;
	v14 =	vor.u32 s31, v1;
	v15 =	vld.idx.msk [tilespmem:v5+s13+$0x0], $0xffff;
	v12 =	vadd.f32 v13, v12;
	v13 =	vmul.f32 v9, v3  }
0xaf: {  	s31 =	sadd.s32 $0x2, s29;
	v3 =	vld.idx.msk [tilespmem:v11+s2+$0x0], $0xffff  }
0xb0: {  	v5 =	vor.u32 s31, v1;
	v16 =	vmul.f32 v10, v4;
	v9 =	vld.idx.msk [tilespmem:v11+s13+$0x0], $0xffff;
	v12 =	vadd.f32 v13, v12  }
.Ltmp4:
0xb1: {  	s31 =	sadd.s32 $0x3, s29;
	s29 =	smov.u32 s30;
	v4 =	vld.idx.msk [tilespmem:v8+s2+$0x0], $0xffff;
	(pc) =	sbr.rel @p0 .LBB2_11-.Ltmp4, $4  }
0xb2: {  	v11 =	vor.u32 s31, v1;
	v13 =	vmul.f32 v6, v2;
	v10 =	vld.idx.msk [tilespmem:v8+s13+$0x0], $0xffff;
	v12 =	vadd.f32 v16, v12  }
0xb3: {  	v2 =	vld.idx.msk [tilespmem:v14+s2+$0x0], $0xffff  }
0xb4: {  	v8 =	vor.u32 s30, v1;
	v6 =	vld.idx.msk [tilespmem:v14+s13+$0x0], $0xffff;
	v12 =	vadd.f32 v13, v12;
	v13 =	vmul.f32 v15, v7  }
0xb5: {  	s31 =	sadd.s32 $0x1, s29;
	s30 =	sadd.s32 $0x4, s30;
	v7 =	vld.idx.msk [tilespmem:v5+s2+$0x0], $0xffff  }
0xb6: {  	_ =	sdelay $0x2  }
0xb7: {  	v12 =	vadd.f32 v13, v12;
	v3 =	vmul.f32 v9, v3  }
0xb8: {  	v53 =	vor.u32 s31, v1;
	v5 =	vld.idx.msk [tilespmem:v5+s13+$0x0], $0xffff  }
0xb9: {  	s30 =	sadd.s32 $0x2, s29;
	v54 =	vld.idx.msk [tilespmem:v11+s2+$0x0], $0xffff;
	v4 =	vmul.f32 v10, v4;
	v3 =	vadd.f32 v3, v12  }
0xba: {  	v56 =	vld.idx.msk [tilespmem:v11+s13+$0x0], $0xffff;
	v55 =	vor.u32 s30, v1  }
0xbb: {  	v57 =	vld.idx.msk [tilespmem:v8+s2+$0x0], $0xffff;
	s31 =	sadd.s32 $0x3, s29;
	v2 =	vmul.f32 v6, v2;
	v3 =	vadd.f32 v4, v3  }
0xbc: {  	v58 =	vld.idx.msk [tilespmem:v8+s13+$0x0], $0xffff;
	v1 =	vor.u32 s31, v1  }
0xbd: {  	v59 =	vld.idx.msk [tilespmem:v53+s2+$0x0], $0xffff;
	v2 =	vadd.f32 v2, v3;
	v3 =	vmul.f32 v5, v7  }
0xbe: {  	v60 =	vld.idx.msk [tilespmem:v53+s13+$0x0], $0xffff  }
0xbf: {  	v61 =	vld.idx.msk [tilespmem:v55+s2+$0x0], $0xffff;
	v2 =	vadd.f32 v3, v2;
	v3 =	vmul.f32 v56, v54  }
0xc0: {  	v62 =	vld.idx.msk [tilespmem:v55+s13+$0x0], $0xffff  }
0xc1: {  	v4 =	vmul.f32 v58, v57;
	v63 =	vld.idx.msk [tilespmem:v1+s2+$0x0], $0xffff;
	v2 =	vadd.f32 v3, v2  }
0xc2: {  	v1 =	vld.idx.msk [tilespmem:v1+s13+$0x0], $0xffff  }
0xc3: {  	v3 =	vmul.f32 v60, v59;
	v2 =	vadd.f32 v4, v2;
	_ =	sdelay $0x1  }
0xc4: {  	s26 =	sadd.s32 $0x1, s26;
	v2 =	vadd.f32 v3, v2;
	v3 =	vmul.f32 v62, v61  }
0xc5: {  	p0 =	sne.s32 s26, $0x8  }
.Ltmp5:
0xc6: {  	v1 =	vmul.f32 v1, v63;
	v2 =	vadd.f32 v3, v2;
	(pc) =	sbr.rel @p0 .LBB2_10-.Ltmp5, $3  }
0xc7: {  	_ = 	snop  }
0xc8: {  	v1 =	vadd.f32 v1, v2;
	_ =	sdelay $0x1  }
0xc9: {  	[tilespmem:s28+$0x10100] =	vst v1  }
0xca: {  	_ =	swait.ge [sflag:s20], $0x2000  }
0xcb: {  	[sflag:s20] =	ssyncset.done $0x0  }
0xcc: {  	[sflag:s20] =	ssyncadd.s32 $0xFFFFE000  }
0xcd: {  	_ =	swait.ge [sflag:s21], $0x2000  }
0xce: {  	[sflag:s21] =	ssyncset.done $0x0  }
0xcf: {  	s25 =	simm.s32 $0x0;
	s26 =	simm.s32 $0x0;
	[sflag:s21] =	ssyncadd.s32 $0xFFFFE000  }
.LBB2_14:
0xd0: {  	s28 =	sshll.u32 s26, $0x4  }
0xd1: {  	s29 =	sor.u32 $0x180, s28  }
0xd2: {  	v1 =	vmov s29  }
0xd3: {  	v1 =	vshll.u32 v1, $0x6  }
0xd4: {  	v1 =	vor.u32 v0, v1  }
0xd5: {  	v2 =	vor.u32 s25, v1  }
0xd6: {  	s29 =	simm.s32 $0x1  }
0xd7: {  	v3 =	vor.u32 s29, v1  }
0xd8: {  	s29 =	simm.s32 $0x2  }
0xd9: {  	v4 =	vor.u32 s29, v1  }
0xda: {  	s29 =	simm.s32 $0x3;
	v6 =	vld.idx.msk [tilespmem:v2+s2+$0x0], $0xffff  }
0xdb: {  	v7 =	vor.u32 s29, v1;
	v2 =	vld.idx.msk [tilespmem:v2+s13+$0x0], $0xffff  }
0xdc: {  	s29 =	simm.s32 $0x4;
	v8 =	vld.idx.msk [tilespmem:v3+s2+$0x0], $0xffff  }
0xdd: {  	v10 =	vor.u32 s29, v1;
	v11 =	vld.idx.msk [tilespmem:v3+s13+$0x0], $0xffff  }
0xde: {  	s29 =	simm.s32 $0x5;
	v13 =	vld.idx.msk [tilespmem:v4+s2+$0x0], $0xffff  }
0xdf: {  	v12 =	vor.u32 s29, v1;
	v14 =	vld.idx.msk [tilespmem:v4+s13+$0x0], $0xffff  }
0xe0: {  	s29 =	simm.s32 $0x6;
	v3 =	vld.idx.msk [tilespmem:v7+s2+$0x0], $0xffff  }
0xe1: {  	v5 =	vor.u32 s29, v1;
	v9 =	vld.idx.msk [tilespmem:v7+s13+$0x0], $0xffff;
	v2 =	vmul.f32 v2, v6  }
0xe2: {  	s30 =	simm.s32 $0x7;
	v4 =	vld.idx.msk [tilespmem:v10+s2+$0x0], $0xffff;
	v6 =	vimm.f32 $0.0e+00  }
0xe3: {  	v10 =	vld.idx.msk [tilespmem:v10+s13+$0x0], $0xffff;
	v15 =	vmul.f32 v11, v8;
	v11 =	vor.u32 s30, v1;
	v7 =	vadd.f32 v2, v6  }
0xe4: {  	s29 =	simm.s32 $0x8;
	v2 =	vld.idx.msk [tilespmem:v12+s2+$0x0], $0xffff  }
0xe5: {  	v8 =	vor.u32 s29, v1;
	v13 =	vmul.f32 v14, v13;
	v6 =	vld.idx.msk [tilespmem:v12+s13+$0x0], $0xffff;
	v12 =	vadd.f32 v15, v7  }
0xe6: {  	s31 =	simm.s32 $0x9;
	s30 =	simm.s32 $0xC;
	v7 =	vld.idx.msk [tilespmem:v5+s2+$0x0], $0xffff  }
.LBB2_15:
0xe7: {  	p0 =	slt.u32 s30, $0x3C;
	v14 =	vor.u32 s31, v1;
	v15 =	vld.idx.msk [tilespmem:v5+s13+$0x0], $0xffff;
	v12 =	vadd.f32 v13, v12;
	v13 =	vmul.f32 v9, v3  }
0xe8: {  	s31 =	sadd.s32 $0x2, s29;
	v3 =	vld.idx.msk [tilespmem:v11+s2+$0x0], $0xffff  }
0xe9: {  	v5 =	vor.u32 s31, v1;
	v16 =	vmul.f32 v10, v4;
	v9 =	vld.idx.msk [tilespmem:v11+s13+$0x0], $0xffff;
	v12 =	vadd.f32 v13, v12  }
.Ltmp6:
0xea: {  	s31 =	sadd.s32 $0x3, s29;
	s29 =	smov.u32 s30;
	v4 =	vld.idx.msk [tilespmem:v8+s2+$0x0], $0xffff;
	(pc) =	sbr.rel @p0 .LBB2_15-.Ltmp6, $4  }
0xeb: {  	v11 =	vor.u32 s31, v1;
	v13 =	vmul.f32 v6, v2;
	v10 =	vld.idx.msk [tilespmem:v8+s13+$0x0], $0xffff;
	v12 =	vadd.f32 v16, v12  }
0xec: {  	v2 =	vld.idx.msk [tilespmem:v14+s2+$0x0], $0xffff  }
0xed: {  	v8 =	vor.u32 s30, v1;
	v6 =	vld.idx.msk [tilespmem:v14+s13+$0x0], $0xffff;
	v12 =	vadd.f32 v13, v12;
	v13 =	vmul.f32 v15, v7  }
0xee: {  	s31 =	sadd.s32 $0x1, s29;
	s30 =	sadd.s32 $0x4, s30;
	v7 =	vld.idx.msk [tilespmem:v5+s2+$0x0], $0xffff  }
0xef: {  	_ =	sdelay $0x2  }
0xf0: {  	v12 =	vadd.f32 v13, v12;
	v3 =	vmul.f32 v9, v3  }
0xf1: {  	v53 =	vor.u32 s31, v1;
	v5 =	vld.idx.msk [tilespmem:v5+s13+$0x0], $0xffff  }
0xf2: {  	s30 =	sadd.s32 $0x2, s29;
	v54 =	vld.idx.msk [tilespmem:v11+s2+$0x0], $0xffff;
	v4 =	vmul.f32 v10, v4;
	v3 =	vadd.f32 v3, v12  }
0xf3: {  	v56 =	vld.idx.msk [tilespmem:v11+s13+$0x0], $0xffff;
	v55 =	vor.u32 s30, v1  }
0xf4: {  	v57 =	vld.idx.msk [tilespmem:v8+s2+$0x0], $0xffff;
	s31 =	sadd.s32 $0x3, s29;
	v2 =	vmul.f32 v6, v2;
	v3 =	vadd.f32 v4, v3  }
0xf5: {  	v58 =	vld.idx.msk [tilespmem:v8+s13+$0x0], $0xffff;
	v1 =	vor.u32 s31, v1  }
0xf6: {  	v59 =	vld.idx.msk [tilespmem:v53+s2+$0x0], $0xffff;
	v2 =	vadd.f32 v2, v3;
	v3 =	vmul.f32 v5, v7  }
0xf7: {  	v60 =	vld.idx.msk [tilespmem:v53+s13+$0x0], $0xffff  }
0xf8: {  	v61 =	vld.idx.msk [tilespmem:v55+s2+$0x0], $0xffff;
	v2 =	vadd.f32 v3, v2;
	v3 =	vmul.f32 v56, v54  }
0xf9: {  	v62 =	vld.idx.msk [tilespmem:v55+s13+$0x0], $0xffff  }
0xfa: {  	v4 =	vmul.f32 v58, v57;
	v63 =	vld.idx.msk [tilespmem:v1+s2+$0x0], $0xffff;
	v2 =	vadd.f32 v3, v2  }
0xfb: {  	v1 =	vld.idx.msk [tilespmem:v1+s13+$0x0], $0xffff  }
0xfc: {  	v3 =	vmul.f32 v60, v59;
	v2 =	vadd.f32 v4, v2;
	_ =	sdelay $0x1  }
0xfd: {  	s26 =	sadd.s32 $0x1, s26;
	v2 =	vadd.f32 v3, v2;
	v3 =	vmul.f32 v62, v61  }
0xfe: {  	p0 =	sne.s32 s26, $0x8  }
.Ltmp7:
0xff: {  	v1 =	vmul.f32 v1, v63;
	v2 =	vadd.f32 v3, v2;
	(pc) =	sbr.rel @p0 .LBB2_14-.Ltmp7, $3  }
0x100: {  	_ = 	snop  }
0x101: {  	v1 =	vadd.f32 v1, v2;
	_ =	sdelay $0x1  }
0x102: {  	[tilespmem:s28+$0x10180] =	vst v1  }
0x103: {  	s24 =	sadd.s32 $0x1, s24  }
0x104: {  	p0 =	sne.s32 s24, s12  }
.Ltmp8:
0x105: {  	_ = 	snop;
	(pc) =	sbr.rel @p0 .LBB2_1-.Ltmp8, $4  }
0x106: {  	[hbm4b:s11+s2] =	stream.linear.scatter [tilespmem:s22], [sflag:$0x3], $0x200, $0x38;
	[tilespmem:$0x10200] =	vst v63  }
0x107: {  	_ =	swait.ge [sflag:s23], $0x200  }
0x108: {  	[sflag:s23] =	ssyncset.done $0x0  }
0x109: {  	[sflag:s23] =	ssyncadd.s32 $0xFFFFFE00  }
0x10a: {  	_ =	sfence.sel $0x180000  }
0x10b: {  	[bflag:$0x0] =	sbarrier.arrive $0xFFFF  }
0x10c: {  	p0 =	sne.s32 s1, $0x0;
	_ =	strace $0x9000004A  }
0x10d: {  	s0 =	sadd.s32 @!p0 $0x100000, s0;
	[bflag:$0x2] =	sbarrier.arrive $0xFFFF  }
0x10e: {  	[sflag:s0] =	ssyncadd.tile.s32 @!p0 $0x1;
	_ =	shalt  }
.Lfunc_end2:
_tile_overlayer_lowered:
.L_overlay_start_2:
0x10f: {  	(tag) =	ssettag $0x2  }
0x110: {  	s0 =	rddreg [dreg:$0x0];
	s2 =	stileid.u32  }
0x111: {  	s1 =	rddreg [dreg:$0x1];
	p0 =	sne.s32 s2, $0x0  }
0x112: {  	s3 =	rddreg [dreg:$0x2];
	[bflag:$0x3] =	sbarrier.arrive $0xFFFF;
	s2 =	simm.s32 @!p0 $0x1C03  }
0x113: {  	[timem:s3], [sflag:s2] =	dma.local @!p0 [hbm:s0], s1  }
0x114: {  	s0 =	simm.s32 @!p0 $0x3  }
0x115: {  	_ =	swait.ge @!p0 [sflag:s0], s1  }
0x116: {  	s1 =	ssub.s32 @!p0 $0x0, s1;
	[sflag:s0] =	ssyncset.done @!p0 $0x0  }
0x117: {  	[sflag:s0] =	ssyncadd.s32 @!p0 s1  }
0x118: {  	[bflag:$0x3] =	sbarrier.arrive $0xFFFF  }
0x119: {  	_ =	shalt  }

</sc_bundles>
